<compile_context>
chip_gen: v7x
topology: tpu7x:2x2x1
jax: 0.10.2.dev20260603
libtpu: 0.0.44.dev20260713+nightly
codegen_flags: <defaults>
</compile_context>

<pallas_src>
import functools

import jax
import jax.numpy as jnp
from jax import lax
from jax.experimental import pallas as pl
from jax.experimental.pallas import tpu as pltpu
from jax.experimental.pallas import tpu_sc as plsc

_MARGIN = 0.5
_ALPHA = 0.01
_BATCHSZ = 1024.0
_K = 3
_C = 28
_CP = 32
_NS = 16
_RT = 1024 // _NS


def _prep_kernel(x_ref, t_ref, vpos_ref, vneg_ref, par_ref):
    x = x_ref[:, :]
    t = t_ref[:, :]
    R, C = x.shape

    bce = jnp.sum(jnp.maximum(x, 0.0) - x * t
                  + jnp.log1p(jnp.exp(-jnp.abs(x)))) / (R * C)

    sig = jax.nn.sigmoid(x)
    pos = t == 1.0
    pad = jnp.full((R, _CP - _C), jnp.inf, jnp.float32)
    vpos_ref[:, :] = jnp.concatenate([jnp.where(pos, sig, jnp.inf), pad],
                                     axis=1)
    vneg_ref[:, :] = jnp.concatenate([jnp.where(pos, jnp.inf, sig), pad],
                                     axis=1)

    counts_col = jax.lax.dot_general(
        t, jnp.ones((R, 1), jnp.float32), (((0,), (0,)), ((), ())),
        preferred_element_type=jnp.float32)
    counts_row = jnp.sum(t, axis=0, keepdims=True)

    k_idx = jax.lax.broadcasted_iota(jnp.int32, (C, C), 0)
    j_idx = jax.lax.broadcasted_iota(jnp.int32, (C, C), 1)
    le = (counts_col < counts_row) | (
        (counts_col == counts_row) & (k_idx <= j_idx))
    prefix = jnp.sum(jnp.where(le, counts_col, 0.0), axis=0, keepdims=True)
    sel = (prefix <= 0.5 * _BATCHSZ) & (counts_row > 1.0)

    n_p = jnp.minimum(jnp.float32(_K), counts_row - 1.0)
    n_n = jnp.minimum(jnp.float32(_K), R - counts_row)
    gate = (sel & (n_p > 0.0) & (n_n > 0.0)).astype(jnp.float32)
    has_any = jnp.max(gate)

    zpad = jnp.zeros((1, _CP - _C), jnp.float32)
    rows = [
        jnp.concatenate([n_p, zpad], axis=1),
        jnp.concatenate([n_n, zpad], axis=1),
        jnp.concatenate([gate, zpad], axis=1),
        jnp.full((1, _CP), bce, jnp.float32),
        jnp.full((1, _CP), has_any, jnp.float32),
        jnp.zeros((3, _CP), jnp.float32),
    ]
    par_ref[:, :] = jnp.concatenate(rows, axis=0)


def _bubble_insert(cur, x):
    for k in range(len(cur)):
        lo = jnp.minimum(cur[k], x)
        x = jnp.maximum(cur[k], x)
        cur[k] = lo
    return cur


def _sc_body(vpos_hbm, vneg_hbm, par_hbm, out_hbm,
             vp_v, vn_v, par_v, cand_v, glob_v, rd_v, part_v, out_v,
             sh_cand, sh_glob, sh_part):
    s = lax.axis_index("s")
    c = lax.axis_index("c")
    pltpu.sync_copy(vpos_hbm.at[pl.ds(s * _RT, _RT)], vp_v)
    pltpu.sync_copy(vneg_hbm.at[pl.ds(s * _RT, _RT)], vn_v)
    pltpu.sync_copy(par_hbm, par_v)

    inf16 = jnp.full((16,), jnp.inf, jnp.float32)

    def row_step(r, carry):
        cur = [list(carry[2 * k:2 * k + 2]) for k in range(_K + 1 + _K)]
        curp, curn = cur[:_K + 1], cur[_K + 1:]
        for h in range(2):
            xv = vp_v[r, pl.ds(16 * h, 16)]
            col = [curp[k][h] for k in range(_K + 1)]
            col = _bubble_insert(col, xv)
            for k in range(_K + 1):
                curp[k][h] = col[k]
            yv = vn_v[r, pl.ds(16 * h, 16)]
            col = [curn[k][h] for k in range(_K)]
            col = _bubble_insert(col, yv)
            for k in range(_K):
                curn[k][h] = col[k]
        return tuple(v for pair in (curp + curn) for v in pair)

    init = tuple(inf16 for _ in range(2 * (2 * _K + 1)))
    fin = lax.fori_loop(0, _RT, row_step, init)
    for k in range(2 * _K + 1):
        for h in range(2):
            cand_v[k, pl.ds(16 * h, 16)] = fin[2 * k + h]
    for h in range(2):
        cand_v[7, pl.ds(16 * h, 16)] = inf16
    pltpu.sync_copy(cand_v, sh_cand.at[pl.ds(s * 8, 8)])
    plsc.subcore_barrier()

    @pl.when(s == 0)
    def _merge():
        gp = [[inf16, inf16] for _ in range(_K + 1)]
        gn = [[inf16, inf16] for _ in range(_K)]
        for w in range(_NS):
            pltpu.sync_copy(sh_cand.at[pl.ds(w * 8, 8)], rd_v)
            for h in range(2):
                for k in range(_K + 1):
                    col = [gp[i][h] for i in range(_K + 1)]
                    col = _bubble_insert(col, rd_v[k, pl.ds(16 * h, 16)])
                    for i in range(_K + 1):
                        gp[i][h] = col[i]
                for k in range(_K):
                    col = [gn[i][h] for i in range(_K)]
                    col = _bubble_insert(col, rd_v[_K + 1 + k,
                                                   pl.ds(16 * h, 16)])
                    for i in range(_K):
                        gn[i][h] = col[i]
        for k in range(_K + 1):
            for h in range(2):
                glob_v[k, pl.ds(16 * h, 16)] = gp[k][h]
        for k in range(_K):
            for h in range(2):
                glob_v[_K + 1 + k, pl.ds(16 * h, 16)] = gn[k][h]
        for h in range(2):
            glob_v[7, pl.ds(16 * h, 16)] = inf16
        pltpu.sync_copy(glob_v, sh_glob)
    plsc.subcore_barrier()
    pltpu.sync_copy(sh_glob, glob_v)

    halves = []
    for h in range(2):
        ds16 = pl.ds(16 * h, 16)
        n_p = par_v[0, ds16]
        n_n = par_v[1, ds16]
        g = par_v[2, ds16]
        sv = [glob_v[k, ds16] for k in range(_K + 1)]
        uv = [glob_v[_K + 1 + k, ds16] for k in range(_K)]
        tf = jnp.minimum(jnp.maximum(n_p, 0.0), jnp.float32(_K))
        s_t = jnp.where(tf == 0.0, sv[0],
                        jnp.where(tf == 1.0, sv[1],
                                  jnp.where(tf == 2.0, sv[2], sv[3])))
        halves.append((n_p, n_n, g * n_n, g * n_p, sv, uv, s_t))

    def acc_step(r, carry):
        acc = list(carry)
        for h in range(2):
            n_p, n_n, w_p, w_n, sv, uv, s_t = halves[h]
            a = vp_v[r, pl.ds(16 * h, 16)]
            fin_m = a < 2.0
            L = n_p + jnp.where(a <= s_t, 1.0, 0.0)
            sp = jnp.zeros((16,), jnp.float32)
            for i in range(_K + 1):
                m = fin_m & (jnp.float32(i) < L)
                sp = sp + jnp.where(m, jnp.abs(a - sv[i]), 0.0)
            sn = jnp.zeros((16,), jnp.float32)
            for i in range(_K):
                m = fin_m & (jnp.float32(i) < n_n)
                sn = sn + jnp.where(m, jnp.abs(a - uv[i]), 0.0)
            acc[h] = acc[h] + (w_p * sp - w_n * sn)
        return tuple(acc)

    z16 = jnp.zeros((16,), jnp.float32)
    acc0, acc1 = lax.fori_loop(0, _RT, acc_step, (z16, z16))
    part_v[0, pl.ds(0, 16)] = acc0 + acc1
    pltpu.sync_copy(part_v, sh_part.at[pl.ds(s, 1)])
    plsc.subcore_barrier()

    tot = jnp.zeros((16,), jnp.float32)
    for w in range(_NS):
        pltpu.sync_copy(sh_part.at[pl.ds(w, 1)], part_v)
        tot = tot + part_v[0, pl.ds(0, 16)]
    lanes = lax.iota(jnp.int32, 16)
    dnums = lax.GatherDimensionNumbers(
        offset_dims=(), collapsed_slice_dims=(0,), start_index_map=(0,))
    rv = tot
    for k in (8, 4, 2, 1):
        rv = rv + lax.gather(
            rv, (lanes ^ k)[:, None], dnums, slice_sizes=(1,),
            mode=lax.GatherScatterMode.PROMISE_IN_BOUNDS)
    bce_v = par_v[3, pl.ds(0, 16)]
    has_v = par_v[4, pl.ds(0, 16)]
    crl_v = jnp.maximum(rv + _MARGIN, 0.0)
    res_v = jnp.where(has_v > 0.0,
                      _ALPHA * crl_v + (1.0 - _ALPHA) * bce_v, bce_v)
    out_v[pl.ds(0, 16)] = res_v

    @pl.when(jnp.logical_and(s == 0, c == 0))
    def _finish():
        pltpu.sync_copy(out_v, out_hbm)


_sc_kernel = functools.partial(
    pl.kernel,
    out_type=jax.ShapeDtypeStruct((16,), jnp.float32),
    mesh=plsc.VectorSubcoreMesh(core_axis_name="c", subcore_axis_name="s"),
    scratch_types=[
        pltpu.VMEM((_RT, _CP), jnp.float32),
        pltpu.VMEM((_RT, _CP), jnp.float32),
        pltpu.VMEM((8, _CP), jnp.float32),
        pltpu.VMEM((8, _CP), jnp.float32),
        pltpu.VMEM((8, _CP), jnp.float32),
        pltpu.VMEM((8, _CP), jnp.float32),
        pltpu.VMEM((1, 16), jnp.float32),
        pltpu.VMEM((16,), jnp.float32),
        pltpu.VMEM_SHARED((8 * _NS, _CP), jnp.float32),
        pltpu.VMEM_SHARED((8, _CP), jnp.float32),
        pltpu.VMEM_SHARED((_NS, 16), jnp.float32),
    ],
)(_sc_body)


def kernel(input, target, X):
    del X
    vpos, vneg, par = pl.pallas_call(
        _prep_kernel,
        out_shape=[
            jax.ShapeDtypeStruct((1024, _CP), jnp.float32),
            jax.ShapeDtypeStruct((1024, _CP), jnp.float32),
            jax.ShapeDtypeStruct((8, _CP), jnp.float32),
        ],
    )(input, target)
    out = _sc_kernel(vpos, vneg, par)
    return out[0]

# --- scband reference (transcript-rebuilt; emitter-appended) ---
"""Pipeline reference for scband-incremental-class-rectification-loss-33732673143133 (READ-ONLY COPY).

The authoritative reference and input builder live on the scoring server;
editing this copy changes nothing except your own understanding.
"""

import jax, jax.numpy as jnp
import numpy as np

MARGIN = 0.5
ALPHA = 0.01
BATCHSZ = 1024
K = 3


def get_minority_classes_np(y_np, batchSz):
    # faithful numpy translation of get_minority_classes (torch .sort ascending)
    counts = y_np.sum(0)
    order = np.argsort(counts, kind='stable')
    sorted_hjk = counts[order]
    mask = np.cumsum(sorted_hjk) <= 0.5 * batchSz
    sorted_hjk = sorted_hjk[mask]
    ix_masked = order[mask]
    sorted_ix = np.argsort(ix_masked, kind='stable')
    sorted_cls = ix_masked[sorted_ix]
    return sorted_cls[sorted_hjk[sorted_ix] > 1]


def bce_with_logits(x, t):
    # mean reduction, numerically-stable BCEWithLogitsLoss
    return jnp.mean(jnp.maximum(x, 0) - x * t + jnp.log1p(jnp.exp(-jnp.abs(x))))


def setup_inputs(seed: int = 0):
    key = jax.random.key(seed)
    k1, k2, k3 = jax.random.split(key, 3)
    inp = jax.random.normal(k1, (1024, 28), dtype=jnp.float32)
    target = jax.random.randint(k2, (1024, 28), 0, 2).astype(jnp.float32)
    X = jax.random.normal(k3, (1024, 2048), dtype=jnp.float32)
    return {"input": inp, "target": target, "X": X}


def _crl_pred_tensors(sig, t_np):
    # class-level hard mining: masks/index sets depend only on target (concrete)
    idxs = get_minority_classes_np(t_np, BATCHSZ)
    if idxs.size == 0:
        return None
    y_min = t_np[:, idxs]
    y_mask = (y_min == 1)
    P = np.argwhere(y_mask)
    N = np.argwhere(~y_mask)
    if P.shape[0] == 0:
        return None
    preds_min = sig[:, idxs]
    preds_P = preds_min[y_mask]  # row-major, matches torch boolean mask order
    pred_list = []
    for i in range(P.shape[0]):
        anchor_class = P[i, 1]
        pmask = (P[:, 1] == anchor_class)
        pmask[i] = False
        pos_idxs = P[pmask]
        nmask = (N[:, 1] == anchor_class)
        neg_idxs = N[nmask]
        n_p = min(K, pos_idxs.shape[0])
        n_n = min(K, neg_idxs.shape[0])
        if n_p == 0 or n_n == 0:
            continue  # empty grid contributes nothing to the concatenation
        pos_vals = preds_min[pos_idxs[:, 0], pos_idxs[:, 1]]
        pos_preds = jnp.sort(pos_vals)[:K]  # hardest (lowest-scoring) positives
        neg_vals = preds_min[neg_idxs[:, 0], neg_idxs[:, 1]]
        neg_preds = jnp.sort(neg_vals)[:K]  # note: original takes sorted[:k] for neg preds
        anc = jnp.broadcast_to(preds_P[i], (n_p * n_n,))
        pp = jnp.repeat(pos_preds[:n_p], n_n)  # meshgrid 'ij' flatten: last axis fastest
        nn_ = jnp.tile(neg_preds[:n_n], n_p)
        pred_list.append(jnp.stack([anc, pp, nn_], axis=1))
    if len(pred_list) == 0:
        return None
    return jnp.concatenate(pred_list, 0)


def reference(input, target, X):
    bce = bce_with_logits(input, target)
    sig = jax.nn.sigmoid(input)
    R, C = target.shape
    # minority-class selection (traced equivalent of get_minority_classes_np)
    counts = jnp.sum(target, axis=0)
    order = jnp.argsort(counts, stable=True)
    cmask = jnp.cumsum(counts[order]) <= 0.5 * BATCHSZ
    sel = jnp.zeros((C,), dtype=bool).at[order].set(cmask) & (counts > 1)
    # per-class counts of positives/negatives and hard-mining grid sizes
    m = counts
    q = R - counts
    n_p = jnp.minimum(jnp.float32(K), m - 1).astype(jnp.int32)
    n_n = jnp.minimum(jnp.float32(K), q).astype(jnp.int32)
    pos_mask = target == 1
    # per-class K+1 smallest positive scores and K smallest negative scores
    s = jnp.sort(jnp.where(pos_mask, sig, jnp.inf), axis=0)[:K + 1]  # (K+1, C)
    u = jnp.sort(jnp.where(~pos_mask, sig, jnp.inf), axis=0)[:K]     # (K, C)
    t_idx = jnp.clip(n_p, 0, K)
    s_t = jnp.take_along_axis(s, t_idx[None, :], axis=0)[0]          # (C,)
    a = sig                                                          # anchors (R, C)
    # prefix length per anchor: the anchor's own score is one of the t_idx+1
    # smallest iff a <= s[t]; its |a-a|=0 term contributes nothing to the sum,
    # so summing the prefix equals summing the t hardest positives excluding self
    L = n_p[None, :] + (a <= s_t[None, :]).astype(jnp.int32)         # (R, C)
    i_p = jnp.arange(K + 1)
    sum_pos = jnp.sum(
        jnp.where(i_p[:, None, None] < L[None, :, :],
                  jnp.abs(a[None, :, :] - s[:, None, :]), 0.0),
        axis=0)
    i_n = jnp.arange(K)
    sum_neg = jnp.sum(
        jnp.where(i_n[:, None, None] < n_n[None, None, :],
                  jnp.abs(a[None, :, :] - u[:, None, :]), 0.0),
        axis=0)
    valid = pos_mask & sel[None, :] & (n_p > 0)[None, :] & (n_n > 0)[None, :]
    vf = valid.astype(sig.dtype)
    d_pos = jnp.sum(vf * n_n[None, :].astype(sig.dtype) * sum_pos)
    d_neg = jnp.sum(vf * n_p[None, :].astype(sig.dtype) * sum_neg)
    has_any = jnp.any(valid)
    crl = jax.nn.relu(d_pos - d_neg + MARGIN)
    return jnp.where(has_any, ALPHA * crl + (1 - ALPHA) * bce, bce)

if __name__ == "__main__":
    import jax
    _d = setup_inputs()
    print(jax.jit(kernel)(*tuple(_d.values())))

</pallas_src>

<mosaic_0001>
#map = affine_map<(d0, d1) -> (0, 0)>
#map1 = affine_map<(d0, d1) -> (0)>
module attributes {stable_mosaic.version = 14 : i64} {
  func.func @_sc_body(%arg0: i32, %arg1: i32, %arg2: memref<1024x32xf32, #tpu.memory_space<hbm>>, %arg3: memref<1024x32xf32, #tpu.memory_space<hbm>>, %arg4: memref<8x32xf32, #tpu.memory_space<hbm>>, %arg5: memref<16xf32, #tpu.memory_space<hbm>>, %arg6: memref<64x32xf32, #tpu.memory_space<vmem>>, %arg7: memref<64x32xf32, #tpu.memory_space<vmem>>, %arg8: memref<8x32xf32, #tpu.memory_space<vmem>>, %arg9: memref<8x32xf32, #tpu.memory_space<vmem>>, %arg10: memref<8x32xf32, #tpu.memory_space<vmem>>, %arg11: memref<8x32xf32, #tpu.memory_space<vmem>>, %arg12: memref<1x16xf32, #tpu.memory_space<vmem>>, %arg13: memref<16xf32, #tpu.memory_space<vmem>>, %arg14: memref<128x32xf32, #tpu.memory_space<vmem_shared>>, %arg15: memref<8x32xf32, #tpu.memory_space<vmem_shared>>, %arg16: memref<16x16xf32, #tpu.memory_space<vmem_shared>>) attributes {dimension_semantics = [#tpu.dimension_semantics<core_parallel>, #tpu.dimension_semantics<subcore_parallel>], iteration_bounds = array<i64: 2, 16>, scalar_prefetch = 0 : i64, scratch_operands = 11 : i64, tpu.core_type = #tpu.core_type<sc_vector_subcore>, window_params = [{transform_indices = #map}, {transform_indices = #map}, {transform_indices = #map}, {transform_indices = #map1}]} {
    %mul3A = arith.constant 64 : i32
    %mul3A_0 = arith.muli %arg1, %mul3A : i32
    "tpu.region"() ({
      %run_scoped3A = tpu.sem_alloc : memref<!tpu.dma_semaphore, #tpu.memory_space<semaphore_mem>>
      %dma_start3A = arith.constant 0 : i32
      %dma_start3A_421 = tpu.memref_slice %arg2[%mul3A_0, %dma_start3A] : memref<1024x32xf32, #tpu.memory_space<hbm>> -> memref<64x32xf32, #tpu.memory_space<hbm>>
      %dma_start3A_422 = arith.constant 0 : i32
      %dma_start3A_423 = tpu.memref_slice %arg2[%mul3A_0, %dma_start3A_422] : memref<1024x32xf32, #tpu.memory_space<hbm>> -> memref<64x32xf32, #tpu.memory_space<hbm>>
      tpu.enqueue_dma source(%dma_start3A_423 : memref<64x32xf32, #tpu.memory_space<hbm>>) target(%arg6 : memref<64x32xf32, #tpu.memory_space<vmem>>) target_semaphore(%run_scoped3A : memref<!tpu.dma_semaphore, #tpu.memory_space<semaphore_mem>>)
      %dma_wait3A = arith.constant 0 : i32
      %dma_wait3A_424 = tpu.memref_slice %arg2[%mul3A_0, %dma_wait3A] : memref<1024x32xf32, #tpu.memory_space<hbm>> -> memref<64x32xf32, #tpu.memory_space<hbm>>
      %dma_wait3A_425 = arith.constant 0 : i32
      %dma_wait3A_426 = tpu.memref_slice %arg2[%mul3A_0, %dma_wait3A_425] : memref<1024x32xf32, #tpu.memory_space<hbm>> -> memref<64x32xf32, #tpu.memory_space<hbm>>
      tpu.wait_dma2 semaphore(%run_scoped3A : memref<!tpu.dma_semaphore, #tpu.memory_space<semaphore_mem>>) src(%dma_wait3A_426 : memref<64x32xf32, #tpu.memory_space<hbm>>) dst(%arg6 : memref<64x32xf32, #tpu.memory_space<vmem>>)
      tpu.yield
    }) : () -> ()
    %mul3A_1 = arith.constant 64 : i32
    %mul3A_2 = arith.muli %arg1, %mul3A_1 : i32
    "tpu.region"() ({
      %run_scoped3A = tpu.sem_alloc : memref<!tpu.dma_semaphore, #tpu.memory_space<semaphore_mem>>
      %dma_start3A = arith.constant 0 : i32
      %dma_start3A_421 = tpu.memref_slice %arg3[%mul3A_2, %dma_start3A] : memref<1024x32xf32, #tpu.memory_space<hbm>> -> memref<64x32xf32, #tpu.memory_space<hbm>>
      %dma_start3A_422 = arith.constant 0 : i32
      %dma_start3A_423 = tpu.memref_slice %arg3[%mul3A_2, %dma_start3A_422] : memref<1024x32xf32, #tpu.memory_space<hbm>> -> memref<64x32xf32, #tpu.memory_space<hbm>>
      tpu.enqueue_dma source(%dma_start3A_423 : memref<64x32xf32, #tpu.memory_space<hbm>>) target(%arg7 : memref<64x32xf32, #tpu.memory_space<vmem>>) target_semaphore(%run_scoped3A : memref<!tpu.dma_semaphore, #tpu.memory_space<semaphore_mem>>)
      %dma_wait3A = arith.constant 0 : i32
      %dma_wait3A_424 = tpu.memref_slice %arg3[%mul3A_2, %dma_wait3A] : memref<1024x32xf32, #tpu.memory_space<hbm>> -> memref<64x32xf32, #tpu.memory_space<hbm>>
      %dma_wait3A_425 = arith.constant 0 : i32
      %dma_wait3A_426 = tpu.memref_slice %arg3[%mul3A_2, %dma_wait3A_425] : memref<1024x32xf32, #tpu.memory_space<hbm>> -> memref<64x32xf32, #tpu.memory_space<hbm>>
      tpu.wait_dma2 semaphore(%run_scoped3A : memref<!tpu.dma_semaphore, #tpu.memory_space<semaphore_mem>>) src(%dma_wait3A_426 : memref<64x32xf32, #tpu.memory_space<hbm>>) dst(%arg7 : memref<64x32xf32, #tpu.memory_space<vmem>>)
      tpu.yield
    }) : () -> ()
    "tpu.region"() ({
      %run_scoped3A = tpu.sem_alloc : memref<!tpu.dma_semaphore, #tpu.memory_space<semaphore_mem>>
      tpu.enqueue_dma source(%arg4 : memref<8x32xf32, #tpu.memory_space<hbm>>) target(%arg8 : memref<8x32xf32, #tpu.memory_space<vmem>>) target_semaphore(%run_scoped3A : memref<!tpu.dma_semaphore, #tpu.memory_space<semaphore_mem>>)
      tpu.wait_dma2 semaphore(%run_scoped3A : memref<!tpu.dma_semaphore, #tpu.memory_space<semaphore_mem>>) src(%arg4 : memref<8x32xf32, #tpu.memory_space<hbm>>) dst(%arg8 : memref<8x32xf32, #tpu.memory_space<vmem>>)
      tpu.yield
    }) : () -> ()
    %broadcast_in_dim3A = arith.constant 0x7F800000 : f32
    %broadcast_in_dim3A_3 = vector.broadcast %broadcast_in_dim3A : f32 to vector<16xf32>
    %scan3A = arith.constant 0 : i32
    %scan3A_4 = arith.constant 64 : i32
    %scan3A_5 = arith.addi %scan3A, %scan3A_4 : i32
    %scan3A_6 = arith.constant 1 : i32
    %scan3A_7:14 = scf.for %scan3A_421 = %scan3A to %scan3A_5 step %scan3A_6 iter_args(%scan3A_422 = %broadcast_in_dim3A_3, %scan3A_423 = %broadcast_in_dim3A_3, %scan3A_424 = %broadcast_in_dim3A_3, %scan3A_425 = %broadcast_in_dim3A_3, %scan3A_426 = %broadcast_in_dim3A_3, %scan3A_427 = %broadcast_in_dim3A_3, %scan3A_428 = %broadcast_in_dim3A_3, %scan3A_429 = %broadcast_in_dim3A_3, %scan3A_430 = %broadcast_in_dim3A_3, %scan3A_431 = %broadcast_in_dim3A_3, %scan3A_432 = %broadcast_in_dim3A_3, %scan3A_433 = %broadcast_in_dim3A_3, %scan3A_434 = %broadcast_in_dim3A_3, %scan3A_435 = %broadcast_in_dim3A_3) -> (vector<16xf32>, vector<16xf32>, vector<16xf32>, vector<16xf32>, vector<16xf32>, vector<16xf32>, vector<16xf32>, vector<16xf32>, vector<16xf32>, vector<16xf32>, vector<16xf32>, vector<16xf32>, vector<16xf32>, vector<16xf32>)  : i32 {
      %get3A_436 = arith.index_cast %scan3A_421 : i32 to index
      %get3A_437 = arith.constant 0 : index
      %get3A_438 = tpu.vector_load %arg6[%get3A_436, %get3A_437] {strides = array<i32>} : memref<64x32xf32, #tpu.memory_space<vmem>>, vector<1x16xf32>,
      %get3A_439 = vector.shape_cast %get3A_438 : vector<1x16xf32> to vector<16xf32>
      %min3A_440 = arith.minimumf %scan3A_422, %get3A_439 : vector<16xf32>
      %max3A_441 = arith.maximumf %scan3A_422, %get3A_439 : vector<16xf32>
      %min3A_442 = arith.minimumf %scan3A_424, %max3A_441 : vector<16xf32>
      %max3A_443 = arith.maximumf %scan3A_424, %max3A_441 : vector<16xf32>
      %min3A_444 = arith.minimumf %scan3A_426, %max3A_443 : vector<16xf32>
      %max3A_445 = arith.maximumf %scan3A_426, %max3A_443 : vector<16xf32>
      %min3A_446 = arith.minimumf %scan3A_428, %max3A_445 : vector<16xf32>
      %max3A_447 = arith.maximumf %scan3A_428, %max3A_445 : vector<16xf32>
      %get3A_448 = arith.index_cast %scan3A_421 : i32 to index
      %get3A_449 = arith.constant 0 : index
      %get3A_450 = tpu.vector_load %arg7[%get3A_448, %get3A_449] {strides = array<i32>} : memref<64x32xf32, #tpu.memory_space<vmem>>, vector<1x16xf32>,
      %get3A_451 = vector.shape_cast %get3A_450 : vector<1x16xf32> to vector<16xf32>
      %min3A_452 = arith.minimumf %scan3A_430, %get3A_451 : vector<16xf32>
      %max3A_453 = arith.maximumf %scan3A_430, %get3A_451 : vector<16xf32>
      %min3A_454 = arith.minimumf %scan3A_432, %max3A_453 : vector<16xf32>
      %max3A_455 = arith.maximumf %scan3A_432, %max3A_453 : vector<16xf32>
      %min3A_456 = arith.minimumf %scan3A_434, %max3A_455 : vector<16xf32>
      %max3A_457 = arith.maximumf %scan3A_434, %max3A_455 : vector<16xf32>
      %get3A_458 = arith.index_cast %scan3A_421 : i32 to index
      %get3A_459 = arith.constant 16 : index
      %get3A_460 = tpu.vector_load %arg6[%get3A_458, %get3A_459] {strides = array<i32>} : memref<64x32xf32, #tpu.memory_space<vmem>>, vector<1x16xf32>,
      %get3A_461 = vector.shape_cast %get3A_460 : vector<1x16xf32> to vector<16xf32>
      %min3A_462 = arith.minimumf %scan3A_423, %get3A_461 : vector<16xf32>
      %max3A_463 = arith.maximumf %scan3A_423, %get3A_461 : vector<16xf32>
      %min3A_464 = arith.minimumf %scan3A_425, %max3A_463 : vector<16xf32>
      %max3A_465 = arith.maximumf %scan3A_425, %max3A_463 : vector<16xf32>
      %min3A_466 = arith.minimumf %scan3A_427, %max3A_465 : vector<16xf32>
      %max3A_467 = arith.maximumf %scan3A_427, %max3A_465 : vector<16xf32>
      %min3A_468 = arith.minimumf %scan3A_429, %max3A_467 : vector<16xf32>
      %max3A_469 = arith.maximumf %scan3A_429, %max3A_467 : vector<16xf32>
      %get3A_470 = arith.index_cast %scan3A_421 : i32 to index
      %get3A_471 = arith.constant 16 : index
      %get3A_472 = tpu.vector_load %arg7[%get3A_470, %get3A_471] {strides = array<i32>} : memref<64x32xf32, #tpu.memory_space<vmem>>, vector<1x16xf32>,
      %get3A_473 = vector.shape_cast %get3A_472 : vector<1x16xf32> to vector<16xf32>
      %min3A_474 = arith.minimumf %scan3A_431, %get3A_473 : vector<16xf32>
      %max3A_475 = arith.maximumf %scan3A_431, %get3A_473 : vector<16xf32>
      %min3A_476 = arith.minimumf %scan3A_433, %max3A_475 : vector<16xf32>
      %max3A_477 = arith.maximumf %scan3A_433, %max3A_475 : vector<16xf32>
      %min3A_478 = arith.minimumf %scan3A_435, %max3A_477 : vector<16xf32>
      %max3A_479 = arith.maximumf %scan3A_435, %max3A_477 : vector<16xf32>
      scf.yield %min3A_440, %min3A_462, %min3A_442, %min3A_464, %min3A_444, %min3A_466, %min3A_446, %min3A_468, %min3A_452, %min3A_474, %min3A_454, %min3A_476, %min3A_456, %min3A_478 : vector<16xf32>, vector<16xf32>, vector<16xf32>, vector<16xf32>, vector<16xf32>, vector<16xf32>, vector<16xf32>, vector<16xf32>, vector<16xf32>, vector<16xf32>, vector<16xf32>, vector<16xf32>, vector<16xf32>, vector<16xf32>
    }
    %scan3A_8 = arith.constant 64 : i32
    %swap3A = arith.constant 0 : i32
    %swap3A_9 = arith.index_cast %swap3A : i32 to index
    %swap3A_10 = arith.constant 0 : index
    %swap3A_11 = tpu.vector_load %arg9[%swap3A_9, %swap3A_10] {strides = array<i32>} : memref<8x32xf32, #tpu.memory_space<vmem>>, vector<1x16xf32>,
    %swap3A_12 = vector.shape_cast %swap3A_11 : vector<1x16xf32> to vector<16xf32>
    %swap3A_13 = vector.shape_cast %scan3A_7#0 : vector<16xf32> to vector<1x16xf32>
    tpu.vector_store %arg9[%swap3A_9, %swap3A_10], %swap3A_13 {strides = array<i32>} : memref<8x32xf32, #tpu.memory_space<vmem>>, vector<1x16xf32>,
    %swap3A_14 = arith.constant 0 : i32
    %swap3A_15 = arith.index_cast %swap3A_14 : i32 to index
    %swap3A_16 = arith.constant 16 : index
    %swap3A_17 = tpu.vector_load %arg9[%swap3A_15, %swap3A_16] {strides = array<i32>} : memref<8x32xf32, #tpu.memory_space<vmem>>, vector<1x16xf32>,
    %swap3A_18 = vector.shape_cast %swap3A_17 : vector<1x16xf32> to vector<16xf32>
    %swap3A_19 = vector.shape_cast %scan3A_7#1 : vector<16xf32> to vector<1x16xf32>
    tpu.vector_store %arg9[%swap3A_15, %swap3A_16], %swap3A_19 {strides = array<i32>} : memref<8x32xf32, #tpu.memory_space<vmem>>, vector<1x16xf32>,
    %swap3A_20 = arith.constant 1 : i32
    %swap3A_21 = arith.index_cast %swap3A_20 : i32 to index
    %swap3A_22 = arith.constant 0 : index
    %swap3A_23 = tpu.vector_load %arg9[%swap3A_21, %swap3A_22] {strides = array<i32>} : memref<8x32xf32, #tpu.memory_space<vmem>>, vector<1x16xf32>,
    %swap3A_24 = vector.shape_cast %swap3A_23 : vector<1x16xf32> to vector<16xf32>
    %swap3A_25 = vector.shape_cast %scan3A_7#2 : vector<16xf32> to vector<1x16xf32>
    tpu.vector_store %arg9[%swap3A_21, %swap3A_22], %swap3A_25 {strides = array<i32>} : memref<8x32xf32, #tpu.memory_space<vmem>>, vector<1x16xf32>,
    %swap3A_26 = arith.constant 1 : i32
    %swap3A_27 = arith.index_cast %swap3A_26 : i32 to index
    %swap3A_28 = arith.constant 16 : index
    %swap3A_29 = tpu.vector_load %arg9[%swap3A_27, %swap3A_28] {strides = array<i32>} : memref<8x32xf32, #tpu.memory_space<vmem>>, vector<1x16xf32>,
    %swap3A_30 = vector.shape_cast %swap3A_29 : vector<1x16xf32> to vector<16xf32>
    %swap3A_31 = vector.shape_cast %scan3A_7#3 : vector<16xf32> to vector<1x16xf32>
    tpu.vector_store %arg9[%swap3A_27, %swap3A_28], %swap3A_31 {strides = array<i32>} : memref<8x32xf32, #tpu.memory_space<vmem>>, vector<1x16xf32>,
    %swap3A_32 = arith.constant 2 : i32
    %swap3A_33 = arith.index_cast %swap3A_32 : i32 to index
    %swap3A_34 = arith.constant 0 : index
    %swap3A_35 = tpu.vector_load %arg9[%swap3A_33, %swap3A_34] {strides = array<i32>} : memref<8x32xf32, #tpu.memory_space<vmem>>, vector<1x16xf32>,
    %swap3A_36 = vector.shape_cast %swap3A_35 : vector<1x16xf32> to vector<16xf32>
    %swap3A_37 = vector.shape_cast %scan3A_7#4 : vector<16xf32> to vector<1x16xf32>
    tpu.vector_store %arg9[%swap3A_33, %swap3A_34], %swap3A_37 {strides = array<i32>} : memref<8x32xf32, #tpu.memory_space<vmem>>, vector<1x16xf32>,
    %swap3A_38 = arith.constant 2 : i32
    %swap3A_39 = arith.index_cast %swap3A_38 : i32 to index
    %swap3A_40 = arith.constant 16 : index
    %swap3A_41 = tpu.vector_load %arg9[%swap3A_39, %swap3A_40] {strides = array<i32>} : memref<8x32xf32, #tpu.memory_space<vmem>>, vector<1x16xf32>,
    %swap3A_42 = vector.shape_cast %swap3A_41 : vector<1x16xf32> to vector<16xf32>
    %swap3A_43 = vector.shape_cast %scan3A_7#5 : vector<16xf32> to vector<1x16xf32>
    tpu.vector_store %arg9[%swap3A_39, %swap3A_40], %swap3A_43 {strides = array<i32>} : memref<8x32xf32, #tpu.memory_space<vmem>>, vector<1x16xf32>,
    %swap3A_44 = arith.constant 3 : i32
    %swap3A_45 = arith.index_cast %swap3A_44 : i32 to index
    %swap3A_46 = arith.constant 0 : index
    %swap3A_47 = tpu.vector_load %arg9[%swap3A_45, %swap3A_46] {strides = array<i32>} : memref<8x32xf32, #tpu.memory_space<vmem>>, vector<1x16xf32>,
    %swap3A_48 = vector.shape_cast %swap3A_47 : vector<1x16xf32> to vector<16xf32>
    %swap3A_49 = vector.shape_cast %scan3A_7#6 : vector<16xf32> to vector<1x16xf32>
    tpu.vector_store %arg9[%swap3A_45, %swap3A_46], %swap3A_49 {strides = array<i32>} : memref<8x32xf32, #tpu.memory_space<vmem>>, vector<1x16xf32>,
    %swap3A_50 = arith.constant 3 : i32
    %swap3A_51 = arith.index_cast %swap3A_50 : i32 to index
    %swap3A_52 = arith.constant 16 : index
    %swap3A_53 = tpu.vector_load %arg9[%swap3A_51, %swap3A_52] {strides = array<i32>} : memref<8x32xf32, #tpu.memory_space<vmem>>, vector<1x16xf32>,
    %swap3A_54 = vector.shape_cast %swap3A_53 : vector<1x16xf32> to vector<16xf32>
    %swap3A_55 = vector.shape_cast %scan3A_7#7 : vector<16xf32> to vector<1x16xf32>
    tpu.vector_store %arg9[%swap3A_51, %swap3A_52], %swap3A_55 {strides = array<i32>} : memref<8x32xf32, #tpu.memory_space<vmem>>, vector<1x16xf32>,
    %swap3A_56 = arith.constant 4 : i32
    %swap3A_57 = arith.index_cast %swap3A_56 : i32 to index
    %swap3A_58 = arith.constant 0 : index
    %swap3A_59 = tpu.vector_load %arg9[%swap3A_57, %swap3A_58] {strides = array<i32>} : memref<8x32xf32, #tpu.memory_space<vmem>>, vector<1x16xf32>,
    %swap3A_60 = vector.shape_cast %swap3A_59 : vector<1x16xf32> to vector<16xf32>
    %swap3A_61 = vector.shape_cast %scan3A_7#8 : vector<16xf32> to vector<1x16xf32>
    tpu.vector_store %arg9[%swap3A_57, %swap3A_58], %swap3A_61 {strides = array<i32>} : memref<8x32xf32, #tpu.memory_space<vmem>>, vector<1x16xf32>,
    %swap3A_62 = arith.constant 4 : i32
    %swap3A_63 = arith.index_cast %swap3A_62 : i32 to index
    %swap3A_64 = arith.constant 16 : index
    %swap3A_65 = tpu.vector_load %arg9[%swap3A_63, %swap3A_64] {strides = array<i32>} : memref<8x32xf32, #tpu.memory_space<vmem>>, vector<1x16xf32>,
    %swap3A_66 = vector.shape_cast %swap3A_65 : vector<1x16xf32> to vector<16xf32>
    %swap3A_67 = vector.shape_cast %scan3A_7#9 : vector<16xf32> to vector<1x16xf32>
    tpu.vector_store %arg9[%swap3A_63, %swap3A_64], %swap3A_67 {strides = array<i32>} : memref<8x32xf32, #tpu.memory_space<vmem>>, vector<1x16xf32>,
    %swap3A_68 = arith.constant 5 : i32
    %swap3A_69 = arith.index_cast %swap3A_68 : i32 to index
    %swap3A_70 = arith.constant 0 : index
    %swap3A_71 = tpu.vector_load %arg9[%swap3A_69, %swap3A_70] {strides = array<i32>} : memref<8x32xf32, #tpu.memory_space<vmem>>, vector<1x16xf32>,
    %swap3A_72 = vector.shape_cast %swap3A_71 : vector<1x16xf32> to vector<16xf32>
    %swap3A_73 = vector.shape_cast %scan3A_7#10 : vector<16xf32> to vector<1x16xf32>
    tpu.vector_store %arg9[%swap3A_69, %swap3A_70], %swap3A_73 {strides = array<i32>} : memref<8x32xf32, #tpu.memory_space<vmem>>, vector<1x16xf32>,
    %swap3A_74 = arith.constant 5 : i32
    %swap3A_75 = arith.index_cast %swap3A_74 : i32 to index
    %swap3A_76 = arith.constant 16 : index
    %swap3A_77 = tpu.vector_load %arg9[%swap3A_75, %swap3A_76] {strides = array<i32>} : memref<8x32xf32, #tpu.memory_space<vmem>>, vector<1x16xf32>,
    %swap3A_78 = vector.shape_cast %swap3A_77 : vector<1x16xf32> to vector<16xf32>
    %swap3A_79 = vector.shape_cast %scan3A_7#11 : vector<16xf32> to vector<1x16xf32>
    tpu.vector_store %arg9[%swap3A_75, %swap3A_76], %swap3A_79 {strides = array<i32>} : memref<8x32xf32, #tpu.memory_space<vmem>>, vector<1x16xf32>,
    %swap3A_80 = arith.constant 6 : i32
    %swap3A_81 = arith.index_cast %swap3A_80 : i32 to index
    %swap3A_82 = arith.constant 0 : index
    %swap3A_83 = tpu.vector_load %arg9[%swap3A_81, %swap3A_82] {strides = array<i32>} : memref<8x32xf32, #tpu.memory_space<vmem>>, vector<1x16xf32>,
    %swap3A_84 = vector.shape_cast %swap3A_83 : vector<1x16xf32> to vector<16xf32>
    %swap3A_85 = vector.shape_cast %scan3A_7#12 : vector<16xf32> to vector<1x16xf32>
    tpu.vector_store %arg9[%swap3A_81, %swap3A_82], %swap3A_85 {strides = array<i32>} : memref<8x32xf32, #tpu.memory_space<vmem>>, vector<1x16xf32>,
    %swap3A_86 = arith.constant 6 : i32
    %swap3A_87 = arith.index_cast %swap3A_86 : i32 to index
    %swap3A_88 = arith.constant 16 : index
    %swap3A_89 = tpu.vector_load %arg9[%swap3A_87, %swap3A_88] {strides = array<i32>} : memref<8x32xf32, #tpu.memory_space<vmem>>, vector<1x16xf32>,
    %swap3A_90 = vector.shape_cast %swap3A_89 : vector<1x16xf32> to vector<16xf32>
    %swap3A_91 = vector.shape_cast %scan3A_7#13 : vector<16xf32> to vector<1x16xf32>
    tpu.vector_store %arg9[%swap3A_87, %swap3A_88], %swap3A_91 {strides = array<i32>} : memref<8x32xf32, #tpu.memory_space<vmem>>, vector<1x16xf32>,
    %swap3A_92 = arith.constant 7 : i32
    %swap3A_93 = arith.index_cast %swap3A_92 : i32 to index
    %swap3A_94 = arith.constant 0 : index
    %swap3A_95 = tpu.vector_load %arg9[%swap3A_93, %swap3A_94] {strides = array<i32>} : memref<8x32xf32, #tpu.memory_space<vmem>>, vector<1x16xf32>,
    %swap3A_96 = vector.shape_cast %swap3A_95 : vector<1x16xf32> to vector<16xf32>
    %swap3A_97 = vector.shape_cast %broadcast_in_dim3A_3 : vector<16xf32> to vector<1x16xf32>
    tpu.vector_store %arg9[%swap3A_93, %swap3A_94], %swap3A_97 {strides = array<i32>} : memref<8x32xf32, #tpu.memory_space<vmem>>, vector<1x16xf32>,
    %swap3A_98 = arith.constant 7 : i32
    %swap3A_99 = arith.index_cast %swap3A_98 : i32 to index
    %swap3A_100 = arith.constant 16 : index
    %swap3A_101 = tpu.vector_load %arg9[%swap3A_99, %swap3A_100] {strides = array<i32>} : memref<8x32xf32, #tpu.memory_space<vmem>>, vector<1x16xf32>,
    %swap3A_102 = vector.shape_cast %swap3A_101 : vector<1x16xf32> to vector<16xf32>
    %swap3A_103 = vector.shape_cast %broadcast_in_dim3A_3 : vector<16xf32> to vector<1x16xf32>
    tpu.vector_store %arg9[%swap3A_99, %swap3A_100], %swap3A_103 {strides = array<i32>} : memref<8x32xf32, #tpu.memory_space<vmem>>, vector<1x16xf32>,
    %mul3A_104 = arith.constant 8 : i32
    %mul3A_105 = arith.muli %arg1, %mul3A_104 : i32
    "tpu.region"() ({
      %run_scoped3A = tpu.sem_alloc : memref<!tpu.dma_semaphore, #tpu.memory_space<semaphore_mem>>
      %dma_start3A = arith.constant 0 : i32
      %dma_start3A_421 = tpu.memref_slice %arg14[%mul3A_105, %dma_start3A] : memref<128x32xf32, #tpu.memory_space<vmem_shared>> -> memref<8x32xf32, #tpu.memory_space<vmem_shared>>
      %dma_start3A_422 = arith.constant 0 : i32
      %dma_start3A_423 = tpu.memref_slice %arg14[%mul3A_105, %dma_start3A_422] : memref<128x32xf32, #tpu.memory_space<vmem_shared>> -> memref<8x32xf32, #tpu.memory_space<vmem_shared>>
      tpu.enqueue_dma source(%arg9 : memref<8x32xf32, #tpu.memory_space<vmem>>) target(%dma_start3A_423 : memref<8x32xf32, #tpu.memory_space<vmem_shared>>) target_semaphore(%run_scoped3A : memref<!tpu.dma_semaphore, #tpu.memory_space<semaphore_mem>>)
      %dma_wait3A = arith.constant 0 : i32
      %dma_wait3A_424 = tpu.memref_slice %arg14[%mul3A_105, %dma_wait3A] : memref<128x32xf32, #tpu.memory_space<vmem_shared>> -> memref<8x32xf32, #tpu.memory_space<vmem_shared>>
      %dma_wait3A_425 = arith.constant 0 : i32
      %dma_wait3A_426 = tpu.memref_slice %arg14[%mul3A_105, %dma_wait3A_425] : memref<128x32xf32, #tpu.memory_space<vmem_shared>> -> memref<8x32xf32, #tpu.memory_space<vmem_shared>>
      tpu.wait_dma2 semaphore(%run_scoped3A : memref<!tpu.dma_semaphore, #tpu.memory_space<semaphore_mem>>) src(%arg9 : memref<8x32xf32, #tpu.memory_space<vmem>>) dst(%dma_wait3A_426 : memref<8x32xf32, #tpu.memory_space<vmem_shared>>)
      tpu.yield
    }) : () -> ()
    %barrier3A = arith.constant 0 : index
    tpu.barrier barrier_id(%barrier3A)
    %eq3A = arith.constant 0 : i32
    %eq3A_106 = arith.cmpi eq, %arg1, %eq3A : i32
    %convert_element_type3A = arith.extui %eq3A_106 : i1 to i32
    %cond3A = arith.constant 0 : i32
    %cond3A_107 = arith.cmpi ne, %convert_element_type3A, %cond3A : i32
    scf.if %cond3A_107 {
      "tpu.region"() ({
        %run_scoped3A = tpu.sem_alloc : memref<!tpu.dma_semaphore, #tpu.memory_space<semaphore_mem>>
        %dma_start3A = arith.constant 0 : i32
        %dma_start3A_3237 = arith.constant 0 : i32
        %dma_start3A_3238 = tpu.memref_slice %arg14[%dma_start3A, %dma_start3A_3237] : memref<128x32xf32, #tpu.memory_space<vmem_shared>> -> memref<8x32xf32, #tpu.memory_space<vmem_shared>>
        %dma_start3A_3239 = arith.constant 0 : i32
        %dma_start3A_3240 = arith.constant 0 : i32
        %dma_start3A_3241 = tpu.memref_slice %arg14[%dma_start3A_3239, %dma_start3A_3240] : memref<128x32xf32, #tpu.memory_space<vmem_shared>> -> memref<8x32xf32, #tpu.memory_space<vmem_shared>>
        tpu.enqueue_dma source(%dma_start3A_3241 : memref<8x32xf32, #tpu.memory_space<vmem_shared>>) target(%arg11 : memref<8x32xf32, #tpu.memory_space<vmem>>) target_semaphore(%run_scoped3A : memref<!tpu.dma_semaphore, #tpu.memory_space<semaphore_mem>>)
        %dma_wait3A = arith.constant 0 : i32
        %dma_wait3A_3242 = arith.constant 0 : i32
        %dma_wait3A_3243 = tpu.memref_slice %arg14[%dma_wait3A, %dma_wait3A_3242] : memref<128x32xf32, #tpu.memory_space<vmem_shared>> -> memref<8x32xf32, #tpu.memory_space<vmem_shared>>
        %dma_wait3A_3244 = arith.constant 0 : i32
        %dma_wait3A_3245 = arith.constant 0 : i32
        %dma_wait3A_3246 = tpu.memref_slice %arg14[%dma_wait3A_3244, %dma_wait3A_3245] : memref<128x32xf32, #tpu.memory_space<vmem_shared>> -> memref<8x32xf32, #tpu.memory_space<vmem_shared>>
        tpu.wait_dma2 semaphore(%run_scoped3A : memref<!tpu.dma_semaphore, #tpu.memory_space<semaphore_mem>>) src(%dma_wait3A_3246 : memref<8x32xf32, #tpu.memory_space<vmem_shared>>) dst(%arg11 : memref<8x32xf32, #tpu.memory_space<vmem>>)
        tpu.yield
      }) : () -> ()
      %get3A_421 = arith.constant 0 : i32
      %get3A_422 = arith.index_cast %get3A_421 : i32 to index
      %get3A_423 = arith.constant 0 : index
      %get3A_424 = tpu.vector_load %arg11[%get3A_422, %get3A_423] {strides = array<i32>} : memref<8x32xf32, #tpu.memory_space<vmem>>, vector<1x16xf32>,
      %get3A_425 = vector.shape_cast %get3A_424 : vector<1x16xf32> to vector<16xf32>
      %min3A_426 = arith.minimumf %broadcast_in_dim3A_3, %get3A_425 : vector<16xf32>
      %max3A_427 = arith.maximumf %broadcast_in_dim3A_3, %get3A_425 : vector<16xf32>
      %min3A_428 = arith.minimumf %broadcast_in_dim3A_3, %max3A_427 : vector<16xf32>
      %max3A_429 = arith.maximumf %broadcast_in_dim3A_3, %max3A_427 : vector<16xf32>
      %min3A_430 = arith.minimumf %broadcast_in_dim3A_3, %max3A_429 : vector<16xf32>
      %max3A_431 = arith.maximumf %broadcast_in_dim3A_3, %max3A_429 : vector<16xf32>
      %min3A_432 = arith.minimumf %broadcast_in_dim3A_3, %max3A_431 : vector<16xf32>
      %max3A_433 = arith.maximumf %broadcast_in_dim3A_3, %max3A_431 : vector<16xf32>
      %get3A_434 = arith.constant 1 : i32
      %get3A_435 = arith.index_cast %get3A_434 : i32 to index
      %get3A_436 = arith.constant 0 : index
      %get3A_437 = tpu.vector_load %arg11[%get3A_435, %get3A_436] {strides = array<i32>} : memref<8x32xf32, #tpu.memory_space<vmem>>, vector<1x16xf32>,
      %get3A_438 = vector.shape_cast %get3A_437 : vector<1x16xf32> to vector<16xf32>
      %min3A_439 = arith.minimumf %min3A_426, %get3A_438 : vector<16xf32>
      %max3A_440 = arith.maximumf %min3A_426, %get3A_438 : vector<16xf32>
      %min3A_441 = arith.minimumf %min3A_428, %max3A_440 : vector<16xf32>
      %max3A_442 = arith.maximumf %min3A_428, %max3A_440 : vector<16xf32>
      %min3A_443 = arith.minimumf %min3A_430, %max3A_442 : vector<16xf32>
      %max3A_444 = arith.maximumf %min3A_430, %max3A_442 : vector<16xf32>
      %min3A_445 = arith.minimumf %min3A_432, %max3A_444 : vector<16xf32>
      %max3A_446 = arith.maximumf %min3A_432, %max3A_444 : vector<16xf32>
      %get3A_447 = arith.constant 2 : i32
      %get3A_448 = arith.index_cast %get3A_447 : i32 to index
      %get3A_449 = arith.constant 0 : index
      %get3A_450 = tpu.vector_load %arg11[%get3A_448, %get3A_449] {strides = array<i32>} : memref<8x32xf32, #tpu.memory_space<vmem>>, vector<1x16xf32>,
      %get3A_451 = vector.shape_cast %get3A_450 : vector<1x16xf32> to vector<16xf32>
      %min3A_452 = arith.minimumf %min3A_439, %get3A_451 : vector<16xf32>
      %max3A_453 = arith.maximumf %min3A_439, %get3A_451 : vector<16xf32>
      %min3A_454 = arith.minimumf %min3A_441, %max3A_453 : vector<16xf32>
      %max3A_455 = arith.maximumf %min3A_441, %max3A_453 : vector<16xf32>
      %min3A_456 = arith.minimumf %min3A_443, %max3A_455 : vector<16xf32>
      %max3A_457 = arith.maximumf %min3A_443, %max3A_455 : vector<16xf32>
      %min3A_458 = arith.minimumf %min3A_445, %max3A_457 : vector<16xf32>
      %max3A_459 = arith.maximumf %min3A_445, %max3A_457 : vector<16xf32>
      %get3A_460 = arith.constant 3 : i32
      %get3A_461 = arith.index_cast %get3A_460 : i32 to index
      %get3A_462 = arith.constant 0 : index
      %get3A_463 = tpu.vector_load %arg11[%get3A_461, %get3A_462] {strides = array<i32>} : memref<8x32xf32, #tpu.memory_space<vmem>>, vector<1x16xf32>,
      %get3A_464 = vector.shape_cast %get3A_463 : vector<1x16xf32> to vector<16xf32>
      %min3A_465 = arith.minimumf %min3A_452, %get3A_464 : vector<16xf32>
      %max3A_466 = arith.maximumf %min3A_452, %get3A_464 : vector<16xf32>
      %min3A_467 = arith.minimumf %min3A_454, %max3A_466 : vector<16xf32>
      %max3A_468 = arith.maximumf %min3A_454, %max3A_466 : vector<16xf32>
      %min3A_469 = arith.minimumf %min3A_456, %max3A_468 : vector<16xf32>
      %max3A_470 = arith.maximumf %min3A_456, %max3A_468 : vector<16xf32>
      %min3A_471 = arith.minimumf %min3A_458, %max3A_470 : vector<16xf32>
      %max3A_472 = arith.maximumf %min3A_458, %max3A_470 : vector<16xf32>
      %get3A_473 = arith.constant 4 : i32
      %get3A_474 = arith.index_cast %get3A_473 : i32 to index
      %get3A_475 = arith.constant 0 : index
      %get3A_476 = tpu.vector_load %arg11[%get3A_474, %get3A_475] {strides = array<i32>} : memref<8x32xf32, #tpu.memory_space<vmem>>, vector<1x16xf32>,
      %get3A_477 = vector.shape_cast %get3A_476 : vector<1x16xf32> to vector<16xf32>
      %min3A_478 = arith.minimumf %broadcast_in_dim3A_3, %get3A_477 : vector<16xf32>
      %max3A_479 = arith.maximumf %broadcast_in_dim3A_3, %get3A_477 : vector<16xf32>
      %min3A_480 = arith.minimumf %broadcast_in_dim3A_3, %max3A_479 : vector<16xf32>
      %max3A_481 = arith.maximumf %broadcast_in_dim3A_3, %max3A_479 : vector<16xf32>
      %min3A_482 = arith.minimumf %broadcast_in_dim3A_3, %max3A_481 : vector<16xf32>
      %max3A_483 = arith.maximumf %broadcast_in_dim3A_3, %max3A_481 : vector<16xf32>
      %get3A_484 = arith.constant 5 : i32
      %get3A_485 = arith.index_cast %get3A_484 : i32 to index
      %get3A_486 = arith.constant 0 : index
      %get3A_487 = tpu.vector_load %arg11[%get3A_485, %get3A_486] {strides = array<i32>} : memref<8x32xf32, #tpu.memory_space<vmem>>, vector<1x16xf32>,
      %get3A_488 = vector.shape_cast %get3A_487 : vector<1x16xf32> to vector<16xf32>
      %min3A_489 = arith.minimumf %min3A_478, %get3A_488 : vector<16xf32>
      %max3A_490 = arith.maximumf %min3A_478, %get3A_488 : vector<16xf32>
      %min3A_491 = arith.minimumf %min3A_480, %max3A_490 : vector<16xf32>
      %max3A_492 = arith.maximumf %min3A_480, %max3A_490 : vector<16xf32>
      %min3A_493 = arith.minimumf %min3A_482, %max3A_492 : vector<16xf32>
      %max3A_494 = arith.maximumf %min3A_482, %max3A_492 : vector<16xf32>
      %get3A_495 = arith.constant 6 : i32
      %get3A_496 = arith.index_cast %get3A_495 : i32 to index
      %get3A_497 = arith.constant 0 : index
      %get3A_498 = tpu.vector_load %arg11[%get3A_496, %get3A_497] {strides = array<i32>} : memref<8x32xf32, #tpu.memory_space<vmem>>, vector<1x16xf32>,
      %get3A_499 = vector.shape_cast %get3A_498 : vector<1x16xf32> to vector<16xf32>
      %min3A_500 = arith.minimumf %min3A_489, %get3A_499 : vector<16xf32>
      %max3A_501 = arith.maximumf %min3A_489, %get3A_499 : vector<16xf32>
      %min3A_502 = arith.minimumf %min3A_491, %max3A_501 : vector<16xf32>
      %max3A_503 = arith.maximumf %min3A_491, %max3A_501 : vector<16xf32>
      %min3A_504 = arith.minimumf %min3A_493, %max3A_503 : vector<16xf32>
      %max3A_505 = arith.maximumf %min3A_493, %max3A_503 : vector<16xf32>
      %get3A_506 = arith.constant 0 : i32
      %get3A_507 = arith.index_cast %get3A_506 : i32 to index
      %get3A_508 = arith.constant 16 : index
      %get3A_509 = tpu.vector_load %arg11[%get3A_507, %get3A_508] {strides = array<i32>} : memref<8x32xf32, #tpu.memory_space<vmem>>, vector<1x16xf32>,
      %get3A_510 = vector.shape_cast %get3A_509 : vector<1x16xf32> to vector<16xf32>
      %min3A_511 = arith.minimumf %broadcast_in_dim3A_3, %get3A_510 : vector<16xf32>
      %max3A_512 = arith.maximumf %broadcast_in_dim3A_3, %get3A_510 : vector<16xf32>
      %min3A_513 = arith.minimumf %broadcast_in_dim3A_3, %max3A_512 : vector<16xf32>
      %max3A_514 = arith.maximumf %broadcast_in_dim3A_3, %max3A_512 : vector<16xf32>
      %min3A_515 = arith.minimumf %broadcast_in_dim3A_3, %max3A_514 : vector<16xf32>
      %max3A_516 = arith.maximumf %broadcast_in_dim3A_3, %max3A_514 : vector<16xf32>
      %min3A_517 = arith.minimumf %broadcast_in_dim3A_3, %max3A_516 : vector<16xf32>
      %max3A_518 = arith.maximumf %broadcast_in_dim3A_3, %max3A_516 : vector<16xf32>
      %get3A_519 = arith.constant 1 : i32
      %get3A_520 = arith.index_cast %get3A_519 : i32 to index
      %get3A_521 = arith.constant 16 : index
      %get3A_522 = tpu.vector_load %arg11[%get3A_520, %get3A_521] {strides = array<i32>} : memref<8x32xf32, #tpu.memory_space<vmem>>, vector<1x16xf32>,
      %get3A_523 = vector.shape_cast %get3A_522 : vector<1x16xf32> to vector<16xf32>
      %min3A_524 = arith.minimumf %min3A_511, %get3A_523 : vector<16xf32>
      %max3A_525 = arith.maximumf %min3A_511, %get3A_523 : vector<16xf32>
      %min3A_526 = arith.minimumf %min3A_513, %max3A_525 : vector<16xf32>
      %max3A_527 = arith.maximumf %min3A_513, %max3A_525 : vector<16xf32>
      %min3A_528 = arith.minimumf %min3A_515, %max3A_527 : vector<16xf32>
      %max3A_529 = arith.maximumf %min3A_515, %max3A_527 : vector<16xf32>
      %min3A_530 = arith.minimumf %min3A_517, %max3A_529 : vector<16xf32>
      %max3A_531 = arith.maximumf %min3A_517, %max3A_529 : vector<16xf32>
      %get3A_532 = arith.constant 2 : i32
      %get3A_533 = arith.index_cast %get3A_532 : i32 to index
      %get3A_534 = arith.constant 16 : index
      %get3A_535 = tpu.vector_load %arg11[%get3A_533, %get3A_534] {strides = array<i32>} : memref<8x32xf32, #tpu.memory_space<vmem>>, vector<1x16xf32>,
      %get3A_536 = vector.shape_cast %get3A_535 : vector<1x16xf32> to vector<16xf32>
      %min3A_537 = arith.minimumf %min3A_524, %get3A_536 : vector<16xf32>
      %max3A_538 = arith.maximumf %min3A_524, %get3A_536 : vector<16xf32>
      %min3A_539 = arith.minimumf %min3A_526, %max3A_538 : vector<16xf32>
      %max3A_540 = arith.maximumf %min3A_526, %max3A_538 : vector<16xf32>
      %min3A_541 = arith.minimumf %min3A_528, %max3A_540 : vector<16xf32>
      %max3A_542 = arith.maximumf %min3A_528, %max3A_540 : vector<16xf32>
      %min3A_543 = arith.minimumf %min3A_530, %max3A_542 : vector<16xf32>
      %max3A_544 = arith.maximumf %min3A_530, %max3A_542 : vector<16xf32>
      %get3A_545 = arith.constant 3 : i32
      %get3A_546 = arith.index_cast %get3A_545 : i32 to index
      %get3A_547 = arith.constant 16 : index
      %get3A_548 = tpu.vector_load %arg11[%get3A_546, %get3A_547] {strides = array<i32>} : memref<8x32xf32, #tpu.memory_space<vmem>>, vector<1x16xf32>,
      %get3A_549 = vector.shape_cast %get3A_548 : vector<1x16xf32> to vector<16xf32>
      %min3A_550 = arith.minimumf %min3A_537, %get3A_549 : vector<16xf32>
      %max3A_551 = arith.maximumf %min3A_537, %get3A_549 : vector<16xf32>
      %min3A_552 = arith.minimumf %min3A_539, %max3A_551 : vector<16xf32>
      %max3A_553 = arith.maximumf %min3A_539, %max3A_551 : vector<16xf32>
      %min3A_554 = arith.minimumf %min3A_541, %max3A_553 : vector<16xf32>
      %max3A_555 = arith.maximumf %min3A_541, %max3A_553 : vector<16xf32>
      %min3A_556 = arith.minimumf %min3A_543, %max3A_555 : vector<16xf32>
      %max3A_557 = arith.maximumf %min3A_543, %max3A_555 : vector<16xf32>
      %get3A_558 = arith.constant 4 : i32
      %get3A_559 = arith.index_cast %get3A_558 : i32 to index
      %get3A_560 = arith.constant 16 : index
      %get3A_561 = tpu.vector_load %arg11[%get3A_559, %get3A_560] {strides = array<i32>} : memref<8x32xf32, #tpu.memory_space<vmem>>, vector<1x16xf32>,
      %get3A_562 = vector.shape_cast %get3A_561 : vector<1x16xf32> to vector<16xf32>
      %min3A_563 = arith.minimumf %broadcast_in_dim3A_3, %get3A_562 : vector<16xf32>
      %max3A_564 = arith.maximumf %broadcast_in_dim3A_3, %get3A_562 : vector<16xf32>
      %min3A_565 = arith.minimumf %broadcast_in_dim3A_3, %max3A_564 : vector<16xf32>
      %max3A_566 = arith.maximumf %broadcast_in_dim3A_3, %max3A_564 : vector<16xf32>
      %min3A_567 = arith.minimumf %broadcast_in_dim3A_3, %max3A_566 : vector<16xf32>
      %max3A_568 = arith.maximumf %broadcast_in_dim3A_3, %max3A_566 : vector<16xf32>
      %get3A_569 = arith.constant 5 : i32
      %get3A_570 = arith.index_cast %get3A_569 : i32 to index
      %get3A_571 = arith.constant 16 : index
      %get3A_572 = tpu.vector_load %arg11[%get3A_570, %get3A_571] {strides = array<i32>} : memref<8x32xf32, #tpu.memory_space<vmem>>, vector<1x16xf32>,
      %get3A_573 = vector.shape_cast %get3A_572 : vector<1x16xf32> to vector<16xf32>
      %min3A_574 = arith.minimumf %min3A_563, %get3A_573 : vector<16xf32>
      %max3A_575 = arith.maximumf %min3A_563, %get3A_573 : vector<16xf32>
      %min3A_576 = arith.minimumf %min3A_565, %max3A_575 : vector<16xf32>
      %max3A_577 = arith.maximumf %min3A_565, %max3A_575 : vector<16xf32>
      %min3A_578 = arith.minimumf %min3A_567, %max3A_577 : vector<16xf32>
      %max3A_579 = arith.maximumf %min3A_567, %max3A_577 : vector<16xf32>
      %get3A_580 = arith.constant 6 : i32
      %get3A_581 = arith.index_cast %get3A_580 : i32 to index
      %get3A_582 = arith.constant 16 : index
      %get3A_583 = tpu.vector_load %arg11[%get3A_581, %get3A_582] {strides = array<i32>} : memref<8x32xf32, #tpu.memory_space<vmem>>, vector<1x16xf32>,
      %get3A_584 = vector.shape_cast %get3A_583 : vector<1x16xf32> to vector<16xf32>
      %min3A_585 = arith.minimumf %min3A_574, %get3A_584 : vector<16xf32>
      %max3A_586 = arith.maximumf %min3A_574, %get3A_584 : vector<16xf32>
      %min3A_587 = arith.minimumf %min3A_576, %max3A_586 : vector<16xf32>
      %max3A_588 = arith.maximumf %min3A_576, %max3A_586 : vector<16xf32>
      %min3A_589 = arith.minimumf %min3A_578, %max3A_588 : vector<16xf32>
      %max3A_590 = arith.maximumf %min3A_578, %max3A_588 : vector<16xf32>
      "tpu.region"() ({
        %run_scoped3A = tpu.sem_alloc : memref<!tpu.dma_semaphore, #tpu.memory_space<semaphore_mem>>
        %dma_start3A = arith.constant 8 : i32
        %dma_start3A_3237 = arith.constant 0 : i32
        %dma_start3A_3238 = tpu.memref_slice %arg14[%dma_start3A, %dma_start3A_3237] : memref<128x32xf32, #tpu.memory_space<vmem_shared>> -> memref<8x32xf32, #tpu.memory_space<vmem_shared>>
        %dma_start3A_3239 = arith.constant 8 : i32
        %dma_start3A_3240 = arith.constant 0 : i32
        %dma_start3A_3241 = tpu.memref_slice %arg14[%dma_start3A_3239, %dma_start3A_3240] : memref<128x32xf32, #tpu.memory_space<vmem_shared>> -> memref<8x32xf32, #tpu.memory_space<vmem_shared>>
        tpu.enqueue_dma source(%dma_start3A_3241 : memref<8x32xf32, #tpu.memory_space<vmem_shared>>) target(%arg11 : memref<8x32xf32, #tpu.memory_space<vmem>>) target_semaphore(%run_scoped3A : memref<!tpu.dma_semaphore, #tpu.memory_space<semaphore_mem>>)
        %dma_wait3A = arith.constant 8 : i32
        %dma_wait3A_3242 = arith.constant 0 : i32
        %dma_wait3A_3243 = tpu.memref_slice %arg14[%dma_wait3A, %dma_wait3A_3242] : memref<128x32xf32, #tpu.memory_space<vmem_shared>> -> memref<8x32xf32, #tpu.memory_space<vmem_shared>>
        %dma_wait3A_3244 = arith.constant 8 : i32
        %dma_wait3A_3245 = arith.constant 0 : i32
        %dma_wait3A_3246 = tpu.memref_slice %arg14[%dma_wait3A_3244, %dma_wait3A_3245] : memref<128x32xf32, #tpu.memory_space<vmem_shared>> -> memref<8x32xf32, #tpu.memory_space<vmem_shared>>
        tpu.wait_dma2 semaphore(%run_scoped3A : memref<!tpu.dma_semaphore, #tpu.memory_space<semaphore_mem>>) src(%dma_wait3A_3246 : memref<8x32xf32, #tpu.memory_space<vmem_shared>>) dst(%arg11 : memref<8x32xf32, #tpu.memory_space<vmem>>)
        tpu.yield
      }) : () -> ()
      %get3A_591 = arith.constant 0 : i32
      %get3A_592 = arith.index_cast %get3A_591 : i32 to index
      %get3A_593 = arith.constant 0 : index
      %get3A_594 = tpu.vector_load %arg11[%get3A_592, %get3A_593] {strides = array<i32>} : memref<8x32xf32, #tpu.memory_space<vmem>>, vector<1x16xf32>,
      %get3A_595 = vector.shape_cast %get3A_594 : vector<1x16xf32> to vector<16xf32>
      %min3A_596 = arith.minimumf %min3A_465, %get3A_595 : vector<16xf32>
      %max3A_597 = arith.maximumf %min3A_465, %get3A_595 : vector<16xf32>
      %min3A_598 = arith.minimumf %min3A_467, %max3A_597 : vector<16xf32>
      %max3A_599 = arith.maximumf %min3A_467, %max3A_597 : vector<16xf32>
      %min3A_600 = arith.minimumf %min3A_469, %max3A_599 : vector<16xf32>
      %max3A_601 = arith.maximumf %min3A_469, %max3A_599 : vector<16xf32>
      %min3A_602 = arith.minimumf %min3A_471, %max3A_601 : vector<16xf32>
      %max3A_603 = arith.maximumf %min3A_471, %max3A_601 : vector<16xf32>
      %get3A_604 = arith.constant 1 : i32
      %get3A_605 = arith.index_cast %get3A_604 : i32 to index
      %get3A_606 = arith.constant 0 : index
      %get3A_607 = tpu.vector_load %arg11[%get3A_605, %get3A_606] {strides = array<i32>} : memref<8x32xf32, #tpu.memory_space<vmem>>, vector<1x16xf32>,
      %get3A_608 = vector.shape_cast %get3A_607 : vector<1x16xf32> to vector<16xf32>
      %min3A_609 = arith.minimumf %min3A_596, %get3A_608 : vector<16xf32>
      %max3A_610 = arith.maximumf %min3A_596, %get3A_608 : vector<16xf32>
      %min3A_611 = arith.minimumf %min3A_598, %max3A_610 : vector<16xf32>
      %max3A_612 = arith.maximumf %min3A_598, %max3A_610 : vector<16xf32>
      %min3A_613 = arith.minimumf %min3A_600, %max3A_612 : vector<16xf32>
      %max3A_614 = arith.maximumf %min3A_600, %max3A_612 : vector<16xf32>
      %min3A_615 = arith.minimumf %min3A_602, %max3A_614 : vector<16xf32>
      %max3A_616 = arith.maximumf %min3A_602, %max3A_614 : vector<16xf32>
      %get3A_617 = arith.constant 2 : i32
      %get3A_618 = arith.index_cast %get3A_617 : i32 to index
      %get3A_619 = arith.constant 0 : index
      %get3A_620 = tpu.vector_load %arg11[%get3A_618, %get3A_619] {strides = array<i32>} : memref<8x32xf32, #tpu.memory_space<vmem>>, vector<1x16xf32>,
      %get3A_621 = vector.shape_cast %get3A_620 : vector<1x16xf32> to vector<16xf32>
      %min3A_622 = arith.minimumf %min3A_609, %get3A_621 : vector<16xf32>
      %max3A_623 = arith.maximumf %min3A_609, %get3A_621 : vector<16xf32>
      %min3A_624 = arith.minimumf %min3A_611, %max3A_623 : vector<16xf32>
      %max3A_625 = arith.maximumf %min3A_611, %max3A_623 : vector<16xf32>
      %min3A_626 = arith.minimumf %min3A_613, %max3A_625 : vector<16xf32>
      %max3A_627 = arith.maximumf %min3A_613, %max3A_625 : vector<16xf32>
      %min3A_628 = arith.minimumf %min3A_615, %max3A_627 : vector<16xf32>
      %max3A_629 = arith.maximumf %min3A_615, %max3A_627 : vector<16xf32>
      %get3A_630 = arith.constant 3 : i32
      %get3A_631 = arith.index_cast %get3A_630 : i32 to index
      %get3A_632 = arith.constant 0 : index
      %get3A_633 = tpu.vector_load %arg11[%get3A_631, %get3A_632] {strides = array<i32>} : memref<8x32xf32, #tpu.memory_space<vmem>>, vector<1x16xf32>,
      %get3A_634 = vector.shape_cast %get3A_633 : vector<1x16xf32> to vector<16xf32>
      %min3A_635 = arith.minimumf %min3A_622, %get3A_634 : vector<16xf32>
      %max3A_636 = arith.maximumf %min3A_622, %get3A_634 : vector<16xf32>
      %min3A_637 = arith.minimumf %min3A_624, %max3A_636 : vector<16xf32>
      %max3A_638 = arith.maximumf %min3A_624, %max3A_636 : vector<16xf32>
      %min3A_639 = arith.minimumf %min3A_626, %max3A_638 : vector<16xf32>
      %max3A_640 = arith.maximumf %min3A_626, %max3A_638 : vector<16xf32>
      %min3A_641 = arith.minimumf %min3A_628, %max3A_640 : vector<16xf32>
      %max3A_642 = arith.maximumf %min3A_628, %max3A_640 : vector<16xf32>
      %get3A_643 = arith.constant 4 : i32
      %get3A_644 = arith.index_cast %get3A_643 : i32 to index
      %get3A_645 = arith.constant 0 : index
      %get3A_646 = tpu.vector_load %arg11[%get3A_644, %get3A_645] {strides = array<i32>} : memref<8x32xf32, #tpu.memory_space<vmem>>, vector<1x16xf32>,
      %get3A_647 = vector.shape_cast %get3A_646 : vector<1x16xf32> to vector<16xf32>
      %min3A_648 = arith.minimumf %min3A_500, %get3A_647 : vector<16xf32>
      %max3A_649 = arith.maximumf %min3A_500, %get3A_647 : vector<16xf32>
      %min3A_650 = arith.minimumf %min3A_502, %max3A_649 : vector<16xf32>
      %max3A_651 = arith.maximumf %min3A_502, %max3A_649 : vector<16xf32>
      %min3A_652 = arith.minimumf %min3A_504, %max3A_651 : vector<16xf32>
      %max3A_653 = arith.maximumf %min3A_504, %max3A_651 : vector<16xf32>
      %get3A_654 = arith.constant 5 : i32
      %get3A_655 = arith.index_cast %get3A_654 : i32 to index
      %get3A_656 = arith.constant 0 : index
      %get3A_657 = tpu.vector_load %arg11[%get3A_655, %get3A_656] {strides = array<i32>} : memref<8x32xf32, #tpu.memory_space<vmem>>, vector<1x16xf32>,
      %get3A_658 = vector.shape_cast %get3A_657 : vector<1x16xf32> to vector<16xf32>
      %min3A_659 = arith.minimumf %min3A_648, %get3A_658 : vector<16xf32>
      %max3A_660 = arith.maximumf %min3A_648, %get3A_658 : vector<16xf32>
      %min3A_661 = arith.minimumf %min3A_650, %max3A_660 : vector<16xf32>
      %max3A_662 = arith.maximumf %min3A_650, %max3A_660 : vector<16xf32>
      %min3A_663 = arith.minimumf %min3A_652, %max3A_662 : vector<16xf32>
      %max3A_664 = arith.maximumf %min3A_652, %max3A_662 : vector<16xf32>
      %get3A_665 = arith.constant 6 : i32
      %get3A_666 = arith.index_cast %get3A_665 : i32 to index
      %get3A_667 = arith.constant 0 : index
      %get3A_668 = tpu.vector_load %arg11[%get3A_666, %get3A_667] {strides = array<i32>} : memref<8x32xf32, #tpu.memory_space<vmem>>, vector<1x16xf32>,
      %get3A_669 = vector.shape_cast %get3A_668 : vector<1x16xf32> to vector<16xf32>
      %min3A_670 = arith.minimumf %min3A_659, %get3A_669 : vector<16xf32>
      %max3A_671 = arith.maximumf %min3A_659, %get3A_669 : vector<16xf32>
      %min3A_672 = arith.minimumf %min3A_661, %max3A_671 : vector<16xf32>
      %max3A_673 = arith.maximumf %min3A_661, %max3A_671 : vector<16xf32>
      %min3A_674 = arith.minimumf %min3A_663, %max3A_673 : vector<16xf32>
      %max3A_675 = arith.maximumf %min3A_663, %max3A_673 : vector<16xf32>
      %get3A_676 = arith.constant 0 : i32
      %get3A_677 = arith.index_cast %get3A_676 : i32 to index
      %get3A_678 = arith.constant 16 : index
      %get3A_679 = tpu.vector_load %arg11[%get3A_677, %get3A_678] {strides = array<i32>} : memref<8x32xf32, #tpu.memory_space<vmem>>, vector<1x16xf32>,
      %get3A_680 = vector.shape_cast %get3A_679 : vector<1x16xf32> to vector<16xf32>
      %min3A_681 = arith.minimumf %min3A_550, %get3A_680 : vector<16xf32>
      %max3A_682 = arith.maximumf %min3A_550, %get3A_680 : vector<16xf32>
      %min3A_683 = arith.minimumf %min3A_552, %max3A_682 : vector<16xf32>
      %max3A_684 = arith.maximumf %min3A_552, %max3A_682 : vector<16xf32>
      %min3A_685 = arith.minimumf %min3A_554, %max3A_684 : vector<16xf32>
      %max3A_686 = arith.maximumf %min3A_554, %max3A_684 : vector<16xf32>
      %min3A_687 = arith.minimumf %min3A_556, %max3A_686 : vector<16xf32>
      %max3A_688 = arith.maximumf %min3A_556, %max3A_686 : vector<16xf32>
      %get3A_689 = arith.constant 1 : i32
      %get3A_690 = arith.index_cast %get3A_689 : i32 to index
      %get3A_691 = arith.constant 16 : index
      %get3A_692 = tpu.vector_load %arg11[%get3A_690, %get3A_691] {strides = array<i32>} : memref<8x32xf32, #tpu.memory_space<vmem>>, vector<1x16xf32>,
      %get3A_693 = vector.shape_cast %get3A_692 : vector<1x16xf32> to vector<16xf32>
      %min3A_694 = arith.minimumf %min3A_681, %get3A_693 : vector<16xf32>
      %max3A_695 = arith.maximumf %min3A_681, %get3A_693 : vector<16xf32>
      %min3A_696 = arith.minimumf %min3A_683, %max3A_695 : vector<16xf32>
      %max3A_697 = arith.maximumf %min3A_683, %max3A_695 : vector<16xf32>
      %min3A_698 = arith.minimumf %min3A_685, %max3A_697 : vector<16xf32>
      %max3A_699 = arith.maximumf %min3A_685, %max3A_697 : vector<16xf32>
      %min3A_700 = arith.minimumf %min3A_687, %max3A_699 : vector<16xf32>
      %max3A_701 = arith.maximumf %min3A_687, %max3A_699 : vector<16xf32>
      %get3A_702 = arith.constant 2 : i32
      %get3A_703 = arith.index_cast %get3A_702 : i32 to index
      %get3A_704 = arith.constant 16 : index
      %get3A_705 = tpu.vector_load %arg11[%get3A_703, %get3A_704] {strides = array<i32>} : memref<8x32xf32, #tpu.memory_space<vmem>>, vector<1x16xf32>,
      %get3A_706 = vector.shape_cast %get3A_705 : vector<1x16xf32> to vector<16xf32>
      %min3A_707 = arith.minimumf %min3A_694, %get3A_706 : vector<16xf32>
      %max3A_708 = arith.maximumf %min3A_694, %get3A_706 : vector<16xf32>
      %min3A_709 = arith.minimumf %min3A_696, %max3A_708 : vector<16xf32>
      %max3A_710 = arith.maximumf %min3A_696, %max3A_708 : vector<16xf32>
      %min3A_711 = arith.minimumf %min3A_698, %max3A_710 : vector<16xf32>
      %max3A_712 = arith.maximumf %min3A_698, %max3A_710 : vector<16xf32>
      %min3A_713 = arith.minimumf %min3A_700, %max3A_712 : vector<16xf32>
      %max3A_714 = arith.maximumf %min3A_700, %max3A_712 : vector<16xf32>
      %get3A_715 = arith.constant 3 : i32
      %get3A_716 = arith.index_cast %get3A_715 : i32 to index
      %get3A_717 = arith.constant 16 : index
      %get3A_718 = tpu.vector_load %arg11[%get3A_716, %get3A_717] {strides = array<i32>} : memref<8x32xf32, #tpu.memory_space<vmem>>, vector<1x16xf32>,
      %get3A_719 = vector.shape_cast %get3A_718 : vector<1x16xf32> to vector<16xf32>
      %min3A_720 = arith.minimumf %min3A_707, %get3A_719 : vector<16xf32>
      %max3A_721 = arith.maximumf %min3A_707, %get3A_719 : vector<16xf32>
      %min3A_722 = arith.minimumf %min3A_709, %max3A_721 : vector<16xf32>
      %max3A_723 = arith.maximumf %min3A_709, %max3A_721 : vector<16xf32>
      %min3A_724 = arith.minimumf %min3A_711, %max3A_723 : vector<16xf32>
      %max3A_725 = arith.maximumf %min3A_711, %max3A_723 : vector<16xf32>
      %min3A_726 = arith.minimumf %min3A_713, %max3A_725 : vector<16xf32>
      %max3A_727 = arith.maximumf %min3A_713, %max3A_725 : vector<16xf32>
      %get3A_728 = arith.constant 4 : i32
      %get3A_729 = arith.index_cast %get3A_728 : i32 to index
      %get3A_730 = arith.constant 16 : index
      %get3A_731 = tpu.vector_load %arg11[%get3A_729, %get3A_730] {strides = array<i32>} : memref<8x32xf32, #tpu.memory_space<vmem>>, vector<1x16xf32>,
      %get3A_732 = vector.shape_cast %get3A_731 : vector<1x16xf32> to vector<16xf32>
      %min3A_733 = arith.minimumf %min3A_585, %get3A_732 : vector<16xf32>
      %max3A_734 = arith.maximumf %min3A_585, %get3A_732 : vector<16xf32>
      %min3A_735 = arith.minimumf %min3A_587, %max3A_734 : vector<16xf32>
      %max3A_736 = arith.maximumf %min3A_587, %max3A_734 : vector<16xf32>
      %min3A_737 = arith.minimumf %min3A_589, %max3A_736 : vector<16xf32>
      %max3A_738 = arith.maximumf %min3A_589, %max3A_736 : vector<16xf32>
      %get3A_739 = arith.constant 5 : i32
      %get3A_740 = arith.index_cast %get3A_739 : i32 to index
      %get3A_741 = arith.constant 16 : index
      %get3A_742 = tpu.vector_load %arg11[%get3A_740, %get3A_741] {strides = array<i32>} : memref<8x32xf32, #tpu.memory_space<vmem>>, vector<1x16xf32>,
      %get3A_743 = vector.shape_cast %get3A_742 : vector<1x16xf32> to vector<16xf32>
      %min3A_744 = arith.minimumf %min3A_733, %get3A_743 : vector<16xf32>
      %max3A_745 = arith.maximumf %min3A_733, %get3A_743 : vector<16xf32>
      %min3A_746 = arith.minimumf %min3A_735, %max3A_745 : vector<16xf32>
      %max3A_747 = arith.maximumf %min3A_735, %max3A_745 : vector<16xf32>
      %min3A_748 = arith.minimumf %min3A_737, %max3A_747 : vector<16xf32>
      %max3A_749 = arith.maximumf %min3A_737, %max3A_747 : vector<16xf32>
      %get3A_750 = arith.constant 6 : i32
      %get3A_751 = arith.index_cast %get3A_750 : i32 to index
      %get3A_752 = arith.constant 16 : index
      %get3A_753 = tpu.vector_load %arg11[%get3A_751, %get3A_752] {strides = array<i32>} : memref<8x32xf32, #tpu.memory_space<vmem>>, vector<1x16xf32>,
      %get3A_754 = vector.shape_cast %get3A_753 : vector<1x16xf32> to vector<16xf32>
      %min3A_755 = arith.minimumf %min3A_744, %get3A_754 : vector<16xf32>
      %max3A_756 = arith.maximumf %min3A_744, %get3A_754 : vector<16xf32>
      %min3A_757 = arith.minimumf %min3A_746, %max3A_756 : vector<16xf32>
      %max3A_758 = arith.maximumf %min3A_746, %max3A_756 : vector<16xf32>
      %min3A_759 = arith.minimumf %min3A_748, %max3A_758 : vector<16xf32>
      %max3A_760 = arith.maximumf %min3A_748, %max3A_758 : vector<16xf32>
      "tpu.region"() ({
        %run_scoped3A = tpu.sem_alloc : memref<!tpu.dma_semaphore, #tpu.memory_space<semaphore_mem>>
        %dma_start3A = arith.constant 16 : i32
        %dma_start3A_3237 = arith.constant 0 : i32
        %dma_start3A_3238 = tpu.memref_slice %arg14[%dma_start3A, %dma_start3A_3237] : memref<128x32xf32, #tpu.memory_space<vmem_shared>> -> memref<8x32xf32, #tpu.memory_space<vmem_shared>>
        %dma_start3A_3239 = arith.constant 16 : i32
        %dma_start3A_3240 = arith.constant 0 : i32
        %dma_start3A_3241 = tpu.memref_slice %arg14[%dma_start3A_3239, %dma_start3A_3240] : memref<128x32xf32, #tpu.memory_space<vmem_shared>> -> memref<8x32xf32, #tpu.memory_space<vmem_shared>>
        tpu.enqueue_dma source(%dma_start3A_3241 : memref<8x32xf32, #tpu.memory_space<vmem_shared>>) target(%arg11 : memref<8x32xf32, #tpu.memory_space<vmem>>) target_semaphore(%run_scoped3A : memref<!tpu.dma_semaphore, #tpu.memory_space<semaphore_mem>>)
        %dma_wait3A = arith.constant 16 : i32
        %dma_wait3A_3242 = arith.constant 0 : i32
        %dma_wait3A_3243 = tpu.memref_slice %arg14[%dma_wait3A, %dma_wait3A_3242] : memref<128x32xf32, #tpu.memory_space<vmem_shared>> -> memref<8x32xf32, #tpu.memory_space<vmem_shared>>
        %dma_wait3A_3244 = arith.constant 16 : i32
        %dma_wait3A_3245 = arith.constant 0 : i32
        %dma_wait3A_3246 = tpu.memref_slice %arg14[%dma_wait3A_3244, %dma_wait3A_3245] : memref<128x32xf32, #tpu.memory_space<vmem_shared>> -> memref<8x32xf32, #tpu.memory_space<vmem_shared>>
        tpu.wait_dma2 semaphore(%run_scoped3A : memref<!tpu.dma_semaphore, #tpu.memory_space<semaphore_mem>>) src(%dma_wait3A_3246 : memref<8x32xf32, #tpu.memory_space<vmem_shared>>) dst(%arg11 : memref<8x32xf32, #tpu.memory_space<vmem>>)
        tpu.yield
      }) : () -> ()
      %get3A_761 = arith.constant 0 : i32
      %get3A_762 = arith.index_cast %get3A_761 : i32 to index
      %get3A_763 = arith.constant 0 : index
      %get3A_764 = tpu.vector_load %arg11[%get3A_762, %get3A_763] {strides = array<i32>} : memref<8x32xf32, #tpu.memory_space<vmem>>, vector<1x16xf32>,
      %get3A_765 = vector.shape_cast %get3A_764 : vector<1x16xf32> to vector<16xf32>
      %min3A_766 = arith.minimumf %min3A_635, %get3A_765 : vector<16xf32>
      %max3A_767 = arith.maximumf %min3A_635, %get3A_765 : vector<16xf32>
      %min3A_768 = arith.minimumf %min3A_637, %max3A_767 : vector<16xf32>
      %max3A_769 = arith.maximumf %min3A_637, %max3A_767 : vector<16xf32>
      %min3A_770 = arith.minimumf %min3A_639, %max3A_769 : vector<16xf32>
      %max3A_771 = arith.maximumf %min3A_639, %max3A_769 : vector<16xf32>
      %min3A_772 = arith.minimumf %min3A_641, %max3A_771 : vector<16xf32>
      %max3A_773 = arith.maximumf %min3A_641, %max3A_771 : vector<16xf32>
      %get3A_774 = arith.constant 1 : i32
      %get3A_775 = arith.index_cast %get3A_774 : i32 to index
      %get3A_776 = arith.constant 0 : index
      %get3A_777 = tpu.vector_load %arg11[%get3A_775, %get3A_776] {strides = array<i32>} : memref<8x32xf32, #tpu.memory_space<vmem>>, vector<1x16xf32>,
      %get3A_778 = vector.shape_cast %get3A_777 : vector<1x16xf32> to vector<16xf32>
      %min3A_779 = arith.minimumf %min3A_766, %get3A_778 : vector<16xf32>
      %max3A_780 = arith.maximumf %min3A_766, %get3A_778 : vector<16xf32>
      %min3A_781 = arith.minimumf %min3A_768, %max3A_780 : vector<16xf32>
      %max3A_782 = arith.maximumf %min3A_768, %max3A_780 : vector<16xf32>
      %min3A_783 = arith.minimumf %min3A_770, %max3A_782 : vector<16xf32>
      %max3A_784 = arith.maximumf %min3A_770, %max3A_782 : vector<16xf32>
      %min3A_785 = arith.minimumf %min3A_772, %max3A_784 : vector<16xf32>
      %max3A_786 = arith.maximumf %min3A_772, %max3A_784 : vector<16xf32>
      %get3A_787 = arith.constant 2 : i32
      %get3A_788 = arith.index_cast %get3A_787 : i32 to index
      %get3A_789 = arith.constant 0 : index
      %get3A_790 = tpu.vector_load %arg11[%get3A_788, %get3A_789] {strides = array<i32>} : memref<8x32xf32, #tpu.memory_space<vmem>>, vector<1x16xf32>,
      %get3A_791 = vector.shape_cast %get3A_790 : vector<1x16xf32> to vector<16xf32>
      %min3A_792 = arith.minimumf %min3A_779, %get3A_791 : vector<16xf32>
      %max3A_793 = arith.maximumf %min3A_779, %get3A_791 : vector<16xf32>
      %min3A_794 = arith.minimumf %min3A_781, %max3A_793 : vector<16xf32>
      %max3A_795 = arith.maximumf %min3A_781, %max3A_793 : vector<16xf32>
      %min3A_796 = arith.minimumf %min3A_783, %max3A_795 : vector<16xf32>
      %max3A_797 = arith.maximumf %min3A_783, %max3A_795 : vector<16xf32>
      %min3A_798 = arith.minimumf %min3A_785, %max3A_797 : vector<16xf32>
      %max3A_799 = arith.maximumf %min3A_785, %max3A_797 : vector<16xf32>
      %get3A_800 = arith.constant 3 : i32
      %get3A_801 = arith.index_cast %get3A_800 : i32 to index
      %get3A_802 = arith.constant 0 : index
      %get3A_803 = tpu.vector_load %arg11[%get3A_801, %get3A_802] {strides = array<i32>} : memref<8x32xf32, #tpu.memory_space<vmem>>, vector<1x16xf32>,
      %get3A_804 = vector.shape_cast %get3A_803 : vector<1x16xf32> to vector<16xf32>
      %min3A_805 = arith.minimumf %min3A_792, %get3A_804 : vector<16xf32>
      %max3A_806 = arith.maximumf %min3A_792, %get3A_804 : vector<16xf32>
      %min3A_807 = arith.minimumf %min3A_794, %max3A_806 : vector<16xf32>
      %max3A_808 = arith.maximumf %min3A_794, %max3A_806 : vector<16xf32>
      %min3A_809 = arith.minimumf %min3A_796, %max3A_808 : vector<16xf32>
      %max3A_810 = arith.maximumf %min3A_796, %max3A_808 : vector<16xf32>
      %min3A_811 = arith.minimumf %min3A_798, %max3A_810 : vector<16xf32>
      %max3A_812 = arith.maximumf %min3A_798, %max3A_810 : vector<16xf32>
      %get3A_813 = arith.constant 4 : i32
      %get3A_814 = arith.index_cast %get3A_813 : i32 to index
      %get3A_815 = arith.constant 0 : index
      %get3A_816 = tpu.vector_load %arg11[%get3A_814, %get3A_815] {strides = array<i32>} : memref<8x32xf32, #tpu.memory_space<vmem>>, vector<1x16xf32>,
      %get3A_817 = vector.shape_cast %get3A_816 : vector<1x16xf32> to vector<16xf32>
      %min3A_818 = arith.minimumf %min3A_670, %get3A_817 : vector<16xf32>
      %max3A_819 = arith.maximumf %min3A_670, %get3A_817 : vector<16xf32>
      %min3A_820 = arith.minimumf %min3A_672, %max3A_819 : vector<16xf32>
      %max3A_821 = arith.maximumf %min3A_672, %max3A_819 : vector<16xf32>
      %min3A_822 = arith.minimumf %min3A_674, %max3A_821 : vector<16xf32>
      %max3A_823 = arith.maximumf %min3A_674, %max3A_821 : vector<16xf32>
      %get3A_824 = arith.constant 5 : i32
      %get3A_825 = arith.index_cast %get3A_824 : i32 to index
      %get3A_826 = arith.constant 0 : index
      %get3A_827 = tpu.vector_load %arg11[%get3A_825, %get3A_826] {strides = array<i32>} : memref<8x32xf32, #tpu.memory_space<vmem>>, vector<1x16xf32>,
      %get3A_828 = vector.shape_cast %get3A_827 : vector<1x16xf32> to vector<16xf32>
      %min3A_829 = arith.minimumf %min3A_818, %get3A_828 : vector<16xf32>
      %max3A_830 = arith.maximumf %min3A_818, %get3A_828 : vector<16xf32>
      %min3A_831 = arith.minimumf %min3A_820, %max3A_830 : vector<16xf32>
      %max3A_832 = arith.maximumf %min3A_820, %max3A_830 : vector<16xf32>
      %min3A_833 = arith.minimumf %min3A_822, %max3A_832 : vector<16xf32>
      %max3A_834 = arith.maximumf %min3A_822, %max3A_832 : vector<16xf32>
      %get3A_835 = arith.constant 6 : i32
      %get3A_836 = arith.index_cast %get3A_835 : i32 to index
      %get3A_837 = arith.constant 0 : index
      %get3A_838 = tpu.vector_load %arg11[%get3A_836, %get3A_837] {strides = array<i32>} : memref<8x32xf32, #tpu.memory_space<vmem>>, vector<1x16xf32>,
      %get3A_839 = vector.shape_cast %get3A_838 : vector<1x16xf32> to vector<16xf32>
      %min3A_840 = arith.minimumf %min3A_829, %get3A_839 : vector<16xf32>
      %max3A_841 = arith.maximumf %min3A_829, %get3A_839 : vector<16xf32>
      %min3A_842 = arith.minimumf %min3A_831, %max3A_841 : vector<16xf32>
      %max3A_843 = arith.maximumf %min3A_831, %max3A_841 : vector<16xf32>
      %min3A_844 = arith.minimumf %min3A_833, %max3A_843 : vector<16xf32>
      %max3A_845 = arith.maximumf %min3A_833, %max3A_843 : vector<16xf32>
      %get3A_846 = arith.constant 0 : i32
      %get3A_847 = arith.index_cast %get3A_846 : i32 to index
      %get3A_848 = arith.constant 16 : index
      %get3A_849 = tpu.vector_load %arg11[%get3A_847, %get3A_848] {strides = array<i32>} : memref<8x32xf32, #tpu.memory_space<vmem>>, vector<1x16xf32>,
      %get3A_850 = vector.shape_cast %get3A_849 : vector<1x16xf32> to vector<16xf32>
      %min3A_851 = arith.minimumf %min3A_720, %get3A_850 : vector<16xf32>
      %max3A_852 = arith.maximumf %min3A_720, %get3A_850 : vector<16xf32>
      %min3A_853 = arith.minimumf %min3A_722, %max3A_852 : vector<16xf32>
      %max3A_854 = arith.maximumf %min3A_722, %max3A_852 : vector<16xf32>
      %min3A_855 = arith.minimumf %min3A_724, %max3A_854 : vector<16xf32>
      %max3A_856 = arith.maximumf %min3A_724, %max3A_854 : vector<16xf32>
      %min3A_857 = arith.minimumf %min3A_726, %max3A_856 : vector<16xf32>
      %max3A_858 = arith.maximumf %min3A_726, %max3A_856 : vector<16xf32>
      %get3A_859 = arith.constant 1 : i32
      %get3A_860 = arith.index_cast %get3A_859 : i32 to index
      %get3A_861 = arith.constant 16 : index
      %get3A_862 = tpu.vector_load %arg11[%get3A_860, %get3A_861] {strides = array<i32>} : memref<8x32xf32, #tpu.memory_space<vmem>>, vector<1x16xf32>,
      %get3A_863 = vector.shape_cast %get3A_862 : vector<1x16xf32> to vector<16xf32>
      %min3A_864 = arith.minimumf %min3A_851, %get3A_863 : vector<16xf32>
      %max3A_865 = arith.maximumf %min3A_851, %get3A_863 : vector<16xf32>
      %min3A_866 = arith.minimumf %min3A_853, %max3A_865 : vector<16xf32>
      %max3A_867 = arith.maximumf %min3A_853, %max3A_865 : vector<16xf32>
      %min3A_868 = arith.minimumf %min3A_855, %max3A_867 : vector<16xf32>
      %max3A_869 = arith.maximumf %min3A_855, %max3A_867 : vector<16xf32>
      %min3A_870 = arith.minimumf %min3A_857, %max3A_869 : vector<16xf32>
      %max3A_871 = arith.maximumf %min3A_857, %max3A_869 : vector<16xf32>
      %get3A_872 = arith.constant 2 : i32
      %get3A_873 = arith.index_cast %get3A_872 : i32 to index
      %get3A_874 = arith.constant 16 : index
      %get3A_875 = tpu.vector_load %arg11[%get3A_873, %get3A_874] {strides = array<i32>} : memref<8x32xf32, #tpu.memory_space<vmem>>, vector<1x16xf32>,
      %get3A_876 = vector.shape_cast %get3A_875 : vector<1x16xf32> to vector<16xf32>
      %min3A_877 = arith.minimumf %min3A_864, %get3A_876 : vector<16xf32>
      %max3A_878 = arith.maximumf %min3A_864, %get3A_876 : vector<16xf32>
      %min3A_879 = arith.minimumf %min3A_866, %max3A_878 : vector<16xf32>
      %max3A_880 = arith.maximumf %min3A_866, %max3A_878 : vector<16xf32>
      %min3A_881 = arith.minimumf %min3A_868, %max3A_880 : vector<16xf32>
      %max3A_882 = arith.maximumf %min3A_868, %max3A_880 : vector<16xf32>
      %min3A_883 = arith.minimumf %min3A_870, %max3A_882 : vector<16xf32>
      %max3A_884 = arith.maximumf %min3A_870, %max3A_882 : vector<16xf32>
      %get3A_885 = arith.constant 3 : i32
      %get3A_886 = arith.index_cast %get3A_885 : i32 to index
      %get3A_887 = arith.constant 16 : index
      %get3A_888 = tpu.vector_load %arg11[%get3A_886, %get3A_887] {strides = array<i32>} : memref<8x32xf32, #tpu.memory_space<vmem>>, vector<1x16xf32>,
      %get3A_889 = vector.shape_cast %get3A_888 : vector<1x16xf32> to vector<16xf32>
      %min3A_890 = arith.minimumf %min3A_877, %get3A_889 : vector<16xf32>
      %max3A_891 = arith.maximumf %min3A_877, %get3A_889 : vector<16xf32>
      %min3A_892 = arith.minimumf %min3A_879, %max3A_891 : vector<16xf32>
      %max3A_893 = arith.maximumf %min3A_879, %max3A_891 : vector<16xf32>
      %min3A_894 = arith.minimumf %min3A_881, %max3A_893 : vector<16xf32>
      %max3A_895 = arith.maximumf %min3A_881, %max3A_893 : vector<16xf32>
      %min3A_896 = arith.minimumf %min3A_883, %max3A_895 : vector<16xf32>
      %max3A_897 = arith.maximumf %min3A_883, %max3A_895 : vector<16xf32>
      %get3A_898 = arith.constant 4 : i32
      %get3A_899 = arith.index_cast %get3A_898 : i32 to index
      %get3A_900 = arith.constant 16 : index
      %get3A_901 = tpu.vector_load %arg11[%get3A_899, %get3A_900] {strides = array<i32>} : memref<8x32xf32, #tpu.memory_space<vmem>>, vector<1x16xf32>,
      %get3A_902 = vector.shape_cast %get3A_901 : vector<1x16xf32> to vector<16xf32>
      %min3A_903 = arith.minimumf %min3A_755, %get3A_902 : vector<16xf32>
      %max3A_904 = arith.maximumf %min3A_755, %get3A_902 : vector<16xf32>
      %min3A_905 = arith.minimumf %min3A_757, %max3A_904 : vector<16xf32>
      %max3A_906 = arith.maximumf %min3A_757, %max3A_904 : vector<16xf32>
      %min3A_907 = arith.minimumf %min3A_759, %max3A_906 : vector<16xf32>
      %max3A_908 = arith.maximumf %min3A_759, %max3A_906 : vector<16xf32>
      %get3A_909 = arith.constant 5 : i32
      %get3A_910 = arith.index_cast %get3A_909 : i32 to index
      %get3A_911 = arith.constant 16 : index
      %get3A_912 = tpu.vector_load %arg11[%get3A_910, %get3A_911] {strides = array<i32>} : memref<8x32xf32, #tpu.memory_space<vmem>>, vector<1x16xf32>,
      %get3A_913 = vector.shape_cast %get3A_912 : vector<1x16xf32> to vector<16xf32>
      %min3A_914 = arith.minimumf %min3A_903, %get3A_913 : vector<16xf32>
      %max3A_915 = arith.maximumf %min3A_903, %get3A_913 : vector<16xf32>
      %min3A_916 = arith.minimumf %min3A_905, %max3A_915 : vector<16xf32>
      %max3A_917 = arith.maximumf %min3A_905, %max3A_915 : vector<16xf32>
      %min3A_918 = arith.minimumf %min3A_907, %max3A_917 : vector<16xf32>
      %max3A_919 = arith.maximumf %min3A_907, %max3A_917 : vector<16xf32>
      %get3A_920 = arith.constant 6 : i32
      %get3A_921 = arith.index_cast %get3A_920 : i32 to index
      %get3A_922 = arith.constant 16 : index
      %get3A_923 = tpu.vector_load %arg11[%get3A_921, %get3A_922] {strides = array<i32>} : memref<8x32xf32, #tpu.memory_space<vmem>>, vector<1x16xf32>,
      %get3A_924 = vector.shape_cast %get3A_923 : vector<1x16xf32> to vector<16xf32>
      %min3A_925 = arith.minimumf %min3A_914, %get3A_924 : vector<16xf32>
      %max3A_926 = arith.maximumf %min3A_914, %get3A_924 : vector<16xf32>
      %min3A_927 = arith.minimumf %min3A_916, %max3A_926 : vector<16xf32>
      %max3A_928 = arith.maximumf %min3A_916, %max3A_926 : vector<16xf32>
      %min3A_929 = arith.minimumf %min3A_918, %max3A_928 : vector<16xf32>
      %max3A_930 = arith.maximumf %min3A_918, %max3A_928 : vector<16xf32>
      "tpu.region"() ({
        %run_scoped3A = tpu.sem_alloc : memref<!tpu.dma_semaphore, #tpu.memory_space<semaphore_mem>>
        %dma_start3A = arith.constant 24 : i32
        %dma_start3A_3237 = arith.constant 0 : i32
        %dma_start3A_3238 = tpu.memref_slice %arg14[%dma_start3A, %dma_start3A_3237] : memref<128x32xf32, #tpu.memory_space<vmem_shared>> -> memref<8x32xf32, #tpu.memory_space<vmem_shared>>
        %dma_start3A_3239 = arith.constant 24 : i32
        %dma_start3A_3240 = arith.constant 0 : i32
        %dma_start3A_3241 = tpu.memref_slice %arg14[%dma_start3A_3239, %dma_start3A_3240] : memref<128x32xf32, #tpu.memory_space<vmem_shared>> -> memref<8x32xf32, #tpu.memory_space<vmem_shared>>
        tpu.enqueue_dma source(%dma_start3A_3241 : memref<8x32xf32, #tpu.memory_space<vmem_shared>>) target(%arg11 : memref<8x32xf32, #tpu.memory_space<vmem>>) target_semaphore(%run_scoped3A : memref<!tpu.dma_semaphore, #tpu.memory_space<semaphore_mem>>)
        %dma_wait3A = arith.constant 24 : i32
        %dma_wait3A_3242 = arith.constant 0 : i32
        %dma_wait3A_3243 = tpu.memref_slice %arg14[%dma_wait3A, %dma_wait3A_3242] : memref<128x32xf32, #tpu.memory_space<vmem_shared>> -> memref<8x32xf32, #tpu.memory_space<vmem_shared>>
        %dma_wait3A_3244 = arith.constant 24 : i32
        %dma_wait3A_3245 = arith.constant 0 : i32
        %dma_wait3A_3246 = tpu.memref_slice %arg14[%dma_wait3A_3244, %dma_wait3A_3245] : memref<128x32xf32, #tpu.memory_space<vmem_shared>> -> memref<8x32xf32, #tpu.memory_space<vmem_shared>>
        tpu.wait_dma2 semaphore(%run_scoped3A : memref<!tpu.dma_semaphore, #tpu.memory_space<semaphore_mem>>) src(%dma_wait3A_3246 : memref<8x32xf32, #tpu.memory_space<vmem_shared>>) dst(%arg11 : memref<8x32xf32, #tpu.memory_space<vmem>>)
        tpu.yield
      }) : () -> ()
      %get3A_931 = arith.constant 0 : i32
      %get3A_932 = arith.index_cast %get3A_931 : i32 to index
      %get3A_933 = arith.constant 0 : index
      %get3A_934 = tpu.vector_load %arg11[%get3A_932, %get3A_933] {strides = array<i32>} : memref<8x32xf32, #tpu.memory_space<vmem>>, vector<1x16xf32>,
      %get3A_935 = vector.shape_cast %get3A_934 : vector<1x16xf32> to vector<16xf32>
      %min3A_936 = arith.minimumf %min3A_805, %get3A_935 : vector<16xf32>
      %max3A_937 = arith.maximumf %min3A_805, %get3A_935 : vector<16xf32>
      %min3A_938 = arith.minimumf %min3A_807, %max3A_937 : vector<16xf32>
      %max3A_939 = arith.maximumf %min3A_807, %max3A_937 : vector<16xf32>
      %min3A_940 = arith.minimumf %min3A_809, %max3A_939 : vector<16xf32>
      %max3A_941 = arith.maximumf %min3A_809, %max3A_939 : vector<16xf32>
      %min3A_942 = arith.minimumf %min3A_811, %max3A_941 : vector<16xf32>
      %max3A_943 = arith.maximumf %min3A_811, %max3A_941 : vector<16xf32>
      %get3A_944 = arith.constant 1 : i32
      %get3A_945 = arith.index_cast %get3A_944 : i32 to index
      %get3A_946 = arith.constant 0 : index
      %get3A_947 = tpu.vector_load %arg11[%get3A_945, %get3A_946] {strides = array<i32>} : memref<8x32xf32, #tpu.memory_space<vmem>>, vector<1x16xf32>,
      %get3A_948 = vector.shape_cast %get3A_947 : vector<1x16xf32> to vector<16xf32>
      %min3A_949 = arith.minimumf %min3A_936, %get3A_948 : vector<16xf32>
      %max3A_950 = arith.maximumf %min3A_936, %get3A_948 : vector<16xf32>
      %min3A_951 = arith.minimumf %min3A_938, %max3A_950 : vector<16xf32>
      %max3A_952 = arith.maximumf %min3A_938, %max3A_950 : vector<16xf32>
      %min3A_953 = arith.minimumf %min3A_940, %max3A_952 : vector<16xf32>
      %max3A_954 = arith.maximumf %min3A_940, %max3A_952 : vector<16xf32>
      %min3A_955 = arith.minimumf %min3A_942, %max3A_954 : vector<16xf32>
      %max3A_956 = arith.maximumf %min3A_942, %max3A_954 : vector<16xf32>
      %get3A_957 = arith.constant 2 : i32
      %get3A_958 = arith.index_cast %get3A_957 : i32 to index
      %get3A_959 = arith.constant 0 : index
      %get3A_960 = tpu.vector_load %arg11[%get3A_958, %get3A_959] {strides = array<i32>} : memref<8x32xf32, #tpu.memory_space<vmem>>, vector<1x16xf32>,
      %get3A_961 = vector.shape_cast %get3A_960 : vector<1x16xf32> to vector<16xf32>
      %min3A_962 = arith.minimumf %min3A_949, %get3A_961 : vector<16xf32>
      %max3A_963 = arith.maximumf %min3A_949, %get3A_961 : vector<16xf32>
      %min3A_964 = arith.minimumf %min3A_951, %max3A_963 : vector<16xf32>
      %max3A_965 = arith.maximumf %min3A_951, %max3A_963 : vector<16xf32>
      %min3A_966 = arith.minimumf %min3A_953, %max3A_965 : vector<16xf32>
      %max3A_967 = arith.maximumf %min3A_953, %max3A_965 : vector<16xf32>
      %min3A_968 = arith.minimumf %min3A_955, %max3A_967 : vector<16xf32>
      %max3A_969 = arith.maximumf %min3A_955, %max3A_967 : vector<16xf32>
      %get3A_970 = arith.constant 3 : i32
      %get3A_971 = arith.index_cast %get3A_970 : i32 to index
      %get3A_972 = arith.constant 0 : index
      %get3A_973 = tpu.vector_load %arg11[%get3A_971, %get3A_972] {strides = array<i32>} : memref<8x32xf32, #tpu.memory_space<vmem>>, vector<1x16xf32>,
      %get3A_974 = vector.shape_cast %get3A_973 : vector<1x16xf32> to vector<16xf32>
      %min3A_975 = arith.minimumf %min3A_962, %get3A_974 : vector<16xf32>
      %max3A_976 = arith.maximumf %min3A_962, %get3A_974 : vector<16xf32>
      %min3A_977 = arith.minimumf %min3A_964, %max3A_976 : vector<16xf32>
      %max3A_978 = arith.maximumf %min3A_964, %max3A_976 : vector<16xf32>
      %min3A_979 = arith.minimumf %min3A_966, %max3A_978 : vector<16xf32>
      %max3A_980 = arith.maximumf %min3A_966, %max3A_978 : vector<16xf32>
      %min3A_981 = arith.minimumf %min3A_968, %max3A_980 : vector<16xf32>
      %max3A_982 = arith.maximumf %min3A_968, %max3A_980 : vector<16xf32>
      %get3A_983 = arith.constant 4 : i32
      %get3A_984 = arith.index_cast %get3A_983 : i32 to index
      %get3A_985 = arith.constant 0 : index
      %get3A_986 = tpu.vector_load %arg11[%get3A_984, %get3A_985] {strides = array<i32>} : memref<8x32xf32, #tpu.memory_space<vmem>>, vector<1x16xf32>,
      %get3A_987 = vector.shape_cast %get3A_986 : vector<1x16xf32> to vector<16xf32>
      %min3A_988 = arith.minimumf %min3A_840, %get3A_987 : vector<16xf32>
      %max3A_989 = arith.maximumf %min3A_840, %get3A_987 : vector<16xf32>
      %min3A_990 = arith.minimumf %min3A_842, %max3A_989 : vector<16xf32>
      %max3A_991 = arith.maximumf %min3A_842, %max3A_989 : vector<16xf32>
      %min3A_992 = arith.minimumf %min3A_844, %max3A_991 : vector<16xf32>
      %max3A_993 = arith.maximumf %min3A_844, %max3A_991 : vector<16xf32>
      %get3A_994 = arith.constant 5 : i32
      %get3A_995 = arith.index_cast %get3A_994 : i32 to index
      %get3A_996 = arith.constant 0 : index
      %get3A_997 = tpu.vector_load %arg11[%get3A_995, %get3A_996] {strides = array<i32>} : memref<8x32xf32, #tpu.memory_space<vmem>>, vector<1x16xf32>,
      %get3A_998 = vector.shape_cast %get3A_997 : vector<1x16xf32> to vector<16xf32>
      %min3A_999 = arith.minimumf %min3A_988, %get3A_998 : vector<16xf32>
      %max3A_1000 = arith.maximumf %min3A_988, %get3A_998 : vector<16xf32>
      %min3A_1001 = arith.minimumf %min3A_990, %max3A_1000 : vector<16xf32>
      %max3A_1002 = arith.maximumf %min3A_990, %max3A_1000 : vector<16xf32>
      %min3A_1003 = arith.minimumf %min3A_992, %max3A_1002 : vector<16xf32>
      %max3A_1004 = arith.maximumf %min3A_992, %max3A_1002 : vector<16xf32>
      %get3A_1005 = arith.constant 6 : i32
      %get3A_1006 = arith.index_cast %get3A_1005 : i32 to index
      %get3A_1007 = arith.constant 0 : index
      %get3A_1008 = tpu.vector_load %arg11[%get3A_1006, %get3A_1007] {strides = array<i32>} : memref<8x32xf32, #tpu.memory_space<vmem>>, vector<1x16xf32>,
      %get3A_1009 = vector.shape_cast %get3A_1008 : vector<1x16xf32> to vector<16xf32>
      %min3A_1010 = arith.minimumf %min3A_999, %get3A_1009 : vector<16xf32>
      %max3A_1011 = arith.maximumf %min3A_999, %get3A_1009 : vector<16xf32>
      %min3A_1012 = arith.minimumf %min3A_1001, %max3A_1011 : vector<16xf32>
      %max3A_1013 = arith.maximumf %min3A_1001, %max3A_1011 : vector<16xf32>
      %min3A_1014 = arith.minimumf %min3A_1003, %max3A_1013 : vector<16xf32>
      %max3A_1015 = arith.maximumf %min3A_1003, %max3A_1013 : vector<16xf32>
      %get3A_1016 = arith.constant 0 : i32
      %get3A_1017 = arith.index_cast %get3A_1016 : i32 to index
      %get3A_1018 = arith.constant 16 : index
      %get3A_1019 = tpu.vector_load %arg11[%get3A_1017, %get3A_1018] {strides = array<i32>} : memref<8x32xf32, #tpu.memory_space<vmem>>, vector<1x16xf32>,
      %get3A_1020 = vector.shape_cast %get3A_1019 : vector<1x16xf32> to vector<16xf32>
      %min3A_1021 = arith.minimumf %min3A_890, %get3A_1020 : vector<16xf32>
      %max3A_1022 = arith.maximumf %min3A_890, %get3A_1020 : vector<16xf32>
      %min3A_1023 = arith.minimumf %min3A_892, %max3A_1022 : vector<16xf32>
      %max3A_1024 = arith.maximumf %min3A_892, %max3A_1022 : vector<16xf32>
      %min3A_1025 = arith.minimumf %min3A_894, %max3A_1024 : vector<16xf32>
      %max3A_1026 = arith.maximumf %min3A_894, %max3A_1024 : vector<16xf32>
      %min3A_1027 = arith.minimumf %min3A_896, %max3A_1026 : vector<16xf32>
      %max3A_1028 = arith.maximumf %min3A_896, %max3A_1026 : vector<16xf32>
      %get3A_1029 = arith.constant 1 : i32
      %get3A_1030 = arith.index_cast %get3A_1029 : i32 to index
      %get3A_1031 = arith.constant 16 : index
      %get3A_1032 = tpu.vector_load %arg11[%get3A_1030, %get3A_1031] {strides = array<i32>} : memref<8x32xf32, #tpu.memory_space<vmem>>, vector<1x16xf32>,
      %get3A_1033 = vector.shape_cast %get3A_1032 : vector<1x16xf32> to vector<16xf32>
      %min3A_1034 = arith.minimumf %min3A_1021, %get3A_1033 : vector<16xf32>
      %max3A_1035 = arith.maximumf %min3A_1021, %get3A_1033 : vector<16xf32>
      %min3A_1036 = arith.minimumf %min3A_1023, %max3A_1035 : vector<16xf32>
      %max3A_1037 = arith.maximumf %min3A_1023, %max3A_1035 : vector<16xf32>
      %min3A_1038 = arith.minimumf %min3A_1025, %max3A_1037 : vector<16xf32>
      %max3A_1039 = arith.maximumf %min3A_1025, %max3A_1037 : vector<16xf32>
      %min3A_1040 = arith.minimumf %min3A_1027, %max3A_1039 : vector<16xf32>
      %max3A_1041 = arith.maximumf %min3A_1027, %max3A_1039 : vector<16xf32>
      %get3A_1042 = arith.constant 2 : i32
      %get3A_1043 = arith.index_cast %get3A_1042 : i32 to index
      %get3A_1044 = arith.constant 16 : index
      %get3A_1045 = tpu.vector_load %arg11[%get3A_1043, %get3A_1044] {strides = array<i32>} : memref<8x32xf32, #tpu.memory_space<vmem>>, vector<1x16xf32>,
      %get3A_1046 = vector.shape_cast %get3A_1045 : vector<1x16xf32> to vector<16xf32>
      %min3A_1047 = arith.minimumf %min3A_1034, %get3A_1046 : vector<16xf32>
      %max3A_1048 = arith.maximumf %min3A_1034, %get3A_1046 : vector<16xf32>
      %min3A_1049 = arith.minimumf %min3A_1036, %max3A_1048 : vector<16xf32>
      %max3A_1050 = arith.maximumf %min3A_1036, %max3A_1048 : vector<16xf32>
      %min3A_1051 = arith.minimumf %min3A_1038, %max3A_1050 : vector<16xf32>
      %max3A_1052 = arith.maximumf %min3A_1038, %max3A_1050 : vector<16xf32>
      %min3A_1053 = arith.minimumf %min3A_1040, %max3A_1052 : vector<16xf32>
      %max3A_1054 = arith.maximumf %min3A_1040, %max3A_1052 : vector<16xf32>
      %get3A_1055 = arith.constant 3 : i32
      %get3A_1056 = arith.index_cast %get3A_1055 : i32 to index
      %get3A_1057 = arith.constant 16 : index
      %get3A_1058 = tpu.vector_load %arg11[%get3A_1056, %get3A_1057] {strides = array<i32>} : memref<8x32xf32, #tpu.memory_space<vmem>>, vector<1x16xf32>,
      %get3A_1059 = vector.shape_cast %get3A_1058 : vector<1x16xf32> to vector<16xf32>
      %min3A_1060 = arith.minimumf %min3A_1047, %get3A_1059 : vector<16xf32>
      %max3A_1061 = arith.maximumf %min3A_1047, %get3A_1059 : vector<16xf32>
      %min3A_1062 = arith.minimumf %min3A_1049, %max3A_1061 : vector<16xf32>
      %max3A_1063 = arith.maximumf %min3A_1049, %max3A_1061 : vector<16xf32>
      %min3A_1064 = arith.minimumf %min3A_1051, %max3A_1063 : vector<16xf32>
      %max3A_1065 = arith.maximumf %min3A_1051, %max3A_1063 : vector<16xf32>
      %min3A_1066 = arith.minimumf %min3A_1053, %max3A_1065 : vector<16xf32>
      %max3A_1067 = arith.maximumf %min3A_1053, %max3A_1065 : vector<16xf32>
      %get3A_1068 = arith.constant 4 : i32
      %get3A_1069 = arith.index_cast %get3A_1068 : i32 to index
      %get3A_1070 = arith.constant 16 : index
      %get3A_1071 = tpu.vector_load %arg11[%get3A_1069, %get3A_1070] {strides = array<i32>} : memref<8x32xf32, #tpu.memory_space<vmem>>, vector<1x16xf32>,
      %get3A_1072 = vector.shape_cast %get3A_1071 : vector<1x16xf32> to vector<16xf32>
      %min3A_1073 = arith.minimumf %min3A_925, %get3A_1072 : vector<16xf32>
      %max3A_1074 = arith.maximumf %min3A_925, %get3A_1072 : vector<16xf32>
      %min3A_1075 = arith.minimumf %min3A_927, %max3A_1074 : vector<16xf32>
      %max3A_1076 = arith.maximumf %min3A_927, %max3A_1074 : vector<16xf32>
      %min3A_1077 = arith.minimumf %min3A_929, %max3A_1076 : vector<16xf32>
      %max3A_1078 = arith.maximumf %min3A_929, %max3A_1076 : vector<16xf32>
      %get3A_1079 = arith.constant 5 : i32
      %get3A_1080 = arith.index_cast %get3A_1079 : i32 to index
      %get3A_1081 = arith.constant 16 : index
      %get3A_1082 = tpu.vector_load %arg11[%get3A_1080, %get3A_1081] {strides = array<i32>} : memref<8x32xf32, #tpu.memory_space<vmem>>, vector<1x16xf32>,
      %get3A_1083 = vector.shape_cast %get3A_1082 : vector<1x16xf32> to vector<16xf32>
      %min3A_1084 = arith.minimumf %min3A_1073, %get3A_1083 : vector<16xf32>
      %max3A_1085 = arith.maximumf %min3A_1073, %get3A_1083 : vector<16xf32>
      %min3A_1086 = arith.minimumf %min3A_1075, %max3A_1085 : vector<16xf32>
      %max3A_1087 = arith.maximumf %min3A_1075, %max3A_1085 : vector<16xf32>
      %min3A_1088 = arith.minimumf %min3A_1077, %max3A_1087 : vector<16xf32>
      %max3A_1089 = arith.maximumf %min3A_1077, %max3A_1087 : vector<16xf32>
      %get3A_1090 = arith.constant 6 : i32
      %get3A_1091 = arith.index_cast %get3A_1090 : i32 to index
      %get3A_1092 = arith.constant 16 : index
      %get3A_1093 = tpu.vector_load %arg11[%get3A_1091, %get3A_1092] {strides = array<i32>} : memref<8x32xf32, #tpu.memory_space<vmem>>, vector<1x16xf32>,
      %get3A_1094 = vector.shape_cast %get3A_1093 : vector<1x16xf32> to vector<16xf32>
      %min3A_1095 = arith.minimumf %min3A_1084, %get3A_1094 : vector<16xf32>
      %max3A_1096 = arith.maximumf %min3A_1084, %get3A_1094 : vector<16xf32>
      %min3A_1097 = arith.minimumf %min3A_1086, %max3A_1096 : vector<16xf32>
      %max3A_1098 = arith.maximumf %min3A_1086, %max3A_1096 : vector<16xf32>
      %min3A_1099 = arith.minimumf %min3A_1088, %max3A_1098 : vector<16xf32>
      %max3A_1100 = arith.maximumf %min3A_1088, %max3A_1098 : vector<16xf32>
      "tpu.region"() ({
        %run_scoped3A = tpu.sem_alloc : memref<!tpu.dma_semaphore, #tpu.memory_space<semaphore_mem>>
        %dma_start3A = arith.constant 32 : i32
        %dma_start3A_3237 = arith.constant 0 : i32
        %dma_start3A_3238 = tpu.memref_slice %arg14[%dma_start3A, %dma_start3A_3237] : memref<128x32xf32, #tpu.memory_space<vmem_shared>> -> memref<8x32xf32, #tpu.memory_space<vmem_shared>>
        %dma_start3A_3239 = arith.constant 32 : i32
        %dma_start3A_3240 = arith.constant 0 : i32
        %dma_start3A_3241 = tpu.memref_slice %arg14[%dma_start3A_3239, %dma_start3A_3240] : memref<128x32xf32, #tpu.memory_space<vmem_shared>> -> memref<8x32xf32, #tpu.memory_space<vmem_shared>>
        tpu.enqueue_dma source(%dma_start3A_3241 : memref<8x32xf32, #tpu.memory_space<vmem_shared>>) target(%arg11 : memref<8x32xf32, #tpu.memory_space<vmem>>) target_semaphore(%run_scoped3A : memref<!tpu.dma_semaphore, #tpu.memory_space<semaphore_mem>>)
        %dma_wait3A = arith.constant 32 : i32
        %dma_wait3A_3242 = arith.constant 0 : i32
        %dma_wait3A_3243 = tpu.memref_slice %arg14[%dma_wait3A, %dma_wait3A_3242] : memref<128x32xf32, #tpu.memory_space<vmem_shared>> -> memref<8x32xf32, #tpu.memory_space<vmem_shared>>
        %dma_wait3A_3244 = arith.constant 32 : i32
        %dma_wait3A_3245 = arith.constant 0 : i32
        %dma_wait3A_3246 = tpu.memref_slice %arg14[%dma_wait3A_3244, %dma_wait3A_3245] : memref<128x32xf32, #tpu.memory_space<vmem_shared>> -> memref<8x32xf32, #tpu.memory_space<vmem_shared>>
        tpu.wait_dma2 semaphore(%run_scoped3A : memref<!tpu.dma_semaphore, #tpu.memory_space<semaphore_mem>>) src(%dma_wait3A_3246 : memref<8x32xf32, #tpu.memory_space<vmem_shared>>) dst(%arg11 : memref<8x32xf32, #tpu.memory_space<vmem>>)
        tpu.yield
      }) : () -> ()
      %get3A_1101 = arith.constant 0 : i32
      %get3A_1102 = arith.index_cast %get3A_1101 : i32 to index
      %get3A_1103 = arith.constant 0 : index
      %get3A_1104 = tpu.vector_load %arg11[%get3A_1102, %get3A_1103] {strides = array<i32>} : memref<8x32xf32, #tpu.memory_space<vmem>>, vector<1x16xf32>,
      %get3A_1105 = vector.shape_cast %get3A_1104 : vector<1x16xf32> to vector<16xf32>
      %min3A_1106 = arith.minimumf %min3A_975, %get3A_1105 : vector<16xf32>
      %max3A_1107 = arith.maximumf %min3A_975, %get3A_1105 : vector<16xf32>
      %min3A_1108 = arith.minimumf %min3A_977, %max3A_1107 : vector<16xf32>
      %max3A_1109 = arith.maximumf %min3A_977, %max3A_1107 : vector<16xf32>
      %min3A_1110 = arith.minimumf %min3A_979, %max3A_1109 : vector<16xf32>
      %max3A_1111 = arith.maximumf %min3A_979, %max3A_1109 : vector<16xf32>
      %min3A_1112 = arith.minimumf %min3A_981, %max3A_1111 : vector<16xf32>
      %max3A_1113 = arith.maximumf %min3A_981, %max3A_1111 : vector<16xf32>
      %get3A_1114 = arith.constant 1 : i32
      %get3A_1115 = arith.index_cast %get3A_1114 : i32 to index
      %get3A_1116 = arith.constant 0 : index
      %get3A_1117 = tpu.vector_load %arg11[%get3A_1115, %get3A_1116] {strides = array<i32>} : memref<8x32xf32, #tpu.memory_space<vmem>>, vector<1x16xf32>,
      %get3A_1118 = vector.shape_cast %get3A_1117 : vector<1x16xf32> to vector<16xf32>
      %min3A_1119 = arith.minimumf %min3A_1106, %get3A_1118 : vector<16xf32>
      %max3A_1120 = arith.maximumf %min3A_1106, %get3A_1118 : vector<16xf32>
      %min3A_1121 = arith.minimumf %min3A_1108, %max3A_1120 : vector<16xf32>
      %max3A_1122 = arith.maximumf %min3A_1108, %max3A_1120 : vector<16xf32>
      %min3A_1123 = arith.minimumf %min3A_1110, %max3A_1122 : vector<16xf32>
      %max3A_1124 = arith.maximumf %min3A_1110, %max3A_1122 : vector<16xf32>
      %min3A_1125 = arith.minimumf %min3A_1112, %max3A_1124 : vector<16xf32>
      %max3A_1126 = arith.maximumf %min3A_1112, %max3A_1124 : vector<16xf32>
      %get3A_1127 = arith.constant 2 : i32
      %get3A_1128 = arith.index_cast %get3A_1127 : i32 to index
      %get3A_1129 = arith.constant 0 : index
      %get3A_1130 = tpu.vector_load %arg11[%get3A_1128, %get3A_1129] {strides = array<i32>} : memref<8x32xf32, #tpu.memory_space<vmem>>, vector<1x16xf32>,
      %get3A_1131 = vector.shape_cast %get3A_1130 : vector<1x16xf32> to vector<16xf32>
      %min3A_1132 = arith.minimumf %min3A_1119, %get3A_1131 : vector<16xf32>
      %max3A_1133 = arith.maximumf %min3A_1119, %get3A_1131 : vector<16xf32>
      %min3A_1134 = arith.minimumf %min3A_1121, %max3A_1133 : vector<16xf32>
      %max3A_1135 = arith.maximumf %min3A_1121, %max3A_1133 : vector<16xf32>
      %min3A_1136 = arith.minimumf %min3A_1123, %max3A_1135 : vector<16xf32>
      %max3A_1137 = arith.maximumf %min3A_1123, %max3A_1135 : vector<16xf32>
      %min3A_1138 = arith.minimumf %min3A_1125, %max3A_1137 : vector<16xf32>
      %max3A_1139 = arith.maximumf %min3A_1125, %max3A_1137 : vector<16xf32>
      %get3A_1140 = arith.constant 3 : i32
      %get3A_1141 = arith.index_cast %get3A_1140 : i32 to index
      %get3A_1142 = arith.constant 0 : index
      %get3A_1143 = tpu.vector_load %arg11[%get3A_1141, %get3A_1142] {strides = array<i32>} : memref<8x32xf32, #tpu.memory_space<vmem>>, vector<1x16xf32>,
      %get3A_1144 = vector.shape_cast %get3A_1143 : vector<1x16xf32> to vector<16xf32>
      %min3A_1145 = arith.minimumf %min3A_1132, %get3A_1144 : vector<16xf32>
      %max3A_1146 = arith.maximumf %min3A_1132, %get3A_1144 : vector<16xf32>
      %min3A_1147 = arith.minimumf %min3A_1134, %max3A_1146 : vector<16xf32>
      %max3A_1148 = arith.maximumf %min3A_1134, %max3A_1146 : vector<16xf32>
      %min3A_1149 = arith.minimumf %min3A_1136, %max3A_1148 : vector<16xf32>
      %max3A_1150 = arith.maximumf %min3A_1136, %max3A_1148 : vector<16xf32>
      %min3A_1151 = arith.minimumf %min3A_1138, %max3A_1150 : vector<16xf32>
      %max3A_1152 = arith.maximumf %min3A_1138, %max3A_1150 : vector<16xf32>
      %get3A_1153 = arith.constant 4 : i32
      %get3A_1154 = arith.index_cast %get3A_1153 : i32 to index
      %get3A_1155 = arith.constant 0 : index
      %get3A_1156 = tpu.vector_load %arg11[%get3A_1154, %get3A_1155] {strides = array<i32>} : memref<8x32xf32, #tpu.memory_space<vmem>>, vector<1x16xf32>,
      %get3A_1157 = vector.shape_cast %get3A_1156 : vector<1x16xf32> to vector<16xf32>
      %min3A_1158 = arith.minimumf %min3A_1010, %get3A_1157 : vector<16xf32>
      %max3A_1159 = arith.maximumf %min3A_1010, %get3A_1157 : vector<16xf32>
      %min3A_1160 = arith.minimumf %min3A_1012, %max3A_1159 : vector<16xf32>
      %max3A_1161 = arith.maximumf %min3A_1012, %max3A_1159 : vector<16xf32>
      %min3A_1162 = arith.minimumf %min3A_1014, %max3A_1161 : vector<16xf32>
      %max3A_1163 = arith.maximumf %min3A_1014, %max3A_1161 : vector<16xf32>
      %get3A_1164 = arith.constant 5 : i32
      %get3A_1165 = arith.index_cast %get3A_1164 : i32 to index
      %get3A_1166 = arith.constant 0 : index
      %get3A_1167 = tpu.vector_load %arg11[%get3A_1165, %get3A_1166] {strides = array<i32>} : memref<8x32xf32, #tpu.memory_space<vmem>>, vector<1x16xf32>,
      %get3A_1168 = vector.shape_cast %get3A_1167 : vector<1x16xf32> to vector<16xf32>
      %min3A_1169 = arith.minimumf %min3A_1158, %get3A_1168 : vector<16xf32>
      %max3A_1170 = arith.maximumf %min3A_1158, %get3A_1168 : vector<16xf32>
      %min3A_1171 = arith.minimumf %min3A_1160, %max3A_1170 : vector<16xf32>
      %max3A_1172 = arith.maximumf %min3A_1160, %max3A_1170 : vector<16xf32>
      %min3A_1173 = arith.minimumf %min3A_1162, %max3A_1172 : vector<16xf32>
      %max3A_1174 = arith.maximumf %min3A_1162, %max3A_1172 : vector<16xf32>
      %get3A_1175 = arith.constant 6 : i32
      %get3A_1176 = arith.index_cast %get3A_1175 : i32 to index
      %get3A_1177 = arith.constant 0 : index
      %get3A_1178 = tpu.vector_load %arg11[%get3A_1176, %get3A_1177] {strides = array<i32>} : memref<8x32xf32, #tpu.memory_space<vmem>>, vector<1x16xf32>,
      %get3A_1179 = vector.shape_cast %get3A_1178 : vector<1x16xf32> to vector<16xf32>
      %min3A_1180 = arith.minimumf %min3A_1169, %get3A_1179 : vector<16xf32>
      %max3A_1181 = arith.maximumf %min3A_1169, %get3A_1179 : vector<16xf32>
      %min3A_1182 = arith.minimumf %min3A_1171, %max3A_1181 : vector<16xf32>
      %max3A_1183 = arith.maximumf %min3A_1171, %max3A_1181 : vector<16xf32>
      %min3A_1184 = arith.minimumf %min3A_1173, %max3A_1183 : vector<16xf32>
      %max3A_1185 = arith.maximumf %min3A_1173, %max3A_1183 : vector<16xf32>
      %get3A_1186 = arith.constant 0 : i32
      %get3A_1187 = arith.index_cast %get3A_1186 : i32 to index
      %get3A_1188 = arith.constant 16 : index
      %get3A_1189 = tpu.vector_load %arg11[%get3A_1187, %get3A_1188] {strides = array<i32>} : memref<8x32xf32, #tpu.memory_space<vmem>>, vector<1x16xf32>,
      %get3A_1190 = vector.shape_cast %get3A_1189 : vector<1x16xf32> to vector<16xf32>
      %min3A_1191 = arith.minimumf %min3A_1060, %get3A_1190 : vector<16xf32>
      %max3A_1192 = arith.maximumf %min3A_1060, %get3A_1190 : vector<16xf32>
      %min3A_1193 = arith.minimumf %min3A_1062, %max3A_1192 : vector<16xf32>
      %max3A_1194 = arith.maximumf %min3A_1062, %max3A_1192 : vector<16xf32>
      %min3A_1195 = arith.minimumf %min3A_1064, %max3A_1194 : vector<16xf32>
      %max3A_1196 = arith.maximumf %min3A_1064, %max3A_1194 : vector<16xf32>
      %min3A_1197 = arith.minimumf %min3A_1066, %max3A_1196 : vector<16xf32>
      %max3A_1198 = arith.maximumf %min3A_1066, %max3A_1196 : vector<16xf32>
      %get3A_1199 = arith.constant 1 : i32
      %get3A_1200 = arith.index_cast %get3A_1199 : i32 to index
      %get3A_1201 = arith.constant 16 : index
      %get3A_1202 = tpu.vector_load %arg11[%get3A_1200, %get3A_1201] {strides = array<i32>} : memref<8x32xf32, #tpu.memory_space<vmem>>, vector<1x16xf32>,
      %get3A_1203 = vector.shape_cast %get3A_1202 : vector<1x16xf32> to vector<16xf32>
      %min3A_1204 = arith.minimumf %min3A_1191, %get3A_1203 : vector<16xf32>
      %max3A_1205 = arith.maximumf %min3A_1191, %get3A_1203 : vector<16xf32>
      %min3A_1206 = arith.minimumf %min3A_1193, %max3A_1205 : vector<16xf32>
      %max3A_1207 = arith.maximumf %min3A_1193, %max3A_1205 : vector<16xf32>
      %min3A_1208 = arith.minimumf %min3A_1195, %max3A_1207 : vector<16xf32>
      %max3A_1209 = arith.maximumf %min3A_1195, %max3A_1207 : vector<16xf32>
      %min3A_1210 = arith.minimumf %min3A_1197, %max3A_1209 : vector<16xf32>
      %max3A_1211 = arith.maximumf %min3A_1197, %max3A_1209 : vector<16xf32>
      %get3A_1212 = arith.constant 2 : i32
      %get3A_1213 = arith.index_cast %get3A_1212 : i32 to index
      %get3A_1214 = arith.constant 16 : index
      %get3A_1215 = tpu.vector_load %arg11[%get3A_1213, %get3A_1214] {strides = array<i32>} : memref<8x32xf32, #tpu.memory_space<vmem>>, vector<1x16xf32>,
      %get3A_1216 = vector.shape_cast %get3A_1215 : vector<1x16xf32> to vector<16xf32>
      %min3A_1217 = arith.minimumf %min3A_1204, %get3A_1216 : vector<16xf32>
      %max3A_1218 = arith.maximumf %min3A_1204, %get3A_1216 : vector<16xf32>
      %min3A_1219 = arith.minimumf %min3A_1206, %max3A_1218 : vector<16xf32>
      %max3A_1220 = arith.maximumf %min3A_1206, %max3A_1218 : vector<16xf32>
      %min3A_1221 = arith.minimumf %min3A_1208, %max3A_1220 : vector<16xf32>
      %max3A_1222 = arith.maximumf %min3A_1208, %max3A_1220 : vector<16xf32>
      %min3A_1223 = arith.minimumf %min3A_1210, %max3A_1222 : vector<16xf32>
      %max3A_1224 = arith.maximumf %min3A_1210, %max3A_1222 : vector<16xf32>
      %get3A_1225 = arith.constant 3 : i32
      %get3A_1226 = arith.index_cast %get3A_1225 : i32 to index
      %get3A_1227 = arith.constant 16 : index
      %get3A_1228 = tpu.vector_load %arg11[%get3A_1226, %get3A_1227] {strides = array<i32>} : memref<8x32xf32, #tpu.memory_space<vmem>>, vector<1x16xf32>,
      %get3A_1229 = vector.shape_cast %get3A_1228 : vector<1x16xf32> to vector<16xf32>
      %min3A_1230 = arith.minimumf %min3A_1217, %get3A_1229 : vector<16xf32>
      %max3A_1231 = arith.maximumf %min3A_1217, %get3A_1229 : vector<16xf32>
      %min3A_1232 = arith.minimumf %min3A_1219, %max3A_1231 : vector<16xf32>
      %max3A_1233 = arith.maximumf %min3A_1219, %max3A_1231 : vector<16xf32>
      %min3A_1234 = arith.minimumf %min3A_1221, %max3A_1233 : vector<16xf32>
      %max3A_1235 = arith.maximumf %min3A_1221, %max3A_1233 : vector<16xf32>
      %min3A_1236 = arith.minimumf %min3A_1223, %max3A_1235 : vector<16xf32>
      %max3A_1237 = arith.maximumf %min3A_1223, %max3A_1235 : vector<16xf32>
      %get3A_1238 = arith.constant 4 : i32
      %get3A_1239 = arith.index_cast %get3A_1238 : i32 to index
      %get3A_1240 = arith.constant 16 : index
      %get3A_1241 = tpu.vector_load %arg11[%get3A_1239, %get3A_1240] {strides = array<i32>} : memref<8x32xf32, #tpu.memory_space<vmem>>, vector<1x16xf32>,
      %get3A_1242 = vector.shape_cast %get3A_1241 : vector<1x16xf32> to vector<16xf32>
      %min3A_1243 = arith.minimumf %min3A_1095, %get3A_1242 : vector<16xf32>
      %max3A_1244 = arith.maximumf %min3A_1095, %get3A_1242 : vector<16xf32>
      %min3A_1245 = arith.minimumf %min3A_1097, %max3A_1244 : vector<16xf32>
      %max3A_1246 = arith.maximumf %min3A_1097, %max3A_1244 : vector<16xf32>
      %min3A_1247 = arith.minimumf %min3A_1099, %max3A_1246 : vector<16xf32>
      %max3A_1248 = arith.maximumf %min3A_1099, %max3A_1246 : vector<16xf32>
      %get3A_1249 = arith.constant 5 : i32
      %get3A_1250 = arith.index_cast %get3A_1249 : i32 to index
      %get3A_1251 = arith.constant 16 : index
      %get3A_1252 = tpu.vector_load %arg11[%get3A_1250, %get3A_1251] {strides = array<i32>} : memref<8x32xf32, #tpu.memory_space<vmem>>, vector<1x16xf32>,
      %get3A_1253 = vector.shape_cast %get3A_1252 : vector<1x16xf32> to vector<16xf32>
      %min3A_1254 = arith.minimumf %min3A_1243, %get3A_1253 : vector<16xf32>
      %max3A_1255 = arith.maximumf %min3A_1243, %get3A_1253 : vector<16xf32>
      %min3A_1256 = arith.minimumf %min3A_1245, %max3A_1255 : vector<16xf32>
      %max3A_1257 = arith.maximumf %min3A_1245, %max3A_1255 : vector<16xf32>
      %min3A_1258 = arith.minimumf %min3A_1247, %max3A_1257 : vector<16xf32>
      %max3A_1259 = arith.maximumf %min3A_1247, %max3A_1257 : vector<16xf32>
      %get3A_1260 = arith.constant 6 : i32
      %get3A_1261 = arith.index_cast %get3A_1260 : i32 to index
      %get3A_1262 = arith.constant 16 : index
      %get3A_1263 = tpu.vector_load %arg11[%get3A_1261, %get3A_1262] {strides = array<i32>} : memref<8x32xf32, #tpu.memory_space<vmem>>, vector<1x16xf32>,
      %get3A_1264 = vector.shape_cast %get3A_1263 : vector<1x16xf32> to vector<16xf32>
      %min3A_1265 = arith.minimumf %min3A_1254, %get3A_1264 : vector<16xf32>
      %max3A_1266 = arith.maximumf %min3A_1254, %get3A_1264 : vector<16xf32>
      %min3A_1267 = arith.minimumf %min3A_1256, %max3A_1266 : vector<16xf32>
      %max3A_1268 = arith.maximumf %min3A_1256, %max3A_1266 : vector<16xf32>
      %min3A_1269 = arith.minimumf %min3A_1258, %max3A_1268 : vector<16xf32>
      %max3A_1270 = arith.maximumf %min3A_1258, %max3A_1268 : vector<16xf32>
      "tpu.region"() ({
        %run_scoped3A = tpu.sem_alloc : memref<!tpu.dma_semaphore, #tpu.memory_space<semaphore_mem>>
        %dma_start3A = arith.constant 40 : i32
        %dma_start3A_3237 = arith.constant 0 : i32
        %dma_start3A_3238 = tpu.memref_slice %arg14[%dma_start3A, %dma_start3A_3237] : memref<128x32xf32, #tpu.memory_space<vmem_shared>> -> memref<8x32xf32, #tpu.memory_space<vmem_shared>>
        %dma_start3A_3239 = arith.constant 40 : i32
        %dma_start3A_3240 = arith.constant 0 : i32
        %dma_start3A_3241 = tpu.memref_slice %arg14[%dma_start3A_3239, %dma_start3A_3240] : memref<128x32xf32, #tpu.memory_space<vmem_shared>> -> memref<8x32xf32, #tpu.memory_space<vmem_shared>>
        tpu.enqueue_dma source(%dma_start3A_3241 : memref<8x32xf32, #tpu.memory_space<vmem_shared>>) target(%arg11 : memref<8x32xf32, #tpu.memory_space<vmem>>) target_semaphore(%run_scoped3A : memref<!tpu.dma_semaphore, #tpu.memory_space<semaphore_mem>>)
        %dma_wait3A = arith.constant 40 : i32
        %dma_wait3A_3242 = arith.constant 0 : i32
        %dma_wait3A_3243 = tpu.memref_slice %arg14[%dma_wait3A, %dma_wait3A_3242] : memref<128x32xf32, #tpu.memory_space<vmem_shared>> -> memref<8x32xf32, #tpu.memory_space<vmem_shared>>
        %dma_wait3A_3244 = arith.constant 40 : i32
        %dma_wait3A_3245 = arith.constant 0 : i32
        %dma_wait3A_3246 = tpu.memref_slice %arg14[%dma_wait3A_3244, %dma_wait3A_3245] : memref<128x32xf32, #tpu.memory_space<vmem_shared>> -> memref<8x32xf32, #tpu.memory_space<vmem_shared>>
        tpu.wait_dma2 semaphore(%run_scoped3A : memref<!tpu.dma_semaphore, #tpu.memory_space<semaphore_mem>>) src(%dma_wait3A_3246 : memref<8x32xf32, #tpu.memory_space<vmem_shared>>) dst(%arg11 : memref<8x32xf32, #tpu.memory_space<vmem>>)
        tpu.yield
      }) : () -> ()
      %get3A_1271 = arith.constant 0 : i32
      %get3A_1272 = arith.index_cast %get3A_1271 : i32 to index
      %get3A_1273 = arith.constant 0 : index
      %get3A_1274 = tpu.vector_load %arg11[%get3A_1272, %get3A_1273] {strides = array<i32>} : memref<8x32xf32, #tpu.memory_space<vmem>>, vector<1x16xf32>,
      %get3A_1275 = vector.shape_cast %get3A_1274 : vector<1x16xf32> to vector<16xf32>
      %min3A_1276 = arith.minimumf %min3A_1145, %get3A_1275 : vector<16xf32>
      %max3A_1277 = arith.maximumf %min3A_1145, %get3A_1275 : vector<16xf32>
      %min3A_1278 = arith.minimumf %min3A_1147, %max3A_1277 : vector<16xf32>
      %max3A_1279 = arith.maximumf %min3A_1147, %max3A_1277 : vector<16xf32>
      %min3A_1280 = arith.minimumf %min3A_1149, %max3A_1279 : vector<16xf32>
      %max3A_1281 = arith.maximumf %min3A_1149, %max3A_1279 : vector<16xf32>
      %min3A_1282 = arith.minimumf %min3A_1151, %max3A_1281 : vector<16xf32>
      %max3A_1283 = arith.maximumf %min3A_1151, %max3A_1281 : vector<16xf32>
      %get3A_1284 = arith.constant 1 : i32
      %get3A_1285 = arith.index_cast %get3A_1284 : i32 to index
      %get3A_1286 = arith.constant 0 : index
      %get3A_1287 = tpu.vector_load %arg11[%get3A_1285, %get3A_1286] {strides = array<i32>} : memref<8x32xf32, #tpu.memory_space<vmem>>, vector<1x16xf32>,
      %get3A_1288 = vector.shape_cast %get3A_1287 : vector<1x16xf32> to vector<16xf32>
      %min3A_1289 = arith.minimumf %min3A_1276, %get3A_1288 : vector<16xf32>
      %max3A_1290 = arith.maximumf %min3A_1276, %get3A_1288 : vector<16xf32>
      %min3A_1291 = arith.minimumf %min3A_1278, %max3A_1290 : vector<16xf32>
      %max3A_1292 = arith.maximumf %min3A_1278, %max3A_1290 : vector<16xf32>
      %min3A_1293 = arith.minimumf %min3A_1280, %max3A_1292 : vector<16xf32>
      %max3A_1294 = arith.maximumf %min3A_1280, %max3A_1292 : vector<16xf32>
      %min3A_1295 = arith.minimumf %min3A_1282, %max3A_1294 : vector<16xf32>
      %max3A_1296 = arith.maximumf %min3A_1282, %max3A_1294 : vector<16xf32>
      %get3A_1297 = arith.constant 2 : i32
      %get3A_1298 = arith.index_cast %get3A_1297 : i32 to index
      %get3A_1299 = arith.constant 0 : index
      %get3A_1300 = tpu.vector_load %arg11[%get3A_1298, %get3A_1299] {strides = array<i32>} : memref<8x32xf32, #tpu.memory_space<vmem>>, vector<1x16xf32>,
      %get3A_1301 = vector.shape_cast %get3A_1300 : vector<1x16xf32> to vector<16xf32>
      %min3A_1302 = arith.minimumf %min3A_1289, %get3A_1301 : vector<16xf32>
      %max3A_1303 = arith.maximumf %min3A_1289, %get3A_1301 : vector<16xf32>
      %min3A_1304 = arith.minimumf %min3A_1291, %max3A_1303 : vector<16xf32>
      %max3A_1305 = arith.maximumf %min3A_1291, %max3A_1303 : vector<16xf32>
      %min3A_1306 = arith.minimumf %min3A_1293, %max3A_1305 : vector<16xf32>
      %max3A_1307 = arith.maximumf %min3A_1293, %max3A_1305 : vector<16xf32>
      %min3A_1308 = arith.minimumf %min3A_1295, %max3A_1307 : vector<16xf32>
      %max3A_1309 = arith.maximumf %min3A_1295, %max3A_1307 : vector<16xf32>
      %get3A_1310 = arith.constant 3 : i32
      %get3A_1311 = arith.index_cast %get3A_1310 : i32 to index
      %get3A_1312 = arith.constant 0 : index
      %get3A_1313 = tpu.vector_load %arg11[%get3A_1311, %get3A_1312] {strides = array<i32>} : memref<8x32xf32, #tpu.memory_space<vmem>>, vector<1x16xf32>,
      %get3A_1314 = vector.shape_cast %get3A_1313 : vector<1x16xf32> to vector<16xf32>
      %min3A_1315 = arith.minimumf %min3A_1302, %get3A_1314 : vector<16xf32>
      %max3A_1316 = arith.maximumf %min3A_1302, %get3A_1314 : vector<16xf32>
      %min3A_1317 = arith.minimumf %min3A_1304, %max3A_1316 : vector<16xf32>
      %max3A_1318 = arith.maximumf %min3A_1304, %max3A_1316 : vector<16xf32>
      %min3A_1319 = arith.minimumf %min3A_1306, %max3A_1318 : vector<16xf32>
      %max3A_1320 = arith.maximumf %min3A_1306, %max3A_1318 : vector<16xf32>
      %min3A_1321 = arith.minimumf %min3A_1308, %max3A_1320 : vector<16xf32>
      %max3A_1322 = arith.maximumf %min3A_1308, %max3A_1320 : vector<16xf32>
      %get3A_1323 = arith.constant 4 : i32
      %get3A_1324 = arith.index_cast %get3A_1323 : i32 to index
      %get3A_1325 = arith.constant 0 : index
      %get3A_1326 = tpu.vector_load %arg11[%get3A_1324, %get3A_1325] {strides = array<i32>} : memref<8x32xf32, #tpu.memory_space<vmem>>, vector<1x16xf32>,
      %get3A_1327 = vector.shape_cast %get3A_1326 : vector<1x16xf32> to vector<16xf32>
      %min3A_1328 = arith.minimumf %min3A_1180, %get3A_1327 : vector<16xf32>
      %max3A_1329 = arith.maximumf %min3A_1180, %get3A_1327 : vector<16xf32>
      %min3A_1330 = arith.minimumf %min3A_1182, %max3A_1329 : vector<16xf32>
      %max3A_1331 = arith.maximumf %min3A_1182, %max3A_1329 : vector<16xf32>
      %min3A_1332 = arith.minimumf %min3A_1184, %max3A_1331 : vector<16xf32>
      %max3A_1333 = arith.maximumf %min3A_1184, %max3A_1331 : vector<16xf32>
      %get3A_1334 = arith.constant 5 : i32
      %get3A_1335 = arith.index_cast %get3A_1334 : i32 to index
      %get3A_1336 = arith.constant 0 : index
      %get3A_1337 = tpu.vector_load %arg11[%get3A_1335, %get3A_1336] {strides = array<i32>} : memref<8x32xf32, #tpu.memory_space<vmem>>, vector<1x16xf32>,
      %get3A_1338 = vector.shape_cast %get3A_1337 : vector<1x16xf32> to vector<16xf32>
      %min3A_1339 = arith.minimumf %min3A_1328, %get3A_1338 : vector<16xf32>
      %max3A_1340 = arith.maximumf %min3A_1328, %get3A_1338 : vector<16xf32>
      %min3A_1341 = arith.minimumf %min3A_1330, %max3A_1340 : vector<16xf32>
      %max3A_1342 = arith.maximumf %min3A_1330, %max3A_1340 : vector<16xf32>
      %min3A_1343 = arith.minimumf %min3A_1332, %max3A_1342 : vector<16xf32>
      %max3A_1344 = arith.maximumf %min3A_1332, %max3A_1342 : vector<16xf32>
      %get3A_1345 = arith.constant 6 : i32
      %get3A_1346 = arith.index_cast %get3A_1345 : i32 to index
      %get3A_1347 = arith.constant 0 : index
      %get3A_1348 = tpu.vector_load %arg11[%get3A_1346, %get3A_1347] {strides = array<i32>} : memref<8x32xf32, #tpu.memory_space<vmem>>, vector<1x16xf32>,
      %get3A_1349 = vector.shape_cast %get3A_1348 : vector<1x16xf32> to vector<16xf32>
      %min3A_1350 = arith.minimumf %min3A_1339, %get3A_1349 : vector<16xf32>
      %max3A_1351 = arith.maximumf %min3A_1339, %get3A_1349 : vector<16xf32>
      %min3A_1352 = arith.minimumf %min3A_1341, %max3A_1351 : vector<16xf32>
      %max3A_1353 = arith.maximumf %min3A_1341, %max3A_1351 : vector<16xf32>
      %min3A_1354 = arith.minimumf %min3A_1343, %max3A_1353 : vector<16xf32>
      %max3A_1355 = arith.maximumf %min3A_1343, %max3A_1353 : vector<16xf32>
      %get3A_1356 = arith.constant 0 : i32
      %get3A_1357 = arith.index_cast %get3A_1356 : i32 to index
      %get3A_1358 = arith.constant 16 : index
      %get3A_1359 = tpu.vector_load %arg11[%get3A_1357, %get3A_1358] {strides = array<i32>} : memref<8x32xf32, #tpu.memory_space<vmem>>, vector<1x16xf32>,
      %get3A_1360 = vector.shape_cast %get3A_1359 : vector<1x16xf32> to vector<16xf32>
      %min3A_1361 = arith.minimumf %min3A_1230, %get3A_1360 : vector<16xf32>
      %max3A_1362 = arith.maximumf %min3A_1230, %get3A_1360 : vector<16xf32>
      %min3A_1363 = arith.minimumf %min3A_1232, %max3A_1362 : vector<16xf32>
      %max3A_1364 = arith.maximumf %min3A_1232, %max3A_1362 : vector<16xf32>
      %min3A_1365 = arith.minimumf %min3A_1234, %max3A_1364 : vector<16xf32>
      %max3A_1366 = arith.maximumf %min3A_1234, %max3A_1364 : vector<16xf32>
      %min3A_1367 = arith.minimumf %min3A_1236, %max3A_1366 : vector<16xf32>
      %max3A_1368 = arith.maximumf %min3A_1236, %max3A_1366 : vector<16xf32>
      %get3A_1369 = arith.constant 1 : i32
      %get3A_1370 = arith.index_cast %get3A_1369 : i32 to index
      %get3A_1371 = arith.constant 16 : index
      %get3A_1372 = tpu.vector_load %arg11[%get3A_1370, %get3A_1371] {strides = array<i32>} : memref<8x32xf32, #tpu.memory_space<vmem>>, vector<1x16xf32>,
      %get3A_1373 = vector.shape_cast %get3A_1372 : vector<1x16xf32> to vector<16xf32>
      %min3A_1374 = arith.minimumf %min3A_1361, %get3A_1373 : vector<16xf32>
      %max3A_1375 = arith.maximumf %min3A_1361, %get3A_1373 : vector<16xf32>
      %min3A_1376 = arith.minimumf %min3A_1363, %max3A_1375 : vector<16xf32>
      %max3A_1377 = arith.maximumf %min3A_1363, %max3A_1375 : vector<16xf32>
      %min3A_1378 = arith.minimumf %min3A_1365, %max3A_1377 : vector<16xf32>
      %max3A_1379 = arith.maximumf %min3A_1365, %max3A_1377 : vector<16xf32>
      %min3A_1380 = arith.minimumf %min3A_1367, %max3A_1379 : vector<16xf32>
      %max3A_1381 = arith.maximumf %min3A_1367, %max3A_1379 : vector<16xf32>
      %get3A_1382 = arith.constant 2 : i32
      %get3A_1383 = arith.index_cast %get3A_1382 : i32 to index
      %get3A_1384 = arith.constant 16 : index
      %get3A_1385 = tpu.vector_load %arg11[%get3A_1383, %get3A_1384] {strides = array<i32>} : memref<8x32xf32, #tpu.memory_space<vmem>>, vector<1x16xf32>,
      %get3A_1386 = vector.shape_cast %get3A_1385 : vector<1x16xf32> to vector<16xf32>
      %min3A_1387 = arith.minimumf %min3A_1374, %get3A_1386 : vector<16xf32>
      %max3A_1388 = arith.maximumf %min3A_1374, %get3A_1386 : vector<16xf32>
      %min3A_1389 = arith.minimumf %min3A_1376, %max3A_1388 : vector<16xf32>
      %max3A_1390 = arith.maximumf %min3A_1376, %max3A_1388 : vector<16xf32>
      %min3A_1391 = arith.minimumf %min3A_1378, %max3A_1390 : vector<16xf32>
      %max3A_1392 = arith.maximumf %min3A_1378, %max3A_1390 : vector<16xf32>
      %min3A_1393 = arith.minimumf %min3A_1380, %max3A_1392 : vector<16xf32>
      %max3A_1394 = arith.maximumf %min3A_1380, %max3A_1392 : vector<16xf32>
      %get3A_1395 = arith.constant 3 : i32
      %get3A_1396 = arith.index_cast %get3A_1395 : i32 to index
      %get3A_1397 = arith.constant 16 : index
      %get3A_1398 = tpu.vector_load %arg11[%get3A_1396, %get3A_1397] {strides = array<i32>} : memref<8x32xf32, #tpu.memory_space<vmem>>, vector<1x16xf32>,
      %get3A_1399 = vector.shape_cast %get3A_1398 : vector<1x16xf32> to vector<16xf32>
      %min3A_1400 = arith.minimumf %min3A_1387, %get3A_1399 : vector<16xf32>
      %max3A_1401 = arith.maximumf %min3A_1387, %get3A_1399 : vector<16xf32>
      %min3A_1402 = arith.minimumf %min3A_1389, %max3A_1401 : vector<16xf32>
      %max3A_1403 = arith.maximumf %min3A_1389, %max3A_1401 : vector<16xf32>
      %min3A_1404 = arith.minimumf %min3A_1391, %max3A_1403 : vector<16xf32>
      %max3A_1405 = arith.maximumf %min3A_1391, %max3A_1403 : vector<16xf32>
      %min3A_1406 = arith.minimumf %min3A_1393, %max3A_1405 : vector<16xf32>
      %max3A_1407 = arith.maximumf %min3A_1393, %max3A_1405 : vector<16xf32>
      %get3A_1408 = arith.constant 4 : i32
      %get3A_1409 = arith.index_cast %get3A_1408 : i32 to index
      %get3A_1410 = arith.constant 16 : index
      %get3A_1411 = tpu.vector_load %arg11[%get3A_1409, %get3A_1410] {strides = array<i32>} : memref<8x32xf32, #tpu.memory_space<vmem>>, vector<1x16xf32>,
      %get3A_1412 = vector.shape_cast %get3A_1411 : vector<1x16xf32> to vector<16xf32>
      %min3A_1413 = arith.minimumf %min3A_1265, %get3A_1412 : vector<16xf32>
      %max3A_1414 = arith.maximumf %min3A_1265, %get3A_1412 : vector<16xf32>
      %min3A_1415 = arith.minimumf %min3A_1267, %max3A_1414 : vector<16xf32>
      %max3A_1416 = arith.maximumf %min3A_1267, %max3A_1414 : vector<16xf32>
      %min3A_1417 = arith.minimumf %min3A_1269, %max3A_1416 : vector<16xf32>
      %max3A_1418 = arith.maximumf %min3A_1269, %max3A_1416 : vector<16xf32>
      %get3A_1419 = arith.constant 5 : i32
      %get3A_1420 = arith.index_cast %get3A_1419 : i32 to index
      %get3A_1421 = arith.constant 16 : index
      %get3A_1422 = tpu.vector_load %arg11[%get3A_1420, %get3A_1421] {strides = array<i32>} : memref<8x32xf32, #tpu.memory_space<vmem>>, vector<1x16xf32>,
      %get3A_1423 = vector.shape_cast %get3A_1422 : vector<1x16xf32> to vector<16xf32>
      %min3A_1424 = arith.minimumf %min3A_1413, %get3A_1423 : vector<16xf32>
      %max3A_1425 = arith.maximumf %min3A_1413, %get3A_1423 : vector<16xf32>
      %min3A_1426 = arith.minimumf %min3A_1415, %max3A_1425 : vector<16xf32>
      %max3A_1427 = arith.maximumf %min3A_1415, %max3A_1425 : vector<16xf32>
      %min3A_1428 = arith.minimumf %min3A_1417, %max3A_1427 : vector<16xf32>
      %max3A_1429 = arith.maximumf %min3A_1417, %max3A_1427 : vector<16xf32>
      %get3A_1430 = arith.constant 6 : i32
      %get3A_1431 = arith.index_cast %get3A_1430 : i32 to index
      %get3A_1432 = arith.constant 16 : index
      %get3A_1433 = tpu.vector_load %arg11[%get3A_1431, %get3A_1432] {strides = array<i32>} : memref<8x32xf32, #tpu.memory_space<vmem>>, vector<1x16xf32>,
      %get3A_1434 = vector.shape_cast %get3A_1433 : vector<1x16xf32> to vector<16xf32>
      %min3A_1435 = arith.minimumf %min3A_1424, %get3A_1434 : vector<16xf32>
      %max3A_1436 = arith.maximumf %min3A_1424, %get3A_1434 : vector<16xf32>
      %min3A_1437 = arith.minimumf %min3A_1426, %max3A_1436 : vector<16xf32>
      %max3A_1438 = arith.maximumf %min3A_1426, %max3A_1436 : vector<16xf32>
      %min3A_1439 = arith.minimumf %min3A_1428, %max3A_1438 : vector<16xf32>
      %max3A_1440 = arith.maximumf %min3A_1428, %max3A_1438 : vector<16xf32>
      "tpu.region"() ({
        %run_scoped3A = tpu.sem_alloc : memref<!tpu.dma_semaphore, #tpu.memory_space<semaphore_mem>>
        %dma_start3A = arith.constant 48 : i32
        %dma_start3A_3237 = arith.constant 0 : i32
        %dma_start3A_3238 = tpu.memref_slice %arg14[%dma_start3A, %dma_start3A_3237] : memref<128x32xf32, #tpu.memory_space<vmem_shared>> -> memref<8x32xf32, #tpu.memory_space<vmem_shared>>
        %dma_start3A_3239 = arith.constant 48 : i32
        %dma_start3A_3240 = arith.constant 0 : i32
        %dma_start3A_3241 = tpu.memref_slice %arg14[%dma_start3A_3239, %dma_start3A_3240] : memref<128x32xf32, #tpu.memory_space<vmem_shared>> -> memref<8x32xf32, #tpu.memory_space<vmem_shared>>
        tpu.enqueue_dma source(%dma_start3A_3241 : memref<8x32xf32, #tpu.memory_space<vmem_shared>>) target(%arg11 : memref<8x32xf32, #tpu.memory_space<vmem>>) target_semaphore(%run_scoped3A : memref<!tpu.dma_semaphore, #tpu.memory_space<semaphore_mem>>)
        %dma_wait3A = arith.constant 48 : i32
        %dma_wait3A_3242 = arith.constant 0 : i32
        %dma_wait3A_3243 = tpu.memref_slice %arg14[%dma_wait3A, %dma_wait3A_3242] : memref<128x32xf32, #tpu.memory_space<vmem_shared>> -> memref<8x32xf32, #tpu.memory_space<vmem_shared>>
        %dma_wait3A_3244 = arith.constant 48 : i32
        %dma_wait3A_3245 = arith.constant 0 : i32
        %dma_wait3A_3246 = tpu.memref_slice %arg14[%dma_wait3A_3244, %dma_wait3A_3245] : memref<128x32xf32, #tpu.memory_space<vmem_shared>> -> memref<8x32xf32, #tpu.memory_space<vmem_shared>>
        tpu.wait_dma2 semaphore(%run_scoped3A : memref<!tpu.dma_semaphore, #tpu.memory_space<semaphore_mem>>) src(%dma_wait3A_3246 : memref<8x32xf32, #tpu.memory_space<vmem_shared>>) dst(%arg11 : memref<8x32xf32, #tpu.memory_space<vmem>>)
        tpu.yield
      }) : () -> ()
      %get3A_1441 = arith.constant 0 : i32
      %get3A_1442 = arith.index_cast %get3A_1441 : i32 to index
      %get3A_1443 = arith.constant 0 : index
      %get3A_1444 = tpu.vector_load %arg11[%get3A_1442, %get3A_1443] {strides = array<i32>} : memref<8x32xf32, #tpu.memory_space<vmem>>, vector<1x16xf32>,
      %get3A_1445 = vector.shape_cast %get3A_1444 : vector<1x16xf32> to vector<16xf32>
      %min3A_1446 = arith.minimumf %min3A_1315, %get3A_1445 : vector<16xf32>
      %max3A_1447 = arith.maximumf %min3A_1315, %get3A_1445 : vector<16xf32>
      %min3A_1448 = arith.minimumf %min3A_1317, %max3A_1447 : vector<16xf32>
      %max3A_1449 = arith.maximumf %min3A_1317, %max3A_1447 : vector<16xf32>
      %min3A_1450 = arith.minimumf %min3A_1319, %max3A_1449 : vector<16xf32>
      %max3A_1451 = arith.maximumf %min3A_1319, %max3A_1449 : vector<16xf32>
      %min3A_1452 = arith.minimumf %min3A_1321, %max3A_1451 : vector<16xf32>
      %max3A_1453 = arith.maximumf %min3A_1321, %max3A_1451 : vector<16xf32>
      %get3A_1454 = arith.constant 1 : i32
      %get3A_1455 = arith.index_cast %get3A_1454 : i32 to index
      %get3A_1456 = arith.constant 0 : index
      %get3A_1457 = tpu.vector_load %arg11[%get3A_1455, %get3A_1456] {strides = array<i32>} : memref<8x32xf32, #tpu.memory_space<vmem>>, vector<1x16xf32>,
      %get3A_1458 = vector.shape_cast %get3A_1457 : vector<1x16xf32> to vector<16xf32>
      %min3A_1459 = arith.minimumf %min3A_1446, %get3A_1458 : vector<16xf32>
      %max3A_1460 = arith.maximumf %min3A_1446, %get3A_1458 : vector<16xf32>
      %min3A_1461 = arith.minimumf %min3A_1448, %max3A_1460 : vector<16xf32>
      %max3A_1462 = arith.maximumf %min3A_1448, %max3A_1460 : vector<16xf32>
      %min3A_1463 = arith.minimumf %min3A_1450, %max3A_1462 : vector<16xf32>
      %max3A_1464 = arith.maximumf %min3A_1450, %max3A_1462 : vector<16xf32>
      %min3A_1465 = arith.minimumf %min3A_1452, %max3A_1464 : vector<16xf32>
      %max3A_1466 = arith.maximumf %min3A_1452, %max3A_1464 : vector<16xf32>
      %get3A_1467 = arith.constant 2 : i32
      %get3A_1468 = arith.index_cast %get3A_1467 : i32 to index
      %get3A_1469 = arith.constant 0 : index
      %get3A_1470 = tpu.vector_load %arg11[%get3A_1468, %get3A_1469] {strides = array<i32>} : memref<8x32xf32, #tpu.memory_space<vmem>>, vector<1x16xf32>,
      %get3A_1471 = vector.shape_cast %get3A_1470 : vector<1x16xf32> to vector<16xf32>
      %min3A_1472 = arith.minimumf %min3A_1459, %get3A_1471 : vector<16xf32>
      %max3A_1473 = arith.maximumf %min3A_1459, %get3A_1471 : vector<16xf32>
      %min3A_1474 = arith.minimumf %min3A_1461, %max3A_1473 : vector<16xf32>
      %max3A_1475 = arith.maximumf %min3A_1461, %max3A_1473 : vector<16xf32>
      %min3A_1476 = arith.minimumf %min3A_1463, %max3A_1475 : vector<16xf32>
      %max3A_1477 = arith.maximumf %min3A_1463, %max3A_1475 : vector<16xf32>
      %min3A_1478 = arith.minimumf %min3A_1465, %max3A_1477 : vector<16xf32>
      %max3A_1479 = arith.maximumf %min3A_1465, %max3A_1477 : vector<16xf32>
      %get3A_1480 = arith.constant 3 : i32
      %get3A_1481 = arith.index_cast %get3A_1480 : i32 to index
      %get3A_1482 = arith.constant 0 : index
      %get3A_1483 = tpu.vector_load %arg11[%get3A_1481, %get3A_1482] {strides = array<i32>} : memref<8x32xf32, #tpu.memory_space<vmem>>, vector<1x16xf32>,
      %get3A_1484 = vector.shape_cast %get3A_1483 : vector<1x16xf32> to vector<16xf32>
      %min3A_1485 = arith.minimumf %min3A_1472, %get3A_1484 : vector<16xf32>
      %max3A_1486 = arith.maximumf %min3A_1472, %get3A_1484 : vector<16xf32>
      %min3A_1487 = arith.minimumf %min3A_1474, %max3A_1486 : vector<16xf32>
      %max3A_1488 = arith.maximumf %min3A_1474, %max3A_1486 : vector<16xf32>
      %min3A_1489 = arith.minimumf %min3A_1476, %max3A_1488 : vector<16xf32>
      %max3A_1490 = arith.maximumf %min3A_1476, %max3A_1488 : vector<16xf32>
      %min3A_1491 = arith.minimumf %min3A_1478, %max3A_1490 : vector<16xf32>
      %max3A_1492 = arith.maximumf %min3A_1478, %max3A_1490 : vector<16xf32>
      %get3A_1493 = arith.constant 4 : i32
      %get3A_1494 = arith.index_cast %get3A_1493 : i32 to index
      %get3A_1495 = arith.constant 0 : index
      %get3A_1496 = tpu.vector_load %arg11[%get3A_1494, %get3A_1495] {strides = array<i32>} : memref<8x32xf32, #tpu.memory_space<vmem>>, vector<1x16xf32>,
      %get3A_1497 = vector.shape_cast %get3A_1496 : vector<1x16xf32> to vector<16xf32>
      %min3A_1498 = arith.minimumf %min3A_1350, %get3A_1497 : vector<16xf32>
      %max3A_1499 = arith.maximumf %min3A_1350, %get3A_1497 : vector<16xf32>
      %min3A_1500 = arith.minimumf %min3A_1352, %max3A_1499 : vector<16xf32>
      %max3A_1501 = arith.maximumf %min3A_1352, %max3A_1499 : vector<16xf32>
      %min3A_1502 = arith.minimumf %min3A_1354, %max3A_1501 : vector<16xf32>
      %max3A_1503 = arith.maximumf %min3A_1354, %max3A_1501 : vector<16xf32>
      %get3A_1504 = arith.constant 5 : i32
      %get3A_1505 = arith.index_cast %get3A_1504 : i32 to index
      %get3A_1506 = arith.constant 0 : index
      %get3A_1507 = tpu.vector_load %arg11[%get3A_1505, %get3A_1506] {strides = array<i32>} : memref<8x32xf32, #tpu.memory_space<vmem>>, vector<1x16xf32>,
      %get3A_1508 = vector.shape_cast %get3A_1507 : vector<1x16xf32> to vector<16xf32>
      %min3A_1509 = arith.minimumf %min3A_1498, %get3A_1508 : vector<16xf32>
      %max3A_1510 = arith.maximumf %min3A_1498, %get3A_1508 : vector<16xf32>
      %min3A_1511 = arith.minimumf %min3A_1500, %max3A_1510 : vector<16xf32>
      %max3A_1512 = arith.maximumf %min3A_1500, %max3A_1510 : vector<16xf32>
      %min3A_1513 = arith.minimumf %min3A_1502, %max3A_1512 : vector<16xf32>
      %max3A_1514 = arith.maximumf %min3A_1502, %max3A_1512 : vector<16xf32>
      %get3A_1515 = arith.constant 6 : i32
      %get3A_1516 = arith.index_cast %get3A_1515 : i32 to index
      %get3A_1517 = arith.constant 0 : index
      %get3A_1518 = tpu.vector_load %arg11[%get3A_1516, %get3A_1517] {strides = array<i32>} : memref<8x32xf32, #tpu.memory_space<vmem>>, vector<1x16xf32>,
      %get3A_1519 = vector.shape_cast %get3A_1518 : vector<1x16xf32> to vector<16xf32>
      %min3A_1520 = arith.minimumf %min3A_1509, %get3A_1519 : vector<16xf32>
      %max3A_1521 = arith.maximumf %min3A_1509, %get3A_1519 : vector<16xf32>
      %min3A_1522 = arith.minimumf %min3A_1511, %max3A_1521 : vector<16xf32>
      %max3A_1523 = arith.maximumf %min3A_1511, %max3A_1521 : vector<16xf32>
      %min3A_1524 = arith.minimumf %min3A_1513, %max3A_1523 : vector<16xf32>
      %max3A_1525 = arith.maximumf %min3A_1513, %max3A_1523 : vector<16xf32>
      %get3A_1526 = arith.constant 0 : i32
      %get3A_1527 = arith.index_cast %get3A_1526 : i32 to index
      %get3A_1528 = arith.constant 16 : index
      %get3A_1529 = tpu.vector_load %arg11[%get3A_1527, %get3A_1528] {strides = array<i32>} : memref<8x32xf32, #tpu.memory_space<vmem>>, vector<1x16xf32>,
      %get3A_1530 = vector.shape_cast %get3A_1529 : vector<1x16xf32> to vector<16xf32>
      %min3A_1531 = arith.minimumf %min3A_1400, %get3A_1530 : vector<16xf32>
      %max3A_1532 = arith.maximumf %min3A_1400, %get3A_1530 : vector<16xf32>
      %min3A_1533 = arith.minimumf %min3A_1402, %max3A_1532 : vector<16xf32>
      %max3A_1534 = arith.maximumf %min3A_1402, %max3A_1532 : vector<16xf32>
      %min3A_1535 = arith.minimumf %min3A_1404, %max3A_1534 : vector<16xf32>
      %max3A_1536 = arith.maximumf %min3A_1404, %max3A_1534 : vector<16xf32>
      %min3A_1537 = arith.minimumf %min3A_1406, %max3A_1536 : vector<16xf32>
      %max3A_1538 = arith.maximumf %min3A_1406, %max3A_1536 : vector<16xf32>
      %get3A_1539 = arith.constant 1 : i32
      %get3A_1540 = arith.index_cast %get3A_1539 : i32 to index
      %get3A_1541 = arith.constant 16 : index
      %get3A_1542 = tpu.vector_load %arg11[%get3A_1540, %get3A_1541] {strides = array<i32>} : memref<8x32xf32, #tpu.memory_space<vmem>>, vector<1x16xf32>,
      %get3A_1543 = vector.shape_cast %get3A_1542 : vector<1x16xf32> to vector<16xf32>
      %min3A_1544 = arith.minimumf %min3A_1531, %get3A_1543 : vector<16xf32>
      %max3A_1545 = arith.maximumf %min3A_1531, %get3A_1543 : vector<16xf32>
      %min3A_1546 = arith.minimumf %min3A_1533, %max3A_1545 : vector<16xf32>
      %max3A_1547 = arith.maximumf %min3A_1533, %max3A_1545 : vector<16xf32>
      %min3A_1548 = arith.minimumf %min3A_1535, %max3A_1547 : vector<16xf32>
      %max3A_1549 = arith.maximumf %min3A_1535, %max3A_1547 : vector<16xf32>
      %min3A_1550 = arith.minimumf %min3A_1537, %max3A_1549 : vector<16xf32>
      %max3A_1551 = arith.maximumf %min3A_1537, %max3A_1549 : vector<16xf32>
      %get3A_1552 = arith.constant 2 : i32
      %get3A_1553 = arith.index_cast %get3A_1552 : i32 to index
      %get3A_1554 = arith.constant 16 : index
      %get3A_1555 = tpu.vector_load %arg11[%get3A_1553, %get3A_1554] {strides = array<i32>} : memref<8x32xf32, #tpu.memory_space<vmem>>, vector<1x16xf32>,
      %get3A_1556 = vector.shape_cast %get3A_1555 : vector<1x16xf32> to vector<16xf32>
      %min3A_1557 = arith.minimumf %min3A_1544, %get3A_1556 : vector<16xf32>
      %max3A_1558 = arith.maximumf %min3A_1544, %get3A_1556 : vector<16xf32>
      %min3A_1559 = arith.minimumf %min3A_1546, %max3A_1558 : vector<16xf32>
      %max3A_1560 = arith.maximumf %min3A_1546, %max3A_1558 : vector<16xf32>
      %min3A_1561 = arith.minimumf %min3A_1548, %max3A_1560 : vector<16xf32>
      %max3A_1562 = arith.maximumf %min3A_1548, %max3A_1560 : vector<16xf32>
      %min3A_1563 = arith.minimumf %min3A_1550, %max3A_1562 : vector<16xf32>
      %max3A_1564 = arith.maximumf %min3A_1550, %max3A_1562 : vector<16xf32>
      %get3A_1565 = arith.constant 3 : i32
      %get3A_1566 = arith.index_cast %get3A_1565 : i32 to index
      %get3A_1567 = arith.constant 16 : index
      %get3A_1568 = tpu.vector_load %arg11[%get3A_1566, %get3A_1567] {strides = array<i32>} : memref<8x32xf32, #tpu.memory_space<vmem>>, vector<1x16xf32>,
      %get3A_1569 = vector.shape_cast %get3A_1568 : vector<1x16xf32> to vector<16xf32>
      %min3A_1570 = arith.minimumf %min3A_1557, %get3A_1569 : vector<16xf32>
      %max3A_1571 = arith.maximumf %min3A_1557, %get3A_1569 : vector<16xf32>
      %min3A_1572 = arith.minimumf %min3A_1559, %max3A_1571 : vector<16xf32>
      %max3A_1573 = arith.maximumf %min3A_1559, %max3A_1571 : vector<16xf32>
      %min3A_1574 = arith.minimumf %min3A_1561, %max3A_1573 : vector<16xf32>
      %max3A_1575 = arith.maximumf %min3A_1561, %max3A_1573 : vector<16xf32>
      %min3A_1576 = arith.minimumf %min3A_1563, %max3A_1575 : vector<16xf32>
      %max3A_1577 = arith.maximumf %min3A_1563, %max3A_1575 : vector<16xf32>
      %get3A_1578 = arith.constant 4 : i32
      %get3A_1579 = arith.index_cast %get3A_1578 : i32 to index
      %get3A_1580 = arith.constant 16 : index
      %get3A_1581 = tpu.vector_load %arg11[%get3A_1579, %get3A_1580] {strides = array<i32>} : memref<8x32xf32, #tpu.memory_space<vmem>>, vector<1x16xf32>,
      %get3A_1582 = vector.shape_cast %get3A_1581 : vector<1x16xf32> to vector<16xf32>
      %min3A_1583 = arith.minimumf %min3A_1435, %get3A_1582 : vector<16xf32>
      %max3A_1584 = arith.maximumf %min3A_1435, %get3A_1582 : vector<16xf32>
      %min3A_1585 = arith.minimumf %min3A_1437, %max3A_1584 : vector<16xf32>
      %max3A_1586 = arith.maximumf %min3A_1437, %max3A_1584 : vector<16xf32>
      %min3A_1587 = arith.minimumf %min3A_1439, %max3A_1586 : vector<16xf32>
      %max3A_1588 = arith.maximumf %min3A_1439, %max3A_1586 : vector<16xf32>
      %get3A_1589 = arith.constant 5 : i32
      %get3A_1590 = arith.index_cast %get3A_1589 : i32 to index
      %get3A_1591 = arith.constant 16 : index
      %get3A_1592 = tpu.vector_load %arg11[%get3A_1590, %get3A_1591] {strides = array<i32>} : memref<8x32xf32, #tpu.memory_space<vmem>>, vector<1x16xf32>,
      %get3A_1593 = vector.shape_cast %get3A_1592 : vector<1x16xf32> to vector<16xf32>
      %min3A_1594 = arith.minimumf %min3A_1583, %get3A_1593 : vector<16xf32>
      %max3A_1595 = arith.maximumf %min3A_1583, %get3A_1593 : vector<16xf32>
      %min3A_1596 = arith.minimumf %min3A_1585, %max3A_1595 : vector<16xf32>
      %max3A_1597 = arith.maximumf %min3A_1585, %max3A_1595 : vector<16xf32>
      %min3A_1598 = arith.minimumf %min3A_1587, %max3A_1597 : vector<16xf32>
      %max3A_1599 = arith.maximumf %min3A_1587, %max3A_1597 : vector<16xf32>
      %get3A_1600 = arith.constant 6 : i32
      %get3A_1601 = arith.index_cast %get3A_1600 : i32 to index
      %get3A_1602 = arith.constant 16 : index
      %get3A_1603 = tpu.vector_load %arg11[%get3A_1601, %get3A_1602] {strides = array<i32>} : memref<8x32xf32, #tpu.memory_space<vmem>>, vector<1x16xf32>,
      %get3A_1604 = vector.shape_cast %get3A_1603 : vector<1x16xf32> to vector<16xf32>
      %min3A_1605 = arith.minimumf %min3A_1594, %get3A_1604 : vector<16xf32>
      %max3A_1606 = arith.maximumf %min3A_1594, %get3A_1604 : vector<16xf32>
      %min3A_1607 = arith.minimumf %min3A_1596, %max3A_1606 : vector<16xf32>
      %max3A_1608 = arith.maximumf %min3A_1596, %max3A_1606 : vector<16xf32>
      %min3A_1609 = arith.minimumf %min3A_1598, %max3A_1608 : vector<16xf32>
      %max3A_1610 = arith.maximumf %min3A_1598, %max3A_1608 : vector<16xf32>
      "tpu.region"() ({
        %run_scoped3A = tpu.sem_alloc : memref<!tpu.dma_semaphore, #tpu.memory_space<semaphore_mem>>
        %dma_start3A = arith.constant 56 : i32
        %dma_start3A_3237 = arith.constant 0 : i32
        %dma_start3A_3238 = tpu.memref_slice %arg14[%dma_start3A, %dma_start3A_3237] : memref<128x32xf32, #tpu.memory_space<vmem_shared>> -> memref<8x32xf32, #tpu.memory_space<vmem_shared>>
        %dma_start3A_3239 = arith.constant 56 : i32
        %dma_start3A_3240 = arith.constant 0 : i32
        %dma_start3A_3241 = tpu.memref_slice %arg14[%dma_start3A_3239, %dma_start3A_3240] : memref<128x32xf32, #tpu.memory_space<vmem_shared>> -> memref<8x32xf32, #tpu.memory_space<vmem_shared>>
        tpu.enqueue_dma source(%dma_start3A_3241 : memref<8x32xf32, #tpu.memory_space<vmem_shared>>) target(%arg11 : memref<8x32xf32, #tpu.memory_space<vmem>>) target_semaphore(%run_scoped3A : memref<!tpu.dma_semaphore, #tpu.memory_space<semaphore_mem>>)
        %dma_wait3A = arith.constant 56 : i32
        %dma_wait3A_3242 = arith.constant 0 : i32
        %dma_wait3A_3243 = tpu.memref_slice %arg14[%dma_wait3A, %dma_wait3A_3242] : memref<128x32xf32, #tpu.memory_space<vmem_shared>> -> memref<8x32xf32, #tpu.memory_space<vmem_shared>>
        %dma_wait3A_3244 = arith.constant 56 : i32
        %dma_wait3A_3245 = arith.constant 0 : i32
        %dma_wait3A_3246 = tpu.memref_slice %arg14[%dma_wait3A_3244, %dma_wait3A_3245] : memref<128x32xf32, #tpu.memory_space<vmem_shared>> -> memref<8x32xf32, #tpu.memory_space<vmem_shared>>
        tpu.wait_dma2 semaphore(%run_scoped3A : memref<!tpu.dma_semaphore, #tpu.memory_space<semaphore_mem>>) src(%dma_wait3A_3246 : memref<8x32xf32, #tpu.memory_space<vmem_shared>>) dst(%arg11 : memref<8x32xf32, #tpu.memory_space<vmem>>)
        tpu.yield
      }) : () -> ()
      %get3A_1611 = arith.constant 0 : i32
      %get3A_1612 = arith.index_cast %get3A_1611 : i32 to index
      %get3A_1613 = arith.constant 0 : index
      %get3A_1614 = tpu.vector_load %arg11[%get3A_1612, %get3A_1613] {strides = array<i32>} : memref<8x32xf32, #tpu.memory_space<vmem>>, vector<1x16xf32>,
      %get3A_1615 = vector.shape_cast %get3A_1614 : vector<1x16xf32> to vector<16xf32>
      %min3A_1616 = arith.minimumf %min3A_1485, %get3A_1615 : vector<16xf32>
      %max3A_1617 = arith.maximumf %min3A_1485, %get3A_1615 : vector<16xf32>
      %min3A_1618 = arith.minimumf %min3A_1487, %max3A_1617 : vector<16xf32>
      %max3A_1619 = arith.maximumf %min3A_1487, %max3A_1617 : vector<16xf32>
      %min3A_1620 = arith.minimumf %min3A_1489, %max3A_1619 : vector<16xf32>
      %max3A_1621 = arith.maximumf %min3A_1489, %max3A_1619 : vector<16xf32>
      %min3A_1622 = arith.minimumf %min3A_1491, %max3A_1621 : vector<16xf32>
      %max3A_1623 = arith.maximumf %min3A_1491, %max3A_1621 : vector<16xf32>
      %get3A_1624 = arith.constant 1 : i32
      %get3A_1625 = arith.index_cast %get3A_1624 : i32 to index
      %get3A_1626 = arith.constant 0 : index
      %get3A_1627 = tpu.vector_load %arg11[%get3A_1625, %get3A_1626] {strides = array<i32>} : memref<8x32xf32, #tpu.memory_space<vmem>>, vector<1x16xf32>,
      %get3A_1628 = vector.shape_cast %get3A_1627 : vector<1x16xf32> to vector<16xf32>
      %min3A_1629 = arith.minimumf %min3A_1616, %get3A_1628 : vector<16xf32>
      %max3A_1630 = arith.maximumf %min3A_1616, %get3A_1628 : vector<16xf32>
      %min3A_1631 = arith.minimumf %min3A_1618, %max3A_1630 : vector<16xf32>
      %max3A_1632 = arith.maximumf %min3A_1618, %max3A_1630 : vector<16xf32>
      %min3A_1633 = arith.minimumf %min3A_1620, %max3A_1632 : vector<16xf32>
      %max3A_1634 = arith.maximumf %min3A_1620, %max3A_1632 : vector<16xf32>
      %min3A_1635 = arith.minimumf %min3A_1622, %max3A_1634 : vector<16xf32>
      %max3A_1636 = arith.maximumf %min3A_1622, %max3A_1634 : vector<16xf32>
      %get3A_1637 = arith.constant 2 : i32
      %get3A_1638 = arith.index_cast %get3A_1637 : i32 to index
      %get3A_1639 = arith.constant 0 : index
      %get3A_1640 = tpu.vector_load %arg11[%get3A_1638, %get3A_1639] {strides = array<i32>} : memref<8x32xf32, #tpu.memory_space<vmem>>, vector<1x16xf32>,
      %get3A_1641 = vector.shape_cast %get3A_1640 : vector<1x16xf32> to vector<16xf32>
      %min3A_1642 = arith.minimumf %min3A_1629, %get3A_1641 : vector<16xf32>
      %max3A_1643 = arith.maximumf %min3A_1629, %get3A_1641 : vector<16xf32>
      %min3A_1644 = arith.minimumf %min3A_1631, %max3A_1643 : vector<16xf32>
      %max3A_1645 = arith.maximumf %min3A_1631, %max3A_1643 : vector<16xf32>
      %min3A_1646 = arith.minimumf %min3A_1633, %max3A_1645 : vector<16xf32>
      %max3A_1647 = arith.maximumf %min3A_1633, %max3A_1645 : vector<16xf32>
      %min3A_1648 = arith.minimumf %min3A_1635, %max3A_1647 : vector<16xf32>
      %max3A_1649 = arith.maximumf %min3A_1635, %max3A_1647 : vector<16xf32>
      %get3A_1650 = arith.constant 3 : i32
      %get3A_1651 = arith.index_cast %get3A_1650 : i32 to index
      %get3A_1652 = arith.constant 0 : index
      %get3A_1653 = tpu.vector_load %arg11[%get3A_1651, %get3A_1652] {strides = array<i32>} : memref<8x32xf32, #tpu.memory_space<vmem>>, vector<1x16xf32>,
      %get3A_1654 = vector.shape_cast %get3A_1653 : vector<1x16xf32> to vector<16xf32>
      %min3A_1655 = arith.minimumf %min3A_1642, %get3A_1654 : vector<16xf32>
      %max3A_1656 = arith.maximumf %min3A_1642, %get3A_1654 : vector<16xf32>
      %min3A_1657 = arith.minimumf %min3A_1644, %max3A_1656 : vector<16xf32>
      %max3A_1658 = arith.maximumf %min3A_1644, %max3A_1656 : vector<16xf32>
      %min3A_1659 = arith.minimumf %min3A_1646, %max3A_1658 : vector<16xf32>
      %max3A_1660 = arith.maximumf %min3A_1646, %max3A_1658 : vector<16xf32>
      %min3A_1661 = arith.minimumf %min3A_1648, %max3A_1660 : vector<16xf32>
      %max3A_1662 = arith.maximumf %min3A_1648, %max3A_1660 : vector<16xf32>
      %get3A_1663 = arith.constant 4 : i32
      %get3A_1664 = arith.index_cast %get3A_1663 : i32 to index
      %get3A_1665 = arith.constant 0 : index
      %get3A_1666 = tpu.vector_load %arg11[%get3A_1664, %get3A_1665] {strides = array<i32>} : memref<8x32xf32, #tpu.memory_space<vmem>>, vector<1x16xf32>,
      %get3A_1667 = vector.shape_cast %get3A_1666 : vector<1x16xf32> to vector<16xf32>
      %min3A_1668 = arith.minimumf %min3A_1520, %get3A_1667 : vector<16xf32>
      %max3A_1669 = arith.maximumf %min3A_1520, %get3A_1667 : vector<16xf32>
      %min3A_1670 = arith.minimumf %min3A_1522, %max3A_1669 : vector<16xf32>
      %max3A_1671 = arith.maximumf %min3A_1522, %max3A_1669 : vector<16xf32>
      %min3A_1672 = arith.minimumf %min3A_1524, %max3A_1671 : vector<16xf32>
      %max3A_1673 = arith.maximumf %min3A_1524, %max3A_1671 : vector<16xf32>
      %get3A_1674 = arith.constant 5 : i32
      %get3A_1675 = arith.index_cast %get3A_1674 : i32 to index
      %get3A_1676 = arith.constant 0 : index
      %get3A_1677 = tpu.vector_load %arg11[%get3A_1675, %get3A_1676] {strides = array<i32>} : memref<8x32xf32, #tpu.memory_space<vmem>>, vector<1x16xf32>,
      %get3A_1678 = vector.shape_cast %get3A_1677 : vector<1x16xf32> to vector<16xf32>
      %min3A_1679 = arith.minimumf %min3A_1668, %get3A_1678 : vector<16xf32>
      %max3A_1680 = arith.maximumf %min3A_1668, %get3A_1678 : vector<16xf32>
      %min3A_1681 = arith.minimumf %min3A_1670, %max3A_1680 : vector<16xf32>
      %max3A_1682 = arith.maximumf %min3A_1670, %max3A_1680 : vector<16xf32>
      %min3A_1683 = arith.minimumf %min3A_1672, %max3A_1682 : vector<16xf32>
      %max3A_1684 = arith.maximumf %min3A_1672, %max3A_1682 : vector<16xf32>
      %get3A_1685 = arith.constant 6 : i32
      %get3A_1686 = arith.index_cast %get3A_1685 : i32 to index
      %get3A_1687 = arith.constant 0 : index
      %get3A_1688 = tpu.vector_load %arg11[%get3A_1686, %get3A_1687] {strides = array<i32>} : memref<8x32xf32, #tpu.memory_space<vmem>>, vector<1x16xf32>,
      %get3A_1689 = vector.shape_cast %get3A_1688 : vector<1x16xf32> to vector<16xf32>
      %min3A_1690 = arith.minimumf %min3A_1679, %get3A_1689 : vector<16xf32>
      %max3A_1691 = arith.maximumf %min3A_1679, %get3A_1689 : vector<16xf32>
      %min3A_1692 = arith.minimumf %min3A_1681, %max3A_1691 : vector<16xf32>
      %max3A_1693 = arith.maximumf %min3A_1681, %max3A_1691 : vector<16xf32>
      %min3A_1694 = arith.minimumf %min3A_1683, %max3A_1693 : vector<16xf32>
      %max3A_1695 = arith.maximumf %min3A_1683, %max3A_1693 : vector<16xf32>
      %get3A_1696 = arith.constant 0 : i32
      %get3A_1697 = arith.index_cast %get3A_1696 : i32 to index
      %get3A_1698 = arith.constant 16 : index
      %get3A_1699 = tpu.vector_load %arg11[%get3A_1697, %get3A_1698] {strides = array<i32>} : memref<8x32xf32, #tpu.memory_space<vmem>>, vector<1x16xf32>,
      %get3A_1700 = vector.shape_cast %get3A_1699 : vector<1x16xf32> to vector<16xf32>
      %min3A_1701 = arith.minimumf %min3A_1570, %get3A_1700 : vector<16xf32>
      %max3A_1702 = arith.maximumf %min3A_1570, %get3A_1700 : vector<16xf32>
      %min3A_1703 = arith.minimumf %min3A_1572, %max3A_1702 : vector<16xf32>
      %max3A_1704 = arith.maximumf %min3A_1572, %max3A_1702 : vector<16xf32>
      %min3A_1705 = arith.minimumf %min3A_1574, %max3A_1704 : vector<16xf32>
      %max3A_1706 = arith.maximumf %min3A_1574, %max3A_1704 : vector<16xf32>
      %min3A_1707 = arith.minimumf %min3A_1576, %max3A_1706 : vector<16xf32>
      %max3A_1708 = arith.maximumf %min3A_1576, %max3A_1706 : vector<16xf32>
      %get3A_1709 = arith.constant 1 : i32
      %get3A_1710 = arith.index_cast %get3A_1709 : i32 to index
      %get3A_1711 = arith.constant 16 : index
      %get3A_1712 = tpu.vector_load %arg11[%get3A_1710, %get3A_1711] {strides = array<i32>} : memref<8x32xf32, #tpu.memory_space<vmem>>, vector<1x16xf32>,
      %get3A_1713 = vector.shape_cast %get3A_1712 : vector<1x16xf32> to vector<16xf32>
      %min3A_1714 = arith.minimumf %min3A_1701, %get3A_1713 : vector<16xf32>
      %max3A_1715 = arith.maximumf %min3A_1701, %get3A_1713 : vector<16xf32>
      %min3A_1716 = arith.minimumf %min3A_1703, %max3A_1715 : vector<16xf32>
      %max3A_1717 = arith.maximumf %min3A_1703, %max3A_1715 : vector<16xf32>
      %min3A_1718 = arith.minimumf %min3A_1705, %max3A_1717 : vector<16xf32>
      %max3A_1719 = arith.maximumf %min3A_1705, %max3A_1717 : vector<16xf32>
      %min3A_1720 = arith.minimumf %min3A_1707, %max3A_1719 : vector<16xf32>
      %max3A_1721 = arith.maximumf %min3A_1707, %max3A_1719 : vector<16xf32>
      %get3A_1722 = arith.constant 2 : i32
      %get3A_1723 = arith.index_cast %get3A_1722 : i32 to index
      %get3A_1724 = arith.constant 16 : index
      %get3A_1725 = tpu.vector_load %arg11[%get3A_1723, %get3A_1724] {strides = array<i32>} : memref<8x32xf32, #tpu.memory_space<vmem>>, vector<1x16xf32>,
      %get3A_1726 = vector.shape_cast %get3A_1725 : vector<1x16xf32> to vector<16xf32>
      %min3A_1727 = arith.minimumf %min3A_1714, %get3A_1726 : vector<16xf32>
      %max3A_1728 = arith.maximumf %min3A_1714, %get3A_1726 : vector<16xf32>
      %min3A_1729 = arith.minimumf %min3A_1716, %max3A_1728 : vector<16xf32>
      %max3A_1730 = arith.maximumf %min3A_1716, %max3A_1728 : vector<16xf32>
      %min3A_1731 = arith.minimumf %min3A_1718, %max3A_1730 : vector<16xf32>
      %max3A_1732 = arith.maximumf %min3A_1718, %max3A_1730 : vector<16xf32>
      %min3A_1733 = arith.minimumf %min3A_1720, %max3A_1732 : vector<16xf32>
      %max3A_1734 = arith.maximumf %min3A_1720, %max3A_1732 : vector<16xf32>
      %get3A_1735 = arith.constant 3 : i32
      %get3A_1736 = arith.index_cast %get3A_1735 : i32 to index
      %get3A_1737 = arith.constant 16 : index
      %get3A_1738 = tpu.vector_load %arg11[%get3A_1736, %get3A_1737] {strides = array<i32>} : memref<8x32xf32, #tpu.memory_space<vmem>>, vector<1x16xf32>,
      %get3A_1739 = vector.shape_cast %get3A_1738 : vector<1x16xf32> to vector<16xf32>
      %min3A_1740 = arith.minimumf %min3A_1727, %get3A_1739 : vector<16xf32>
      %max3A_1741 = arith.maximumf %min3A_1727, %get3A_1739 : vector<16xf32>
      %min3A_1742 = arith.minimumf %min3A_1729, %max3A_1741 : vector<16xf32>
      %max3A_1743 = arith.maximumf %min3A_1729, %max3A_1741 : vector<16xf32>
      %min3A_1744 = arith.minimumf %min3A_1731, %max3A_1743 : vector<16xf32>
      %max3A_1745 = arith.maximumf %min3A_1731, %max3A_1743 : vector<16xf32>
      %min3A_1746 = arith.minimumf %min3A_1733, %max3A_1745 : vector<16xf32>
      %max3A_1747 = arith.maximumf %min3A_1733, %max3A_1745 : vector<16xf32>
      %get3A_1748 = arith.constant 4 : i32
      %get3A_1749 = arith.index_cast %get3A_1748 : i32 to index
      %get3A_1750 = arith.constant 16 : index
      %get3A_1751 = tpu.vector_load %arg11[%get3A_1749, %get3A_1750] {strides = array<i32>} : memref<8x32xf32, #tpu.memory_space<vmem>>, vector<1x16xf32>,
      %get3A_1752 = vector.shape_cast %get3A_1751 : vector<1x16xf32> to vector<16xf32>
      %min3A_1753 = arith.minimumf %min3A_1605, %get3A_1752 : vector<16xf32>
      %max3A_1754 = arith.maximumf %min3A_1605, %get3A_1752 : vector<16xf32>
      %min3A_1755 = arith.minimumf %min3A_1607, %max3A_1754 : vector<16xf32>
      %max3A_1756 = arith.maximumf %min3A_1607, %max3A_1754 : vector<16xf32>
      %min3A_1757 = arith.minimumf %min3A_1609, %max3A_1756 : vector<16xf32>
      %max3A_1758 = arith.maximumf %min3A_1609, %max3A_1756 : vector<16xf32>
      %get3A_1759 = arith.constant 5 : i32
      %get3A_1760 = arith.index_cast %get3A_1759 : i32 to index
      %get3A_1761 = arith.constant 16 : index
      %get3A_1762 = tpu.vector_load %arg11[%get3A_1760, %get3A_1761] {strides = array<i32>} : memref<8x32xf32, #tpu.memory_space<vmem>>, vector<1x16xf32>,
      %get3A_1763 = vector.shape_cast %get3A_1762 : vector<1x16xf32> to vector<16xf32>
      %min3A_1764 = arith.minimumf %min3A_1753, %get3A_1763 : vector<16xf32>
      %max3A_1765 = arith.maximumf %min3A_1753, %get3A_1763 : vector<16xf32>
      %min3A_1766 = arith.minimumf %min3A_1755, %max3A_1765 : vector<16xf32>
      %max3A_1767 = arith.maximumf %min3A_1755, %max3A_1765 : vector<16xf32>
      %min3A_1768 = arith.minimumf %min3A_1757, %max3A_1767 : vector<16xf32>
      %max3A_1769 = arith.maximumf %min3A_1757, %max3A_1767 : vector<16xf32>
      %get3A_1770 = arith.constant 6 : i32
      %get3A_1771 = arith.index_cast %get3A_1770 : i32 to index
      %get3A_1772 = arith.constant 16 : index
      %get3A_1773 = tpu.vector_load %arg11[%get3A_1771, %get3A_1772] {strides = array<i32>} : memref<8x32xf32, #tpu.memory_space<vmem>>, vector<1x16xf32>,
      %get3A_1774 = vector.shape_cast %get3A_1773 : vector<1x16xf32> to vector<16xf32>
      %min3A_1775 = arith.minimumf %min3A_1764, %get3A_1774 : vector<16xf32>
      %max3A_1776 = arith.maximumf %min3A_1764, %get3A_1774 : vector<16xf32>
      %min3A_1777 = arith.minimumf %min3A_1766, %max3A_1776 : vector<16xf32>
      %max3A_1778 = arith.maximumf %min3A_1766, %max3A_1776 : vector<16xf32>
      %min3A_1779 = arith.minimumf %min3A_1768, %max3A_1778 : vector<16xf32>
      %max3A_1780 = arith.maximumf %min3A_1768, %max3A_1778 : vector<16xf32>
      "tpu.region"() ({
        %run_scoped3A = tpu.sem_alloc : memref<!tpu.dma_semaphore, #tpu.memory_space<semaphore_mem>>
        %dma_start3A = arith.constant 64 : i32
        %dma_start3A_3237 = arith.constant 0 : i32
        %dma_start3A_3238 = tpu.memref_slice %arg14[%dma_start3A, %dma_start3A_3237] : memref<128x32xf32, #tpu.memory_space<vmem_shared>> -> memref<8x32xf32, #tpu.memory_space<vmem_shared>>
        %dma_start3A_3239 = arith.constant 64 : i32
        %dma_start3A_3240 = arith.constant 0 : i32
        %dma_start3A_3241 = tpu.memref_slice %arg14[%dma_start3A_3239, %dma_start3A_3240] : memref<128x32xf32, #tpu.memory_space<vmem_shared>> -> memref<8x32xf32, #tpu.memory_space<vmem_shared>>
        tpu.enqueue_dma source(%dma_start3A_3241 : memref<8x32xf32, #tpu.memory_space<vmem_shared>>) target(%arg11 : memref<8x32xf32, #tpu.memory_space<vmem>>) target_semaphore(%run_scoped3A : memref<!tpu.dma_semaphore, #tpu.memory_space<semaphore_mem>>)
        %dma_wait3A = arith.constant 64 : i32
        %dma_wait3A_3242 = arith.constant 0 : i32
        %dma_wait3A_3243 = tpu.memref_slice %arg14[%dma_wait3A, %dma_wait3A_3242] : memref<128x32xf32, #tpu.memory_space<vmem_shared>> -> memref<8x32xf32, #tpu.memory_space<vmem_shared>>
        %dma_wait3A_3244 = arith.constant 64 : i32
        %dma_wait3A_3245 = arith.constant 0 : i32
        %dma_wait3A_3246 = tpu.memref_slice %arg14[%dma_wait3A_3244, %dma_wait3A_3245] : memref<128x32xf32, #tpu.memory_space<vmem_shared>> -> memref<8x32xf32, #tpu.memory_space<vmem_shared>>
        tpu.wait_dma2 semaphore(%run_scoped3A : memref<!tpu.dma_semaphore, #tpu.memory_space<semaphore_mem>>) src(%dma_wait3A_3246 : memref<8x32xf32, #tpu.memory_space<vmem_shared>>) dst(%arg11 : memref<8x32xf32, #tpu.memory_space<vmem>>)
        tpu.yield
      }) : () -> ()
      %get3A_1781 = arith.constant 0 : i32
      %get3A_1782 = arith.index_cast %get3A_1781 : i32 to index
      %get3A_1783 = arith.constant 0 : index
      %get3A_1784 = tpu.vector_load %arg11[%get3A_1782, %get3A_1783] {strides = array<i32>} : memref<8x32xf32, #tpu.memory_space<vmem>>, vector<1x16xf32>,
      %get3A_1785 = vector.shape_cast %get3A_1784 : vector<1x16xf32> to vector<16xf32>
      %min3A_1786 = arith.minimumf %min3A_1655, %get3A_1785 : vector<16xf32>
      %max3A_1787 = arith.maximumf %min3A_1655, %get3A_1785 : vector<16xf32>
      %min3A_1788 = arith.minimumf %min3A_1657, %max3A_1787 : vector<16xf32>
      %max3A_1789 = arith.maximumf %min3A_1657, %max3A_1787 : vector<16xf32>
      %min3A_1790 = arith.minimumf %min3A_1659, %max3A_1789 : vector<16xf32>
      %max3A_1791 = arith.maximumf %min3A_1659, %max3A_1789 : vector<16xf32>
      %min3A_1792 = arith.minimumf %min3A_1661, %max3A_1791 : vector<16xf32>
      %max3A_1793 = arith.maximumf %min3A_1661, %max3A_1791 : vector<16xf32>
      %get3A_1794 = arith.constant 1 : i32
      %get3A_1795 = arith.index_cast %get3A_1794 : i32 to index
      %get3A_1796 = arith.constant 0 : index
      %get3A_1797 = tpu.vector_load %arg11[%get3A_1795, %get3A_1796] {strides = array<i32>} : memref<8x32xf32, #tpu.memory_space<vmem>>, vector<1x16xf32>,
      %get3A_1798 = vector.shape_cast %get3A_1797 : vector<1x16xf32> to vector<16xf32>
      %min3A_1799 = arith.minimumf %min3A_1786, %get3A_1798 : vector<16xf32>
      %max3A_1800 = arith.maximumf %min3A_1786, %get3A_1798 : vector<16xf32>
      %min3A_1801 = arith.minimumf %min3A_1788, %max3A_1800 : vector<16xf32>
      %max3A_1802 = arith.maximumf %min3A_1788, %max3A_1800 : vector<16xf32>
      %min3A_1803 = arith.minimumf %min3A_1790, %max3A_1802 : vector<16xf32>
      %max3A_1804 = arith.maximumf %min3A_1790, %max3A_1802 : vector<16xf32>
      %min3A_1805 = arith.minimumf %min3A_1792, %max3A_1804 : vector<16xf32>
      %max3A_1806 = arith.maximumf %min3A_1792, %max3A_1804 : vector<16xf32>
      %get3A_1807 = arith.constant 2 : i32
      %get3A_1808 = arith.index_cast %get3A_1807 : i32 to index
      %get3A_1809 = arith.constant 0 : index
      %get3A_1810 = tpu.vector_load %arg11[%get3A_1808, %get3A_1809] {strides = array<i32>} : memref<8x32xf32, #tpu.memory_space<vmem>>, vector<1x16xf32>,
      %get3A_1811 = vector.shape_cast %get3A_1810 : vector<1x16xf32> to vector<16xf32>
      %min3A_1812 = arith.minimumf %min3A_1799, %get3A_1811 : vector<16xf32>
      %max3A_1813 = arith.maximumf %min3A_1799, %get3A_1811 : vector<16xf32>
      %min3A_1814 = arith.minimumf %min3A_1801, %max3A_1813 : vector<16xf32>
      %max3A_1815 = arith.maximumf %min3A_1801, %max3A_1813 : vector<16xf32>
      %min3A_1816 = arith.minimumf %min3A_1803, %max3A_1815 : vector<16xf32>
      %max3A_1817 = arith.maximumf %min3A_1803, %max3A_1815 : vector<16xf32>
      %min3A_1818 = arith.minimumf %min3A_1805, %max3A_1817 : vector<16xf32>
      %max3A_1819 = arith.maximumf %min3A_1805, %max3A_1817 : vector<16xf32>
      %get3A_1820 = arith.constant 3 : i32
      %get3A_1821 = arith.index_cast %get3A_1820 : i32 to index
      %get3A_1822 = arith.constant 0 : index
      %get3A_1823 = tpu.vector_load %arg11[%get3A_1821, %get3A_1822] {strides = array<i32>} : memref<8x32xf32, #tpu.memory_space<vmem>>, vector<1x16xf32>,
      %get3A_1824 = vector.shape_cast %get3A_1823 : vector<1x16xf32> to vector<16xf32>
      %min3A_1825 = arith.minimumf %min3A_1812, %get3A_1824 : vector<16xf32>
      %max3A_1826 = arith.maximumf %min3A_1812, %get3A_1824 : vector<16xf32>
      %min3A_1827 = arith.minimumf %min3A_1814, %max3A_1826 : vector<16xf32>
      %max3A_1828 = arith.maximumf %min3A_1814, %max3A_1826 : vector<16xf32>
      %min3A_1829 = arith.minimumf %min3A_1816, %max3A_1828 : vector<16xf32>
      %max3A_1830 = arith.maximumf %min3A_1816, %max3A_1828 : vector<16xf32>
      %min3A_1831 = arith.minimumf %min3A_1818, %max3A_1830 : vector<16xf32>
      %max3A_1832 = arith.maximumf %min3A_1818, %max3A_1830 : vector<16xf32>
      %get3A_1833 = arith.constant 4 : i32
      %get3A_1834 = arith.index_cast %get3A_1833 : i32 to index
      %get3A_1835 = arith.constant 0 : index
      %get3A_1836 = tpu.vector_load %arg11[%get3A_1834, %get3A_1835] {strides = array<i32>} : memref<8x32xf32, #tpu.memory_space<vmem>>, vector<1x16xf32>,
      %get3A_1837 = vector.shape_cast %get3A_1836 : vector<1x16xf32> to vector<16xf32>
      %min3A_1838 = arith.minimumf %min3A_1690, %get3A_1837 : vector<16xf32>
      %max3A_1839 = arith.maximumf %min3A_1690, %get3A_1837 : vector<16xf32>
      %min3A_1840 = arith.minimumf %min3A_1692, %max3A_1839 : vector<16xf32>
      %max3A_1841 = arith.maximumf %min3A_1692, %max3A_1839 : vector<16xf32>
      %min3A_1842 = arith.minimumf %min3A_1694, %max3A_1841 : vector<16xf32>
      %max3A_1843 = arith.maximumf %min3A_1694, %max3A_1841 : vector<16xf32>
      %get3A_1844 = arith.constant 5 : i32
      %get3A_1845 = arith.index_cast %get3A_1844 : i32 to index
      %get3A_1846 = arith.constant 0 : index
      %get3A_1847 = tpu.vector_load %arg11[%get3A_1845, %get3A_1846] {strides = array<i32>} : memref<8x32xf32, #tpu.memory_space<vmem>>, vector<1x16xf32>,
      %get3A_1848 = vector.shape_cast %get3A_1847 : vector<1x16xf32> to vector<16xf32>
      %min3A_1849 = arith.minimumf %min3A_1838, %get3A_1848 : vector<16xf32>
      %max3A_1850 = arith.maximumf %min3A_1838, %get3A_1848 : vector<16xf32>
      %min3A_1851 = arith.minimumf %min3A_1840, %max3A_1850 : vector<16xf32>
      %max3A_1852 = arith.maximumf %min3A_1840, %max3A_1850 : vector<16xf32>
      %min3A_1853 = arith.minimumf %min3A_1842, %max3A_1852 : vector<16xf32>
      %max3A_1854 = arith.maximumf %min3A_1842, %max3A_1852 : vector<16xf32>
      %get3A_1855 = arith.constant 6 : i32
      %get3A_1856 = arith.index_cast %get3A_1855 : i32 to index
      %get3A_1857 = arith.constant 0 : index
      %get3A_1858 = tpu.vector_load %arg11[%get3A_1856, %get3A_1857] {strides = array<i32>} : memref<8x32xf32, #tpu.memory_space<vmem>>, vector<1x16xf32>,
      %get3A_1859 = vector.shape_cast %get3A_1858 : vector<1x16xf32> to vector<16xf32>
      %min3A_1860 = arith.minimumf %min3A_1849, %get3A_1859 : vector<16xf32>
      %max3A_1861 = arith.maximumf %min3A_1849, %get3A_1859 : vector<16xf32>
      %min3A_1862 = arith.minimumf %min3A_1851, %max3A_1861 : vector<16xf32>
      %max3A_1863 = arith.maximumf %min3A_1851, %max3A_1861 : vector<16xf32>
      %min3A_1864 = arith.minimumf %min3A_1853, %max3A_1863 : vector<16xf32>
      %max3A_1865 = arith.maximumf %min3A_1853, %max3A_1863 : vector<16xf32>
      %get3A_1866 = arith.constant 0 : i32
      %get3A_1867 = arith.index_cast %get3A_1866 : i32 to index
      %get3A_1868 = arith.constant 16 : index
      %get3A_1869 = tpu.vector_load %arg11[%get3A_1867, %get3A_1868] {strides = array<i32>} : memref<8x32xf32, #tpu.memory_space<vmem>>, vector<1x16xf32>,
      %get3A_1870 = vector.shape_cast %get3A_1869 : vector<1x16xf32> to vector<16xf32>
      %min3A_1871 = arith.minimumf %min3A_1740, %get3A_1870 : vector<16xf32>
      %max3A_1872 = arith.maximumf %min3A_1740, %get3A_1870 : vector<16xf32>
      %min3A_1873 = arith.minimumf %min3A_1742, %max3A_1872 : vector<16xf32>
      %max3A_1874 = arith.maximumf %min3A_1742, %max3A_1872 : vector<16xf32>
      %min3A_1875 = arith.minimumf %min3A_1744, %max3A_1874 : vector<16xf32>
      %max3A_1876 = arith.maximumf %min3A_1744, %max3A_1874 : vector<16xf32>
      %min3A_1877 = arith.minimumf %min3A_1746, %max3A_1876 : vector<16xf32>
      %max3A_1878 = arith.maximumf %min3A_1746, %max3A_1876 : vector<16xf32>
      %get3A_1879 = arith.constant 1 : i32
      %get3A_1880 = arith.index_cast %get3A_1879 : i32 to index
      %get3A_1881 = arith.constant 16 : index
      %get3A_1882 = tpu.vector_load %arg11[%get3A_1880, %get3A_1881] {strides = array<i32>} : memref<8x32xf32, #tpu.memory_space<vmem>>, vector<1x16xf32>,
      %get3A_1883 = vector.shape_cast %get3A_1882 : vector<1x16xf32> to vector<16xf32>
      %min3A_1884 = arith.minimumf %min3A_1871, %get3A_1883 : vector<16xf32>
      %max3A_1885 = arith.maximumf %min3A_1871, %get3A_1883 : vector<16xf32>
      %min3A_1886 = arith.minimumf %min3A_1873, %max3A_1885 : vector<16xf32>
      %max3A_1887 = arith.maximumf %min3A_1873, %max3A_1885 : vector<16xf32>
      %min3A_1888 = arith.minimumf %min3A_1875, %max3A_1887 : vector<16xf32>
      %max3A_1889 = arith.maximumf %min3A_1875, %max3A_1887 : vector<16xf32>
      %min3A_1890 = arith.minimumf %min3A_1877, %max3A_1889 : vector<16xf32>
      %max3A_1891 = arith.maximumf %min3A_1877, %max3A_1889 : vector<16xf32>
      %get3A_1892 = arith.constant 2 : i32
      %get3A_1893 = arith.index_cast %get3A_1892 : i32 to index
      %get3A_1894 = arith.constant 16 : index
      %get3A_1895 = tpu.vector_load %arg11[%get3A_1893, %get3A_1894] {strides = array<i32>} : memref<8x32xf32, #tpu.memory_space<vmem>>, vector<1x16xf32>,
      %get3A_1896 = vector.shape_cast %get3A_1895 : vector<1x16xf32> to vector<16xf32>
      %min3A_1897 = arith.minimumf %min3A_1884, %get3A_1896 : vector<16xf32>
      %max3A_1898 = arith.maximumf %min3A_1884, %get3A_1896 : vector<16xf32>
      %min3A_1899 = arith.minimumf %min3A_1886, %max3A_1898 : vector<16xf32>
      %max3A_1900 = arith.maximumf %min3A_1886, %max3A_1898 : vector<16xf32>
      %min3A_1901 = arith.minimumf %min3A_1888, %max3A_1900 : vector<16xf32>
      %max3A_1902 = arith.maximumf %min3A_1888, %max3A_1900 : vector<16xf32>
      %min3A_1903 = arith.minimumf %min3A_1890, %max3A_1902 : vector<16xf32>
      %max3A_1904 = arith.maximumf %min3A_1890, %max3A_1902 : vector<16xf32>
      %get3A_1905 = arith.constant 3 : i32
      %get3A_1906 = arith.index_cast %get3A_1905 : i32 to index
      %get3A_1907 = arith.constant 16 : index
      %get3A_1908 = tpu.vector_load %arg11[%get3A_1906, %get3A_1907] {strides = array<i32>} : memref<8x32xf32, #tpu.memory_space<vmem>>, vector<1x16xf32>,
      %get3A_1909 = vector.shape_cast %get3A_1908 : vector<1x16xf32> to vector<16xf32>
      %min3A_1910 = arith.minimumf %min3A_1897, %get3A_1909 : vector<16xf32>
      %max3A_1911 = arith.maximumf %min3A_1897, %get3A_1909 : vector<16xf32>
      %min3A_1912 = arith.minimumf %min3A_1899, %max3A_1911 : vector<16xf32>
      %max3A_1913 = arith.maximumf %min3A_1899, %max3A_1911 : vector<16xf32>
      %min3A_1914 = arith.minimumf %min3A_1901, %max3A_1913 : vector<16xf32>
      %max3A_1915 = arith.maximumf %min3A_1901, %max3A_1913 : vector<16xf32>
      %min3A_1916 = arith.minimumf %min3A_1903, %max3A_1915 : vector<16xf32>
      %max3A_1917 = arith.maximumf %min3A_1903, %max3A_1915 : vector<16xf32>
      %get3A_1918 = arith.constant 4 : i32
      %get3A_1919 = arith.index_cast %get3A_1918 : i32 to index
      %get3A_1920 = arith.constant 16 : index
      %get3A_1921 = tpu.vector_load %arg11[%get3A_1919, %get3A_1920] {strides = array<i32>} : memref<8x32xf32, #tpu.memory_space<vmem>>, vector<1x16xf32>,
      %get3A_1922 = vector.shape_cast %get3A_1921 : vector<1x16xf32> to vector<16xf32>
      %min3A_1923 = arith.minimumf %min3A_1775, %get3A_1922 : vector<16xf32>
      %max3A_1924 = arith.maximumf %min3A_1775, %get3A_1922 : vector<16xf32>
      %min3A_1925 = arith.minimumf %min3A_1777, %max3A_1924 : vector<16xf32>
      %max3A_1926 = arith.maximumf %min3A_1777, %max3A_1924 : vector<16xf32>
      %min3A_1927 = arith.minimumf %min3A_1779, %max3A_1926 : vector<16xf32>
      %max3A_1928 = arith.maximumf %min3A_1779, %max3A_1926 : vector<16xf32>
      %get3A_1929 = arith.constant 5 : i32
      %get3A_1930 = arith.index_cast %get3A_1929 : i32 to index
      %get3A_1931 = arith.constant 16 : index
      %get3A_1932 = tpu.vector_load %arg11[%get3A_1930, %get3A_1931] {strides = array<i32>} : memref<8x32xf32, #tpu.memory_space<vmem>>, vector<1x16xf32>,
      %get3A_1933 = vector.shape_cast %get3A_1932 : vector<1x16xf32> to vector<16xf32>
      %min3A_1934 = arith.minimumf %min3A_1923, %get3A_1933 : vector<16xf32>
      %max3A_1935 = arith.maximumf %min3A_1923, %get3A_1933 : vector<16xf32>
      %min3A_1936 = arith.minimumf %min3A_1925, %max3A_1935 : vector<16xf32>
      %max3A_1937 = arith.maximumf %min3A_1925, %max3A_1935 : vector<16xf32>
      %min3A_1938 = arith.minimumf %min3A_1927, %max3A_1937 : vector<16xf32>
      %max3A_1939 = arith.maximumf %min3A_1927, %max3A_1937 : vector<16xf32>
      %get3A_1940 = arith.constant 6 : i32
      %get3A_1941 = arith.index_cast %get3A_1940 : i32 to index
      %get3A_1942 = arith.constant 16 : index
      %get3A_1943 = tpu.vector_load %arg11[%get3A_1941, %get3A_1942] {strides = array<i32>} : memref<8x32xf32, #tpu.memory_space<vmem>>, vector<1x16xf32>,
      %get3A_1944 = vector.shape_cast %get3A_1943 : vector<1x16xf32> to vector<16xf32>
      %min3A_1945 = arith.minimumf %min3A_1934, %get3A_1944 : vector<16xf32>
      %max3A_1946 = arith.maximumf %min3A_1934, %get3A_1944 : vector<16xf32>
      %min3A_1947 = arith.minimumf %min3A_1936, %max3A_1946 : vector<16xf32>
      %max3A_1948 = arith.maximumf %min3A_1936, %max3A_1946 : vector<16xf32>
      %min3A_1949 = arith.minimumf %min3A_1938, %max3A_1948 : vector<16xf32>
      %max3A_1950 = arith.maximumf %min3A_1938, %max3A_1948 : vector<16xf32>
      "tpu.region"() ({
        %run_scoped3A = tpu.sem_alloc : memref<!tpu.dma_semaphore, #tpu.memory_space<semaphore_mem>>
        %dma_start3A = arith.constant 72 : i32
        %dma_start3A_3237 = arith.constant 0 : i32
        %dma_start3A_3238 = tpu.memref_slice %arg14[%dma_start3A, %dma_start3A_3237] : memref<128x32xf32, #tpu.memory_space<vmem_shared>> -> memref<8x32xf32, #tpu.memory_space<vmem_shared>>
        %dma_start3A_3239 = arith.constant 72 : i32
        %dma_start3A_3240 = arith.constant 0 : i32
        %dma_start3A_3241 = tpu.memref_slice %arg14[%dma_start3A_3239, %dma_start3A_3240] : memref<128x32xf32, #tpu.memory_space<vmem_shared>> -> memref<8x32xf32, #tpu.memory_space<vmem_shared>>
        tpu.enqueue_dma source(%dma_start3A_3241 : memref<8x32xf32, #tpu.memory_space<vmem_shared>>) target(%arg11 : memref<8x32xf32, #tpu.memory_space<vmem>>) target_semaphore(%run_scoped3A : memref<!tpu.dma_semaphore, #tpu.memory_space<semaphore_mem>>)
        %dma_wait3A = arith.constant 72 : i32
        %dma_wait3A_3242 = arith.constant 0 : i32
        %dma_wait3A_3243 = tpu.memref_slice %arg14[%dma_wait3A, %dma_wait3A_3242] : memref<128x32xf32, #tpu.memory_space<vmem_shared>> -> memref<8x32xf32, #tpu.memory_space<vmem_shared>>
        %dma_wait3A_3244 = arith.constant 72 : i32
        %dma_wait3A_3245 = arith.constant 0 : i32
        %dma_wait3A_3246 = tpu.memref_slice %arg14[%dma_wait3A_3244, %dma_wait3A_3245] : memref<128x32xf32, #tpu.memory_space<vmem_shared>> -> memref<8x32xf32, #tpu.memory_space<vmem_shared>>
        tpu.wait_dma2 semaphore(%run_scoped3A : memref<!tpu.dma_semaphore, #tpu.memory_space<semaphore_mem>>) src(%dma_wait3A_3246 : memref<8x32xf32, #tpu.memory_space<vmem_shared>>) dst(%arg11 : memref<8x32xf32, #tpu.memory_space<vmem>>)
        tpu.yield
      }) : () -> ()
      %get3A_1951 = arith.constant 0 : i32
      %get3A_1952 = arith.index_cast %get3A_1951 : i32 to index
      %get3A_1953 = arith.constant 0 : index
      %get3A_1954 = tpu.vector_load %arg11[%get3A_1952, %get3A_1953] {strides = array<i32>} : memref<8x32xf32, #tpu.memory_space<vmem>>, vector<1x16xf32>,
      %get3A_1955 = vector.shape_cast %get3A_1954 : vector<1x16xf32> to vector<16xf32>
      %min3A_1956 = arith.minimumf %min3A_1825, %get3A_1955 : vector<16xf32>
      %max3A_1957 = arith.maximumf %min3A_1825, %get3A_1955 : vector<16xf32>
      %min3A_1958 = arith.minimumf %min3A_1827, %max3A_1957 : vector<16xf32>
      %max3A_1959 = arith.maximumf %min3A_1827, %max3A_1957 : vector<16xf32>
      %min3A_1960 = arith.minimumf %min3A_1829, %max3A_1959 : vector<16xf32>
      %max3A_1961 = arith.maximumf %min3A_1829, %max3A_1959 : vector<16xf32>
      %min3A_1962 = arith.minimumf %min3A_1831, %max3A_1961 : vector<16xf32>
      %max3A_1963 = arith.maximumf %min3A_1831, %max3A_1961 : vector<16xf32>
      %get3A_1964 = arith.constant 1 : i32
      %get3A_1965 = arith.index_cast %get3A_1964 : i32 to index
      %get3A_1966 = arith.constant 0 : index
      %get3A_1967 = tpu.vector_load %arg11[%get3A_1965, %get3A_1966] {strides = array<i32>} : memref<8x32xf32, #tpu.memory_space<vmem>>, vector<1x16xf32>,
      %get3A_1968 = vector.shape_cast %get3A_1967 : vector<1x16xf32> to vector<16xf32>
      %min3A_1969 = arith.minimumf %min3A_1956, %get3A_1968 : vector<16xf32>
      %max3A_1970 = arith.maximumf %min3A_1956, %get3A_1968 : vector<16xf32>
      %min3A_1971 = arith.minimumf %min3A_1958, %max3A_1970 : vector<16xf32>
      %max3A_1972 = arith.maximumf %min3A_1958, %max3A_1970 : vector<16xf32>
      %min3A_1973 = arith.minimumf %min3A_1960, %max3A_1972 : vector<16xf32>
      %max3A_1974 = arith.maximumf %min3A_1960, %max3A_1972 : vector<16xf32>
      %min3A_1975 = arith.minimumf %min3A_1962, %max3A_1974 : vector<16xf32>
      %max3A_1976 = arith.maximumf %min3A_1962, %max3A_1974 : vector<16xf32>
      %get3A_1977 = arith.constant 2 : i32
      %get3A_1978 = arith.index_cast %get3A_1977 : i32 to index
      %get3A_1979 = arith.constant 0 : index
      %get3A_1980 = tpu.vector_load %arg11[%get3A_1978, %get3A_1979] {strides = array<i32>} : memref<8x32xf32, #tpu.memory_space<vmem>>, vector<1x16xf32>,
      %get3A_1981 = vector.shape_cast %get3A_1980 : vector<1x16xf32> to vector<16xf32>
      %min3A_1982 = arith.minimumf %min3A_1969, %get3A_1981 : vector<16xf32>
      %max3A_1983 = arith.maximumf %min3A_1969, %get3A_1981 : vector<16xf32>
      %min3A_1984 = arith.minimumf %min3A_1971, %max3A_1983 : vector<16xf32>
      %max3A_1985 = arith.maximumf %min3A_1971, %max3A_1983 : vector<16xf32>
      %min3A_1986 = arith.minimumf %min3A_1973, %max3A_1985 : vector<16xf32>
      %max3A_1987 = arith.maximumf %min3A_1973, %max3A_1985 : vector<16xf32>
      %min3A_1988 = arith.minimumf %min3A_1975, %max3A_1987 : vector<16xf32>
      %max3A_1989 = arith.maximumf %min3A_1975, %max3A_1987 : vector<16xf32>
      %get3A_1990 = arith.constant 3 : i32
      %get3A_1991 = arith.index_cast %get3A_1990 : i32 to index
      %get3A_1992 = arith.constant 0 : index
      %get3A_1993 = tpu.vector_load %arg11[%get3A_1991, %get3A_1992] {strides = array<i32>} : memref<8x32xf32, #tpu.memory_space<vmem>>, vector<1x16xf32>,
      %get3A_1994 = vector.shape_cast %get3A_1993 : vector<1x16xf32> to vector<16xf32>
      %min3A_1995 = arith.minimumf %min3A_1982, %get3A_1994 : vector<16xf32>
      %max3A_1996 = arith.maximumf %min3A_1982, %get3A_1994 : vector<16xf32>
      %min3A_1997 = arith.minimumf %min3A_1984, %max3A_1996 : vector<16xf32>
      %max3A_1998 = arith.maximumf %min3A_1984, %max3A_1996 : vector<16xf32>
      %min3A_1999 = arith.minimumf %min3A_1986, %max3A_1998 : vector<16xf32>
      %max3A_2000 = arith.maximumf %min3A_1986, %max3A_1998 : vector<16xf32>
      %min3A_2001 = arith.minimumf %min3A_1988, %max3A_2000 : vector<16xf32>
      %max3A_2002 = arith.maximumf %min3A_1988, %max3A_2000 : vector<16xf32>
      %get3A_2003 = arith.constant 4 : i32
      %get3A_2004 = arith.index_cast %get3A_2003 : i32 to index
      %get3A_2005 = arith.constant 0 : index
      %get3A_2006 = tpu.vector_load %arg11[%get3A_2004, %get3A_2005] {strides = array<i32>} : memref<8x32xf32, #tpu.memory_space<vmem>>, vector<1x16xf32>,
      %get3A_2007 = vector.shape_cast %get3A_2006 : vector<1x16xf32> to vector<16xf32>
      %min3A_2008 = arith.minimumf %min3A_1860, %get3A_2007 : vector<16xf32>
      %max3A_2009 = arith.maximumf %min3A_1860, %get3A_2007 : vector<16xf32>
      %min3A_2010 = arith.minimumf %min3A_1862, %max3A_2009 : vector<16xf32>
      %max3A_2011 = arith.maximumf %min3A_1862, %max3A_2009 : vector<16xf32>
      %min3A_2012 = arith.minimumf %min3A_1864, %max3A_2011 : vector<16xf32>
      %max3A_2013 = arith.maximumf %min3A_1864, %max3A_2011 : vector<16xf32>
      %get3A_2014 = arith.constant 5 : i32
      %get3A_2015 = arith.index_cast %get3A_2014 : i32 to index
      %get3A_2016 = arith.constant 0 : index
      %get3A_2017 = tpu.vector_load %arg11[%get3A_2015, %get3A_2016] {strides = array<i32>} : memref<8x32xf32, #tpu.memory_space<vmem>>, vector<1x16xf32>,
      %get3A_2018 = vector.shape_cast %get3A_2017 : vector<1x16xf32> to vector<16xf32>
      %min3A_2019 = arith.minimumf %min3A_2008, %get3A_2018 : vector<16xf32>
      %max3A_2020 = arith.maximumf %min3A_2008, %get3A_2018 : vector<16xf32>
      %min3A_2021 = arith.minimumf %min3A_2010, %max3A_2020 : vector<16xf32>
      %max3A_2022 = arith.maximumf %min3A_2010, %max3A_2020 : vector<16xf32>
      %min3A_2023 = arith.minimumf %min3A_2012, %max3A_2022 : vector<16xf32>
      %max3A_2024 = arith.maximumf %min3A_2012, %max3A_2022 : vector<16xf32>
      %get3A_2025 = arith.constant 6 : i32
      %get3A_2026 = arith.index_cast %get3A_2025 : i32 to index
      %get3A_2027 = arith.constant 0 : index
      %get3A_2028 = tpu.vector_load %arg11[%get3A_2026, %get3A_2027] {strides = array<i32>} : memref<8x32xf32, #tpu.memory_space<vmem>>, vector<1x16xf32>,
      %get3A_2029 = vector.shape_cast %get3A_2028 : vector<1x16xf32> to vector<16xf32>
      %min3A_2030 = arith.minimumf %min3A_2019, %get3A_2029 : vector<16xf32>
      %max3A_2031 = arith.maximumf %min3A_2019, %get3A_2029 : vector<16xf32>
      %min3A_2032 = arith.minimumf %min3A_2021, %max3A_2031 : vector<16xf32>
      %max3A_2033 = arith.maximumf %min3A_2021, %max3A_2031 : vector<16xf32>
      %min3A_2034 = arith.minimumf %min3A_2023, %max3A_2033 : vector<16xf32>
      %max3A_2035 = arith.maximumf %min3A_2023, %max3A_2033 : vector<16xf32>
      %get3A_2036 = arith.constant 0 : i32
      %get3A_2037 = arith.index_cast %get3A_2036 : i32 to index
      %get3A_2038 = arith.constant 16 : index
      %get3A_2039 = tpu.vector_load %arg11[%get3A_2037, %get3A_2038] {strides = array<i32>} : memref<8x32xf32, #tpu.memory_space<vmem>>, vector<1x16xf32>,
      %get3A_2040 = vector.shape_cast %get3A_2039 : vector<1x16xf32> to vector<16xf32>
      %min3A_2041 = arith.minimumf %min3A_1910, %get3A_2040 : vector<16xf32>
      %max3A_2042 = arith.maximumf %min3A_1910, %get3A_2040 : vector<16xf32>
      %min3A_2043 = arith.minimumf %min3A_1912, %max3A_2042 : vector<16xf32>
      %max3A_2044 = arith.maximumf %min3A_1912, %max3A_2042 : vector<16xf32>
      %min3A_2045 = arith.minimumf %min3A_1914, %max3A_2044 : vector<16xf32>
      %max3A_2046 = arith.maximumf %min3A_1914, %max3A_2044 : vector<16xf32>
      %min3A_2047 = arith.minimumf %min3A_1916, %max3A_2046 : vector<16xf32>
      %max3A_2048 = arith.maximumf %min3A_1916, %max3A_2046 : vector<16xf32>
      %get3A_2049 = arith.constant 1 : i32
      %get3A_2050 = arith.index_cast %get3A_2049 : i32 to index
      %get3A_2051 = arith.constant 16 : index
      %get3A_2052 = tpu.vector_load %arg11[%get3A_2050, %get3A_2051] {strides = array<i32>} : memref<8x32xf32, #tpu.memory_space<vmem>>, vector<1x16xf32>,
      %get3A_2053 = vector.shape_cast %get3A_2052 : vector<1x16xf32> to vector<16xf32>
      %min3A_2054 = arith.minimumf %min3A_2041, %get3A_2053 : vector<16xf32>
      %max3A_2055 = arith.maximumf %min3A_2041, %get3A_2053 : vector<16xf32>
      %min3A_2056 = arith.minimumf %min3A_2043, %max3A_2055 : vector<16xf32>
      %max3A_2057 = arith.maximumf %min3A_2043, %max3A_2055 : vector<16xf32>
      %min3A_2058 = arith.minimumf %min3A_2045, %max3A_2057 : vector<16xf32>
      %max3A_2059 = arith.maximumf %min3A_2045, %max3A_2057 : vector<16xf32>
      %min3A_2060 = arith.minimumf %min3A_2047, %max3A_2059 : vector<16xf32>
      %max3A_2061 = arith.maximumf %min3A_2047, %max3A_2059 : vector<16xf32>
      %get3A_2062 = arith.constant 2 : i32
      %get3A_2063 = arith.index_cast %get3A_2062 : i32 to index
      %get3A_2064 = arith.constant 16 : index
      %get3A_2065 = tpu.vector_load %arg11[%get3A_2063, %get3A_2064] {strides = array<i32>} : memref<8x32xf32, #tpu.memory_space<vmem>>, vector<1x16xf32>,
      %get3A_2066 = vector.shape_cast %get3A_2065 : vector<1x16xf32> to vector<16xf32>
      %min3A_2067 = arith.minimumf %min3A_2054, %get3A_2066 : vector<16xf32>
      %max3A_2068 = arith.maximumf %min3A_2054, %get3A_2066 : vector<16xf32>
      %min3A_2069 = arith.minimumf %min3A_2056, %max3A_2068 : vector<16xf32>
      %max3A_2070 = arith.maximumf %min3A_2056, %max3A_2068 : vector<16xf32>
      %min3A_2071 = arith.minimumf %min3A_2058, %max3A_2070 : vector<16xf32>
      %max3A_2072 = arith.maximumf %min3A_2058, %max3A_2070 : vector<16xf32>
      %min3A_2073 = arith.minimumf %min3A_2060, %max3A_2072 : vector<16xf32>
      %max3A_2074 = arith.maximumf %min3A_2060, %max3A_2072 : vector<16xf32>
      %get3A_2075 = arith.constant 3 : i32
      %get3A_2076 = arith.index_cast %get3A_2075 : i32 to index
      %get3A_2077 = arith.constant 16 : index
      %get3A_2078 = tpu.vector_load %arg11[%get3A_2076, %get3A_2077] {strides = array<i32>} : memref<8x32xf32, #tpu.memory_space<vmem>>, vector<1x16xf32>,
      %get3A_2079 = vector.shape_cast %get3A_2078 : vector<1x16xf32> to vector<16xf32>
      %min3A_2080 = arith.minimumf %min3A_2067, %get3A_2079 : vector<16xf32>
      %max3A_2081 = arith.maximumf %min3A_2067, %get3A_2079 : vector<16xf32>
      %min3A_2082 = arith.minimumf %min3A_2069, %max3A_2081 : vector<16xf32>
      %max3A_2083 = arith.maximumf %min3A_2069, %max3A_2081 : vector<16xf32>
      %min3A_2084 = arith.minimumf %min3A_2071, %max3A_2083 : vector<16xf32>
      %max3A_2085 = arith.maximumf %min3A_2071, %max3A_2083 : vector<16xf32>
      %min3A_2086 = arith.minimumf %min3A_2073, %max3A_2085 : vector<16xf32>
      %max3A_2087 = arith.maximumf %min3A_2073, %max3A_2085 : vector<16xf32>
      %get3A_2088 = arith.constant 4 : i32
      %get3A_2089 = arith.index_cast %get3A_2088 : i32 to index
      %get3A_2090 = arith.constant 16 : index
      %get3A_2091 = tpu.vector_load %arg11[%get3A_2089, %get3A_2090] {strides = array<i32>} : memref<8x32xf32, #tpu.memory_space<vmem>>, vector<1x16xf32>,
      %get3A_2092 = vector.shape_cast %get3A_2091 : vector<1x16xf32> to vector<16xf32>
      %min3A_2093 = arith.minimumf %min3A_1945, %get3A_2092 : vector<16xf32>
      %max3A_2094 = arith.maximumf %min3A_1945, %get3A_2092 : vector<16xf32>
      %min3A_2095 = arith.minimumf %min3A_1947, %max3A_2094 : vector<16xf32>
      %max3A_2096 = arith.maximumf %min3A_1947, %max3A_2094 : vector<16xf32>
      %min3A_2097 = arith.minimumf %min3A_1949, %max3A_2096 : vector<16xf32>
      %max3A_2098 = arith.maximumf %min3A_1949, %max3A_2096 : vector<16xf32>
      %get3A_2099 = arith.constant 5 : i32
      %get3A_2100 = arith.index_cast %get3A_2099 : i32 to index
      %get3A_2101 = arith.constant 16 : index
      %get3A_2102 = tpu.vector_load %arg11[%get3A_2100, %get3A_2101] {strides = array<i32>} : memref<8x32xf32, #tpu.memory_space<vmem>>, vector<1x16xf32>,
      %get3A_2103 = vector.shape_cast %get3A_2102 : vector<1x16xf32> to vector<16xf32>
      %min3A_2104 = arith.minimumf %min3A_2093, %get3A_2103 : vector<16xf32>
      %max3A_2105 = arith.maximumf %min3A_2093, %get3A_2103 : vector<16xf32>
      %min3A_2106 = arith.minimumf %min3A_2095, %max3A_2105 : vector<16xf32>
      %max3A_2107 = arith.maximumf %min3A_2095, %max3A_2105 : vector<16xf32>
      %min3A_2108 = arith.minimumf %min3A_2097, %max3A_2107 : vector<16xf32>
      %max3A_2109 = arith.maximumf %min3A_2097, %max3A_2107 : vector<16xf32>
      %get3A_2110 = arith.constant 6 : i32
      %get3A_2111 = arith.index_cast %get3A_2110 : i32 to index
      %get3A_2112 = arith.constant 16 : index
      %get3A_2113 = tpu.vector_load %arg11[%get3A_2111, %get3A_2112] {strides = array<i32>} : memref<8x32xf32, #tpu.memory_space<vmem>>, vector<1x16xf32>,
      %get3A_2114 = vector.shape_cast %get3A_2113 : vector<1x16xf32> to vector<16xf32>
      %min3A_2115 = arith.minimumf %min3A_2104, %get3A_2114 : vector<16xf32>
      %max3A_2116 = arith.maximumf %min3A_2104, %get3A_2114 : vector<16xf32>
      %min3A_2117 = arith.minimumf %min3A_2106, %max3A_2116 : vector<16xf32>
      %max3A_2118 = arith.maximumf %min3A_2106, %max3A_2116 : vector<16xf32>
      %min3A_2119 = arith.minimumf %min3A_2108, %max3A_2118 : vector<16xf32>
      %max3A_2120 = arith.maximumf %min3A_2108, %max3A_2118 : vector<16xf32>
      "tpu.region"() ({
        %run_scoped3A = tpu.sem_alloc : memref<!tpu.dma_semaphore, #tpu.memory_space<semaphore_mem>>
        %dma_start3A = arith.constant 80 : i32
        %dma_start3A_3237 = arith.constant 0 : i32
        %dma_start3A_3238 = tpu.memref_slice %arg14[%dma_start3A, %dma_start3A_3237] : memref<128x32xf32, #tpu.memory_space<vmem_shared>> -> memref<8x32xf32, #tpu.memory_space<vmem_shared>>
        %dma_start3A_3239 = arith.constant 80 : i32
        %dma_start3A_3240 = arith.constant 0 : i32
        %dma_start3A_3241 = tpu.memref_slice %arg14[%dma_start3A_3239, %dma_start3A_3240] : memref<128x32xf32, #tpu.memory_space<vmem_shared>> -> memref<8x32xf32, #tpu.memory_space<vmem_shared>>
        tpu.enqueue_dma source(%dma_start3A_3241 : memref<8x32xf32, #tpu.memory_space<vmem_shared>>) target(%arg11 : memref<8x32xf32, #tpu.memory_space<vmem>>) target_semaphore(%run_scoped3A : memref<!tpu.dma_semaphore, #tpu.memory_space<semaphore_mem>>)
        %dma_wait3A = arith.constant 80 : i32
        %dma_wait3A_3242 = arith.constant 0 : i32
        %dma_wait3A_3243 = tpu.memref_slice %arg14[%dma_wait3A, %dma_wait3A_3242] : memref<128x32xf32, #tpu.memory_space<vmem_shared>> -> memref<8x32xf32, #tpu.memory_space<vmem_shared>>
        %dma_wait3A_3244 = arith.constant 80 : i32
        %dma_wait3A_3245 = arith.constant 0 : i32
        %dma_wait3A_3246 = tpu.memref_slice %arg14[%dma_wait3A_3244, %dma_wait3A_3245] : memref<128x32xf32, #tpu.memory_space<vmem_shared>> -> memref<8x32xf32, #tpu.memory_space<vmem_shared>>
        tpu.wait_dma2 semaphore(%run_scoped3A : memref<!tpu.dma_semaphore, #tpu.memory_space<semaphore_mem>>) src(%dma_wait3A_3246 : memref<8x32xf32, #tpu.memory_space<vmem_shared>>) dst(%arg11 : memref<8x32xf32, #tpu.memory_space<vmem>>)
        tpu.yield
      }) : () -> ()
      %get3A_2121 = arith.constant 0 : i32
      %get3A_2122 = arith.index_cast %get3A_2121 : i32 to index
      %get3A_2123 = arith.constant 0 : index
      %get3A_2124 = tpu.vector_load %arg11[%get3A_2122, %get3A_2123] {strides = array<i32>} : memref<8x32xf32, #tpu.memory_space<vmem>>, vector<1x16xf32>,
      %get3A_2125 = vector.shape_cast %get3A_2124 : vector<1x16xf32> to vector<16xf32>
      %min3A_2126 = arith.minimumf %min3A_1995, %get3A_2125 : vector<16xf32>
      %max3A_2127 = arith.maximumf %min3A_1995, %get3A_2125 : vector<16xf32>
      %min3A_2128 = arith.minimumf %min3A_1997, %max3A_2127 : vector<16xf32>
      %max3A_2129 = arith.maximumf %min3A_1997, %max3A_2127 : vector<16xf32>
      %min3A_2130 = arith.minimumf %min3A_1999, %max3A_2129 : vector<16xf32>
      %max3A_2131 = arith.maximumf %min3A_1999, %max3A_2129 : vector<16xf32>
      %min3A_2132 = arith.minimumf %min3A_2001, %max3A_2131 : vector<16xf32>
      %max3A_2133 = arith.maximumf %min3A_2001, %max3A_2131 : vector<16xf32>
      %get3A_2134 = arith.constant 1 : i32
      %get3A_2135 = arith.index_cast %get3A_2134 : i32 to index
      %get3A_2136 = arith.constant 0 : index
      %get3A_2137 = tpu.vector_load %arg11[%get3A_2135, %get3A_2136] {strides = array<i32>} : memref<8x32xf32, #tpu.memory_space<vmem>>, vector<1x16xf32>,
      %get3A_2138 = vector.shape_cast %get3A_2137 : vector<1x16xf32> to vector<16xf32>
      %min3A_2139 = arith.minimumf %min3A_2126, %get3A_2138 : vector<16xf32>
      %max3A_2140 = arith.maximumf %min3A_2126, %get3A_2138 : vector<16xf32>
      %min3A_2141 = arith.minimumf %min3A_2128, %max3A_2140 : vector<16xf32>
      %max3A_2142 = arith.maximumf %min3A_2128, %max3A_2140 : vector<16xf32>
      %min3A_2143 = arith.minimumf %min3A_2130, %max3A_2142 : vector<16xf32>
      %max3A_2144 = arith.maximumf %min3A_2130, %max3A_2142 : vector<16xf32>
      %min3A_2145 = arith.minimumf %min3A_2132, %max3A_2144 : vector<16xf32>
      %max3A_2146 = arith.maximumf %min3A_2132, %max3A_2144 : vector<16xf32>
      %get3A_2147 = arith.constant 2 : i32
      %get3A_2148 = arith.index_cast %get3A_2147 : i32 to index
      %get3A_2149 = arith.constant 0 : index
      %get3A_2150 = tpu.vector_load %arg11[%get3A_2148, %get3A_2149] {strides = array<i32>} : memref<8x32xf32, #tpu.memory_space<vmem>>, vector<1x16xf32>,
      %get3A_2151 = vector.shape_cast %get3A_2150 : vector<1x16xf32> to vector<16xf32>
      %min3A_2152 = arith.minimumf %min3A_2139, %get3A_2151 : vector<16xf32>
      %max3A_2153 = arith.maximumf %min3A_2139, %get3A_2151 : vector<16xf32>
      %min3A_2154 = arith.minimumf %min3A_2141, %max3A_2153 : vector<16xf32>
      %max3A_2155 = arith.maximumf %min3A_2141, %max3A_2153 : vector<16xf32>
      %min3A_2156 = arith.minimumf %min3A_2143, %max3A_2155 : vector<16xf32>
      %max3A_2157 = arith.maximumf %min3A_2143, %max3A_2155 : vector<16xf32>
      %min3A_2158 = arith.minimumf %min3A_2145, %max3A_2157 : vector<16xf32>
      %max3A_2159 = arith.maximumf %min3A_2145, %max3A_2157 : vector<16xf32>
      %get3A_2160 = arith.constant 3 : i32
      %get3A_2161 = arith.index_cast %get3A_2160 : i32 to index
      %get3A_2162 = arith.constant 0 : index
      %get3A_2163 = tpu.vector_load %arg11[%get3A_2161, %get3A_2162] {strides = array<i32>} : memref<8x32xf32, #tpu.memory_space<vmem>>, vector<1x16xf32>,
      %get3A_2164 = vector.shape_cast %get3A_2163 : vector<1x16xf32> to vector<16xf32>
      %min3A_2165 = arith.minimumf %min3A_2152, %get3A_2164 : vector<16xf32>
      %max3A_2166 = arith.maximumf %min3A_2152, %get3A_2164 : vector<16xf32>
      %min3A_2167 = arith.minimumf %min3A_2154, %max3A_2166 : vector<16xf32>
      %max3A_2168 = arith.maximumf %min3A_2154, %max3A_2166 : vector<16xf32>
      %min3A_2169 = arith.minimumf %min3A_2156, %max3A_2168 : vector<16xf32>
      %max3A_2170 = arith.maximumf %min3A_2156, %max3A_2168 : vector<16xf32>
      %min3A_2171 = arith.minimumf %min3A_2158, %max3A_2170 : vector<16xf32>
      %max3A_2172 = arith.maximumf %min3A_2158, %max3A_2170 : vector<16xf32>
      %get3A_2173 = arith.constant 4 : i32
      %get3A_2174 = arith.index_cast %get3A_2173 : i32 to index
      %get3A_2175 = arith.constant 0 : index
      %get3A_2176 = tpu.vector_load %arg11[%get3A_2174, %get3A_2175] {strides = array<i32>} : memref<8x32xf32, #tpu.memory_space<vmem>>, vector<1x16xf32>,
      %get3A_2177 = vector.shape_cast %get3A_2176 : vector<1x16xf32> to vector<16xf32>
      %min3A_2178 = arith.minimumf %min3A_2030, %get3A_2177 : vector<16xf32>
      %max3A_2179 = arith.maximumf %min3A_2030, %get3A_2177 : vector<16xf32>
      %min3A_2180 = arith.minimumf %min3A_2032, %max3A_2179 : vector<16xf32>
      %max3A_2181 = arith.maximumf %min3A_2032, %max3A_2179 : vector<16xf32>
      %min3A_2182 = arith.minimumf %min3A_2034, %max3A_2181 : vector<16xf32>
      %max3A_2183 = arith.maximumf %min3A_2034, %max3A_2181 : vector<16xf32>
      %get3A_2184 = arith.constant 5 : i32
      %get3A_2185 = arith.index_cast %get3A_2184 : i32 to index
      %get3A_2186 = arith.constant 0 : index
      %get3A_2187 = tpu.vector_load %arg11[%get3A_2185, %get3A_2186] {strides = array<i32>} : memref<8x32xf32, #tpu.memory_space<vmem>>, vector<1x16xf32>,
      %get3A_2188 = vector.shape_cast %get3A_2187 : vector<1x16xf32> to vector<16xf32>
      %min3A_2189 = arith.minimumf %min3A_2178, %get3A_2188 : vector<16xf32>
      %max3A_2190 = arith.maximumf %min3A_2178, %get3A_2188 : vector<16xf32>
      %min3A_2191 = arith.minimumf %min3A_2180, %max3A_2190 : vector<16xf32>
      %max3A_2192 = arith.maximumf %min3A_2180, %max3A_2190 : vector<16xf32>
      %min3A_2193 = arith.minimumf %min3A_2182, %max3A_2192 : vector<16xf32>
      %max3A_2194 = arith.maximumf %min3A_2182, %max3A_2192 : vector<16xf32>
      %get3A_2195 = arith.constant 6 : i32
      %get3A_2196 = arith.index_cast %get3A_2195 : i32 to index
      %get3A_2197 = arith.constant 0 : index
      %get3A_2198 = tpu.vector_load %arg11[%get3A_2196, %get3A_2197] {strides = array<i32>} : memref<8x32xf32, #tpu.memory_space<vmem>>, vector<1x16xf32>,
      %get3A_2199 = vector.shape_cast %get3A_2198 : vector<1x16xf32> to vector<16xf32>
      %min3A_2200 = arith.minimumf %min3A_2189, %get3A_2199 : vector<16xf32>
      %max3A_2201 = arith.maximumf %min3A_2189, %get3A_2199 : vector<16xf32>
      %min3A_2202 = arith.minimumf %min3A_2191, %max3A_2201 : vector<16xf32>
      %max3A_2203 = arith.maximumf %min3A_2191, %max3A_2201 : vector<16xf32>
      %min3A_2204 = arith.minimumf %min3A_2193, %max3A_2203 : vector<16xf32>
      %max3A_2205 = arith.maximumf %min3A_2193, %max3A_2203 : vector<16xf32>
      %get3A_2206 = arith.constant 0 : i32
      %get3A_2207 = arith.index_cast %get3A_2206 : i32 to index
      %get3A_2208 = arith.constant 16 : index
      %get3A_2209 = tpu.vector_load %arg11[%get3A_2207, %get3A_2208] {strides = array<i32>} : memref<8x32xf32, #tpu.memory_space<vmem>>, vector<1x16xf32>,
      %get3A_2210 = vector.shape_cast %get3A_2209 : vector<1x16xf32> to vector<16xf32>
      %min3A_2211 = arith.minimumf %min3A_2080, %get3A_2210 : vector<16xf32>
      %max3A_2212 = arith.maximumf %min3A_2080, %get3A_2210 : vector<16xf32>
      %min3A_2213 = arith.minimumf %min3A_2082, %max3A_2212 : vector<16xf32>
      %max3A_2214 = arith.maximumf %min3A_2082, %max3A_2212 : vector<16xf32>
      %min3A_2215 = arith.minimumf %min3A_2084, %max3A_2214 : vector<16xf32>
      %max3A_2216 = arith.maximumf %min3A_2084, %max3A_2214 : vector<16xf32>
      %min3A_2217 = arith.minimumf %min3A_2086, %max3A_2216 : vector<16xf32>
      %max3A_2218 = arith.maximumf %min3A_2086, %max3A_2216 : vector<16xf32>
      %get3A_2219 = arith.constant 1 : i32
      %get3A_2220 = arith.index_cast %get3A_2219 : i32 to index
      %get3A_2221 = arith.constant 16 : index
      %get3A_2222 = tpu.vector_load %arg11[%get3A_2220, %get3A_2221] {strides = array<i32>} : memref<8x32xf32, #tpu.memory_space<vmem>>, vector<1x16xf32>,
      %get3A_2223 = vector.shape_cast %get3A_2222 : vector<1x16xf32> to vector<16xf32>
      %min3A_2224 = arith.minimumf %min3A_2211, %get3A_2223 : vector<16xf32>
      %max3A_2225 = arith.maximumf %min3A_2211, %get3A_2223 : vector<16xf32>
      %min3A_2226 = arith.minimumf %min3A_2213, %max3A_2225 : vector<16xf32>
      %max3A_2227 = arith.maximumf %min3A_2213, %max3A_2225 : vector<16xf32>
      %min3A_2228 = arith.minimumf %min3A_2215, %max3A_2227 : vector<16xf32>
      %max3A_2229 = arith.maximumf %min3A_2215, %max3A_2227 : vector<16xf32>
      %min3A_2230 = arith.minimumf %min3A_2217, %max3A_2229 : vector<16xf32>
      %max3A_2231 = arith.maximumf %min3A_2217, %max3A_2229 : vector<16xf32>
      %get3A_2232 = arith.constant 2 : i32
      %get3A_2233 = arith.index_cast %get3A_2232 : i32 to index
      %get3A_2234 = arith.constant 16 : index
      %get3A_2235 = tpu.vector_load %arg11[%get3A_2233, %get3A_2234] {strides = array<i32>} : memref<8x32xf32, #tpu.memory_space<vmem>>, vector<1x16xf32>,
      %get3A_2236 = vector.shape_cast %get3A_2235 : vector<1x16xf32> to vector<16xf32>
      %min3A_2237 = arith.minimumf %min3A_2224, %get3A_2236 : vector<16xf32>
      %max3A_2238 = arith.maximumf %min3A_2224, %get3A_2236 : vector<16xf32>
      %min3A_2239 = arith.minimumf %min3A_2226, %max3A_2238 : vector<16xf32>
      %max3A_2240 = arith.maximumf %min3A_2226, %max3A_2238 : vector<16xf32>
      %min3A_2241 = arith.minimumf %min3A_2228, %max3A_2240 : vector<16xf32>
      %max3A_2242 = arith.maximumf %min3A_2228, %max3A_2240 : vector<16xf32>
      %min3A_2243 = arith.minimumf %min3A_2230, %max3A_2242 : vector<16xf32>
      %max3A_2244 = arith.maximumf %min3A_2230, %max3A_2242 : vector<16xf32>
      %get3A_2245 = arith.constant 3 : i32
      %get3A_2246 = arith.index_cast %get3A_2245 : i32 to index
      %get3A_2247 = arith.constant 16 : index
      %get3A_2248 = tpu.vector_load %arg11[%get3A_2246, %get3A_2247] {strides = array<i32>} : memref<8x32xf32, #tpu.memory_space<vmem>>, vector<1x16xf32>,
      %get3A_2249 = vector.shape_cast %get3A_2248 : vector<1x16xf32> to vector<16xf32>
      %min3A_2250 = arith.minimumf %min3A_2237, %get3A_2249 : vector<16xf32>
      %max3A_2251 = arith.maximumf %min3A_2237, %get3A_2249 : vector<16xf32>
      %min3A_2252 = arith.minimumf %min3A_2239, %max3A_2251 : vector<16xf32>
      %max3A_2253 = arith.maximumf %min3A_2239, %max3A_2251 : vector<16xf32>
      %min3A_2254 = arith.minimumf %min3A_2241, %max3A_2253 : vector<16xf32>
      %max3A_2255 = arith.maximumf %min3A_2241, %max3A_2253 : vector<16xf32>
      %min3A_2256 = arith.minimumf %min3A_2243, %max3A_2255 : vector<16xf32>
      %max3A_2257 = arith.maximumf %min3A_2243, %max3A_2255 : vector<16xf32>
      %get3A_2258 = arith.constant 4 : i32
      %get3A_2259 = arith.index_cast %get3A_2258 : i32 to index
      %get3A_2260 = arith.constant 16 : index
      %get3A_2261 = tpu.vector_load %arg11[%get3A_2259, %get3A_2260] {strides = array<i32>} : memref<8x32xf32, #tpu.memory_space<vmem>>, vector<1x16xf32>,
      %get3A_2262 = vector.shape_cast %get3A_2261 : vector<1x16xf32> to vector<16xf32>
      %min3A_2263 = arith.minimumf %min3A_2115, %get3A_2262 : vector<16xf32>
      %max3A_2264 = arith.maximumf %min3A_2115, %get3A_2262 : vector<16xf32>
      %min3A_2265 = arith.minimumf %min3A_2117, %max3A_2264 : vector<16xf32>
      %max3A_2266 = arith.maximumf %min3A_2117, %max3A_2264 : vector<16xf32>
      %min3A_2267 = arith.minimumf %min3A_2119, %max3A_2266 : vector<16xf32>
      %max3A_2268 = arith.maximumf %min3A_2119, %max3A_2266 : vector<16xf32>
      %get3A_2269 = arith.constant 5 : i32
      %get3A_2270 = arith.index_cast %get3A_2269 : i32 to index
      %get3A_2271 = arith.constant 16 : index
      %get3A_2272 = tpu.vector_load %arg11[%get3A_2270, %get3A_2271] {strides = array<i32>} : memref<8x32xf32, #tpu.memory_space<vmem>>, vector<1x16xf32>,
      %get3A_2273 = vector.shape_cast %get3A_2272 : vector<1x16xf32> to vector<16xf32>
      %min3A_2274 = arith.minimumf %min3A_2263, %get3A_2273 : vector<16xf32>
      %max3A_2275 = arith.maximumf %min3A_2263, %get3A_2273 : vector<16xf32>
      %min3A_2276 = arith.minimumf %min3A_2265, %max3A_2275 : vector<16xf32>
      %max3A_2277 = arith.maximumf %min3A_2265, %max3A_2275 : vector<16xf32>
      %min3A_2278 = arith.minimumf %min3A_2267, %max3A_2277 : vector<16xf32>
      %max3A_2279 = arith.maximumf %min3A_2267, %max3A_2277 : vector<16xf32>
      %get3A_2280 = arith.constant 6 : i32
      %get3A_2281 = arith.index_cast %get3A_2280 : i32 to index
      %get3A_2282 = arith.constant 16 : index
      %get3A_2283 = tpu.vector_load %arg11[%get3A_2281, %get3A_2282] {strides = array<i32>} : memref<8x32xf32, #tpu.memory_space<vmem>>, vector<1x16xf32>,
      %get3A_2284 = vector.shape_cast %get3A_2283 : vector<1x16xf32> to vector<16xf32>
      %min3A_2285 = arith.minimumf %min3A_2274, %get3A_2284 : vector<16xf32>
      %max3A_2286 = arith.maximumf %min3A_2274, %get3A_2284 : vector<16xf32>
      %min3A_2287 = arith.minimumf %min3A_2276, %max3A_2286 : vector<16xf32>
      %max3A_2288 = arith.maximumf %min3A_2276, %max3A_2286 : vector<16xf32>
      %min3A_2289 = arith.minimumf %min3A_2278, %max3A_2288 : vector<16xf32>
      %max3A_2290 = arith.maximumf %min3A_2278, %max3A_2288 : vector<16xf32>
      "tpu.region"() ({
        %run_scoped3A = tpu.sem_alloc : memref<!tpu.dma_semaphore, #tpu.memory_space<semaphore_mem>>
        %dma_start3A = arith.constant 88 : i32
        %dma_start3A_3237 = arith.constant 0 : i32
        %dma_start3A_3238 = tpu.memref_slice %arg14[%dma_start3A, %dma_start3A_3237] : memref<128x32xf32, #tpu.memory_space<vmem_shared>> -> memref<8x32xf32, #tpu.memory_space<vmem_shared>>
        %dma_start3A_3239 = arith.constant 88 : i32
        %dma_start3A_3240 = arith.constant 0 : i32
        %dma_start3A_3241 = tpu.memref_slice %arg14[%dma_start3A_3239, %dma_start3A_3240] : memref<128x32xf32, #tpu.memory_space<vmem_shared>> -> memref<8x32xf32, #tpu.memory_space<vmem_shared>>
        tpu.enqueue_dma source(%dma_start3A_3241 : memref<8x32xf32, #tpu.memory_space<vmem_shared>>) target(%arg11 : memref<8x32xf32, #tpu.memory_space<vmem>>) target_semaphore(%run_scoped3A : memref<!tpu.dma_semaphore, #tpu.memory_space<semaphore_mem>>)
        %dma_wait3A = arith.constant 88 : i32
        %dma_wait3A_3242 = arith.constant 0 : i32
        %dma_wait3A_3243 = tpu.memref_slice %arg14[%dma_wait3A, %dma_wait3A_3242] : memref<128x32xf32, #tpu.memory_space<vmem_shared>> -> memref<8x32xf32, #tpu.memory_space<vmem_shared>>
        %dma_wait3A_3244 = arith.constant 88 : i32
        %dma_wait3A_3245 = arith.constant 0 : i32
        %dma_wait3A_3246 = tpu.memref_slice %arg14[%dma_wait3A_3244, %dma_wait3A_3245] : memref<128x32xf32, #tpu.memory_space<vmem_shared>> -> memref<8x32xf32, #tpu.memory_space<vmem_shared>>
        tpu.wait_dma2 semaphore(%run_scoped3A : memref<!tpu.dma_semaphore, #tpu.memory_space<semaphore_mem>>) src(%dma_wait3A_3246 : memref<8x32xf32, #tpu.memory_space<vmem_shared>>) dst(%arg11 : memref<8x32xf32, #tpu.memory_space<vmem>>)
        tpu.yield
      }) : () -> ()
      %get3A_2291 = arith.constant 0 : i32
      %get3A_2292 = arith.index_cast %get3A_2291 : i32 to index
      %get3A_2293 = arith.constant 0 : index
      %get3A_2294 = tpu.vector_load %arg11[%get3A_2292, %get3A_2293] {strides = array<i32>} : memref<8x32xf32, #tpu.memory_space<vmem>>, vector<1x16xf32>,
      %get3A_2295 = vector.shape_cast %get3A_2294 : vector<1x16xf32> to vector<16xf32>
      %min3A_2296 = arith.minimumf %min3A_2165, %get3A_2295 : vector<16xf32>
      %max3A_2297 = arith.maximumf %min3A_2165, %get3A_2295 : vector<16xf32>
      %min3A_2298 = arith.minimumf %min3A_2167, %max3A_2297 : vector<16xf32>
      %max3A_2299 = arith.maximumf %min3A_2167, %max3A_2297 : vector<16xf32>
      %min3A_2300 = arith.minimumf %min3A_2169, %max3A_2299 : vector<16xf32>
      %max3A_2301 = arith.maximumf %min3A_2169, %max3A_2299 : vector<16xf32>
      %min3A_2302 = arith.minimumf %min3A_2171, %max3A_2301 : vector<16xf32>
      %max3A_2303 = arith.maximumf %min3A_2171, %max3A_2301 : vector<16xf32>
      %get3A_2304 = arith.constant 1 : i32
      %get3A_2305 = arith.index_cast %get3A_2304 : i32 to index
      %get3A_2306 = arith.constant 0 : index
      %get3A_2307 = tpu.vector_load %arg11[%get3A_2305, %get3A_2306] {strides = array<i32>} : memref<8x32xf32, #tpu.memory_space<vmem>>, vector<1x16xf32>,
      %get3A_2308 = vector.shape_cast %get3A_2307 : vector<1x16xf32> to vector<16xf32>
      %min3A_2309 = arith.minimumf %min3A_2296, %get3A_2308 : vector<16xf32>
      %max3A_2310 = arith.maximumf %min3A_2296, %get3A_2308 : vector<16xf32>
      %min3A_2311 = arith.minimumf %min3A_2298, %max3A_2310 : vector<16xf32>
      %max3A_2312 = arith.maximumf %min3A_2298, %max3A_2310 : vector<16xf32>
      %min3A_2313 = arith.minimumf %min3A_2300, %max3A_2312 : vector<16xf32>
      %max3A_2314 = arith.maximumf %min3A_2300, %max3A_2312 : vector<16xf32>
      %min3A_2315 = arith.minimumf %min3A_2302, %max3A_2314 : vector<16xf32>
      %max3A_2316 = arith.maximumf %min3A_2302, %max3A_2314 : vector<16xf32>
      %get3A_2317 = arith.constant 2 : i32
      %get3A_2318 = arith.index_cast %get3A_2317 : i32 to index
      %get3A_2319 = arith.constant 0 : index
      %get3A_2320 = tpu.vector_load %arg11[%get3A_2318, %get3A_2319] {strides = array<i32>} : memref<8x32xf32, #tpu.memory_space<vmem>>, vector<1x16xf32>,
      %get3A_2321 = vector.shape_cast %get3A_2320 : vector<1x16xf32> to vector<16xf32>
      %min3A_2322 = arith.minimumf %min3A_2309, %get3A_2321 : vector<16xf32>
      %max3A_2323 = arith.maximumf %min3A_2309, %get3A_2321 : vector<16xf32>
      %min3A_2324 = arith.minimumf %min3A_2311, %max3A_2323 : vector<16xf32>
      %max3A_2325 = arith.maximumf %min3A_2311, %max3A_2323 : vector<16xf32>
      %min3A_2326 = arith.minimumf %min3A_2313, %max3A_2325 : vector<16xf32>
      %max3A_2327 = arith.maximumf %min3A_2313, %max3A_2325 : vector<16xf32>
      %min3A_2328 = arith.minimumf %min3A_2315, %max3A_2327 : vector<16xf32>
      %max3A_2329 = arith.maximumf %min3A_2315, %max3A_2327 : vector<16xf32>
      %get3A_2330 = arith.constant 3 : i32
      %get3A_2331 = arith.index_cast %get3A_2330 : i32 to index
      %get3A_2332 = arith.constant 0 : index
      %get3A_2333 = tpu.vector_load %arg11[%get3A_2331, %get3A_2332] {strides = array<i32>} : memref<8x32xf32, #tpu.memory_space<vmem>>, vector<1x16xf32>,
      %get3A_2334 = vector.shape_cast %get3A_2333 : vector<1x16xf32> to vector<16xf32>
      %min3A_2335 = arith.minimumf %min3A_2322, %get3A_2334 : vector<16xf32>
      %max3A_2336 = arith.maximumf %min3A_2322, %get3A_2334 : vector<16xf32>
      %min3A_2337 = arith.minimumf %min3A_2324, %max3A_2336 : vector<16xf32>
      %max3A_2338 = arith.maximumf %min3A_2324, %max3A_2336 : vector<16xf32>
      %min3A_2339 = arith.minimumf %min3A_2326, %max3A_2338 : vector<16xf32>
      %max3A_2340 = arith.maximumf %min3A_2326, %max3A_2338 : vector<16xf32>
      %min3A_2341 = arith.minimumf %min3A_2328, %max3A_2340 : vector<16xf32>
      %max3A_2342 = arith.maximumf %min3A_2328, %max3A_2340 : vector<16xf32>
      %get3A_2343 = arith.constant 4 : i32
      %get3A_2344 = arith.index_cast %get3A_2343 : i32 to index
      %get3A_2345 = arith.constant 0 : index
      %get3A_2346 = tpu.vector_load %arg11[%get3A_2344, %get3A_2345] {strides = array<i32>} : memref<8x32xf32, #tpu.memory_space<vmem>>, vector<1x16xf32>,
      %get3A_2347 = vector.shape_cast %get3A_2346 : vector<1x16xf32> to vector<16xf32>
      %min3A_2348 = arith.minimumf %min3A_2200, %get3A_2347 : vector<16xf32>
      %max3A_2349 = arith.maximumf %min3A_2200, %get3A_2347 : vector<16xf32>
      %min3A_2350 = arith.minimumf %min3A_2202, %max3A_2349 : vector<16xf32>
      %max3A_2351 = arith.maximumf %min3A_2202, %max3A_2349 : vector<16xf32>
      %min3A_2352 = arith.minimumf %min3A_2204, %max3A_2351 : vector<16xf32>
      %max3A_2353 = arith.maximumf %min3A_2204, %max3A_2351 : vector<16xf32>
      %get3A_2354 = arith.constant 5 : i32
      %get3A_2355 = arith.index_cast %get3A_2354 : i32 to index
      %get3A_2356 = arith.constant 0 : index
      %get3A_2357 = tpu.vector_load %arg11[%get3A_2355, %get3A_2356] {strides = array<i32>} : memref<8x32xf32, #tpu.memory_space<vmem>>, vector<1x16xf32>,
      %get3A_2358 = vector.shape_cast %get3A_2357 : vector<1x16xf32> to vector<16xf32>
      %min3A_2359 = arith.minimumf %min3A_2348, %get3A_2358 : vector<16xf32>
      %max3A_2360 = arith.maximumf %min3A_2348, %get3A_2358 : vector<16xf32>
      %min3A_2361 = arith.minimumf %min3A_2350, %max3A_2360 : vector<16xf32>
      %max3A_2362 = arith.maximumf %min3A_2350, %max3A_2360 : vector<16xf32>
      %min3A_2363 = arith.minimumf %min3A_2352, %max3A_2362 : vector<16xf32>
      %max3A_2364 = arith.maximumf %min3A_2352, %max3A_2362 : vector<16xf32>
      %get3A_2365 = arith.constant 6 : i32
      %get3A_2366 = arith.index_cast %get3A_2365 : i32 to index
      %get3A_2367 = arith.constant 0 : index
      %get3A_2368 = tpu.vector_load %arg11[%get3A_2366, %get3A_2367] {strides = array<i32>} : memref<8x32xf32, #tpu.memory_space<vmem>>, vector<1x16xf32>,
      %get3A_2369 = vector.shape_cast %get3A_2368 : vector<1x16xf32> to vector<16xf32>
      %min3A_2370 = arith.minimumf %min3A_2359, %get3A_2369 : vector<16xf32>
      %max3A_2371 = arith.maximumf %min3A_2359, %get3A_2369 : vector<16xf32>
      %min3A_2372 = arith.minimumf %min3A_2361, %max3A_2371 : vector<16xf32>
      %max3A_2373 = arith.maximumf %min3A_2361, %max3A_2371 : vector<16xf32>
      %min3A_2374 = arith.minimumf %min3A_2363, %max3A_2373 : vector<16xf32>
      %max3A_2375 = arith.maximumf %min3A_2363, %max3A_2373 : vector<16xf32>
      %get3A_2376 = arith.constant 0 : i32
      %get3A_2377 = arith.index_cast %get3A_2376 : i32 to index
      %get3A_2378 = arith.constant 16 : index
      %get3A_2379 = tpu.vector_load %arg11[%get3A_2377, %get3A_2378] {strides = array<i32>} : memref<8x32xf32, #tpu.memory_space<vmem>>, vector<1x16xf32>,
      %get3A_2380 = vector.shape_cast %get3A_2379 : vector<1x16xf32> to vector<16xf32>
      %min3A_2381 = arith.minimumf %min3A_2250, %get3A_2380 : vector<16xf32>
      %max3A_2382 = arith.maximumf %min3A_2250, %get3A_2380 : vector<16xf32>
      %min3A_2383 = arith.minimumf %min3A_2252, %max3A_2382 : vector<16xf32>
      %max3A_2384 = arith.maximumf %min3A_2252, %max3A_2382 : vector<16xf32>
      %min3A_2385 = arith.minimumf %min3A_2254, %max3A_2384 : vector<16xf32>
      %max3A_2386 = arith.maximumf %min3A_2254, %max3A_2384 : vector<16xf32>
      %min3A_2387 = arith.minimumf %min3A_2256, %max3A_2386 : vector<16xf32>
      %max3A_2388 = arith.maximumf %min3A_2256, %max3A_2386 : vector<16xf32>
      %get3A_2389 = arith.constant 1 : i32
      %get3A_2390 = arith.index_cast %get3A_2389 : i32 to index
      %get3A_2391 = arith.constant 16 : index
      %get3A_2392 = tpu.vector_load %arg11[%get3A_2390, %get3A_2391] {strides = array<i32>} : memref<8x32xf32, #tpu.memory_space<vmem>>, vector<1x16xf32>,
      %get3A_2393 = vector.shape_cast %get3A_2392 : vector<1x16xf32> to vector<16xf32>
      %min3A_2394 = arith.minimumf %min3A_2381, %get3A_2393 : vector<16xf32>
      %max3A_2395 = arith.maximumf %min3A_2381, %get3A_2393 : vector<16xf32>
      %min3A_2396 = arith.minimumf %min3A_2383, %max3A_2395 : vector<16xf32>
      %max3A_2397 = arith.maximumf %min3A_2383, %max3A_2395 : vector<16xf32>
      %min3A_2398 = arith.minimumf %min3A_2385, %max3A_2397 : vector<16xf32>
      %max3A_2399 = arith.maximumf %min3A_2385, %max3A_2397 : vector<16xf32>
      %min3A_2400 = arith.minimumf %min3A_2387, %max3A_2399 : vector<16xf32>
      %max3A_2401 = arith.maximumf %min3A_2387, %max3A_2399 : vector<16xf32>
      %get3A_2402 = arith.constant 2 : i32
      %get3A_2403 = arith.index_cast %get3A_2402 : i32 to index
      %get3A_2404 = arith.constant 16 : index
      %get3A_2405 = tpu.vector_load %arg11[%get3A_2403, %get3A_2404] {strides = array<i32>} : memref<8x32xf32, #tpu.memory_space<vmem>>, vector<1x16xf32>,
      %get3A_2406 = vector.shape_cast %get3A_2405 : vector<1x16xf32> to vector<16xf32>
      %min3A_2407 = arith.minimumf %min3A_2394, %get3A_2406 : vector<16xf32>
      %max3A_2408 = arith.maximumf %min3A_2394, %get3A_2406 : vector<16xf32>
      %min3A_2409 = arith.minimumf %min3A_2396, %max3A_2408 : vector<16xf32>
      %max3A_2410 = arith.maximumf %min3A_2396, %max3A_2408 : vector<16xf32>
      %min3A_2411 = arith.minimumf %min3A_2398, %max3A_2410 : vector<16xf32>
      %max3A_2412 = arith.maximumf %min3A_2398, %max3A_2410 : vector<16xf32>
      %min3A_2413 = arith.minimumf %min3A_2400, %max3A_2412 : vector<16xf32>
      %max3A_2414 = arith.maximumf %min3A_2400, %max3A_2412 : vector<16xf32>
      %get3A_2415 = arith.constant 3 : i32
      %get3A_2416 = arith.index_cast %get3A_2415 : i32 to index
      %get3A_2417 = arith.constant 16 : index
      %get3A_2418 = tpu.vector_load %arg11[%get3A_2416, %get3A_2417] {strides = array<i32>} : memref<8x32xf32, #tpu.memory_space<vmem>>, vector<1x16xf32>,
      %get3A_2419 = vector.shape_cast %get3A_2418 : vector<1x16xf32> to vector<16xf32>
      %min3A_2420 = arith.minimumf %min3A_2407, %get3A_2419 : vector<16xf32>
      %max3A_2421 = arith.maximumf %min3A_2407, %get3A_2419 : vector<16xf32>
      %min3A_2422 = arith.minimumf %min3A_2409, %max3A_2421 : vector<16xf32>
      %max3A_2423 = arith.maximumf %min3A_2409, %max3A_2421 : vector<16xf32>
      %min3A_2424 = arith.minimumf %min3A_2411, %max3A_2423 : vector<16xf32>
      %max3A_2425 = arith.maximumf %min3A_2411, %max3A_2423 : vector<16xf32>
      %min3A_2426 = arith.minimumf %min3A_2413, %max3A_2425 : vector<16xf32>
      %max3A_2427 = arith.maximumf %min3A_2413, %max3A_2425 : vector<16xf32>
      %get3A_2428 = arith.constant 4 : i32
      %get3A_2429 = arith.index_cast %get3A_2428 : i32 to index
      %get3A_2430 = arith.constant 16 : index
      %get3A_2431 = tpu.vector_load %arg11[%get3A_2429, %get3A_2430] {strides = array<i32>} : memref<8x32xf32, #tpu.memory_space<vmem>>, vector<1x16xf32>,
      %get3A_2432 = vector.shape_cast %get3A_2431 : vector<1x16xf32> to vector<16xf32>
      %min3A_2433 = arith.minimumf %min3A_2285, %get3A_2432 : vector<16xf32>
      %max3A_2434 = arith.maximumf %min3A_2285, %get3A_2432 : vector<16xf32>
      %min3A_2435 = arith.minimumf %min3A_2287, %max3A_2434 : vector<16xf32>
      %max3A_2436 = arith.maximumf %min3A_2287, %max3A_2434 : vector<16xf32>
      %min3A_2437 = arith.minimumf %min3A_2289, %max3A_2436 : vector<16xf32>
      %max3A_2438 = arith.maximumf %min3A_2289, %max3A_2436 : vector<16xf32>
      %get3A_2439 = arith.constant 5 : i32
      %get3A_2440 = arith.index_cast %get3A_2439 : i32 to index
      %get3A_2441 = arith.constant 16 : index
      %get3A_2442 = tpu.vector_load %arg11[%get3A_2440, %get3A_2441] {strides = array<i32>} : memref<8x32xf32, #tpu.memory_space<vmem>>, vector<1x16xf32>,
      %get3A_2443 = vector.shape_cast %get3A_2442 : vector<1x16xf32> to vector<16xf32>
      %min3A_2444 = arith.minimumf %min3A_2433, %get3A_2443 : vector<16xf32>
      %max3A_2445 = arith.maximumf %min3A_2433, %get3A_2443 : vector<16xf32>
      %min3A_2446 = arith.minimumf %min3A_2435, %max3A_2445 : vector<16xf32>
      %max3A_2447 = arith.maximumf %min3A_2435, %max3A_2445 : vector<16xf32>
      %min3A_2448 = arith.minimumf %min3A_2437, %max3A_2447 : vector<16xf32>
      %max3A_2449 = arith.maximumf %min3A_2437, %max3A_2447 : vector<16xf32>
      %get3A_2450 = arith.constant 6 : i32
      %get3A_2451 = arith.index_cast %get3A_2450 : i32 to index
      %get3A_2452 = arith.constant 16 : index
      %get3A_2453 = tpu.vector_load %arg11[%get3A_2451, %get3A_2452] {strides = array<i32>} : memref<8x32xf32, #tpu.memory_space<vmem>>, vector<1x16xf32>,
      %get3A_2454 = vector.shape_cast %get3A_2453 : vector<1x16xf32> to vector<16xf32>
      %min3A_2455 = arith.minimumf %min3A_2444, %get3A_2454 : vector<16xf32>
      %max3A_2456 = arith.maximumf %min3A_2444, %get3A_2454 : vector<16xf32>
      %min3A_2457 = arith.minimumf %min3A_2446, %max3A_2456 : vector<16xf32>
      %max3A_2458 = arith.maximumf %min3A_2446, %max3A_2456 : vector<16xf32>
      %min3A_2459 = arith.minimumf %min3A_2448, %max3A_2458 : vector<16xf32>
      %max3A_2460 = arith.maximumf %min3A_2448, %max3A_2458 : vector<16xf32>
      "tpu.region"() ({
        %run_scoped3A = tpu.sem_alloc : memref<!tpu.dma_semaphore, #tpu.memory_space<semaphore_mem>>
        %dma_start3A = arith.constant 96 : i32
        %dma_start3A_3237 = arith.constant 0 : i32
        %dma_start3A_3238 = tpu.memref_slice %arg14[%dma_start3A, %dma_start3A_3237] : memref<128x32xf32, #tpu.memory_space<vmem_shared>> -> memref<8x32xf32, #tpu.memory_space<vmem_shared>>
        %dma_start3A_3239 = arith.constant 96 : i32
        %dma_start3A_3240 = arith.constant 0 : i32
        %dma_start3A_3241 = tpu.memref_slice %arg14[%dma_start3A_3239, %dma_start3A_3240] : memref<128x32xf32, #tpu.memory_space<vmem_shared>> -> memref<8x32xf32, #tpu.memory_space<vmem_shared>>
        tpu.enqueue_dma source(%dma_start3A_3241 : memref<8x32xf32, #tpu.memory_space<vmem_shared>>) target(%arg11 : memref<8x32xf32, #tpu.memory_space<vmem>>) target_semaphore(%run_scoped3A : memref<!tpu.dma_semaphore, #tpu.memory_space<semaphore_mem>>)
        %dma_wait3A = arith.constant 96 : i32
        %dma_wait3A_3242 = arith.constant 0 : i32
        %dma_wait3A_3243 = tpu.memref_slice %arg14[%dma_wait3A, %dma_wait3A_3242] : memref<128x32xf32, #tpu.memory_space<vmem_shared>> -> memref<8x32xf32, #tpu.memory_space<vmem_shared>>
        %dma_wait3A_3244 = arith.constant 96 : i32
        %dma_wait3A_3245 = arith.constant 0 : i32
        %dma_wait3A_3246 = tpu.memref_slice %arg14[%dma_wait3A_3244, %dma_wait3A_3245] : memref<128x32xf32, #tpu.memory_space<vmem_shared>> -> memref<8x32xf32, #tpu.memory_space<vmem_shared>>
        tpu.wait_dma2 semaphore(%run_scoped3A : memref<!tpu.dma_semaphore, #tpu.memory_space<semaphore_mem>>) src(%dma_wait3A_3246 : memref<8x32xf32, #tpu.memory_space<vmem_shared>>) dst(%arg11 : memref<8x32xf32, #tpu.memory_space<vmem>>)
        tpu.yield
      }) : () -> ()
      %get3A_2461 = arith.constant 0 : i32
      %get3A_2462 = arith.index_cast %get3A_2461 : i32 to index
      %get3A_2463 = arith.constant 0 : index
      %get3A_2464 = tpu.vector_load %arg11[%get3A_2462, %get3A_2463] {strides = array<i32>} : memref<8x32xf32, #tpu.memory_space<vmem>>, vector<1x16xf32>,
      %get3A_2465 = vector.shape_cast %get3A_2464 : vector<1x16xf32> to vector<16xf32>
      %min3A_2466 = arith.minimumf %min3A_2335, %get3A_2465 : vector<16xf32>
      %max3A_2467 = arith.maximumf %min3A_2335, %get3A_2465 : vector<16xf32>
      %min3A_2468 = arith.minimumf %min3A_2337, %max3A_2467 : vector<16xf32>
      %max3A_2469 = arith.maximumf %min3A_2337, %max3A_2467 : vector<16xf32>
      %min3A_2470 = arith.minimumf %min3A_2339, %max3A_2469 : vector<16xf32>
      %max3A_2471 = arith.maximumf %min3A_2339, %max3A_2469 : vector<16xf32>
      %min3A_2472 = arith.minimumf %min3A_2341, %max3A_2471 : vector<16xf32>
      %max3A_2473 = arith.maximumf %min3A_2341, %max3A_2471 : vector<16xf32>
      %get3A_2474 = arith.constant 1 : i32
      %get3A_2475 = arith.index_cast %get3A_2474 : i32 to index
      %get3A_2476 = arith.constant 0 : index
      %get3A_2477 = tpu.vector_load %arg11[%get3A_2475, %get3A_2476] {strides = array<i32>} : memref<8x32xf32, #tpu.memory_space<vmem>>, vector<1x16xf32>,
      %get3A_2478 = vector.shape_cast %get3A_2477 : vector<1x16xf32> to vector<16xf32>
      %min3A_2479 = arith.minimumf %min3A_2466, %get3A_2478 : vector<16xf32>
      %max3A_2480 = arith.maximumf %min3A_2466, %get3A_2478 : vector<16xf32>
      %min3A_2481 = arith.minimumf %min3A_2468, %max3A_2480 : vector<16xf32>
      %max3A_2482 = arith.maximumf %min3A_2468, %max3A_2480 : vector<16xf32>
      %min3A_2483 = arith.minimumf %min3A_2470, %max3A_2482 : vector<16xf32>
      %max3A_2484 = arith.maximumf %min3A_2470, %max3A_2482 : vector<16xf32>
      %min3A_2485 = arith.minimumf %min3A_2472, %max3A_2484 : vector<16xf32>
      %max3A_2486 = arith.maximumf %min3A_2472, %max3A_2484 : vector<16xf32>
      %get3A_2487 = arith.constant 2 : i32
      %get3A_2488 = arith.index_cast %get3A_2487 : i32 to index
      %get3A_2489 = arith.constant 0 : index
      %get3A_2490 = tpu.vector_load %arg11[%get3A_2488, %get3A_2489] {strides = array<i32>} : memref<8x32xf32, #tpu.memory_space<vmem>>, vector<1x16xf32>,
      %get3A_2491 = vector.shape_cast %get3A_2490 : vector<1x16xf32> to vector<16xf32>
      %min3A_2492 = arith.minimumf %min3A_2479, %get3A_2491 : vector<16xf32>
      %max3A_2493 = arith.maximumf %min3A_2479, %get3A_2491 : vector<16xf32>
      %min3A_2494 = arith.minimumf %min3A_2481, %max3A_2493 : vector<16xf32>
      %max3A_2495 = arith.maximumf %min3A_2481, %max3A_2493 : vector<16xf32>
      %min3A_2496 = arith.minimumf %min3A_2483, %max3A_2495 : vector<16xf32>
      %max3A_2497 = arith.maximumf %min3A_2483, %max3A_2495 : vector<16xf32>
      %min3A_2498 = arith.minimumf %min3A_2485, %max3A_2497 : vector<16xf32>
      %max3A_2499 = arith.maximumf %min3A_2485, %max3A_2497 : vector<16xf32>
      %get3A_2500 = arith.constant 3 : i32
      %get3A_2501 = arith.index_cast %get3A_2500 : i32 to index
      %get3A_2502 = arith.constant 0 : index
      %get3A_2503 = tpu.vector_load %arg11[%get3A_2501, %get3A_2502] {strides = array<i32>} : memref<8x32xf32, #tpu.memory_space<vmem>>, vector<1x16xf32>,
      %get3A_2504 = vector.shape_cast %get3A_2503 : vector<1x16xf32> to vector<16xf32>
      %min3A_2505 = arith.minimumf %min3A_2492, %get3A_2504 : vector<16xf32>
      %max3A_2506 = arith.maximumf %min3A_2492, %get3A_2504 : vector<16xf32>
      %min3A_2507 = arith.minimumf %min3A_2494, %max3A_2506 : vector<16xf32>
      %max3A_2508 = arith.maximumf %min3A_2494, %max3A_2506 : vector<16xf32>
      %min3A_2509 = arith.minimumf %min3A_2496, %max3A_2508 : vector<16xf32>
      %max3A_2510 = arith.maximumf %min3A_2496, %max3A_2508 : vector<16xf32>
      %min3A_2511 = arith.minimumf %min3A_2498, %max3A_2510 : vector<16xf32>
      %max3A_2512 = arith.maximumf %min3A_2498, %max3A_2510 : vector<16xf32>
      %get3A_2513 = arith.constant 4 : i32
      %get3A_2514 = arith.index_cast %get3A_2513 : i32 to index
      %get3A_2515 = arith.constant 0 : index
      %get3A_2516 = tpu.vector_load %arg11[%get3A_2514, %get3A_2515] {strides = array<i32>} : memref<8x32xf32, #tpu.memory_space<vmem>>, vector<1x16xf32>,
      %get3A_2517 = vector.shape_cast %get3A_2516 : vector<1x16xf32> to vector<16xf32>
      %min3A_2518 = arith.minimumf %min3A_2370, %get3A_2517 : vector<16xf32>
      %max3A_2519 = arith.maximumf %min3A_2370, %get3A_2517 : vector<16xf32>
      %min3A_2520 = arith.minimumf %min3A_2372, %max3A_2519 : vector<16xf32>
      %max3A_2521 = arith.maximumf %min3A_2372, %max3A_2519 : vector<16xf32>
      %min3A_2522 = arith.minimumf %min3A_2374, %max3A_2521 : vector<16xf32>
      %max3A_2523 = arith.maximumf %min3A_2374, %max3A_2521 : vector<16xf32>
      %get3A_2524 = arith.constant 5 : i32
      %get3A_2525 = arith.index_cast %get3A_2524 : i32 to index
      %get3A_2526 = arith.constant 0 : index
      %get3A_2527 = tpu.vector_load %arg11[%get3A_2525, %get3A_2526] {strides = array<i32>} : memref<8x32xf32, #tpu.memory_space<vmem>>, vector<1x16xf32>,
      %get3A_2528 = vector.shape_cast %get3A_2527 : vector<1x16xf32> to vector<16xf32>
      %min3A_2529 = arith.minimumf %min3A_2518, %get3A_2528 : vector<16xf32>
      %max3A_2530 = arith.maximumf %min3A_2518, %get3A_2528 : vector<16xf32>
      %min3A_2531 = arith.minimumf %min3A_2520, %max3A_2530 : vector<16xf32>
      %max3A_2532 = arith.maximumf %min3A_2520, %max3A_2530 : vector<16xf32>
      %min3A_2533 = arith.minimumf %min3A_2522, %max3A_2532 : vector<16xf32>
      %max3A_2534 = arith.maximumf %min3A_2522, %max3A_2532 : vector<16xf32>
      %get3A_2535 = arith.constant 6 : i32
      %get3A_2536 = arith.index_cast %get3A_2535 : i32 to index
      %get3A_2537 = arith.constant 0 : index
      %get3A_2538 = tpu.vector_load %arg11[%get3A_2536, %get3A_2537] {strides = array<i32>} : memref<8x32xf32, #tpu.memory_space<vmem>>, vector<1x16xf32>,
      %get3A_2539 = vector.shape_cast %get3A_2538 : vector<1x16xf32> to vector<16xf32>
      %min3A_2540 = arith.minimumf %min3A_2529, %get3A_2539 : vector<16xf32>
      %max3A_2541 = arith.maximumf %min3A_2529, %get3A_2539 : vector<16xf32>
      %min3A_2542 = arith.minimumf %min3A_2531, %max3A_2541 : vector<16xf32>
      %max3A_2543 = arith.maximumf %min3A_2531, %max3A_2541 : vector<16xf32>
      %min3A_2544 = arith.minimumf %min3A_2533, %max3A_2543 : vector<16xf32>
      %max3A_2545 = arith.maximumf %min3A_2533, %max3A_2543 : vector<16xf32>
      %get3A_2546 = arith.constant 0 : i32
      %get3A_2547 = arith.index_cast %get3A_2546 : i32 to index
      %get3A_2548 = arith.constant 16 : index
      %get3A_2549 = tpu.vector_load %arg11[%get3A_2547, %get3A_2548] {strides = array<i32>} : memref<8x32xf32, #tpu.memory_space<vmem>>, vector<1x16xf32>,
      %get3A_2550 = vector.shape_cast %get3A_2549 : vector<1x16xf32> to vector<16xf32>
      %min3A_2551 = arith.minimumf %min3A_2420, %get3A_2550 : vector<16xf32>
      %max3A_2552 = arith.maximumf %min3A_2420, %get3A_2550 : vector<16xf32>
      %min3A_2553 = arith.minimumf %min3A_2422, %max3A_2552 : vector<16xf32>
      %max3A_2554 = arith.maximumf %min3A_2422, %max3A_2552 : vector<16xf32>
      %min3A_2555 = arith.minimumf %min3A_2424, %max3A_2554 : vector<16xf32>
      %max3A_2556 = arith.maximumf %min3A_2424, %max3A_2554 : vector<16xf32>
      %min3A_2557 = arith.minimumf %min3A_2426, %max3A_2556 : vector<16xf32>
      %max3A_2558 = arith.maximumf %min3A_2426, %max3A_2556 : vector<16xf32>
      %get3A_2559 = arith.constant 1 : i32
      %get3A_2560 = arith.index_cast %get3A_2559 : i32 to index
      %get3A_2561 = arith.constant 16 : index
      %get3A_2562 = tpu.vector_load %arg11[%get3A_2560, %get3A_2561] {strides = array<i32>} : memref<8x32xf32, #tpu.memory_space<vmem>>, vector<1x16xf32>,
      %get3A_2563 = vector.shape_cast %get3A_2562 : vector<1x16xf32> to vector<16xf32>
      %min3A_2564 = arith.minimumf %min3A_2551, %get3A_2563 : vector<16xf32>
      %max3A_2565 = arith.maximumf %min3A_2551, %get3A_2563 : vector<16xf32>
      %min3A_2566 = arith.minimumf %min3A_2553, %max3A_2565 : vector<16xf32>
      %max3A_2567 = arith.maximumf %min3A_2553, %max3A_2565 : vector<16xf32>
      %min3A_2568 = arith.minimumf %min3A_2555, %max3A_2567 : vector<16xf32>
      %max3A_2569 = arith.maximumf %min3A_2555, %max3A_2567 : vector<16xf32>
      %min3A_2570 = arith.minimumf %min3A_2557, %max3A_2569 : vector<16xf32>
      %max3A_2571 = arith.maximumf %min3A_2557, %max3A_2569 : vector<16xf32>
      %get3A_2572 = arith.constant 2 : i32
      %get3A_2573 = arith.index_cast %get3A_2572 : i32 to index
      %get3A_2574 = arith.constant 16 : index
      %get3A_2575 = tpu.vector_load %arg11[%get3A_2573, %get3A_2574] {strides = array<i32>} : memref<8x32xf32, #tpu.memory_space<vmem>>, vector<1x16xf32>,
      %get3A_2576 = vector.shape_cast %get3A_2575 : vector<1x16xf32> to vector<16xf32>
      %min3A_2577 = arith.minimumf %min3A_2564, %get3A_2576 : vector<16xf32>
      %max3A_2578 = arith.maximumf %min3A_2564, %get3A_2576 : vector<16xf32>
      %min3A_2579 = arith.minimumf %min3A_2566, %max3A_2578 : vector<16xf32>
      %max3A_2580 = arith.maximumf %min3A_2566, %max3A_2578 : vector<16xf32>
      %min3A_2581 = arith.minimumf %min3A_2568, %max3A_2580 : vector<16xf32>
      %max3A_2582 = arith.maximumf %min3A_2568, %max3A_2580 : vector<16xf32>
      %min3A_2583 = arith.minimumf %min3A_2570, %max3A_2582 : vector<16xf32>
      %max3A_2584 = arith.maximumf %min3A_2570, %max3A_2582 : vector<16xf32>
      %get3A_2585 = arith.constant 3 : i32
      %get3A_2586 = arith.index_cast %get3A_2585 : i32 to index
      %get3A_2587 = arith.constant 16 : index
      %get3A_2588 = tpu.vector_load %arg11[%get3A_2586, %get3A_2587] {strides = array<i32>} : memref<8x32xf32, #tpu.memory_space<vmem>>, vector<1x16xf32>,
      %get3A_2589 = vector.shape_cast %get3A_2588 : vector<1x16xf32> to vector<16xf32>
      %min3A_2590 = arith.minimumf %min3A_2577, %get3A_2589 : vector<16xf32>
      %max3A_2591 = arith.maximumf %min3A_2577, %get3A_2589 : vector<16xf32>
      %min3A_2592 = arith.minimumf %min3A_2579, %max3A_2591 : vector<16xf32>
      %max3A_2593 = arith.maximumf %min3A_2579, %max3A_2591 : vector<16xf32>
      %min3A_2594 = arith.minimumf %min3A_2581, %max3A_2593 : vector<16xf32>
      %max3A_2595 = arith.maximumf %min3A_2581, %max3A_2593 : vector<16xf32>
      %min3A_2596 = arith.minimumf %min3A_2583, %max3A_2595 : vector<16xf32>
      %max3A_2597 = arith.maximumf %min3A_2583, %max3A_2595 : vector<16xf32>
      %get3A_2598 = arith.constant 4 : i32
      %get3A_2599 = arith.index_cast %get3A_2598 : i32 to index
      %get3A_2600 = arith.constant 16 : index
      %get3A_2601 = tpu.vector_load %arg11[%get3A_2599, %get3A_2600] {strides = array<i32>} : memref<8x32xf32, #tpu.memory_space<vmem>>, vector<1x16xf32>,
      %get3A_2602 = vector.shape_cast %get3A_2601 : vector<1x16xf32> to vector<16xf32>
      %min3A_2603 = arith.minimumf %min3A_2455, %get3A_2602 : vector<16xf32>
      %max3A_2604 = arith.maximumf %min3A_2455, %get3A_2602 : vector<16xf32>
      %min3A_2605 = arith.minimumf %min3A_2457, %max3A_2604 : vector<16xf32>
      %max3A_2606 = arith.maximumf %min3A_2457, %max3A_2604 : vector<16xf32>
      %min3A_2607 = arith.minimumf %min3A_2459, %max3A_2606 : vector<16xf32>
      %max3A_2608 = arith.maximumf %min3A_2459, %max3A_2606 : vector<16xf32>
      %get3A_2609 = arith.constant 5 : i32
      %get3A_2610 = arith.index_cast %get3A_2609 : i32 to index
      %get3A_2611 = arith.constant 16 : index
      %get3A_2612 = tpu.vector_load %arg11[%get3A_2610, %get3A_2611] {strides = array<i32>} : memref<8x32xf32, #tpu.memory_space<vmem>>, vector<1x16xf32>,
      %get3A_2613 = vector.shape_cast %get3A_2612 : vector<1x16xf32> to vector<16xf32>
      %min3A_2614 = arith.minimumf %min3A_2603, %get3A_2613 : vector<16xf32>
      %max3A_2615 = arith.maximumf %min3A_2603, %get3A_2613 : vector<16xf32>
      %min3A_2616 = arith.minimumf %min3A_2605, %max3A_2615 : vector<16xf32>
      %max3A_2617 = arith.maximumf %min3A_2605, %max3A_2615 : vector<16xf32>
      %min3A_2618 = arith.minimumf %min3A_2607, %max3A_2617 : vector<16xf32>
      %max3A_2619 = arith.maximumf %min3A_2607, %max3A_2617 : vector<16xf32>
      %get3A_2620 = arith.constant 6 : i32
      %get3A_2621 = arith.index_cast %get3A_2620 : i32 to index
      %get3A_2622 = arith.constant 16 : index
      %get3A_2623 = tpu.vector_load %arg11[%get3A_2621, %get3A_2622] {strides = array<i32>} : memref<8x32xf32, #tpu.memory_space<vmem>>, vector<1x16xf32>,
      %get3A_2624 = vector.shape_cast %get3A_2623 : vector<1x16xf32> to vector<16xf32>
      %min3A_2625 = arith.minimumf %min3A_2614, %get3A_2624 : vector<16xf32>
      %max3A_2626 = arith.maximumf %min3A_2614, %get3A_2624 : vector<16xf32>
      %min3A_2627 = arith.minimumf %min3A_2616, %max3A_2626 : vector<16xf32>
      %max3A_2628 = arith.maximumf %min3A_2616, %max3A_2626 : vector<16xf32>
      %min3A_2629 = arith.minimumf %min3A_2618, %max3A_2628 : vector<16xf32>
      %max3A_2630 = arith.maximumf %min3A_2618, %max3A_2628 : vector<16xf32>
      "tpu.region"() ({
        %run_scoped3A = tpu.sem_alloc : memref<!tpu.dma_semaphore, #tpu.memory_space<semaphore_mem>>
        %dma_start3A = arith.constant 104 : i32
        %dma_start3A_3237 = arith.constant 0 : i32
        %dma_start3A_3238 = tpu.memref_slice %arg14[%dma_start3A, %dma_start3A_3237] : memref<128x32xf32, #tpu.memory_space<vmem_shared>> -> memref<8x32xf32, #tpu.memory_space<vmem_shared>>
        %dma_start3A_3239 = arith.constant 104 : i32
        %dma_start3A_3240 = arith.constant 0 : i32
        %dma_start3A_3241 = tpu.memref_slice %arg14[%dma_start3A_3239, %dma_start3A_3240] : memref<128x32xf32, #tpu.memory_space<vmem_shared>> -> memref<8x32xf32, #tpu.memory_space<vmem_shared>>
        tpu.enqueue_dma source(%dma_start3A_3241 : memref<8x32xf32, #tpu.memory_space<vmem_shared>>) target(%arg11 : memref<8x32xf32, #tpu.memory_space<vmem>>) target_semaphore(%run_scoped3A : memref<!tpu.dma_semaphore, #tpu.memory_space<semaphore_mem>>)
        %dma_wait3A = arith.constant 104 : i32
        %dma_wait3A_3242 = arith.constant 0 : i32
        %dma_wait3A_3243 = tpu.memref_slice %arg14[%dma_wait3A, %dma_wait3A_3242] : memref<128x32xf32, #tpu.memory_space<vmem_shared>> -> memref<8x32xf32, #tpu.memory_space<vmem_shared>>
        %dma_wait3A_3244 = arith.constant 104 : i32
        %dma_wait3A_3245 = arith.constant 0 : i32
        %dma_wait3A_3246 = tpu.memref_slice %arg14[%dma_wait3A_3244, %dma_wait3A_3245] : memref<128x32xf32, #tpu.memory_space<vmem_shared>> -> memref<8x32xf32, #tpu.memory_space<vmem_shared>>
        tpu.wait_dma2 semaphore(%run_scoped3A : memref<!tpu.dma_semaphore, #tpu.memory_space<semaphore_mem>>) src(%dma_wait3A_3246 : memref<8x32xf32, #tpu.memory_space<vmem_shared>>) dst(%arg11 : memref<8x32xf32, #tpu.memory_space<vmem>>)
        tpu.yield
      }) : () -> ()
      %get3A_2631 = arith.constant 0 : i32
      %get3A_2632 = arith.index_cast %get3A_2631 : i32 to index
      %get3A_2633 = arith.constant 0 : index
      %get3A_2634 = tpu.vector_load %arg11[%get3A_2632, %get3A_2633] {strides = array<i32>} : memref<8x32xf32, #tpu.memory_space<vmem>>, vector<1x16xf32>,
      %get3A_2635 = vector.shape_cast %get3A_2634 : vector<1x16xf32> to vector<16xf32>
      %min3A_2636 = arith.minimumf %min3A_2505, %get3A_2635 : vector<16xf32>
      %max3A_2637 = arith.maximumf %min3A_2505, %get3A_2635 : vector<16xf32>
      %min3A_2638 = arith.minimumf %min3A_2507, %max3A_2637 : vector<16xf32>
      %max3A_2639 = arith.maximumf %min3A_2507, %max3A_2637 : vector<16xf32>
      %min3A_2640 = arith.minimumf %min3A_2509, %max3A_2639 : vector<16xf32>
      %max3A_2641 = arith.maximumf %min3A_2509, %max3A_2639 : vector<16xf32>
      %min3A_2642 = arith.minimumf %min3A_2511, %max3A_2641 : vector<16xf32>
      %max3A_2643 = arith.maximumf %min3A_2511, %max3A_2641 : vector<16xf32>
      %get3A_2644 = arith.constant 1 : i32
      %get3A_2645 = arith.index_cast %get3A_2644 : i32 to index
      %get3A_2646 = arith.constant 0 : index
      %get3A_2647 = tpu.vector_load %arg11[%get3A_2645, %get3A_2646] {strides = array<i32>} : memref<8x32xf32, #tpu.memory_space<vmem>>, vector<1x16xf32>,
      %get3A_2648 = vector.shape_cast %get3A_2647 : vector<1x16xf32> to vector<16xf32>
      %min3A_2649 = arith.minimumf %min3A_2636, %get3A_2648 : vector<16xf32>
      %max3A_2650 = arith.maximumf %min3A_2636, %get3A_2648 : vector<16xf32>
      %min3A_2651 = arith.minimumf %min3A_2638, %max3A_2650 : vector<16xf32>
      %max3A_2652 = arith.maximumf %min3A_2638, %max3A_2650 : vector<16xf32>
      %min3A_2653 = arith.minimumf %min3A_2640, %max3A_2652 : vector<16xf32>
      %max3A_2654 = arith.maximumf %min3A_2640, %max3A_2652 : vector<16xf32>
      %min3A_2655 = arith.minimumf %min3A_2642, %max3A_2654 : vector<16xf32>
      %max3A_2656 = arith.maximumf %min3A_2642, %max3A_2654 : vector<16xf32>
      %get3A_2657 = arith.constant 2 : i32
      %get3A_2658 = arith.index_cast %get3A_2657 : i32 to index
      %get3A_2659 = arith.constant 0 : index
      %get3A_2660 = tpu.vector_load %arg11[%get3A_2658, %get3A_2659] {strides = array<i32>} : memref<8x32xf32, #tpu.memory_space<vmem>>, vector<1x16xf32>,
      %get3A_2661 = vector.shape_cast %get3A_2660 : vector<1x16xf32> to vector<16xf32>
      %min3A_2662 = arith.minimumf %min3A_2649, %get3A_2661 : vector<16xf32>
      %max3A_2663 = arith.maximumf %min3A_2649, %get3A_2661 : vector<16xf32>
      %min3A_2664 = arith.minimumf %min3A_2651, %max3A_2663 : vector<16xf32>
      %max3A_2665 = arith.maximumf %min3A_2651, %max3A_2663 : vector<16xf32>
      %min3A_2666 = arith.minimumf %min3A_2653, %max3A_2665 : vector<16xf32>
      %max3A_2667 = arith.maximumf %min3A_2653, %max3A_2665 : vector<16xf32>
      %min3A_2668 = arith.minimumf %min3A_2655, %max3A_2667 : vector<16xf32>
      %max3A_2669 = arith.maximumf %min3A_2655, %max3A_2667 : vector<16xf32>
      %get3A_2670 = arith.constant 3 : i32
      %get3A_2671 = arith.index_cast %get3A_2670 : i32 to index
      %get3A_2672 = arith.constant 0 : index
      %get3A_2673 = tpu.vector_load %arg11[%get3A_2671, %get3A_2672] {strides = array<i32>} : memref<8x32xf32, #tpu.memory_space<vmem>>, vector<1x16xf32>,
      %get3A_2674 = vector.shape_cast %get3A_2673 : vector<1x16xf32> to vector<16xf32>
      %min3A_2675 = arith.minimumf %min3A_2662, %get3A_2674 : vector<16xf32>
      %max3A_2676 = arith.maximumf %min3A_2662, %get3A_2674 : vector<16xf32>
      %min3A_2677 = arith.minimumf %min3A_2664, %max3A_2676 : vector<16xf32>
      %max3A_2678 = arith.maximumf %min3A_2664, %max3A_2676 : vector<16xf32>
      %min3A_2679 = arith.minimumf %min3A_2666, %max3A_2678 : vector<16xf32>
      %max3A_2680 = arith.maximumf %min3A_2666, %max3A_2678 : vector<16xf32>
      %min3A_2681 = arith.minimumf %min3A_2668, %max3A_2680 : vector<16xf32>
      %max3A_2682 = arith.maximumf %min3A_2668, %max3A_2680 : vector<16xf32>
      %get3A_2683 = arith.constant 4 : i32
      %get3A_2684 = arith.index_cast %get3A_2683 : i32 to index
      %get3A_2685 = arith.constant 0 : index
      %get3A_2686 = tpu.vector_load %arg11[%get3A_2684, %get3A_2685] {strides = array<i32>} : memref<8x32xf32, #tpu.memory_space<vmem>>, vector<1x16xf32>,
      %get3A_2687 = vector.shape_cast %get3A_2686 : vector<1x16xf32> to vector<16xf32>
      %min3A_2688 = arith.minimumf %min3A_2540, %get3A_2687 : vector<16xf32>
      %max3A_2689 = arith.maximumf %min3A_2540, %get3A_2687 : vector<16xf32>
      %min3A_2690 = arith.minimumf %min3A_2542, %max3A_2689 : vector<16xf32>
      %max3A_2691 = arith.maximumf %min3A_2542, %max3A_2689 : vector<16xf32>
      %min3A_2692 = arith.minimumf %min3A_2544, %max3A_2691 : vector<16xf32>
      %max3A_2693 = arith.maximumf %min3A_2544, %max3A_2691 : vector<16xf32>
      %get3A_2694 = arith.constant 5 : i32
      %get3A_2695 = arith.index_cast %get3A_2694 : i32 to index
      %get3A_2696 = arith.constant 0 : index
      %get3A_2697 = tpu.vector_load %arg11[%get3A_2695, %get3A_2696] {strides = array<i32>} : memref<8x32xf32, #tpu.memory_space<vmem>>, vector<1x16xf32>,
      %get3A_2698 = vector.shape_cast %get3A_2697 : vector<1x16xf32> to vector<16xf32>
      %min3A_2699 = arith.minimumf %min3A_2688, %get3A_2698 : vector<16xf32>
      %max3A_2700 = arith.maximumf %min3A_2688, %get3A_2698 : vector<16xf32>
      %min3A_2701 = arith.minimumf %min3A_2690, %max3A_2700 : vector<16xf32>
      %max3A_2702 = arith.maximumf %min3A_2690, %max3A_2700 : vector<16xf32>
      %min3A_2703 = arith.minimumf %min3A_2692, %max3A_2702 : vector<16xf32>
      %max3A_2704 = arith.maximumf %min3A_2692, %max3A_2702 : vector<16xf32>
      %get3A_2705 = arith.constant 6 : i32
      %get3A_2706 = arith.index_cast %get3A_2705 : i32 to index
      %get3A_2707 = arith.constant 0 : index
      %get3A_2708 = tpu.vector_load %arg11[%get3A_2706, %get3A_2707] {strides = array<i32>} : memref<8x32xf32, #tpu.memory_space<vmem>>, vector<1x16xf32>,
      %get3A_2709 = vector.shape_cast %get3A_2708 : vector<1x16xf32> to vector<16xf32>
      %min3A_2710 = arith.minimumf %min3A_2699, %get3A_2709 : vector<16xf32>
      %max3A_2711 = arith.maximumf %min3A_2699, %get3A_2709 : vector<16xf32>
      %min3A_2712 = arith.minimumf %min3A_2701, %max3A_2711 : vector<16xf32>
      %max3A_2713 = arith.maximumf %min3A_2701, %max3A_2711 : vector<16xf32>
      %min3A_2714 = arith.minimumf %min3A_2703, %max3A_2713 : vector<16xf32>
      %max3A_2715 = arith.maximumf %min3A_2703, %max3A_2713 : vector<16xf32>
      %get3A_2716 = arith.constant 0 : i32
      %get3A_2717 = arith.index_cast %get3A_2716 : i32 to index
      %get3A_2718 = arith.constant 16 : index
      %get3A_2719 = tpu.vector_load %arg11[%get3A_2717, %get3A_2718] {strides = array<i32>} : memref<8x32xf32, #tpu.memory_space<vmem>>, vector<1x16xf32>,
      %get3A_2720 = vector.shape_cast %get3A_2719 : vector<1x16xf32> to vector<16xf32>
      %min3A_2721 = arith.minimumf %min3A_2590, %get3A_2720 : vector<16xf32>
      %max3A_2722 = arith.maximumf %min3A_2590, %get3A_2720 : vector<16xf32>
      %min3A_2723 = arith.minimumf %min3A_2592, %max3A_2722 : vector<16xf32>
      %max3A_2724 = arith.maximumf %min3A_2592, %max3A_2722 : vector<16xf32>
      %min3A_2725 = arith.minimumf %min3A_2594, %max3A_2724 : vector<16xf32>
      %max3A_2726 = arith.maximumf %min3A_2594, %max3A_2724 : vector<16xf32>
      %min3A_2727 = arith.minimumf %min3A_2596, %max3A_2726 : vector<16xf32>
      %max3A_2728 = arith.maximumf %min3A_2596, %max3A_2726 : vector<16xf32>
      %get3A_2729 = arith.constant 1 : i32
      %get3A_2730 = arith.index_cast %get3A_2729 : i32 to index
      %get3A_2731 = arith.constant 16 : index
      %get3A_2732 = tpu.vector_load %arg11[%get3A_2730, %get3A_2731] {strides = array<i32>} : memref<8x32xf32, #tpu.memory_space<vmem>>, vector<1x16xf32>,
      %get3A_2733 = vector.shape_cast %get3A_2732 : vector<1x16xf32> to vector<16xf32>
      %min3A_2734 = arith.minimumf %min3A_2721, %get3A_2733 : vector<16xf32>
      %max3A_2735 = arith.maximumf %min3A_2721, %get3A_2733 : vector<16xf32>
      %min3A_2736 = arith.minimumf %min3A_2723, %max3A_2735 : vector<16xf32>
      %max3A_2737 = arith.maximumf %min3A_2723, %max3A_2735 : vector<16xf32>
      %min3A_2738 = arith.minimumf %min3A_2725, %max3A_2737 : vector<16xf32>
      %max3A_2739 = arith.maximumf %min3A_2725, %max3A_2737 : vector<16xf32>
      %min3A_2740 = arith.minimumf %min3A_2727, %max3A_2739 : vector<16xf32>
      %max3A_2741 = arith.maximumf %min3A_2727, %max3A_2739 : vector<16xf32>
      %get3A_2742 = arith.constant 2 : i32
      %get3A_2743 = arith.index_cast %get3A_2742 : i32 to index
      %get3A_2744 = arith.constant 16 : index
      %get3A_2745 = tpu.vector_load %arg11[%get3A_2743, %get3A_2744] {strides = array<i32>} : memref<8x32xf32, #tpu.memory_space<vmem>>, vector<1x16xf32>,
      %get3A_2746 = vector.shape_cast %get3A_2745 : vector<1x16xf32> to vector<16xf32>
      %min3A_2747 = arith.minimumf %min3A_2734, %get3A_2746 : vector<16xf32>
      %max3A_2748 = arith.maximumf %min3A_2734, %get3A_2746 : vector<16xf32>
      %min3A_2749 = arith.minimumf %min3A_2736, %max3A_2748 : vector<16xf32>
      %max3A_2750 = arith.maximumf %min3A_2736, %max3A_2748 : vector<16xf32>
      %min3A_2751 = arith.minimumf %min3A_2738, %max3A_2750 : vector<16xf32>
      %max3A_2752 = arith.maximumf %min3A_2738, %max3A_2750 : vector<16xf32>
      %min3A_2753 = arith.minimumf %min3A_2740, %max3A_2752 : vector<16xf32>
      %max3A_2754 = arith.maximumf %min3A_2740, %max3A_2752 : vector<16xf32>
      %get3A_2755 = arith.constant 3 : i32
      %get3A_2756 = arith.index_cast %get3A_2755 : i32 to index
      %get3A_2757 = arith.constant 16 : index
      %get3A_2758 = tpu.vector_load %arg11[%get3A_2756, %get3A_2757] {strides = array<i32>} : memref<8x32xf32, #tpu.memory_space<vmem>>, vector<1x16xf32>,
      %get3A_2759 = vector.shape_cast %get3A_2758 : vector<1x16xf32> to vector<16xf32>
      %min3A_2760 = arith.minimumf %min3A_2747, %get3A_2759 : vector<16xf32>
      %max3A_2761 = arith.maximumf %min3A_2747, %get3A_2759 : vector<16xf32>
      %min3A_2762 = arith.minimumf %min3A_2749, %max3A_2761 : vector<16xf32>
      %max3A_2763 = arith.maximumf %min3A_2749, %max3A_2761 : vector<16xf32>
      %min3A_2764 = arith.minimumf %min3A_2751, %max3A_2763 : vector<16xf32>
      %max3A_2765 = arith.maximumf %min3A_2751, %max3A_2763 : vector<16xf32>
      %min3A_2766 = arith.minimumf %min3A_2753, %max3A_2765 : vector<16xf32>
      %max3A_2767 = arith.maximumf %min3A_2753, %max3A_2765 : vector<16xf32>
      %get3A_2768 = arith.constant 4 : i32
      %get3A_2769 = arith.index_cast %get3A_2768 : i32 to index
      %get3A_2770 = arith.constant 16 : index
      %get3A_2771 = tpu.vector_load %arg11[%get3A_2769, %get3A_2770] {strides = array<i32>} : memref<8x32xf32, #tpu.memory_space<vmem>>, vector<1x16xf32>,
      %get3A_2772 = vector.shape_cast %get3A_2771 : vector<1x16xf32> to vector<16xf32>
      %min3A_2773 = arith.minimumf %min3A_2625, %get3A_2772 : vector<16xf32>
      %max3A_2774 = arith.maximumf %min3A_2625, %get3A_2772 : vector<16xf32>
      %min3A_2775 = arith.minimumf %min3A_2627, %max3A_2774 : vector<16xf32>
      %max3A_2776 = arith.maximumf %min3A_2627, %max3A_2774 : vector<16xf32>
      %min3A_2777 = arith.minimumf %min3A_2629, %max3A_2776 : vector<16xf32>
      %max3A_2778 = arith.maximumf %min3A_2629, %max3A_2776 : vector<16xf32>
      %get3A_2779 = arith.constant 5 : i32
      %get3A_2780 = arith.index_cast %get3A_2779 : i32 to index
      %get3A_2781 = arith.constant 16 : index
      %get3A_2782 = tpu.vector_load %arg11[%get3A_2780, %get3A_2781] {strides = array<i32>} : memref<8x32xf32, #tpu.memory_space<vmem>>, vector<1x16xf32>,
      %get3A_2783 = vector.shape_cast %get3A_2782 : vector<1x16xf32> to vector<16xf32>
      %min3A_2784 = arith.minimumf %min3A_2773, %get3A_2783 : vector<16xf32>
      %max3A_2785 = arith.maximumf %min3A_2773, %get3A_2783 : vector<16xf32>
      %min3A_2786 = arith.minimumf %min3A_2775, %max3A_2785 : vector<16xf32>
      %max3A_2787 = arith.maximumf %min3A_2775, %max3A_2785 : vector<16xf32>
      %min3A_2788 = arith.minimumf %min3A_2777, %max3A_2787 : vector<16xf32>
      %max3A_2789 = arith.maximumf %min3A_2777, %max3A_2787 : vector<16xf32>
      %get3A_2790 = arith.constant 6 : i32
      %get3A_2791 = arith.index_cast %get3A_2790 : i32 to index
      %get3A_2792 = arith.constant 16 : index
      %get3A_2793 = tpu.vector_load %arg11[%get3A_2791, %get3A_2792] {strides = array<i32>} : memref<8x32xf32, #tpu.memory_space<vmem>>, vector<1x16xf32>,
      %get3A_2794 = vector.shape_cast %get3A_2793 : vector<1x16xf32> to vector<16xf32>
      %min3A_2795 = arith.minimumf %min3A_2784, %get3A_2794 : vector<16xf32>
      %max3A_2796 = arith.maximumf %min3A_2784, %get3A_2794 : vector<16xf32>
      %min3A_2797 = arith.minimumf %min3A_2786, %max3A_2796 : vector<16xf32>
      %max3A_2798 = arith.maximumf %min3A_2786, %max3A_2796 : vector<16xf32>
      %min3A_2799 = arith.minimumf %min3A_2788, %max3A_2798 : vector<16xf32>
      %max3A_2800 = arith.maximumf %min3A_2788, %max3A_2798 : vector<16xf32>
      "tpu.region"() ({
        %run_scoped3A = tpu.sem_alloc : memref<!tpu.dma_semaphore, #tpu.memory_space<semaphore_mem>>
        %dma_start3A = arith.constant 112 : i32
        %dma_start3A_3237 = arith.constant 0 : i32
        %dma_start3A_3238 = tpu.memref_slice %arg14[%dma_start3A, %dma_start3A_3237] : memref<128x32xf32, #tpu.memory_space<vmem_shared>> -> memref<8x32xf32, #tpu.memory_space<vmem_shared>>
        %dma_start3A_3239 = arith.constant 112 : i32
        %dma_start3A_3240 = arith.constant 0 : i32
        %dma_start3A_3241 = tpu.memref_slice %arg14[%dma_start3A_3239, %dma_start3A_3240] : memref<128x32xf32, #tpu.memory_space<vmem_shared>> -> memref<8x32xf32, #tpu.memory_space<vmem_shared>>
        tpu.enqueue_dma source(%dma_start3A_3241 : memref<8x32xf32, #tpu.memory_space<vmem_shared>>) target(%arg11 : memref<8x32xf32, #tpu.memory_space<vmem>>) target_semaphore(%run_scoped3A : memref<!tpu.dma_semaphore, #tpu.memory_space<semaphore_mem>>)
        %dma_wait3A = arith.constant 112 : i32
        %dma_wait3A_3242 = arith.constant 0 : i32
        %dma_wait3A_3243 = tpu.memref_slice %arg14[%dma_wait3A, %dma_wait3A_3242] : memref<128x32xf32, #tpu.memory_space<vmem_shared>> -> memref<8x32xf32, #tpu.memory_space<vmem_shared>>
        %dma_wait3A_3244 = arith.constant 112 : i32
        %dma_wait3A_3245 = arith.constant 0 : i32
        %dma_wait3A_3246 = tpu.memref_slice %arg14[%dma_wait3A_3244, %dma_wait3A_3245] : memref<128x32xf32, #tpu.memory_space<vmem_shared>> -> memref<8x32xf32, #tpu.memory_space<vmem_shared>>
        tpu.wait_dma2 semaphore(%run_scoped3A : memref<!tpu.dma_semaphore, #tpu.memory_space<semaphore_mem>>) src(%dma_wait3A_3246 : memref<8x32xf32, #tpu.memory_space<vmem_shared>>) dst(%arg11 : memref<8x32xf32, #tpu.memory_space<vmem>>)
        tpu.yield
      }) : () -> ()
      %get3A_2801 = arith.constant 0 : i32
      %get3A_2802 = arith.index_cast %get3A_2801 : i32 to index
      %get3A_2803 = arith.constant 0 : index
      %get3A_2804 = tpu.vector_load %arg11[%get3A_2802, %get3A_2803] {strides = array<i32>} : memref<8x32xf32, #tpu.memory_space<vmem>>, vector<1x16xf32>,
      %get3A_2805 = vector.shape_cast %get3A_2804 : vector<1x16xf32> to vector<16xf32>
      %min3A_2806 = arith.minimumf %min3A_2675, %get3A_2805 : vector<16xf32>
      %max3A_2807 = arith.maximumf %min3A_2675, %get3A_2805 : vector<16xf32>
      %min3A_2808 = arith.minimumf %min3A_2677, %max3A_2807 : vector<16xf32>
      %max3A_2809 = arith.maximumf %min3A_2677, %max3A_2807 : vector<16xf32>
      %min3A_2810 = arith.minimumf %min3A_2679, %max3A_2809 : vector<16xf32>
      %max3A_2811 = arith.maximumf %min3A_2679, %max3A_2809 : vector<16xf32>
      %min3A_2812 = arith.minimumf %min3A_2681, %max3A_2811 : vector<16xf32>
      %max3A_2813 = arith.maximumf %min3A_2681, %max3A_2811 : vector<16xf32>
      %get3A_2814 = arith.constant 1 : i32
      %get3A_2815 = arith.index_cast %get3A_2814 : i32 to index
      %get3A_2816 = arith.constant 0 : index
      %get3A_2817 = tpu.vector_load %arg11[%get3A_2815, %get3A_2816] {strides = array<i32>} : memref<8x32xf32, #tpu.memory_space<vmem>>, vector<1x16xf32>,
      %get3A_2818 = vector.shape_cast %get3A_2817 : vector<1x16xf32> to vector<16xf32>
      %min3A_2819 = arith.minimumf %min3A_2806, %get3A_2818 : vector<16xf32>
      %max3A_2820 = arith.maximumf %min3A_2806, %get3A_2818 : vector<16xf32>
      %min3A_2821 = arith.minimumf %min3A_2808, %max3A_2820 : vector<16xf32>
      %max3A_2822 = arith.maximumf %min3A_2808, %max3A_2820 : vector<16xf32>
      %min3A_2823 = arith.minimumf %min3A_2810, %max3A_2822 : vector<16xf32>
      %max3A_2824 = arith.maximumf %min3A_2810, %max3A_2822 : vector<16xf32>
      %min3A_2825 = arith.minimumf %min3A_2812, %max3A_2824 : vector<16xf32>
      %max3A_2826 = arith.maximumf %min3A_2812, %max3A_2824 : vector<16xf32>
      %get3A_2827 = arith.constant 2 : i32
      %get3A_2828 = arith.index_cast %get3A_2827 : i32 to index
      %get3A_2829 = arith.constant 0 : index
      %get3A_2830 = tpu.vector_load %arg11[%get3A_2828, %get3A_2829] {strides = array<i32>} : memref<8x32xf32, #tpu.memory_space<vmem>>, vector<1x16xf32>,
      %get3A_2831 = vector.shape_cast %get3A_2830 : vector<1x16xf32> to vector<16xf32>
      %min3A_2832 = arith.minimumf %min3A_2819, %get3A_2831 : vector<16xf32>
      %max3A_2833 = arith.maximumf %min3A_2819, %get3A_2831 : vector<16xf32>
      %min3A_2834 = arith.minimumf %min3A_2821, %max3A_2833 : vector<16xf32>
      %max3A_2835 = arith.maximumf %min3A_2821, %max3A_2833 : vector<16xf32>
      %min3A_2836 = arith.minimumf %min3A_2823, %max3A_2835 : vector<16xf32>
      %max3A_2837 = arith.maximumf %min3A_2823, %max3A_2835 : vector<16xf32>
      %min3A_2838 = arith.minimumf %min3A_2825, %max3A_2837 : vector<16xf32>
      %max3A_2839 = arith.maximumf %min3A_2825, %max3A_2837 : vector<16xf32>
      %get3A_2840 = arith.constant 3 : i32
      %get3A_2841 = arith.index_cast %get3A_2840 : i32 to index
      %get3A_2842 = arith.constant 0 : index
      %get3A_2843 = tpu.vector_load %arg11[%get3A_2841, %get3A_2842] {strides = array<i32>} : memref<8x32xf32, #tpu.memory_space<vmem>>, vector<1x16xf32>,
      %get3A_2844 = vector.shape_cast %get3A_2843 : vector<1x16xf32> to vector<16xf32>
      %min3A_2845 = arith.minimumf %min3A_2832, %get3A_2844 : vector<16xf32>
      %max3A_2846 = arith.maximumf %min3A_2832, %get3A_2844 : vector<16xf32>
      %min3A_2847 = arith.minimumf %min3A_2834, %max3A_2846 : vector<16xf32>
      %max3A_2848 = arith.maximumf %min3A_2834, %max3A_2846 : vector<16xf32>
      %min3A_2849 = arith.minimumf %min3A_2836, %max3A_2848 : vector<16xf32>
      %max3A_2850 = arith.maximumf %min3A_2836, %max3A_2848 : vector<16xf32>
      %min3A_2851 = arith.minimumf %min3A_2838, %max3A_2850 : vector<16xf32>
      %max3A_2852 = arith.maximumf %min3A_2838, %max3A_2850 : vector<16xf32>
      %get3A_2853 = arith.constant 4 : i32
      %get3A_2854 = arith.index_cast %get3A_2853 : i32 to index
      %get3A_2855 = arith.constant 0 : index
      %get3A_2856 = tpu.vector_load %arg11[%get3A_2854, %get3A_2855] {strides = array<i32>} : memref<8x32xf32, #tpu.memory_space<vmem>>, vector<1x16xf32>,
      %get3A_2857 = vector.shape_cast %get3A_2856 : vector<1x16xf32> to vector<16xf32>
      %min3A_2858 = arith.minimumf %min3A_2710, %get3A_2857 : vector<16xf32>
      %max3A_2859 = arith.maximumf %min3A_2710, %get3A_2857 : vector<16xf32>
      %min3A_2860 = arith.minimumf %min3A_2712, %max3A_2859 : vector<16xf32>
      %max3A_2861 = arith.maximumf %min3A_2712, %max3A_2859 : vector<16xf32>
      %min3A_2862 = arith.minimumf %min3A_2714, %max3A_2861 : vector<16xf32>
      %max3A_2863 = arith.maximumf %min3A_2714, %max3A_2861 : vector<16xf32>
      %get3A_2864 = arith.constant 5 : i32
      %get3A_2865 = arith.index_cast %get3A_2864 : i32 to index
      %get3A_2866 = arith.constant 0 : index
      %get3A_2867 = tpu.vector_load %arg11[%get3A_2865, %get3A_2866] {strides = array<i32>} : memref<8x32xf32, #tpu.memory_space<vmem>>, vector<1x16xf32>,
      %get3A_2868 = vector.shape_cast %get3A_2867 : vector<1x16xf32> to vector<16xf32>
      %min3A_2869 = arith.minimumf %min3A_2858, %get3A_2868 : vector<16xf32>
      %max3A_2870 = arith.maximumf %min3A_2858, %get3A_2868 : vector<16xf32>
      %min3A_2871 = arith.minimumf %min3A_2860, %max3A_2870 : vector<16xf32>
      %max3A_2872 = arith.maximumf %min3A_2860, %max3A_2870 : vector<16xf32>
      %min3A_2873 = arith.minimumf %min3A_2862, %max3A_2872 : vector<16xf32>
      %max3A_2874 = arith.maximumf %min3A_2862, %max3A_2872 : vector<16xf32>
      %get3A_2875 = arith.constant 6 : i32
      %get3A_2876 = arith.index_cast %get3A_2875 : i32 to index
      %get3A_2877 = arith.constant 0 : index
      %get3A_2878 = tpu.vector_load %arg11[%get3A_2876, %get3A_2877] {strides = array<i32>} : memref<8x32xf32, #tpu.memory_space<vmem>>, vector<1x16xf32>,
      %get3A_2879 = vector.shape_cast %get3A_2878 : vector<1x16xf32> to vector<16xf32>
      %min3A_2880 = arith.minimumf %min3A_2869, %get3A_2879 : vector<16xf32>
      %max3A_2881 = arith.maximumf %min3A_2869, %get3A_2879 : vector<16xf32>
      %min3A_2882 = arith.minimumf %min3A_2871, %max3A_2881 : vector<16xf32>
      %max3A_2883 = arith.maximumf %min3A_2871, %max3A_2881 : vector<16xf32>
      %min3A_2884 = arith.minimumf %min3A_2873, %max3A_2883 : vector<16xf32>
      %max3A_2885 = arith.maximumf %min3A_2873, %max3A_2883 : vector<16xf32>
      %get3A_2886 = arith.constant 0 : i32
      %get3A_2887 = arith.index_cast %get3A_2886 : i32 to index
      %get3A_2888 = arith.constant 16 : index
      %get3A_2889 = tpu.vector_load %arg11[%get3A_2887, %get3A_2888] {strides = array<i32>} : memref<8x32xf32, #tpu.memory_space<vmem>>, vector<1x16xf32>,
      %get3A_2890 = vector.shape_cast %get3A_2889 : vector<1x16xf32> to vector<16xf32>
      %min3A_2891 = arith.minimumf %min3A_2760, %get3A_2890 : vector<16xf32>
      %max3A_2892 = arith.maximumf %min3A_2760, %get3A_2890 : vector<16xf32>
      %min3A_2893 = arith.minimumf %min3A_2762, %max3A_2892 : vector<16xf32>
      %max3A_2894 = arith.maximumf %min3A_2762, %max3A_2892 : vector<16xf32>
      %min3A_2895 = arith.minimumf %min3A_2764, %max3A_2894 : vector<16xf32>
      %max3A_2896 = arith.maximumf %min3A_2764, %max3A_2894 : vector<16xf32>
      %min3A_2897 = arith.minimumf %min3A_2766, %max3A_2896 : vector<16xf32>
      %max3A_2898 = arith.maximumf %min3A_2766, %max3A_2896 : vector<16xf32>
      %get3A_2899 = arith.constant 1 : i32
      %get3A_2900 = arith.index_cast %get3A_2899 : i32 to index
      %get3A_2901 = arith.constant 16 : index
      %get3A_2902 = tpu.vector_load %arg11[%get3A_2900, %get3A_2901] {strides = array<i32>} : memref<8x32xf32, #tpu.memory_space<vmem>>, vector<1x16xf32>,
      %get3A_2903 = vector.shape_cast %get3A_2902 : vector<1x16xf32> to vector<16xf32>
      %min3A_2904 = arith.minimumf %min3A_2891, %get3A_2903 : vector<16xf32>
      %max3A_2905 = arith.maximumf %min3A_2891, %get3A_2903 : vector<16xf32>
      %min3A_2906 = arith.minimumf %min3A_2893, %max3A_2905 : vector<16xf32>
      %max3A_2907 = arith.maximumf %min3A_2893, %max3A_2905 : vector<16xf32>
      %min3A_2908 = arith.minimumf %min3A_2895, %max3A_2907 : vector<16xf32>
      %max3A_2909 = arith.maximumf %min3A_2895, %max3A_2907 : vector<16xf32>
      %min3A_2910 = arith.minimumf %min3A_2897, %max3A_2909 : vector<16xf32>
      %max3A_2911 = arith.maximumf %min3A_2897, %max3A_2909 : vector<16xf32>
      %get3A_2912 = arith.constant 2 : i32
      %get3A_2913 = arith.index_cast %get3A_2912 : i32 to index
      %get3A_2914 = arith.constant 16 : index
      %get3A_2915 = tpu.vector_load %arg11[%get3A_2913, %get3A_2914] {strides = array<i32>} : memref<8x32xf32, #tpu.memory_space<vmem>>, vector<1x16xf32>,
      %get3A_2916 = vector.shape_cast %get3A_2915 : vector<1x16xf32> to vector<16xf32>
      %min3A_2917 = arith.minimumf %min3A_2904, %get3A_2916 : vector<16xf32>
      %max3A_2918 = arith.maximumf %min3A_2904, %get3A_2916 : vector<16xf32>
      %min3A_2919 = arith.minimumf %min3A_2906, %max3A_2918 : vector<16xf32>
      %max3A_2920 = arith.maximumf %min3A_2906, %max3A_2918 : vector<16xf32>
      %min3A_2921 = arith.minimumf %min3A_2908, %max3A_2920 : vector<16xf32>
      %max3A_2922 = arith.maximumf %min3A_2908, %max3A_2920 : vector<16xf32>
      %min3A_2923 = arith.minimumf %min3A_2910, %max3A_2922 : vector<16xf32>
      %max3A_2924 = arith.maximumf %min3A_2910, %max3A_2922 : vector<16xf32>
      %get3A_2925 = arith.constant 3 : i32
      %get3A_2926 = arith.index_cast %get3A_2925 : i32 to index
      %get3A_2927 = arith.constant 16 : index
      %get3A_2928 = tpu.vector_load %arg11[%get3A_2926, %get3A_2927] {strides = array<i32>} : memref<8x32xf32, #tpu.memory_space<vmem>>, vector<1x16xf32>,
      %get3A_2929 = vector.shape_cast %get3A_2928 : vector<1x16xf32> to vector<16xf32>
      %min3A_2930 = arith.minimumf %min3A_2917, %get3A_2929 : vector<16xf32>
      %max3A_2931 = arith.maximumf %min3A_2917, %get3A_2929 : vector<16xf32>
      %min3A_2932 = arith.minimumf %min3A_2919, %max3A_2931 : vector<16xf32>
      %max3A_2933 = arith.maximumf %min3A_2919, %max3A_2931 : vector<16xf32>
      %min3A_2934 = arith.minimumf %min3A_2921, %max3A_2933 : vector<16xf32>
      %max3A_2935 = arith.maximumf %min3A_2921, %max3A_2933 : vector<16xf32>
      %min3A_2936 = arith.minimumf %min3A_2923, %max3A_2935 : vector<16xf32>
      %max3A_2937 = arith.maximumf %min3A_2923, %max3A_2935 : vector<16xf32>
      %get3A_2938 = arith.constant 4 : i32
      %get3A_2939 = arith.index_cast %get3A_2938 : i32 to index
      %get3A_2940 = arith.constant 16 : index
      %get3A_2941 = tpu.vector_load %arg11[%get3A_2939, %get3A_2940] {strides = array<i32>} : memref<8x32xf32, #tpu.memory_space<vmem>>, vector<1x16xf32>,
      %get3A_2942 = vector.shape_cast %get3A_2941 : vector<1x16xf32> to vector<16xf32>
      %min3A_2943 = arith.minimumf %min3A_2795, %get3A_2942 : vector<16xf32>
      %max3A_2944 = arith.maximumf %min3A_2795, %get3A_2942 : vector<16xf32>
      %min3A_2945 = arith.minimumf %min3A_2797, %max3A_2944 : vector<16xf32>
      %max3A_2946 = arith.maximumf %min3A_2797, %max3A_2944 : vector<16xf32>
      %min3A_2947 = arith.minimumf %min3A_2799, %max3A_2946 : vector<16xf32>
      %max3A_2948 = arith.maximumf %min3A_2799, %max3A_2946 : vector<16xf32>
      %get3A_2949 = arith.constant 5 : i32
      %get3A_2950 = arith.index_cast %get3A_2949 : i32 to index
      %get3A_2951 = arith.constant 16 : index
      %get3A_2952 = tpu.vector_load %arg11[%get3A_2950, %get3A_2951] {strides = array<i32>} : memref<8x32xf32, #tpu.memory_space<vmem>>, vector<1x16xf32>,
      %get3A_2953 = vector.shape_cast %get3A_2952 : vector<1x16xf32> to vector<16xf32>
      %min3A_2954 = arith.minimumf %min3A_2943, %get3A_2953 : vector<16xf32>
      %max3A_2955 = arith.maximumf %min3A_2943, %get3A_2953 : vector<16xf32>
      %min3A_2956 = arith.minimumf %min3A_2945, %max3A_2955 : vector<16xf32>
      %max3A_2957 = arith.maximumf %min3A_2945, %max3A_2955 : vector<16xf32>
      %min3A_2958 = arith.minimumf %min3A_2947, %max3A_2957 : vector<16xf32>
      %max3A_2959 = arith.maximumf %min3A_2947, %max3A_2957 : vector<16xf32>
      %get3A_2960 = arith.constant 6 : i32
      %get3A_2961 = arith.index_cast %get3A_2960 : i32 to index
      %get3A_2962 = arith.constant 16 : index
      %get3A_2963 = tpu.vector_load %arg11[%get3A_2961, %get3A_2962] {strides = array<i32>} : memref<8x32xf32, #tpu.memory_space<vmem>>, vector<1x16xf32>,
      %get3A_2964 = vector.shape_cast %get3A_2963 : vector<1x16xf32> to vector<16xf32>
      %min3A_2965 = arith.minimumf %min3A_2954, %get3A_2964 : vector<16xf32>
      %max3A_2966 = arith.maximumf %min3A_2954, %get3A_2964 : vector<16xf32>
      %min3A_2967 = arith.minimumf %min3A_2956, %max3A_2966 : vector<16xf32>
      %max3A_2968 = arith.maximumf %min3A_2956, %max3A_2966 : vector<16xf32>
      %min3A_2969 = arith.minimumf %min3A_2958, %max3A_2968 : vector<16xf32>
      %max3A_2970 = arith.maximumf %min3A_2958, %max3A_2968 : vector<16xf32>
      "tpu.region"() ({
        %run_scoped3A = tpu.sem_alloc : memref<!tpu.dma_semaphore, #tpu.memory_space<semaphore_mem>>
        %dma_start3A = arith.constant 120 : i32
        %dma_start3A_3237 = arith.constant 0 : i32
        %dma_start3A_3238 = tpu.memref_slice %arg14[%dma_start3A, %dma_start3A_3237] : memref<128x32xf32, #tpu.memory_space<vmem_shared>> -> memref<8x32xf32, #tpu.memory_space<vmem_shared>>
        %dma_start3A_3239 = arith.constant 120 : i32
        %dma_start3A_3240 = arith.constant 0 : i32
        %dma_start3A_3241 = tpu.memref_slice %arg14[%dma_start3A_3239, %dma_start3A_3240] : memref<128x32xf32, #tpu.memory_space<vmem_shared>> -> memref<8x32xf32, #tpu.memory_space<vmem_shared>>
        tpu.enqueue_dma source(%dma_start3A_3241 : memref<8x32xf32, #tpu.memory_space<vmem_shared>>) target(%arg11 : memref<8x32xf32, #tpu.memory_space<vmem>>) target_semaphore(%run_scoped3A : memref<!tpu.dma_semaphore, #tpu.memory_space<semaphore_mem>>)
        %dma_wait3A = arith.constant 120 : i32
        %dma_wait3A_3242 = arith.constant 0 : i32
        %dma_wait3A_3243 = tpu.memref_slice %arg14[%dma_wait3A, %dma_wait3A_3242] : memref<128x32xf32, #tpu.memory_space<vmem_shared>> -> memref<8x32xf32, #tpu.memory_space<vmem_shared>>
        %dma_wait3A_3244 = arith.constant 120 : i32
        %dma_wait3A_3245 = arith.constant 0 : i32
        %dma_wait3A_3246 = tpu.memref_slice %arg14[%dma_wait3A_3244, %dma_wait3A_3245] : memref<128x32xf32, #tpu.memory_space<vmem_shared>> -> memref<8x32xf32, #tpu.memory_space<vmem_shared>>
        tpu.wait_dma2 semaphore(%run_scoped3A : memref<!tpu.dma_semaphore, #tpu.memory_space<semaphore_mem>>) src(%dma_wait3A_3246 : memref<8x32xf32, #tpu.memory_space<vmem_shared>>) dst(%arg11 : memref<8x32xf32, #tpu.memory_space<vmem>>)
        tpu.yield
      }) : () -> ()
      %get3A_2971 = arith.constant 0 : i32
      %get3A_2972 = arith.index_cast %get3A_2971 : i32 to index
      %get3A_2973 = arith.constant 0 : index
      %get3A_2974 = tpu.vector_load %arg11[%get3A_2972, %get3A_2973] {strides = array<i32>} : memref<8x32xf32, #tpu.memory_space<vmem>>, vector<1x16xf32>,
      %get3A_2975 = vector.shape_cast %get3A_2974 : vector<1x16xf32> to vector<16xf32>
      %min3A_2976 = arith.minimumf %min3A_2845, %get3A_2975 : vector<16xf32>
      %max3A_2977 = arith.maximumf %min3A_2845, %get3A_2975 : vector<16xf32>
      %min3A_2978 = arith.minimumf %min3A_2847, %max3A_2977 : vector<16xf32>
      %max3A_2979 = arith.maximumf %min3A_2847, %max3A_2977 : vector<16xf32>
      %min3A_2980 = arith.minimumf %min3A_2849, %max3A_2979 : vector<16xf32>
      %max3A_2981 = arith.maximumf %min3A_2849, %max3A_2979 : vector<16xf32>
      %min3A_2982 = arith.minimumf %min3A_2851, %max3A_2981 : vector<16xf32>
      %max3A_2983 = arith.maximumf %min3A_2851, %max3A_2981 : vector<16xf32>
      %get3A_2984 = arith.constant 1 : i32
      %get3A_2985 = arith.index_cast %get3A_2984 : i32 to index
      %get3A_2986 = arith.constant 0 : index
      %get3A_2987 = tpu.vector_load %arg11[%get3A_2985, %get3A_2986] {strides = array<i32>} : memref<8x32xf32, #tpu.memory_space<vmem>>, vector<1x16xf32>,
      %get3A_2988 = vector.shape_cast %get3A_2987 : vector<1x16xf32> to vector<16xf32>
      %min3A_2989 = arith.minimumf %min3A_2976, %get3A_2988 : vector<16xf32>
      %max3A_2990 = arith.maximumf %min3A_2976, %get3A_2988 : vector<16xf32>
      %min3A_2991 = arith.minimumf %min3A_2978, %max3A_2990 : vector<16xf32>
      %max3A_2992 = arith.maximumf %min3A_2978, %max3A_2990 : vector<16xf32>
      %min3A_2993 = arith.minimumf %min3A_2980, %max3A_2992 : vector<16xf32>
      %max3A_2994 = arith.maximumf %min3A_2980, %max3A_2992 : vector<16xf32>
      %min3A_2995 = arith.minimumf %min3A_2982, %max3A_2994 : vector<16xf32>
      %max3A_2996 = arith.maximumf %min3A_2982, %max3A_2994 : vector<16xf32>
      %get3A_2997 = arith.constant 2 : i32
      %get3A_2998 = arith.index_cast %get3A_2997 : i32 to index
      %get3A_2999 = arith.constant 0 : index
      %get3A_3000 = tpu.vector_load %arg11[%get3A_2998, %get3A_2999] {strides = array<i32>} : memref<8x32xf32, #tpu.memory_space<vmem>>, vector<1x16xf32>,
      %get3A_3001 = vector.shape_cast %get3A_3000 : vector<1x16xf32> to vector<16xf32>
      %min3A_3002 = arith.minimumf %min3A_2989, %get3A_3001 : vector<16xf32>
      %max3A_3003 = arith.maximumf %min3A_2989, %get3A_3001 : vector<16xf32>
      %min3A_3004 = arith.minimumf %min3A_2991, %max3A_3003 : vector<16xf32>
      %max3A_3005 = arith.maximumf %min3A_2991, %max3A_3003 : vector<16xf32>
      %min3A_3006 = arith.minimumf %min3A_2993, %max3A_3005 : vector<16xf32>
      %max3A_3007 = arith.maximumf %min3A_2993, %max3A_3005 : vector<16xf32>
      %min3A_3008 = arith.minimumf %min3A_2995, %max3A_3007 : vector<16xf32>
      %max3A_3009 = arith.maximumf %min3A_2995, %max3A_3007 : vector<16xf32>
      %get3A_3010 = arith.constant 3 : i32
      %get3A_3011 = arith.index_cast %get3A_3010 : i32 to index
      %get3A_3012 = arith.constant 0 : index
      %get3A_3013 = tpu.vector_load %arg11[%get3A_3011, %get3A_3012] {strides = array<i32>} : memref<8x32xf32, #tpu.memory_space<vmem>>, vector<1x16xf32>,
      %get3A_3014 = vector.shape_cast %get3A_3013 : vector<1x16xf32> to vector<16xf32>
      %min3A_3015 = arith.minimumf %min3A_3002, %get3A_3014 : vector<16xf32>
      %max3A_3016 = arith.maximumf %min3A_3002, %get3A_3014 : vector<16xf32>
      %min3A_3017 = arith.minimumf %min3A_3004, %max3A_3016 : vector<16xf32>
      %max3A_3018 = arith.maximumf %min3A_3004, %max3A_3016 : vector<16xf32>
      %min3A_3019 = arith.minimumf %min3A_3006, %max3A_3018 : vector<16xf32>
      %max3A_3020 = arith.maximumf %min3A_3006, %max3A_3018 : vector<16xf32>
      %min3A_3021 = arith.minimumf %min3A_3008, %max3A_3020 : vector<16xf32>
      %max3A_3022 = arith.maximumf %min3A_3008, %max3A_3020 : vector<16xf32>
      %get3A_3023 = arith.constant 4 : i32
      %get3A_3024 = arith.index_cast %get3A_3023 : i32 to index
      %get3A_3025 = arith.constant 0 : index
      %get3A_3026 = tpu.vector_load %arg11[%get3A_3024, %get3A_3025] {strides = array<i32>} : memref<8x32xf32, #tpu.memory_space<vmem>>, vector<1x16xf32>,
      %get3A_3027 = vector.shape_cast %get3A_3026 : vector<1x16xf32> to vector<16xf32>
      %min3A_3028 = arith.minimumf %min3A_2880, %get3A_3027 : vector<16xf32>
      %max3A_3029 = arith.maximumf %min3A_2880, %get3A_3027 : vector<16xf32>
      %min3A_3030 = arith.minimumf %min3A_2882, %max3A_3029 : vector<16xf32>
      %max3A_3031 = arith.maximumf %min3A_2882, %max3A_3029 : vector<16xf32>
      %min3A_3032 = arith.minimumf %min3A_2884, %max3A_3031 : vector<16xf32>
      %max3A_3033 = arith.maximumf %min3A_2884, %max3A_3031 : vector<16xf32>
      %get3A_3034 = arith.constant 5 : i32
      %get3A_3035 = arith.index_cast %get3A_3034 : i32 to index
      %get3A_3036 = arith.constant 0 : index
      %get3A_3037 = tpu.vector_load %arg11[%get3A_3035, %get3A_3036] {strides = array<i32>} : memref<8x32xf32, #tpu.memory_space<vmem>>, vector<1x16xf32>,
      %get3A_3038 = vector.shape_cast %get3A_3037 : vector<1x16xf32> to vector<16xf32>
      %min3A_3039 = arith.minimumf %min3A_3028, %get3A_3038 : vector<16xf32>
      %max3A_3040 = arith.maximumf %min3A_3028, %get3A_3038 : vector<16xf32>
      %min3A_3041 = arith.minimumf %min3A_3030, %max3A_3040 : vector<16xf32>
      %max3A_3042 = arith.maximumf %min3A_3030, %max3A_3040 : vector<16xf32>
      %min3A_3043 = arith.minimumf %min3A_3032, %max3A_3042 : vector<16xf32>
      %max3A_3044 = arith.maximumf %min3A_3032, %max3A_3042 : vector<16xf32>
      %get3A_3045 = arith.constant 6 : i32
      %get3A_3046 = arith.index_cast %get3A_3045 : i32 to index
      %get3A_3047 = arith.constant 0 : index
      %get3A_3048 = tpu.vector_load %arg11[%get3A_3046, %get3A_3047] {strides = array<i32>} : memref<8x32xf32, #tpu.memory_space<vmem>>, vector<1x16xf32>,
      %get3A_3049 = vector.shape_cast %get3A_3048 : vector<1x16xf32> to vector<16xf32>
      %min3A_3050 = arith.minimumf %min3A_3039, %get3A_3049 : vector<16xf32>
      %max3A_3051 = arith.maximumf %min3A_3039, %get3A_3049 : vector<16xf32>
      %min3A_3052 = arith.minimumf %min3A_3041, %max3A_3051 : vector<16xf32>
      %max3A_3053 = arith.maximumf %min3A_3041, %max3A_3051 : vector<16xf32>
      %min3A_3054 = arith.minimumf %min3A_3043, %max3A_3053 : vector<16xf32>
      %max3A_3055 = arith.maximumf %min3A_3043, %max3A_3053 : vector<16xf32>
      %get3A_3056 = arith.constant 0 : i32
      %get3A_3057 = arith.index_cast %get3A_3056 : i32 to index
      %get3A_3058 = arith.constant 16 : index
      %get3A_3059 = tpu.vector_load %arg11[%get3A_3057, %get3A_3058] {strides = array<i32>} : memref<8x32xf32, #tpu.memory_space<vmem>>, vector<1x16xf32>,
      %get3A_3060 = vector.shape_cast %get3A_3059 : vector<1x16xf32> to vector<16xf32>
      %min3A_3061 = arith.minimumf %min3A_2930, %get3A_3060 : vector<16xf32>
      %max3A_3062 = arith.maximumf %min3A_2930, %get3A_3060 : vector<16xf32>
      %min3A_3063 = arith.minimumf %min3A_2932, %max3A_3062 : vector<16xf32>
      %max3A_3064 = arith.maximumf %min3A_2932, %max3A_3062 : vector<16xf32>
      %min3A_3065 = arith.minimumf %min3A_2934, %max3A_3064 : vector<16xf32>
      %max3A_3066 = arith.maximumf %min3A_2934, %max3A_3064 : vector<16xf32>
      %min3A_3067 = arith.minimumf %min3A_2936, %max3A_3066 : vector<16xf32>
      %max3A_3068 = arith.maximumf %min3A_2936, %max3A_3066 : vector<16xf32>
      %get3A_3069 = arith.constant 1 : i32
      %get3A_3070 = arith.index_cast %get3A_3069 : i32 to index
      %get3A_3071 = arith.constant 16 : index
      %get3A_3072 = tpu.vector_load %arg11[%get3A_3070, %get3A_3071] {strides = array<i32>} : memref<8x32xf32, #tpu.memory_space<vmem>>, vector<1x16xf32>,
      %get3A_3073 = vector.shape_cast %get3A_3072 : vector<1x16xf32> to vector<16xf32>
      %min3A_3074 = arith.minimumf %min3A_3061, %get3A_3073 : vector<16xf32>
      %max3A_3075 = arith.maximumf %min3A_3061, %get3A_3073 : vector<16xf32>
      %min3A_3076 = arith.minimumf %min3A_3063, %max3A_3075 : vector<16xf32>
      %max3A_3077 = arith.maximumf %min3A_3063, %max3A_3075 : vector<16xf32>
      %min3A_3078 = arith.minimumf %min3A_3065, %max3A_3077 : vector<16xf32>
      %max3A_3079 = arith.maximumf %min3A_3065, %max3A_3077 : vector<16xf32>
      %min3A_3080 = arith.minimumf %min3A_3067, %max3A_3079 : vector<16xf32>
      %max3A_3081 = arith.maximumf %min3A_3067, %max3A_3079 : vector<16xf32>
      %get3A_3082 = arith.constant 2 : i32
      %get3A_3083 = arith.index_cast %get3A_3082 : i32 to index
      %get3A_3084 = arith.constant 16 : index
      %get3A_3085 = tpu.vector_load %arg11[%get3A_3083, %get3A_3084] {strides = array<i32>} : memref<8x32xf32, #tpu.memory_space<vmem>>, vector<1x16xf32>,
      %get3A_3086 = vector.shape_cast %get3A_3085 : vector<1x16xf32> to vector<16xf32>
      %min3A_3087 = arith.minimumf %min3A_3074, %get3A_3086 : vector<16xf32>
      %max3A_3088 = arith.maximumf %min3A_3074, %get3A_3086 : vector<16xf32>
      %min3A_3089 = arith.minimumf %min3A_3076, %max3A_3088 : vector<16xf32>
      %max3A_3090 = arith.maximumf %min3A_3076, %max3A_3088 : vector<16xf32>
      %min3A_3091 = arith.minimumf %min3A_3078, %max3A_3090 : vector<16xf32>
      %max3A_3092 = arith.maximumf %min3A_3078, %max3A_3090 : vector<16xf32>
      %min3A_3093 = arith.minimumf %min3A_3080, %max3A_3092 : vector<16xf32>
      %max3A_3094 = arith.maximumf %min3A_3080, %max3A_3092 : vector<16xf32>
      %get3A_3095 = arith.constant 3 : i32
      %get3A_3096 = arith.index_cast %get3A_3095 : i32 to index
      %get3A_3097 = arith.constant 16 : index
      %get3A_3098 = tpu.vector_load %arg11[%get3A_3096, %get3A_3097] {strides = array<i32>} : memref<8x32xf32, #tpu.memory_space<vmem>>, vector<1x16xf32>,
      %get3A_3099 = vector.shape_cast %get3A_3098 : vector<1x16xf32> to vector<16xf32>
      %min3A_3100 = arith.minimumf %min3A_3087, %get3A_3099 : vector<16xf32>
      %max3A_3101 = arith.maximumf %min3A_3087, %get3A_3099 : vector<16xf32>
      %min3A_3102 = arith.minimumf %min3A_3089, %max3A_3101 : vector<16xf32>
      %max3A_3103 = arith.maximumf %min3A_3089, %max3A_3101 : vector<16xf32>
      %min3A_3104 = arith.minimumf %min3A_3091, %max3A_3103 : vector<16xf32>
      %max3A_3105 = arith.maximumf %min3A_3091, %max3A_3103 : vector<16xf32>
      %min3A_3106 = arith.minimumf %min3A_3093, %max3A_3105 : vector<16xf32>
      %max3A_3107 = arith.maximumf %min3A_3093, %max3A_3105 : vector<16xf32>
      %get3A_3108 = arith.constant 4 : i32
      %get3A_3109 = arith.index_cast %get3A_3108 : i32 to index
      %get3A_3110 = arith.constant 16 : index
      %get3A_3111 = tpu.vector_load %arg11[%get3A_3109, %get3A_3110] {strides = array<i32>} : memref<8x32xf32, #tpu.memory_space<vmem>>, vector<1x16xf32>,
      %get3A_3112 = vector.shape_cast %get3A_3111 : vector<1x16xf32> to vector<16xf32>
      %min3A_3113 = arith.minimumf %min3A_2965, %get3A_3112 : vector<16xf32>
      %max3A_3114 = arith.maximumf %min3A_2965, %get3A_3112 : vector<16xf32>
      %min3A_3115 = arith.minimumf %min3A_2967, %max3A_3114 : vector<16xf32>
      %max3A_3116 = arith.maximumf %min3A_2967, %max3A_3114 : vector<16xf32>
      %min3A_3117 = arith.minimumf %min3A_2969, %max3A_3116 : vector<16xf32>
      %max3A_3118 = arith.maximumf %min3A_2969, %max3A_3116 : vector<16xf32>
      %get3A_3119 = arith.constant 5 : i32
      %get3A_3120 = arith.index_cast %get3A_3119 : i32 to index
      %get3A_3121 = arith.constant 16 : index
      %get3A_3122 = tpu.vector_load %arg11[%get3A_3120, %get3A_3121] {strides = array<i32>} : memref<8x32xf32, #tpu.memory_space<vmem>>, vector<1x16xf32>,
      %get3A_3123 = vector.shape_cast %get3A_3122 : vector<1x16xf32> to vector<16xf32>
      %min3A_3124 = arith.minimumf %min3A_3113, %get3A_3123 : vector<16xf32>
      %max3A_3125 = arith.maximumf %min3A_3113, %get3A_3123 : vector<16xf32>
      %min3A_3126 = arith.minimumf %min3A_3115, %max3A_3125 : vector<16xf32>
      %max3A_3127 = arith.maximumf %min3A_3115, %max3A_3125 : vector<16xf32>
      %min3A_3128 = arith.minimumf %min3A_3117, %max3A_3127 : vector<16xf32>
      %max3A_3129 = arith.maximumf %min3A_3117, %max3A_3127 : vector<16xf32>
      %get3A_3130 = arith.constant 6 : i32
      %get3A_3131 = arith.index_cast %get3A_3130 : i32 to index
      %get3A_3132 = arith.constant 16 : index
      %get3A_3133 = tpu.vector_load %arg11[%get3A_3131, %get3A_3132] {strides = array<i32>} : memref<8x32xf32, #tpu.memory_space<vmem>>, vector<1x16xf32>,
      %get3A_3134 = vector.shape_cast %get3A_3133 : vector<1x16xf32> to vector<16xf32>
      %min3A_3135 = arith.minimumf %min3A_3124, %get3A_3134 : vector<16xf32>
      %max3A_3136 = arith.maximumf %min3A_3124, %get3A_3134 : vector<16xf32>
      %min3A_3137 = arith.minimumf %min3A_3126, %max3A_3136 : vector<16xf32>
      %max3A_3138 = arith.maximumf %min3A_3126, %max3A_3136 : vector<16xf32>
      %min3A_3139 = arith.minimumf %min3A_3128, %max3A_3138 : vector<16xf32>
      %max3A_3140 = arith.maximumf %min3A_3128, %max3A_3138 : vector<16xf32>
      %swap3A_3141 = arith.constant 0 : i32
      %swap3A_3142 = arith.index_cast %swap3A_3141 : i32 to index
      %swap3A_3143 = arith.constant 0 : index
      %swap3A_3144 = tpu.vector_load %arg10[%swap3A_3142, %swap3A_3143] {strides = array<i32>} : memref<8x32xf32, #tpu.memory_space<vmem>>, vector<1x16xf32>,
      %swap3A_3145 = vector.shape_cast %swap3A_3144 : vector<1x16xf32> to vector<16xf32>
      %swap3A_3146 = vector.shape_cast %min3A_3015 : vector<16xf32> to vector<1x16xf32>
      tpu.vector_store %arg10[%swap3A_3142, %swap3A_3143], %swap3A_3146 {strides = array<i32>} : memref<8x32xf32, #tpu.memory_space<vmem>>, vector<1x16xf32>,
      %swap3A_3147 = arith.constant 0 : i32
      %swap3A_3148 = arith.index_cast %swap3A_3147 : i32 to index
      %swap3A_3149 = arith.constant 16 : index
      %swap3A_3150 = tpu.vector_load %arg10[%swap3A_3148, %swap3A_3149] {strides = array<i32>} : memref<8x32xf32, #tpu.memory_space<vmem>>, vector<1x16xf32>,
      %swap3A_3151 = vector.shape_cast %swap3A_3150 : vector<1x16xf32> to vector<16xf32>
      %swap3A_3152 = vector.shape_cast %min3A_3100 : vector<16xf32> to vector<1x16xf32>
      tpu.vector_store %arg10[%swap3A_3148, %swap3A_3149], %swap3A_3152 {strides = array<i32>} : memref<8x32xf32, #tpu.memory_space<vmem>>, vector<1x16xf32>,
      %swap3A_3153 = arith.constant 1 : i32
      %swap3A_3154 = arith.index_cast %swap3A_3153 : i32 to index
      %swap3A_3155 = arith.constant 0 : index
      %swap3A_3156 = tpu.vector_load %arg10[%swap3A_3154, %swap3A_3155] {strides = array<i32>} : memref<8x32xf32, #tpu.memory_space<vmem>>, vector<1x16xf32>,
      %swap3A_3157 = vector.shape_cast %swap3A_3156 : vector<1x16xf32> to vector<16xf32>
      %swap3A_3158 = vector.shape_cast %min3A_3017 : vector<16xf32> to vector<1x16xf32>
      tpu.vector_store %arg10[%swap3A_3154, %swap3A_3155], %swap3A_3158 {strides = array<i32>} : memref<8x32xf32, #tpu.memory_space<vmem>>, vector<1x16xf32>,
      %swap3A_3159 = arith.constant 1 : i32
      %swap3A_3160 = arith.index_cast %swap3A_3159 : i32 to index
      %swap3A_3161 = arith.constant 16 : index
      %swap3A_3162 = tpu.vector_load %arg10[%swap3A_3160, %swap3A_3161] {strides = array<i32>} : memref<8x32xf32, #tpu.memory_space<vmem>>, vector<1x16xf32>,
      %swap3A_3163 = vector.shape_cast %swap3A_3162 : vector<1x16xf32> to vector<16xf32>
      %swap3A_3164 = vector.shape_cast %min3A_3102 : vector<16xf32> to vector<1x16xf32>
      tpu.vector_store %arg10[%swap3A_3160, %swap3A_3161], %swap3A_3164 {strides = array<i32>} : memref<8x32xf32, #tpu.memory_space<vmem>>, vector<1x16xf32>,
      %swap3A_3165 = arith.constant 2 : i32
      %swap3A_3166 = arith.index_cast %swap3A_3165 : i32 to index
      %swap3A_3167 = arith.constant 0 : index
      %swap3A_3168 = tpu.vector_load %arg10[%swap3A_3166, %swap3A_3167] {strides = array<i32>} : memref<8x32xf32, #tpu.memory_space<vmem>>, vector<1x16xf32>,
      %swap3A_3169 = vector.shape_cast %swap3A_3168 : vector<1x16xf32> to vector<16xf32>
      %swap3A_3170 = vector.shape_cast %min3A_3019 : vector<16xf32> to vector<1x16xf32>
      tpu.vector_store %arg10[%swap3A_3166, %swap3A_3167], %swap3A_3170 {strides = array<i32>} : memref<8x32xf32, #tpu.memory_space<vmem>>, vector<1x16xf32>,
      %swap3A_3171 = arith.constant 2 : i32
      %swap3A_3172 = arith.index_cast %swap3A_3171 : i32 to index
      %swap3A_3173 = arith.constant 16 : index
      %swap3A_3174 = tpu.vector_load %arg10[%swap3A_3172, %swap3A_3173] {strides = array<i32>} : memref<8x32xf32, #tpu.memory_space<vmem>>, vector<1x16xf32>,
      %swap3A_3175 = vector.shape_cast %swap3A_3174 : vector<1x16xf32> to vector<16xf32>
      %swap3A_3176 = vector.shape_cast %min3A_3104 : vector<16xf32> to vector<1x16xf32>
      tpu.vector_store %arg10[%swap3A_3172, %swap3A_3173], %swap3A_3176 {strides = array<i32>} : memref<8x32xf32, #tpu.memory_space<vmem>>, vector<1x16xf32>,
      %swap3A_3177 = arith.constant 3 : i32
      %swap3A_3178 = arith.index_cast %swap3A_3177 : i32 to index
      %swap3A_3179 = arith.constant 0 : index
      %swap3A_3180 = tpu.vector_load %arg10[%swap3A_3178, %swap3A_3179] {strides = array<i32>} : memref<8x32xf32, #tpu.memory_space<vmem>>, vector<1x16xf32>,
      %swap3A_3181 = vector.shape_cast %swap3A_3180 : vector<1x16xf32> to vector<16xf32>
      %swap3A_3182 = vector.shape_cast %min3A_3021 : vector<16xf32> to vector<1x16xf32>
      tpu.vector_store %arg10[%swap3A_3178, %swap3A_3179], %swap3A_3182 {strides = array<i32>} : memref<8x32xf32, #tpu.memory_space<vmem>>, vector<1x16xf32>,
      %swap3A_3183 = arith.constant 3 : i32
      %swap3A_3184 = arith.index_cast %swap3A_3183 : i32 to index
      %swap3A_3185 = arith.constant 16 : index
      %swap3A_3186 = tpu.vector_load %arg10[%swap3A_3184, %swap3A_3185] {strides = array<i32>} : memref<8x32xf32, #tpu.memory_space<vmem>>, vector<1x16xf32>,
      %swap3A_3187 = vector.shape_cast %swap3A_3186 : vector<1x16xf32> to vector<16xf32>
      %swap3A_3188 = vector.shape_cast %min3A_3106 : vector<16xf32> to vector<1x16xf32>
      tpu.vector_store %arg10[%swap3A_3184, %swap3A_3185], %swap3A_3188 {strides = array<i32>} : memref<8x32xf32, #tpu.memory_space<vmem>>, vector<1x16xf32>,
      %swap3A_3189 = arith.constant 4 : i32
      %swap3A_3190 = arith.index_cast %swap3A_3189 : i32 to index
      %swap3A_3191 = arith.constant 0 : index
      %swap3A_3192 = tpu.vector_load %arg10[%swap3A_3190, %swap3A_3191] {strides = array<i32>} : memref<8x32xf32, #tpu.memory_space<vmem>>, vector<1x16xf32>,
      %swap3A_3193 = vector.shape_cast %swap3A_3192 : vector<1x16xf32> to vector<16xf32>
      %swap3A_3194 = vector.shape_cast %min3A_3050 : vector<16xf32> to vector<1x16xf32>
      tpu.vector_store %arg10[%swap3A_3190, %swap3A_3191], %swap3A_3194 {strides = array<i32>} : memref<8x32xf32, #tpu.memory_space<vmem>>, vector<1x16xf32>,
      %swap3A_3195 = arith.constant 4 : i32
      %swap3A_3196 = arith.index_cast %swap3A_3195 : i32 to index
      %swap3A_3197 = arith.constant 16 : index
      %swap3A_3198 = tpu.vector_load %arg10[%swap3A_3196, %swap3A_3197] {strides = array<i32>} : memref<8x32xf32, #tpu.memory_space<vmem>>, vector<1x16xf32>,
      %swap3A_3199 = vector.shape_cast %swap3A_3198 : vector<1x16xf32> to vector<16xf32>
      %swap3A_3200 = vector.shape_cast %min3A_3135 : vector<16xf32> to vector<1x16xf32>
      tpu.vector_store %arg10[%swap3A_3196, %swap3A_3197], %swap3A_3200 {strides = array<i32>} : memref<8x32xf32, #tpu.memory_space<vmem>>, vector<1x16xf32>,
      %swap3A_3201 = arith.constant 5 : i32
      %swap3A_3202 = arith.index_cast %swap3A_3201 : i32 to index
      %swap3A_3203 = arith.constant 0 : index
      %swap3A_3204 = tpu.vector_load %arg10[%swap3A_3202, %swap3A_3203] {strides = array<i32>} : memref<8x32xf32, #tpu.memory_space<vmem>>, vector<1x16xf32>,
      %swap3A_3205 = vector.shape_cast %swap3A_3204 : vector<1x16xf32> to vector<16xf32>
      %swap3A_3206 = vector.shape_cast %min3A_3052 : vector<16xf32> to vector<1x16xf32>
      tpu.vector_store %arg10[%swap3A_3202, %swap3A_3203], %swap3A_3206 {strides = array<i32>} : memref<8x32xf32, #tpu.memory_space<vmem>>, vector<1x16xf32>,
      %swap3A_3207 = arith.constant 5 : i32
      %swap3A_3208 = arith.index_cast %swap3A_3207 : i32 to index
      %swap3A_3209 = arith.constant 16 : index
      %swap3A_3210 = tpu.vector_load %arg10[%swap3A_3208, %swap3A_3209] {strides = array<i32>} : memref<8x32xf32, #tpu.memory_space<vmem>>, vector<1x16xf32>,
      %swap3A_3211 = vector.shape_cast %swap3A_3210 : vector<1x16xf32> to vector<16xf32>
      %swap3A_3212 = vector.shape_cast %min3A_3137 : vector<16xf32> to vector<1x16xf32>
      tpu.vector_store %arg10[%swap3A_3208, %swap3A_3209], %swap3A_3212 {strides = array<i32>} : memref<8x32xf32, #tpu.memory_space<vmem>>, vector<1x16xf32>,
      %swap3A_3213 = arith.constant 6 : i32
      %swap3A_3214 = arith.index_cast %swap3A_3213 : i32 to index
      %swap3A_3215 = arith.constant 0 : index
      %swap3A_3216 = tpu.vector_load %arg10[%swap3A_3214, %swap3A_3215] {strides = array<i32>} : memref<8x32xf32, #tpu.memory_space<vmem>>, vector<1x16xf32>,
      %swap3A_3217 = vector.shape_cast %swap3A_3216 : vector<1x16xf32> to vector<16xf32>
      %swap3A_3218 = vector.shape_cast %min3A_3054 : vector<16xf32> to vector<1x16xf32>
      tpu.vector_store %arg10[%swap3A_3214, %swap3A_3215], %swap3A_3218 {strides = array<i32>} : memref<8x32xf32, #tpu.memory_space<vmem>>, vector<1x16xf32>,
      %swap3A_3219 = arith.constant 6 : i32
      %swap3A_3220 = arith.index_cast %swap3A_3219 : i32 to index
      %swap3A_3221 = arith.constant 16 : index
      %swap3A_3222 = tpu.vector_load %arg10[%swap3A_3220, %swap3A_3221] {strides = array<i32>} : memref<8x32xf32, #tpu.memory_space<vmem>>, vector<1x16xf32>,
      %swap3A_3223 = vector.shape_cast %swap3A_3222 : vector<1x16xf32> to vector<16xf32>
      %swap3A_3224 = vector.shape_cast %min3A_3139 : vector<16xf32> to vector<1x16xf32>
      tpu.vector_store %arg10[%swap3A_3220, %swap3A_3221], %swap3A_3224 {strides = array<i32>} : memref<8x32xf32, #tpu.memory_space<vmem>>, vector<1x16xf32>,
      %swap3A_3225 = arith.constant 7 : i32
      %swap3A_3226 = arith.index_cast %swap3A_3225 : i32 to index
      %swap3A_3227 = arith.constant 0 : index
      %swap3A_3228 = tpu.vector_load %arg10[%swap3A_3226, %swap3A_3227] {strides = array<i32>} : memref<8x32xf32, #tpu.memory_space<vmem>>, vector<1x16xf32>,
      %swap3A_3229 = vector.shape_cast %swap3A_3228 : vector<1x16xf32> to vector<16xf32>
      %swap3A_3230 = vector.shape_cast %broadcast_in_dim3A_3 : vector<16xf32> to vector<1x16xf32>
      tpu.vector_store %arg10[%swap3A_3226, %swap3A_3227], %swap3A_3230 {strides = array<i32>} : memref<8x32xf32, #tpu.memory_space<vmem>>, vector<1x16xf32>,
      %swap3A_3231 = arith.constant 7 : i32
      %swap3A_3232 = arith.index_cast %swap3A_3231 : i32 to index
      %swap3A_3233 = arith.constant 16 : index
      %swap3A_3234 = tpu.vector_load %arg10[%swap3A_3232, %swap3A_3233] {strides = array<i32>} : memref<8x32xf32, #tpu.memory_space<vmem>>, vector<1x16xf32>,
      %swap3A_3235 = vector.shape_cast %swap3A_3234 : vector<1x16xf32> to vector<16xf32>
      %swap3A_3236 = vector.shape_cast %broadcast_in_dim3A_3 : vector<16xf32> to vector<1x16xf32>
      tpu.vector_store %arg10[%swap3A_3232, %swap3A_3233], %swap3A_3236 {strides = array<i32>} : memref<8x32xf32, #tpu.memory_space<vmem>>, vector<1x16xf32>,
      "tpu.region"() ({
        %run_scoped3A = tpu.sem_alloc : memref<!tpu.dma_semaphore, #tpu.memory_space<semaphore_mem>>
        tpu.enqueue_dma source(%arg10 : memref<8x32xf32, #tpu.memory_space<vmem>>) target(%arg15 : memref<8x32xf32, #tpu.memory_space<vmem_shared>>) target_semaphore(%run_scoped3A : memref<!tpu.dma_semaphore, #tpu.memory_space<semaphore_mem>>)
        tpu.wait_dma2 semaphore(%run_scoped3A : memref<!tpu.dma_semaphore, #tpu.memory_space<semaphore_mem>>) src(%arg10 : memref<8x32xf32, #tpu.memory_space<vmem>>) dst(%arg15 : memref<8x32xf32, #tpu.memory_space<vmem_shared>>)
        tpu.yield
      }) : () -> ()
    } else {
    }
    %barrier3A_108 = arith.constant 0 : index
    tpu.barrier barrier_id(%barrier3A_108)
    "tpu.region"() ({
      %run_scoped3A = tpu.sem_alloc : memref<!tpu.dma_semaphore, #tpu.memory_space<semaphore_mem>>
      tpu.enqueue_dma source(%arg15 : memref<8x32xf32, #tpu.memory_space<vmem_shared>>) target(%arg10 : memref<8x32xf32, #tpu.memory_space<vmem>>) target_semaphore(%run_scoped3A : memref<!tpu.dma_semaphore, #tpu.memory_space<semaphore_mem>>)
      tpu.wait_dma2 semaphore(%run_scoped3A : memref<!tpu.dma_semaphore, #tpu.memory_space<semaphore_mem>>) src(%arg15 : memref<8x32xf32, #tpu.memory_space<vmem_shared>>) dst(%arg10 : memref<8x32xf32, #tpu.memory_space<vmem>>)
      tpu.yield
    }) : () -> ()
    %get3A = arith.constant 0 : i32
    %get3A_109 = arith.index_cast %get3A : i32 to index
    %get3A_110 = arith.constant 0 : index
    %get3A_111 = tpu.vector_load %arg8[%get3A_109, %get3A_110] {strides = array<i32>} : memref<8x32xf32, #tpu.memory_space<vmem>>, vector<1x16xf32>,
    %get3A_112 = vector.shape_cast %get3A_111 : vector<1x16xf32> to vector<16xf32>
    %get3A_113 = arith.constant 1 : i32
    %get3A_114 = arith.index_cast %get3A_113 : i32 to index
    %get3A_115 = arith.constant 0 : index
    %get3A_116 = tpu.vector_load %arg8[%get3A_114, %get3A_115] {strides = array<i32>} : memref<8x32xf32, #tpu.memory_space<vmem>>, vector<1x16xf32>,
    %get3A_117 = vector.shape_cast %get3A_116 : vector<1x16xf32> to vector<16xf32>
    %get3A_118 = arith.constant 2 : i32
    %get3A_119 = arith.index_cast %get3A_118 : i32 to index
    %get3A_120 = arith.constant 0 : index
    %get3A_121 = tpu.vector_load %arg8[%get3A_119, %get3A_120] {strides = array<i32>} : memref<8x32xf32, #tpu.memory_space<vmem>>, vector<1x16xf32>,
    %get3A_122 = vector.shape_cast %get3A_121 : vector<1x16xf32> to vector<16xf32>
    %get3A_123 = arith.constant 0 : i32
    %get3A_124 = arith.index_cast %get3A_123 : i32 to index
    %get3A_125 = arith.constant 0 : index
    %get3A_126 = tpu.vector_load %arg10[%get3A_124, %get3A_125] {strides = array<i32>} : memref<8x32xf32, #tpu.memory_space<vmem>>, vector<1x16xf32>,
    %get3A_127 = vector.shape_cast %get3A_126 : vector<1x16xf32> to vector<16xf32>
    %get3A_128 = arith.constant 1 : i32
    %get3A_129 = arith.index_cast %get3A_128 : i32 to index
    %get3A_130 = arith.constant 0 : index
    %get3A_131 = tpu.vector_load %arg10[%get3A_129, %get3A_130] {strides = array<i32>} : memref<8x32xf32, #tpu.memory_space<vmem>>, vector<1x16xf32>,
    %get3A_132 = vector.shape_cast %get3A_131 : vector<1x16xf32> to vector<16xf32>
    %get3A_133 = arith.constant 2 : i32
    %get3A_134 = arith.index_cast %get3A_133 : i32 to index
    %get3A_135 = arith.constant 0 : index
    %get3A_136 = tpu.vector_load %arg10[%get3A_134, %get3A_135] {strides = array<i32>} : memref<8x32xf32, #tpu.memory_space<vmem>>, vector<1x16xf32>,
    %get3A_137 = vector.shape_cast %get3A_136 : vector<1x16xf32> to vector<16xf32>
    %get3A_138 = arith.constant 3 : i32
    %get3A_139 = arith.index_cast %get3A_138 : i32 to index
    %get3A_140 = arith.constant 0 : index
    %get3A_141 = tpu.vector_load %arg10[%get3A_139, %get3A_140] {strides = array<i32>} : memref<8x32xf32, #tpu.memory_space<vmem>>, vector<1x16xf32>,
    %get3A_142 = vector.shape_cast %get3A_141 : vector<1x16xf32> to vector<16xf32>
    %get3A_143 = arith.constant 4 : i32
    %get3A_144 = arith.index_cast %get3A_143 : i32 to index
    %get3A_145 = arith.constant 0 : index
    %get3A_146 = tpu.vector_load %arg10[%get3A_144, %get3A_145] {strides = array<i32>} : memref<8x32xf32, #tpu.memory_space<vmem>>, vector<1x16xf32>,
    %get3A_147 = vector.shape_cast %get3A_146 : vector<1x16xf32> to vector<16xf32>
    %get3A_148 = arith.constant 5 : i32
    %get3A_149 = arith.index_cast %get3A_148 : i32 to index
    %get3A_150 = arith.constant 0 : index
    %get3A_151 = tpu.vector_load %arg10[%get3A_149, %get3A_150] {strides = array<i32>} : memref<8x32xf32, #tpu.memory_space<vmem>>, vector<1x16xf32>,
    %get3A_152 = vector.shape_cast %get3A_151 : vector<1x16xf32> to vector<16xf32>
    %get3A_153 = arith.constant 6 : i32
    %get3A_154 = arith.index_cast %get3A_153 : i32 to index
    %get3A_155 = arith.constant 0 : index
    %get3A_156 = tpu.vector_load %arg10[%get3A_154, %get3A_155] {strides = array<i32>} : memref<8x32xf32, #tpu.memory_space<vmem>>, vector<1x16xf32>,
    %get3A_157 = vector.shape_cast %get3A_156 : vector<1x16xf32> to vector<16xf32>
    %max3A = arith.constant 0.000000e+00 : f32
    %max3A_158 = vector.broadcast %max3A : f32 to vector<16xf32>
    %max3A_159 = arith.maximumf %get3A_112, %max3A_158 : vector<16xf32>
    %min3A = arith.constant 3.000000e+00 : f32
    %min3A_160 = vector.broadcast %min3A : f32 to vector<16xf32>
    %min3A_161 = arith.minimumf %max3A_159, %min3A_160 : vector<16xf32>
    %eq3A_162 = arith.constant 0.000000e+00 : f32
    %eq3A_163 = vector.broadcast %eq3A_162 : f32 to vector<16xf32>
    %eq3A_164 = arith.cmpf oeq, %min3A_161, %eq3A_163 : vector<16xf32>
    %eq3A_165 = arith.constant 1.000000e+00 : f32
    %eq3A_166 = vector.broadcast %eq3A_165 : f32 to vector<16xf32>
    %eq3A_167 = arith.cmpf oeq, %min3A_161, %eq3A_166 : vector<16xf32>
    %eq3A_168 = arith.constant 2.000000e+00 : f32
    %eq3A_169 = vector.broadcast %eq3A_168 : f32 to vector<16xf32>
    %eq3A_170 = arith.cmpf oeq, %min3A_161, %eq3A_169 : vector<16xf32>
    %select_n3A = arith.select %eq3A_170, %get3A_137, %get3A_142 : vector<16xi1>, vector<16xf32>
    %select_n3A_171 = arith.select %eq3A_167, %get3A_132, %select_n3A : vector<16xi1>, vector<16xf32>
    %select_n3A_172 = arith.select %eq3A_164, %get3A_127, %select_n3A_171 : vector<16xi1>, vector<16xf32>
    %mul3A_173 = arith.mulf %get3A_122, %get3A_117 : vector<16xf32>
    %mul3A_174 = arith.mulf %get3A_122, %get3A_112 : vector<16xf32>
    %get3A_175 = arith.constant 0 : i32
    %get3A_176 = arith.index_cast %get3A_175 : i32 to index
    %get3A_177 = arith.constant 16 : index
    %get3A_178 = tpu.vector_load %arg8[%get3A_176, %get3A_177] {strides = array<i32>} : memref<8x32xf32, #tpu.memory_space<vmem>>, vector<1x16xf32>,
    %get3A_179 = vector.shape_cast %get3A_178 : vector<1x16xf32> to vector<16xf32>
    %get3A_180 = arith.constant 1 : i32
    %get3A_181 = arith.index_cast %get3A_180 : i32 to index
    %get3A_182 = arith.constant 16 : index
    %get3A_183 = tpu.vector_load %arg8[%get3A_181, %get3A_182] {strides = array<i32>} : memref<8x32xf32, #tpu.memory_space<vmem>>, vector<1x16xf32>,
    %get3A_184 = vector.shape_cast %get3A_183 : vector<1x16xf32> to vector<16xf32>
    %get3A_185 = arith.constant 2 : i32
    %get3A_186 = arith.index_cast %get3A_185 : i32 to index
    %get3A_187 = arith.constant 16 : index
    %get3A_188 = tpu.vector_load %arg8[%get3A_186, %get3A_187] {strides = array<i32>} : memref<8x32xf32, #tpu.memory_space<vmem>>, vector<1x16xf32>,
    %get3A_189 = vector.shape_cast %get3A_188 : vector<1x16xf32> to vector<16xf32>
    %get3A_190 = arith.constant 0 : i32
    %get3A_191 = arith.index_cast %get3A_190 : i32 to index
    %get3A_192 = arith.constant 16 : index
    %get3A_193 = tpu.vector_load %arg10[%get3A_191, %get3A_192] {strides = array<i32>} : memref<8x32xf32, #tpu.memory_space<vmem>>, vector<1x16xf32>,
    %get3A_194 = vector.shape_cast %get3A_193 : vector<1x16xf32> to vector<16xf32>
    %get3A_195 = arith.constant 1 : i32
    %get3A_196 = arith.index_cast %get3A_195 : i32 to index
    %get3A_197 = arith.constant 16 : index
    %get3A_198 = tpu.vector_load %arg10[%get3A_196, %get3A_197] {strides = array<i32>} : memref<8x32xf32, #tpu.memory_space<vmem>>, vector<1x16xf32>,
    %get3A_199 = vector.shape_cast %get3A_198 : vector<1x16xf32> to vector<16xf32>
    %get3A_200 = arith.constant 2 : i32
    %get3A_201 = arith.index_cast %get3A_200 : i32 to index
    %get3A_202 = arith.constant 16 : index
    %get3A_203 = tpu.vector_load %arg10[%get3A_201, %get3A_202] {strides = array<i32>} : memref<8x32xf32, #tpu.memory_space<vmem>>, vector<1x16xf32>,
    %get3A_204 = vector.shape_cast %get3A_203 : vector<1x16xf32> to vector<16xf32>
    %get3A_205 = arith.constant 3 : i32
    %get3A_206 = arith.index_cast %get3A_205 : i32 to index
    %get3A_207 = arith.constant 16 : index
    %get3A_208 = tpu.vector_load %arg10[%get3A_206, %get3A_207] {strides = array<i32>} : memref<8x32xf32, #tpu.memory_space<vmem>>, vector<1x16xf32>,
    %get3A_209 = vector.shape_cast %get3A_208 : vector<1x16xf32> to vector<16xf32>
    %get3A_210 = arith.constant 4 : i32
    %get3A_211 = arith.index_cast %get3A_210 : i32 to index
    %get3A_212 = arith.constant 16 : index
    %get3A_213 = tpu.vector_load %arg10[%get3A_211, %get3A_212] {strides = array<i32>} : memref<8x32xf32, #tpu.memory_space<vmem>>, vector<1x16xf32>,
    %get3A_214 = vector.shape_cast %get3A_213 : vector<1x16xf32> to vector<16xf32>
    %get3A_215 = arith.constant 5 : i32
    %get3A_216 = arith.index_cast %get3A_215 : i32 to index
    %get3A_217 = arith.constant 16 : index
    %get3A_218 = tpu.vector_load %arg10[%get3A_216, %get3A_217] {strides = array<i32>} : memref<8x32xf32, #tpu.memory_space<vmem>>, vector<1x16xf32>,
    %get3A_219 = vector.shape_cast %get3A_218 : vector<1x16xf32> to vector<16xf32>
    %get3A_220 = arith.constant 6 : i32
    %get3A_221 = arith.index_cast %get3A_220 : i32 to index
    %get3A_222 = arith.constant 16 : index
    %get3A_223 = tpu.vector_load %arg10[%get3A_221, %get3A_222] {strides = array<i32>} : memref<8x32xf32, #tpu.memory_space<vmem>>, vector<1x16xf32>,
    %get3A_224 = vector.shape_cast %get3A_223 : vector<1x16xf32> to vector<16xf32>
    %max3A_225 = arith.constant 0.000000e+00 : f32
    %max3A_226 = vector.broadcast %max3A_225 : f32 to vector<16xf32>
    %max3A_227 = arith.maximumf %get3A_179, %max3A_226 : vector<16xf32>
    %min3A_228 = arith.constant 3.000000e+00 : f32
    %min3A_229 = vector.broadcast %min3A_228 : f32 to vector<16xf32>
    %min3A_230 = arith.minimumf %max3A_227, %min3A_229 : vector<16xf32>
    %eq3A_231 = arith.constant 0.000000e+00 : f32
    %eq3A_232 = vector.broadcast %eq3A_231 : f32 to vector<16xf32>
    %eq3A_233 = arith.cmpf oeq, %min3A_230, %eq3A_232 : vector<16xf32>
    %eq3A_234 = arith.constant 1.000000e+00 : f32
    %eq3A_235 = vector.broadcast %eq3A_234 : f32 to vector<16xf32>
    %eq3A_236 = arith.cmpf oeq, %min3A_230, %eq3A_235 : vector<16xf32>
    %eq3A_237 = arith.constant 2.000000e+00 : f32
    %eq3A_238 = vector.broadcast %eq3A_237 : f32 to vector<16xf32>
    %eq3A_239 = arith.cmpf oeq, %min3A_230, %eq3A_238 : vector<16xf32>
    %select_n3A_240 = arith.select %eq3A_239, %get3A_204, %get3A_209 : vector<16xi1>, vector<16xf32>
    %select_n3A_241 = arith.select %eq3A_236, %get3A_199, %select_n3A_240 : vector<16xi1>, vector<16xf32>
    %select_n3A_242 = arith.select %eq3A_233, %get3A_194, %select_n3A_241 : vector<16xi1>, vector<16xf32>
    %mul3A_243 = arith.mulf %get3A_189, %get3A_184 : vector<16xf32>
    %mul3A_244 = arith.mulf %get3A_189, %get3A_179 : vector<16xf32>
    %broadcast_in_dim3A_245 = arith.constant 0.000000e+00 : f32
    %broadcast_in_dim3A_246 = vector.broadcast %broadcast_in_dim3A_245 : f32 to vector<16xf32>
    %scan3A_247 = arith.constant 0 : i32
    %scan3A_248 = arith.constant 64 : i32
    %scan3A_249 = arith.addi %scan3A_247, %scan3A_248 : i32
    %scan3A_250 = arith.constant 1 : i32
    %scan3A_251:2 = scf.for %scan3A_421 = %scan3A_247 to %scan3A_249 step %scan3A_250 iter_args(%scan3A_422 = %broadcast_in_dim3A_246, %scan3A_423 = %broadcast_in_dim3A_246) -> (vector<16xf32>, vector<16xf32>)  : i32 {
      %get3A_424 = arith.index_cast %scan3A_421 : i32 to index
      %get3A_425 = arith.constant 0 : index
      %get3A_426 = tpu.vector_load %arg6[%get3A_424, %get3A_425] {strides = array<i32>} : memref<64x32xf32, #tpu.memory_space<vmem>>, vector<1x16xf32>,
      %get3A_427 = vector.shape_cast %get3A_426 : vector<1x16xf32> to vector<16xf32>
      %lt3A = arith.constant 2.000000e+00 : f32
      %lt3A_428 = vector.broadcast %lt3A : f32 to vector<16xf32>
      %lt3A_429 = arith.cmpf olt, %get3A_427, %lt3A_428 : vector<16xf32>
      %le3A = arith.cmpf ole, %get3A_427, %select_n3A_172 : vector<16xf32>
      %jit3A = arith.constant 1.000000e+00 : f32
      %jit3A_430 = arith.constant 0.000000e+00 : f32
      %broadcast_in_dim3A_431 = vector.broadcast %jit3A : f32 to vector<16xf32>
      %broadcast_in_dim3A_432 = vector.broadcast %jit3A_430 : f32 to vector<16xf32>
      %select_n3A_433 = arith.select %le3A, %broadcast_in_dim3A_431, %broadcast_in_dim3A_432 : vector<16xi1>, vector<16xf32>
      %add3A_434 = arith.addf %get3A_112, %select_n3A_433 : vector<16xf32>
      %broadcast_in_dim3A_435 = arith.constant 0.000000e+00 : f32
      %broadcast_in_dim3A_436 = vector.broadcast %broadcast_in_dim3A_435 : f32 to vector<16xf32>
      %lt3A_437 = arith.constant 0.000000e+00 : f32
      %lt3A_438 = vector.broadcast %lt3A_437 : f32 to vector<16xf32>
      %lt3A_439 = arith.cmpf olt, %lt3A_438, %add3A_434 : vector<16xf32>
      %and3A_440 = arith.andi %lt3A_429, %lt3A_439 : vector<16xi1>
      %sub3A = arith.subf %get3A_427, %get3A_127 : vector<16xf32>
      %abs3A = math.absf %sub3A : vector<16xf32>
      %jit3A_441 = arith.constant 0.000000e+00 : f32
      %broadcast_in_dim3A_442 = vector.broadcast %jit3A_441 : f32 to vector<16xf32>
      %select_n3A_443 = arith.select %and3A_440, %abs3A, %broadcast_in_dim3A_442 : vector<16xi1>, vector<16xf32>
      %add3A_444 = arith.addf %broadcast_in_dim3A_436, %select_n3A_443 : vector<16xf32>
      %lt3A_445 = arith.constant 1.000000e+00 : f32
      %lt3A_446 = vector.broadcast %lt3A_445 : f32 to vector<16xf32>
      %lt3A_447 = arith.cmpf olt, %lt3A_446, %add3A_434 : vector<16xf32>
      %and3A_448 = arith.andi %lt3A_429, %lt3A_447 : vector<16xi1>
      %sub3A_449 = arith.subf %get3A_427, %get3A_132 : vector<16xf32>
      %abs3A_450 = math.absf %sub3A_449 : vector<16xf32>
      %jit3A_451 = arith.constant 0.000000e+00 : f32
      %broadcast_in_dim3A_452 = vector.broadcast %jit3A_451 : f32 to vector<16xf32>
      %select_n3A_453 = arith.select %and3A_448, %abs3A_450, %broadcast_in_dim3A_452 : vector<16xi1>, vector<16xf32>
      %add3A_454 = arith.addf %add3A_444, %select_n3A_453 : vector<16xf32>
      %lt3A_455 = arith.constant 2.000000e+00 : f32
      %lt3A_456 = vector.broadcast %lt3A_455 : f32 to vector<16xf32>
      %lt3A_457 = arith.cmpf olt, %lt3A_456, %add3A_434 : vector<16xf32>
      %and3A_458 = arith.andi %lt3A_429, %lt3A_457 : vector<16xi1>
      %sub3A_459 = arith.subf %get3A_427, %get3A_137 : vector<16xf32>
      %abs3A_460 = math.absf %sub3A_459 : vector<16xf32>
      %jit3A_461 = arith.constant 0.000000e+00 : f32
      %broadcast_in_dim3A_462 = vector.broadcast %jit3A_461 : f32 to vector<16xf32>
      %select_n3A_463 = arith.select %and3A_458, %abs3A_460, %broadcast_in_dim3A_462 : vector<16xi1>, vector<16xf32>
      %add3A_464 = arith.addf %add3A_454, %select_n3A_463 : vector<16xf32>
      %lt3A_465 = arith.constant 3.000000e+00 : f32
      %lt3A_466 = vector.broadcast %lt3A_465 : f32 to vector<16xf32>
      %lt3A_467 = arith.cmpf olt, %lt3A_466, %add3A_434 : vector<16xf32>
      %and3A_468 = arith.andi %lt3A_429, %lt3A_467 : vector<16xi1>
      %sub3A_469 = arith.subf %get3A_427, %get3A_142 : vector<16xf32>
      %abs3A_470 = math.absf %sub3A_469 : vector<16xf32>
      %jit3A_471 = arith.constant 0.000000e+00 : f32
      %broadcast_in_dim3A_472 = vector.broadcast %jit3A_471 : f32 to vector<16xf32>
      %select_n3A_473 = arith.select %and3A_468, %abs3A_470, %broadcast_in_dim3A_472 : vector<16xi1>, vector<16xf32>
      %add3A_474 = arith.addf %add3A_464, %select_n3A_473 : vector<16xf32>
      %broadcast_in_dim3A_475 = arith.constant 0.000000e+00 : f32
      %broadcast_in_dim3A_476 = vector.broadcast %broadcast_in_dim3A_475 : f32 to vector<16xf32>
      %lt3A_477 = arith.constant 0.000000e+00 : f32
      %lt3A_478 = vector.broadcast %lt3A_477 : f32 to vector<16xf32>
      %lt3A_479 = arith.cmpf olt, %lt3A_478, %get3A_117 : vector<16xf32>
      %and3A_480 = arith.andi %lt3A_429, %lt3A_479 : vector<16xi1>
      %sub3A_481 = arith.subf %get3A_427, %get3A_147 : vector<16xf32>
      %abs3A_482 = math.absf %sub3A_481 : vector<16xf32>
      %jit3A_483 = arith.constant 0.000000e+00 : f32
      %broadcast_in_dim3A_484 = vector.broadcast %jit3A_483 : f32 to vector<16xf32>
      %select_n3A_485 = arith.select %and3A_480, %abs3A_482, %broadcast_in_dim3A_484 : vector<16xi1>, vector<16xf32>
      %add3A_486 = arith.addf %broadcast_in_dim3A_476, %select_n3A_485 : vector<16xf32>
      %lt3A_487 = arith.constant 1.000000e+00 : f32
      %lt3A_488 = vector.broadcast %lt3A_487 : f32 to vector<16xf32>
      %lt3A_489 = arith.cmpf olt, %lt3A_488, %get3A_117 : vector<16xf32>
      %and3A_490 = arith.andi %lt3A_429, %lt3A_489 : vector<16xi1>
      %sub3A_491 = arith.subf %get3A_427, %get3A_152 : vector<16xf32>
      %abs3A_492 = math.absf %sub3A_491 : vector<16xf32>
      %jit3A_493 = arith.constant 0.000000e+00 : f32
      %broadcast_in_dim3A_494 = vector.broadcast %jit3A_493 : f32 to vector<16xf32>
      %select_n3A_495 = arith.select %and3A_490, %abs3A_492, %broadcast_in_dim3A_494 : vector<16xi1>, vector<16xf32>
      %add3A_496 = arith.addf %add3A_486, %select_n3A_495 : vector<16xf32>
      %lt3A_497 = arith.constant 2.000000e+00 : f32
      %lt3A_498 = vector.broadcast %lt3A_497 : f32 to vector<16xf32>
      %lt3A_499 = arith.cmpf olt, %lt3A_498, %get3A_117 : vector<16xf32>
      %and3A_500 = arith.andi %lt3A_429, %lt3A_499 : vector<16xi1>
      %sub3A_501 = arith.subf %get3A_427, %get3A_157 : vector<16xf32>
      %abs3A_502 = math.absf %sub3A_501 : vector<16xf32>
      %jit3A_503 = arith.constant 0.000000e+00 : f32
      %broadcast_in_dim3A_504 = vector.broadcast %jit3A_503 : f32 to vector<16xf32>
      %select_n3A_505 = arith.select %and3A_500, %abs3A_502, %broadcast_in_dim3A_504 : vector<16xi1>, vector<16xf32>
      %add3A_506 = arith.addf %add3A_496, %select_n3A_505 : vector<16xf32>
      %mul3A_507 = arith.mulf %mul3A_173, %add3A_474 : vector<16xf32>
      %mul3A_508 = arith.mulf %mul3A_174, %add3A_506 : vector<16xf32>
      %sub3A_509 = arith.subf %mul3A_507, %mul3A_508 : vector<16xf32>
      %add3A_510 = arith.addf %scan3A_422, %sub3A_509 : vector<16xf32>
      %get3A_511 = arith.index_cast %scan3A_421 : i32 to index
      %get3A_512 = arith.constant 16 : index
      %get3A_513 = tpu.vector_load %arg6[%get3A_511, %get3A_512] {strides = array<i32>} : memref<64x32xf32, #tpu.memory_space<vmem>>, vector<1x16xf32>,
      %get3A_514 = vector.shape_cast %get3A_513 : vector<1x16xf32> to vector<16xf32>
      %lt3A_515 = arith.constant 2.000000e+00 : f32
      %lt3A_516 = vector.broadcast %lt3A_515 : f32 to vector<16xf32>
      %lt3A_517 = arith.cmpf olt, %get3A_514, %lt3A_516 : vector<16xf32>
      %le3A_518 = arith.cmpf ole, %get3A_514, %select_n3A_242 : vector<16xf32>
      %jit3A_519 = arith.constant 1.000000e+00 : f32
      %jit3A_520 = arith.constant 0.000000e+00 : f32
      %broadcast_in_dim3A_521 = vector.broadcast %jit3A_519 : f32 to vector<16xf32>
      %broadcast_in_dim3A_522 = vector.broadcast %jit3A_520 : f32 to vector<16xf32>
      %select_n3A_523 = arith.select %le3A_518, %broadcast_in_dim3A_521, %broadcast_in_dim3A_522 : vector<16xi1>, vector<16xf32>
      %add3A_524 = arith.addf %get3A_179, %select_n3A_523 : vector<16xf32>
      %broadcast_in_dim3A_525 = arith.constant 0.000000e+00 : f32
      %broadcast_in_dim3A_526 = vector.broadcast %broadcast_in_dim3A_525 : f32 to vector<16xf32>
      %lt3A_527 = arith.constant 0.000000e+00 : f32
      %lt3A_528 = vector.broadcast %lt3A_527 : f32 to vector<16xf32>
      %lt3A_529 = arith.cmpf olt, %lt3A_528, %add3A_524 : vector<16xf32>
      %and3A_530 = arith.andi %lt3A_517, %lt3A_529 : vector<16xi1>
      %sub3A_531 = arith.subf %get3A_514, %get3A_194 : vector<16xf32>
      %abs3A_532 = math.absf %sub3A_531 : vector<16xf32>
      %jit3A_533 = arith.constant 0.000000e+00 : f32
      %broadcast_in_dim3A_534 = vector.broadcast %jit3A_533 : f32 to vector<16xf32>
      %select_n3A_535 = arith.select %and3A_530, %abs3A_532, %broadcast_in_dim3A_534 : vector<16xi1>, vector<16xf32>
      %add3A_536 = arith.addf %broadcast_in_dim3A_526, %select_n3A_535 : vector<16xf32>
      %lt3A_537 = arith.constant 1.000000e+00 : f32
      %lt3A_538 = vector.broadcast %lt3A_537 : f32 to vector<16xf32>
      %lt3A_539 = arith.cmpf olt, %lt3A_538, %add3A_524 : vector<16xf32>
      %and3A_540 = arith.andi %lt3A_517, %lt3A_539 : vector<16xi1>
      %sub3A_541 = arith.subf %get3A_514, %get3A_199 : vector<16xf32>
      %abs3A_542 = math.absf %sub3A_541 : vector<16xf32>
      %jit3A_543 = arith.constant 0.000000e+00 : f32
      %broadcast_in_dim3A_544 = vector.broadcast %jit3A_543 : f32 to vector<16xf32>
      %select_n3A_545 = arith.select %and3A_540, %abs3A_542, %broadcast_in_dim3A_544 : vector<16xi1>, vector<16xf32>
      %add3A_546 = arith.addf %add3A_536, %select_n3A_545 : vector<16xf32>
      %lt3A_547 = arith.constant 2.000000e+00 : f32
      %lt3A_548 = vector.broadcast %lt3A_547 : f32 to vector<16xf32>
      %lt3A_549 = arith.cmpf olt, %lt3A_548, %add3A_524 : vector<16xf32>
      %and3A_550 = arith.andi %lt3A_517, %lt3A_549 : vector<16xi1>
      %sub3A_551 = arith.subf %get3A_514, %get3A_204 : vector<16xf32>
      %abs3A_552 = math.absf %sub3A_551 : vector<16xf32>
      %jit3A_553 = arith.constant 0.000000e+00 : f32
      %broadcast_in_dim3A_554 = vector.broadcast %jit3A_553 : f32 to vector<16xf32>
      %select_n3A_555 = arith.select %and3A_550, %abs3A_552, %broadcast_in_dim3A_554 : vector<16xi1>, vector<16xf32>
      %add3A_556 = arith.addf %add3A_546, %select_n3A_555 : vector<16xf32>
      %lt3A_557 = arith.constant 3.000000e+00 : f32
      %lt3A_558 = vector.broadcast %lt3A_557 : f32 to vector<16xf32>
      %lt3A_559 = arith.cmpf olt, %lt3A_558, %add3A_524 : vector<16xf32>
      %and3A_560 = arith.andi %lt3A_517, %lt3A_559 : vector<16xi1>
      %sub3A_561 = arith.subf %get3A_514, %get3A_209 : vector<16xf32>
      %abs3A_562 = math.absf %sub3A_561 : vector<16xf32>
      %jit3A_563 = arith.constant 0.000000e+00 : f32
      %broadcast_in_dim3A_564 = vector.broadcast %jit3A_563 : f32 to vector<16xf32>
      %select_n3A_565 = arith.select %and3A_560, %abs3A_562, %broadcast_in_dim3A_564 : vector<16xi1>, vector<16xf32>
      %add3A_566 = arith.addf %add3A_556, %select_n3A_565 : vector<16xf32>
      %broadcast_in_dim3A_567 = arith.constant 0.000000e+00 : f32
      %broadcast_in_dim3A_568 = vector.broadcast %broadcast_in_dim3A_567 : f32 to vector<16xf32>
      %lt3A_569 = arith.constant 0.000000e+00 : f32
      %lt3A_570 = vector.broadcast %lt3A_569 : f32 to vector<16xf32>
      %lt3A_571 = arith.cmpf olt, %lt3A_570, %get3A_184 : vector<16xf32>
      %and3A_572 = arith.andi %lt3A_517, %lt3A_571 : vector<16xi1>
      %sub3A_573 = arith.subf %get3A_514, %get3A_214 : vector<16xf32>
      %abs3A_574 = math.absf %sub3A_573 : vector<16xf32>
      %jit3A_575 = arith.constant 0.000000e+00 : f32
      %broadcast_in_dim3A_576 = vector.broadcast %jit3A_575 : f32 to vector<16xf32>
      %select_n3A_577 = arith.select %and3A_572, %abs3A_574, %broadcast_in_dim3A_576 : vector<16xi1>, vector<16xf32>
      %add3A_578 = arith.addf %broadcast_in_dim3A_568, %select_n3A_577 : vector<16xf32>
      %lt3A_579 = arith.constant 1.000000e+00 : f32
      %lt3A_580 = vector.broadcast %lt3A_579 : f32 to vector<16xf32>
      %lt3A_581 = arith.cmpf olt, %lt3A_580, %get3A_184 : vector<16xf32>
      %and3A_582 = arith.andi %lt3A_517, %lt3A_581 : vector<16xi1>
      %sub3A_583 = arith.subf %get3A_514, %get3A_219 : vector<16xf32>
      %abs3A_584 = math.absf %sub3A_583 : vector<16xf32>
      %jit3A_585 = arith.constant 0.000000e+00 : f32
      %broadcast_in_dim3A_586 = vector.broadcast %jit3A_585 : f32 to vector<16xf32>
      %select_n3A_587 = arith.select %and3A_582, %abs3A_584, %broadcast_in_dim3A_586 : vector<16xi1>, vector<16xf32>
      %add3A_588 = arith.addf %add3A_578, %select_n3A_587 : vector<16xf32>
      %lt3A_589 = arith.constant 2.000000e+00 : f32
      %lt3A_590 = vector.broadcast %lt3A_589 : f32 to vector<16xf32>
      %lt3A_591 = arith.cmpf olt, %lt3A_590, %get3A_184 : vector<16xf32>
      %and3A_592 = arith.andi %lt3A_517, %lt3A_591 : vector<16xi1>
      %sub3A_593 = arith.subf %get3A_514, %get3A_224 : vector<16xf32>
      %abs3A_594 = math.absf %sub3A_593 : vector<16xf32>
      %jit3A_595 = arith.constant 0.000000e+00 : f32
      %broadcast_in_dim3A_596 = vector.broadcast %jit3A_595 : f32 to vector<16xf32>
      %select_n3A_597 = arith.select %and3A_592, %abs3A_594, %broadcast_in_dim3A_596 : vector<16xi1>, vector<16xf32>
      %add3A_598 = arith.addf %add3A_588, %select_n3A_597 : vector<16xf32>
      %mul3A_599 = arith.mulf %mul3A_243, %add3A_566 : vector<16xf32>
      %mul3A_600 = arith.mulf %mul3A_244, %add3A_598 : vector<16xf32>
      %sub3A_601 = arith.subf %mul3A_599, %mul3A_600 : vector<16xf32>
      %add3A_602 = arith.addf %scan3A_423, %sub3A_601 : vector<16xf32>
      scf.yield %add3A_510, %add3A_602 : vector<16xf32>, vector<16xf32>
    }
    %scan3A_252 = arith.constant 64 : i32
    %add3A = arith.addf %scan3A_251#0, %scan3A_251#1 : vector<16xf32>
    %swap3A_253 = arith.constant 0 : i32
    %swap3A_254 = arith.index_cast %swap3A_253 : i32 to index
    %swap3A_255 = arith.constant 0 : index
    %swap3A_256 = tpu.vector_load %arg12[%swap3A_254, %swap3A_255] {strides = array<i32>} : memref<1x16xf32, #tpu.memory_space<vmem>>, vector<1x16xf32>,
    %swap3A_257 = vector.shape_cast %swap3A_256 : vector<1x16xf32> to vector<16xf32>
    %swap3A_258 = vector.shape_cast %add3A : vector<16xf32> to vector<1x16xf32>
    tpu.vector_store %arg12[%swap3A_254, %swap3A_255], %swap3A_258 {strides = array<i32>} : memref<1x16xf32, #tpu.memory_space<vmem>>, vector<1x16xf32>,
    "tpu.region"() ({
      %run_scoped3A = tpu.sem_alloc : memref<!tpu.dma_semaphore, #tpu.memory_space<semaphore_mem>>
      %dma_start3A = arith.constant 0 : i32
      %dma_start3A_421 = tpu.memref_slice %arg16[%arg1, %dma_start3A] : memref<16x16xf32, #tpu.memory_space<vmem_shared>> -> memref<1x16xf32, #tpu.memory_space<vmem_shared>>
      %dma_start3A_422 = arith.constant 0 : i32
      %dma_start3A_423 = tpu.memref_slice %arg16[%arg1, %dma_start3A_422] : memref<16x16xf32, #tpu.memory_space<vmem_shared>> -> memref<1x16xf32, #tpu.memory_space<vmem_shared>>
      tpu.enqueue_dma source(%arg12 : memref<1x16xf32, #tpu.memory_space<vmem>>) target(%dma_start3A_423 : memref<1x16xf32, #tpu.memory_space<vmem_shared>>) target_semaphore(%run_scoped3A : memref<!tpu.dma_semaphore, #tpu.memory_space<semaphore_mem>>)
      %dma_wait3A = arith.constant 0 : i32
      %dma_wait3A_424 = tpu.memref_slice %arg16[%arg1, %dma_wait3A] : memref<16x16xf32, #tpu.memory_space<vmem_shared>> -> memref<1x16xf32, #tpu.memory_space<vmem_shared>>
      %dma_wait3A_425 = arith.constant 0 : i32
      %dma_wait3A_426 = tpu.memref_slice %arg16[%arg1, %dma_wait3A_425] : memref<16x16xf32, #tpu.memory_space<vmem_shared>> -> memref<1x16xf32, #tpu.memory_space<vmem_shared>>
      tpu.wait_dma2 semaphore(%run_scoped3A : memref<!tpu.dma_semaphore, #tpu.memory_space<semaphore_mem>>) src(%arg12 : memref<1x16xf32, #tpu.memory_space<vmem>>) dst(%dma_wait3A_426 : memref<1x16xf32, #tpu.memory_space<vmem_shared>>)
      tpu.yield
    }) : () -> ()
    %barrier3A_259 = arith.constant 0 : index
    tpu.barrier barrier_id(%barrier3A_259)
    %broadcast_in_dim3A_260 = arith.constant 0.000000e+00 : f32
    %broadcast_in_dim3A_261 = vector.broadcast %broadcast_in_dim3A_260 : f32 to vector<16xf32>
    "tpu.region"() ({
      %run_scoped3A = tpu.sem_alloc : memref<!tpu.dma_semaphore, #tpu.memory_space<semaphore_mem>>
      %dma_start3A = arith.constant 0 : i32
      %dma_start3A_421 = arith.constant 0 : i32
      %dma_start3A_422 = tpu.memref_slice %arg16[%dma_start3A, %dma_start3A_421] : memref<16x16xf32, #tpu.memory_space<vmem_shared>> -> memref<1x16xf32, #tpu.memory_space<vmem_shared>>
      %dma_start3A_423 = arith.constant 0 : i32
      %dma_start3A_424 = arith.constant 0 : i32
      %dma_start3A_425 = tpu.memref_slice %arg16[%dma_start3A_423, %dma_start3A_424] : memref<16x16xf32, #tpu.memory_space<vmem_shared>> -> memref<1x16xf32, #tpu.memory_space<vmem_shared>>
      tpu.enqueue_dma source(%dma_start3A_425 : memref<1x16xf32, #tpu.memory_space<vmem_shared>>) target(%arg12 : memref<1x16xf32, #tpu.memory_space<vmem>>) target_semaphore(%run_scoped3A : memref<!tpu.dma_semaphore, #tpu.memory_space<semaphore_mem>>)
      %dma_wait3A = arith.constant 0 : i32
      %dma_wait3A_426 = arith.constant 0 : i32
      %dma_wait3A_427 = tpu.memref_slice %arg16[%dma_wait3A, %dma_wait3A_426] : memref<16x16xf32, #tpu.memory_space<vmem_shared>> -> memref<1x16xf32, #tpu.memory_space<vmem_shared>>
      %dma_wait3A_428 = arith.constant 0 : i32
      %dma_wait3A_429 = arith.constant 0 : i32
      %dma_wait3A_430 = tpu.memref_slice %arg16[%dma_wait3A_428, %dma_wait3A_429] : memref<16x16xf32, #tpu.memory_space<vmem_shared>> -> memref<1x16xf32, #tpu.memory_space<vmem_shared>>
      tpu.wait_dma2 semaphore(%run_scoped3A : memref<!tpu.dma_semaphore, #tpu.memory_space<semaphore_mem>>) src(%dma_wait3A_430 : memref<1x16xf32, #tpu.memory_space<vmem_shared>>) dst(%arg12 : memref<1x16xf32, #tpu.memory_space<vmem>>)
      tpu.yield
    }) : () -> ()
    %get3A_262 = arith.constant 0 : i32
    %get3A_263 = arith.index_cast %get3A_262 : i32 to index
    %get3A_264 = arith.constant 0 : index
    %get3A_265 = tpu.vector_load %arg12[%get3A_263, %get3A_264] {strides = array<i32>} : memref<1x16xf32, #tpu.memory_space<vmem>>, vector<1x16xf32>,
    %get3A_266 = vector.shape_cast %get3A_265 : vector<1x16xf32> to vector<16xf32>
    %add3A_267 = arith.addf %broadcast_in_dim3A_261, %get3A_266 : vector<16xf32>
    "tpu.region"() ({
      %run_scoped3A = tpu.sem_alloc : memref<!tpu.dma_semaphore, #tpu.memory_space<semaphore_mem>>
      %dma_start3A = arith.constant 1 : i32
      %dma_start3A_421 = arith.constant 0 : i32
      %dma_start3A_422 = tpu.memref_slice %arg16[%dma_start3A, %dma_start3A_421] : memref<16x16xf32, #tpu.memory_space<vmem_shared>> -> memref<1x16xf32, #tpu.memory_space<vmem_shared>>
      %dma_start3A_423 = arith.constant 1 : i32
      %dma_start3A_424 = arith.constant 0 : i32
      %dma_start3A_425 = tpu.memref_slice %arg16[%dma_start3A_423, %dma_start3A_424] : memref<16x16xf32, #tpu.memory_space<vmem_shared>> -> memref<1x16xf32, #tpu.memory_space<vmem_shared>>
      tpu.enqueue_dma source(%dma_start3A_425 : memref<1x16xf32, #tpu.memory_space<vmem_shared>>) target(%arg12 : memref<1x16xf32, #tpu.memory_space<vmem>>) target_semaphore(%run_scoped3A : memref<!tpu.dma_semaphore, #tpu.memory_space<semaphore_mem>>)
      %dma_wait3A = arith.constant 1 : i32
      %dma_wait3A_426 = arith.constant 0 : i32
      %dma_wait3A_427 = tpu.memref_slice %arg16[%dma_wait3A, %dma_wait3A_426] : memref<16x16xf32, #tpu.memory_space<vmem_shared>> -> memref<1x16xf32, #tpu.memory_space<vmem_shared>>
      %dma_wait3A_428 = arith.constant 1 : i32
      %dma_wait3A_429 = arith.constant 0 : i32
      %dma_wait3A_430 = tpu.memref_slice %arg16[%dma_wait3A_428, %dma_wait3A_429] : memref<16x16xf32, #tpu.memory_space<vmem_shared>> -> memref<1x16xf32, #tpu.memory_space<vmem_shared>>
      tpu.wait_dma2 semaphore(%run_scoped3A : memref<!tpu.dma_semaphore, #tpu.memory_space<semaphore_mem>>) src(%dma_wait3A_430 : memref<1x16xf32, #tpu.memory_space<vmem_shared>>) dst(%arg12 : memref<1x16xf32, #tpu.memory_space<vmem>>)
      tpu.yield
    }) : () -> ()
    %get3A_268 = arith.constant 0 : i32
    %get3A_269 = arith.index_cast %get3A_268 : i32 to index
    %get3A_270 = arith.constant 0 : index
    %get3A_271 = tpu.vector_load %arg12[%get3A_269, %get3A_270] {strides = array<i32>} : memref<1x16xf32, #tpu.memory_space<vmem>>, vector<1x16xf32>,
    %get3A_272 = vector.shape_cast %get3A_271 : vector<1x16xf32> to vector<16xf32>
    %add3A_273 = arith.addf %add3A_267, %get3A_272 : vector<16xf32>
    "tpu.region"() ({
      %run_scoped3A = tpu.sem_alloc : memref<!tpu.dma_semaphore, #tpu.memory_space<semaphore_mem>>
      %dma_start3A = arith.constant 2 : i32
      %dma_start3A_421 = arith.constant 0 : i32
      %dma_start3A_422 = tpu.memref_slice %arg16[%dma_start3A, %dma_start3A_421] : memref<16x16xf32, #tpu.memory_space<vmem_shared>> -> memref<1x16xf32, #tpu.memory_space<vmem_shared>>
      %dma_start3A_423 = arith.constant 2 : i32
      %dma_start3A_424 = arith.constant 0 : i32
      %dma_start3A_425 = tpu.memref_slice %arg16[%dma_start3A_423, %dma_start3A_424] : memref<16x16xf32, #tpu.memory_space<vmem_shared>> -> memref<1x16xf32, #tpu.memory_space<vmem_shared>>
      tpu.enqueue_dma source(%dma_start3A_425 : memref<1x16xf32, #tpu.memory_space<vmem_shared>>) target(%arg12 : memref<1x16xf32, #tpu.memory_space<vmem>>) target_semaphore(%run_scoped3A : memref<!tpu.dma_semaphore, #tpu.memory_space<semaphore_mem>>)
      %dma_wait3A = arith.constant 2 : i32
      %dma_wait3A_426 = arith.constant 0 : i32
      %dma_wait3A_427 = tpu.memref_slice %arg16[%dma_wait3A, %dma_wait3A_426] : memref<16x16xf32, #tpu.memory_space<vmem_shared>> -> memref<1x16xf32, #tpu.memory_space<vmem_shared>>
      %dma_wait3A_428 = arith.constant 2 : i32
      %dma_wait3A_429 = arith.constant 0 : i32
      %dma_wait3A_430 = tpu.memref_slice %arg16[%dma_wait3A_428, %dma_wait3A_429] : memref<16x16xf32, #tpu.memory_space<vmem_shared>> -> memref<1x16xf32, #tpu.memory_space<vmem_shared>>
      tpu.wait_dma2 semaphore(%run_scoped3A : memref<!tpu.dma_semaphore, #tpu.memory_space<semaphore_mem>>) src(%dma_wait3A_430 : memref<1x16xf32, #tpu.memory_space<vmem_shared>>) dst(%arg12 : memref<1x16xf32, #tpu.memory_space<vmem>>)
      tpu.yield
    }) : () -> ()
    %get3A_274 = arith.constant 0 : i32
    %get3A_275 = arith.index_cast %get3A_274 : i32 to index
    %get3A_276 = arith.constant 0 : index
    %get3A_277 = tpu.vector_load %arg12[%get3A_275, %get3A_276] {strides = array<i32>} : memref<1x16xf32, #tpu.memory_space<vmem>>, vector<1x16xf32>,
    %get3A_278 = vector.shape_cast %get3A_277 : vector<1x16xf32> to vector<16xf32>
    %add3A_279 = arith.addf %add3A_273, %get3A_278 : vector<16xf32>
    "tpu.region"() ({
      %run_scoped3A = tpu.sem_alloc : memref<!tpu.dma_semaphore, #tpu.memory_space<semaphore_mem>>
      %dma_start3A = arith.constant 3 : i32
      %dma_start3A_421 = arith.constant 0 : i32
      %dma_start3A_422 = tpu.memref_slice %arg16[%dma_start3A, %dma_start3A_421] : memref<16x16xf32, #tpu.memory_space<vmem_shared>> -> memref<1x16xf32, #tpu.memory_space<vmem_shared>>
      %dma_start3A_423 = arith.constant 3 : i32
      %dma_start3A_424 = arith.constant 0 : i32
      %dma_start3A_425 = tpu.memref_slice %arg16[%dma_start3A_423, %dma_start3A_424] : memref<16x16xf32, #tpu.memory_space<vmem_shared>> -> memref<1x16xf32, #tpu.memory_space<vmem_shared>>
      tpu.enqueue_dma source(%dma_start3A_425 : memref<1x16xf32, #tpu.memory_space<vmem_shared>>) target(%arg12 : memref<1x16xf32, #tpu.memory_space<vmem>>) target_semaphore(%run_scoped3A : memref<!tpu.dma_semaphore, #tpu.memory_space<semaphore_mem>>)
      %dma_wait3A = arith.constant 3 : i32
      %dma_wait3A_426 = arith.constant 0 : i32
      %dma_wait3A_427 = tpu.memref_slice %arg16[%dma_wait3A, %dma_wait3A_426] : memref<16x16xf32, #tpu.memory_space<vmem_shared>> -> memref<1x16xf32, #tpu.memory_space<vmem_shared>>
      %dma_wait3A_428 = arith.constant 3 : i32
      %dma_wait3A_429 = arith.constant 0 : i32
      %dma_wait3A_430 = tpu.memref_slice %arg16[%dma_wait3A_428, %dma_wait3A_429] : memref<16x16xf32, #tpu.memory_space<vmem_shared>> -> memref<1x16xf32, #tpu.memory_space<vmem_shared>>
      tpu.wait_dma2 semaphore(%run_scoped3A : memref<!tpu.dma_semaphore, #tpu.memory_space<semaphore_mem>>) src(%dma_wait3A_430 : memref<1x16xf32, #tpu.memory_space<vmem_shared>>) dst(%arg12 : memref<1x16xf32, #tpu.memory_space<vmem>>)
      tpu.yield
    }) : () -> ()
    %get3A_280 = arith.constant 0 : i32
    %get3A_281 = arith.index_cast %get3A_280 : i32 to index
    %get3A_282 = arith.constant 0 : index
    %get3A_283 = tpu.vector_load %arg12[%get3A_281, %get3A_282] {strides = array<i32>} : memref<1x16xf32, #tpu.memory_space<vmem>>, vector<1x16xf32>,
    %get3A_284 = vector.shape_cast %get3A_283 : vector<1x16xf32> to vector<16xf32>
    %add3A_285 = arith.addf %add3A_279, %get3A_284 : vector<16xf32>
    "tpu.region"() ({
      %run_scoped3A = tpu.sem_alloc : memref<!tpu.dma_semaphore, #tpu.memory_space<semaphore_mem>>
      %dma_start3A = arith.constant 4 : i32
      %dma_start3A_421 = arith.constant 0 : i32
      %dma_start3A_422 = tpu.memref_slice %arg16[%dma_start3A, %dma_start3A_421] : memref<16x16xf32, #tpu.memory_space<vmem_shared>> -> memref<1x16xf32, #tpu.memory_space<vmem_shared>>
      %dma_start3A_423 = arith.constant 4 : i32
      %dma_start3A_424 = arith.constant 0 : i32
      %dma_start3A_425 = tpu.memref_slice %arg16[%dma_start3A_423, %dma_start3A_424] : memref<16x16xf32, #tpu.memory_space<vmem_shared>> -> memref<1x16xf32, #tpu.memory_space<vmem_shared>>
      tpu.enqueue_dma source(%dma_start3A_425 : memref<1x16xf32, #tpu.memory_space<vmem_shared>>) target(%arg12 : memref<1x16xf32, #tpu.memory_space<vmem>>) target_semaphore(%run_scoped3A : memref<!tpu.dma_semaphore, #tpu.memory_space<semaphore_mem>>)
      %dma_wait3A = arith.constant 4 : i32
      %dma_wait3A_426 = arith.constant 0 : i32
      %dma_wait3A_427 = tpu.memref_slice %arg16[%dma_wait3A, %dma_wait3A_426] : memref<16x16xf32, #tpu.memory_space<vmem_shared>> -> memref<1x16xf32, #tpu.memory_space<vmem_shared>>
      %dma_wait3A_428 = arith.constant 4 : i32
      %dma_wait3A_429 = arith.constant 0 : i32
      %dma_wait3A_430 = tpu.memref_slice %arg16[%dma_wait3A_428, %dma_wait3A_429] : memref<16x16xf32, #tpu.memory_space<vmem_shared>> -> memref<1x16xf32, #tpu.memory_space<vmem_shared>>
      tpu.wait_dma2 semaphore(%run_scoped3A : memref<!tpu.dma_semaphore, #tpu.memory_space<semaphore_mem>>) src(%dma_wait3A_430 : memref<1x16xf32, #tpu.memory_space<vmem_shared>>) dst(%arg12 : memref<1x16xf32, #tpu.memory_space<vmem>>)
      tpu.yield
    }) : () -> ()
    %get3A_286 = arith.constant 0 : i32
    %get3A_287 = arith.index_cast %get3A_286 : i32 to index
    %get3A_288 = arith.constant 0 : index
    %get3A_289 = tpu.vector_load %arg12[%get3A_287, %get3A_288] {strides = array<i32>} : memref<1x16xf32, #tpu.memory_space<vmem>>, vector<1x16xf32>,
    %get3A_290 = vector.shape_cast %get3A_289 : vector<1x16xf32> to vector<16xf32>
    %add3A_291 = arith.addf %add3A_285, %get3A_290 : vector<16xf32>
    "tpu.region"() ({
      %run_scoped3A = tpu.sem_alloc : memref<!tpu.dma_semaphore, #tpu.memory_space<semaphore_mem>>
      %dma_start3A = arith.constant 5 : i32
      %dma_start3A_421 = arith.constant 0 : i32
      %dma_start3A_422 = tpu.memref_slice %arg16[%dma_start3A, %dma_start3A_421] : memref<16x16xf32, #tpu.memory_space<vmem_shared>> -> memref<1x16xf32, #tpu.memory_space<vmem_shared>>
      %dma_start3A_423 = arith.constant 5 : i32
      %dma_start3A_424 = arith.constant 0 : i32
      %dma_start3A_425 = tpu.memref_slice %arg16[%dma_start3A_423, %dma_start3A_424] : memref<16x16xf32, #tpu.memory_space<vmem_shared>> -> memref<1x16xf32, #tpu.memory_space<vmem_shared>>
      tpu.enqueue_dma source(%dma_start3A_425 : memref<1x16xf32, #tpu.memory_space<vmem_shared>>) target(%arg12 : memref<1x16xf32, #tpu.memory_space<vmem>>) target_semaphore(%run_scoped3A : memref<!tpu.dma_semaphore, #tpu.memory_space<semaphore_mem>>)
      %dma_wait3A = arith.constant 5 : i32
      %dma_wait3A_426 = arith.constant 0 : i32
      %dma_wait3A_427 = tpu.memref_slice %arg16[%dma_wait3A, %dma_wait3A_426] : memref<16x16xf32, #tpu.memory_space<vmem_shared>> -> memref<1x16xf32, #tpu.memory_space<vmem_shared>>
      %dma_wait3A_428 = arith.constant 5 : i32
      %dma_wait3A_429 = arith.constant 0 : i32
      %dma_wait3A_430 = tpu.memref_slice %arg16[%dma_wait3A_428, %dma_wait3A_429] : memref<16x16xf32, #tpu.memory_space<vmem_shared>> -> memref<1x16xf32, #tpu.memory_space<vmem_shared>>
      tpu.wait_dma2 semaphore(%run_scoped3A : memref<!tpu.dma_semaphore, #tpu.memory_space<semaphore_mem>>) src(%dma_wait3A_430 : memref<1x16xf32, #tpu.memory_space<vmem_shared>>) dst(%arg12 : memref<1x16xf32, #tpu.memory_space<vmem>>)
      tpu.yield
    }) : () -> ()
    %get3A_292 = arith.constant 0 : i32
    %get3A_293 = arith.index_cast %get3A_292 : i32 to index
    %get3A_294 = arith.constant 0 : index
    %get3A_295 = tpu.vector_load %arg12[%get3A_293, %get3A_294] {strides = array<i32>} : memref<1x16xf32, #tpu.memory_space<vmem>>, vector<1x16xf32>,
    %get3A_296 = vector.shape_cast %get3A_295 : vector<1x16xf32> to vector<16xf32>
    %add3A_297 = arith.addf %add3A_291, %get3A_296 : vector<16xf32>
    "tpu.region"() ({
      %run_scoped3A = tpu.sem_alloc : memref<!tpu.dma_semaphore, #tpu.memory_space<semaphore_mem>>
      %dma_start3A = arith.constant 6 : i32
      %dma_start3A_421 = arith.constant 0 : i32
      %dma_start3A_422 = tpu.memref_slice %arg16[%dma_start3A, %dma_start3A_421] : memref<16x16xf32, #tpu.memory_space<vmem_shared>> -> memref<1x16xf32, #tpu.memory_space<vmem_shared>>
      %dma_start3A_423 = arith.constant 6 : i32
      %dma_start3A_424 = arith.constant 0 : i32
      %dma_start3A_425 = tpu.memref_slice %arg16[%dma_start3A_423, %dma_start3A_424] : memref<16x16xf32, #tpu.memory_space<vmem_shared>> -> memref<1x16xf32, #tpu.memory_space<vmem_shared>>
      tpu.enqueue_dma source(%dma_start3A_425 : memref<1x16xf32, #tpu.memory_space<vmem_shared>>) target(%arg12 : memref<1x16xf32, #tpu.memory_space<vmem>>) target_semaphore(%run_scoped3A : memref<!tpu.dma_semaphore, #tpu.memory_space<semaphore_mem>>)
      %dma_wait3A = arith.constant 6 : i32
      %dma_wait3A_426 = arith.constant 0 : i32
      %dma_wait3A_427 = tpu.memref_slice %arg16[%dma_wait3A, %dma_wait3A_426] : memref<16x16xf32, #tpu.memory_space<vmem_shared>> -> memref<1x16xf32, #tpu.memory_space<vmem_shared>>
      %dma_wait3A_428 = arith.constant 6 : i32
      %dma_wait3A_429 = arith.constant 0 : i32
      %dma_wait3A_430 = tpu.memref_slice %arg16[%dma_wait3A_428, %dma_wait3A_429] : memref<16x16xf32, #tpu.memory_space<vmem_shared>> -> memref<1x16xf32, #tpu.memory_space<vmem_shared>>
      tpu.wait_dma2 semaphore(%run_scoped3A : memref<!tpu.dma_semaphore, #tpu.memory_space<semaphore_mem>>) src(%dma_wait3A_430 : memref<1x16xf32, #tpu.memory_space<vmem_shared>>) dst(%arg12 : memref<1x16xf32, #tpu.memory_space<vmem>>)
      tpu.yield
    }) : () -> ()
    %get3A_298 = arith.constant 0 : i32
    %get3A_299 = arith.index_cast %get3A_298 : i32 to index
    %get3A_300 = arith.constant 0 : index
    %get3A_301 = tpu.vector_load %arg12[%get3A_299, %get3A_300] {strides = array<i32>} : memref<1x16xf32, #tpu.memory_space<vmem>>, vector<1x16xf32>,
    %get3A_302 = vector.shape_cast %get3A_301 : vector<1x16xf32> to vector<16xf32>
    %add3A_303 = arith.addf %add3A_297, %get3A_302 : vector<16xf32>
    "tpu.region"() ({
      %run_scoped3A = tpu.sem_alloc : memref<!tpu.dma_semaphore, #tpu.memory_space<semaphore_mem>>
      %dma_start3A = arith.constant 7 : i32
      %dma_start3A_421 = arith.constant 0 : i32
      %dma_start3A_422 = tpu.memref_slice %arg16[%dma_start3A, %dma_start3A_421] : memref<16x16xf32, #tpu.memory_space<vmem_shared>> -> memref<1x16xf32, #tpu.memory_space<vmem_shared>>
      %dma_start3A_423 = arith.constant 7 : i32
      %dma_start3A_424 = arith.constant 0 : i32
      %dma_start3A_425 = tpu.memref_slice %arg16[%dma_start3A_423, %dma_start3A_424] : memref<16x16xf32, #tpu.memory_space<vmem_shared>> -> memref<1x16xf32, #tpu.memory_space<vmem_shared>>
      tpu.enqueue_dma source(%dma_start3A_425 : memref<1x16xf32, #tpu.memory_space<vmem_shared>>) target(%arg12 : memref<1x16xf32, #tpu.memory_space<vmem>>) target_semaphore(%run_scoped3A : memref<!tpu.dma_semaphore, #tpu.memory_space<semaphore_mem>>)
      %dma_wait3A = arith.constant 7 : i32
      %dma_wait3A_426 = arith.constant 0 : i32
      %dma_wait3A_427 = tpu.memref_slice %arg16[%dma_wait3A, %dma_wait3A_426] : memref<16x16xf32, #tpu.memory_space<vmem_shared>> -> memref<1x16xf32, #tpu.memory_space<vmem_shared>>
      %dma_wait3A_428 = arith.constant 7 : i32
      %dma_wait3A_429 = arith.constant 0 : i32
      %dma_wait3A_430 = tpu.memref_slice %arg16[%dma_wait3A_428, %dma_wait3A_429] : memref<16x16xf32, #tpu.memory_space<vmem_shared>> -> memref<1x16xf32, #tpu.memory_space<vmem_shared>>
      tpu.wait_dma2 semaphore(%run_scoped3A : memref<!tpu.dma_semaphore, #tpu.memory_space<semaphore_mem>>) src(%dma_wait3A_430 : memref<1x16xf32, #tpu.memory_space<vmem_shared>>) dst(%arg12 : memref<1x16xf32, #tpu.memory_space<vmem>>)
      tpu.yield
    }) : () -> ()
    %get3A_304 = arith.constant 0 : i32
    %get3A_305 = arith.index_cast %get3A_304 : i32 to index
    %get3A_306 = arith.constant 0 : index
    %get3A_307 = tpu.vector_load %arg12[%get3A_305, %get3A_306] {strides = array<i32>} : memref<1x16xf32, #tpu.memory_space<vmem>>, vector<1x16xf32>,
    %get3A_308 = vector.shape_cast %get3A_307 : vector<1x16xf32> to vector<16xf32>
    %add3A_309 = arith.addf %add3A_303, %get3A_308 : vector<16xf32>
    "tpu.region"() ({
      %run_scoped3A = tpu.sem_alloc : memref<!tpu.dma_semaphore, #tpu.memory_space<semaphore_mem>>
      %dma_start3A = arith.constant 8 : i32
      %dma_start3A_421 = arith.constant 0 : i32
      %dma_start3A_422 = tpu.memref_slice %arg16[%dma_start3A, %dma_start3A_421] : memref<16x16xf32, #tpu.memory_space<vmem_shared>> -> memref<1x16xf32, #tpu.memory_space<vmem_shared>>
      %dma_start3A_423 = arith.constant 8 : i32
      %dma_start3A_424 = arith.constant 0 : i32
      %dma_start3A_425 = tpu.memref_slice %arg16[%dma_start3A_423, %dma_start3A_424] : memref<16x16xf32, #tpu.memory_space<vmem_shared>> -> memref<1x16xf32, #tpu.memory_space<vmem_shared>>
      tpu.enqueue_dma source(%dma_start3A_425 : memref<1x16xf32, #tpu.memory_space<vmem_shared>>) target(%arg12 : memref<1x16xf32, #tpu.memory_space<vmem>>) target_semaphore(%run_scoped3A : memref<!tpu.dma_semaphore, #tpu.memory_space<semaphore_mem>>)
      %dma_wait3A = arith.constant 8 : i32
      %dma_wait3A_426 = arith.constant 0 : i32
      %dma_wait3A_427 = tpu.memref_slice %arg16[%dma_wait3A, %dma_wait3A_426] : memref<16x16xf32, #tpu.memory_space<vmem_shared>> -> memref<1x16xf32, #tpu.memory_space<vmem_shared>>
      %dma_wait3A_428 = arith.constant 8 : i32
      %dma_wait3A_429 = arith.constant 0 : i32
      %dma_wait3A_430 = tpu.memref_slice %arg16[%dma_wait3A_428, %dma_wait3A_429] : memref<16x16xf32, #tpu.memory_space<vmem_shared>> -> memref<1x16xf32, #tpu.memory_space<vmem_shared>>
      tpu.wait_dma2 semaphore(%run_scoped3A : memref<!tpu.dma_semaphore, #tpu.memory_space<semaphore_mem>>) src(%dma_wait3A_430 : memref<1x16xf32, #tpu.memory_space<vmem_shared>>) dst(%arg12 : memref<1x16xf32, #tpu.memory_space<vmem>>)
      tpu.yield
    }) : () -> ()
    %get3A_310 = arith.constant 0 : i32
    %get3A_311 = arith.index_cast %get3A_310 : i32 to index
    %get3A_312 = arith.constant 0 : index
    %get3A_313 = tpu.vector_load %arg12[%get3A_311, %get3A_312] {strides = array<i32>} : memref<1x16xf32, #tpu.memory_space<vmem>>, vector<1x16xf32>,
    %get3A_314 = vector.shape_cast %get3A_313 : vector<1x16xf32> to vector<16xf32>
    %add3A_315 = arith.addf %add3A_309, %get3A_314 : vector<16xf32>
    "tpu.region"() ({
      %run_scoped3A = tpu.sem_alloc : memref<!tpu.dma_semaphore, #tpu.memory_space<semaphore_mem>>
      %dma_start3A = arith.constant 9 : i32
      %dma_start3A_421 = arith.constant 0 : i32
      %dma_start3A_422 = tpu.memref_slice %arg16[%dma_start3A, %dma_start3A_421] : memref<16x16xf32, #tpu.memory_space<vmem_shared>> -> memref<1x16xf32, #tpu.memory_space<vmem_shared>>
      %dma_start3A_423 = arith.constant 9 : i32
      %dma_start3A_424 = arith.constant 0 : i32
      %dma_start3A_425 = tpu.memref_slice %arg16[%dma_start3A_423, %dma_start3A_424] : memref<16x16xf32, #tpu.memory_space<vmem_shared>> -> memref<1x16xf32, #tpu.memory_space<vmem_shared>>
      tpu.enqueue_dma source(%dma_start3A_425 : memref<1x16xf32, #tpu.memory_space<vmem_shared>>) target(%arg12 : memref<1x16xf32, #tpu.memory_space<vmem>>) target_semaphore(%run_scoped3A : memref<!tpu.dma_semaphore, #tpu.memory_space<semaphore_mem>>)
      %dma_wait3A = arith.constant 9 : i32
      %dma_wait3A_426 = arith.constant 0 : i32
      %dma_wait3A_427 = tpu.memref_slice %arg16[%dma_wait3A, %dma_wait3A_426] : memref<16x16xf32, #tpu.memory_space<vmem_shared>> -> memref<1x16xf32, #tpu.memory_space<vmem_shared>>
      %dma_wait3A_428 = arith.constant 9 : i32
      %dma_wait3A_429 = arith.constant 0 : i32
      %dma_wait3A_430 = tpu.memref_slice %arg16[%dma_wait3A_428, %dma_wait3A_429] : memref<16x16xf32, #tpu.memory_space<vmem_shared>> -> memref<1x16xf32, #tpu.memory_space<vmem_shared>>
      tpu.wait_dma2 semaphore(%run_scoped3A : memref<!tpu.dma_semaphore, #tpu.memory_space<semaphore_mem>>) src(%dma_wait3A_430 : memref<1x16xf32, #tpu.memory_space<vmem_shared>>) dst(%arg12 : memref<1x16xf32, #tpu.memory_space<vmem>>)
      tpu.yield
    }) : () -> ()
    %get3A_316 = arith.constant 0 : i32
    %get3A_317 = arith.index_cast %get3A_316 : i32 to index
    %get3A_318 = arith.constant 0 : index
    %get3A_319 = tpu.vector_load %arg12[%get3A_317, %get3A_318] {strides = array<i32>} : memref<1x16xf32, #tpu.memory_space<vmem>>, vector<1x16xf32>,
    %get3A_320 = vector.shape_cast %get3A_319 : vector<1x16xf32> to vector<16xf32>
    %add3A_321 = arith.addf %add3A_315, %get3A_320 : vector<16xf32>
    "tpu.region"() ({
      %run_scoped3A = tpu.sem_alloc : memref<!tpu.dma_semaphore, #tpu.memory_space<semaphore_mem>>
      %dma_start3A = arith.constant 10 : i32
      %dma_start3A_421 = arith.constant 0 : i32
      %dma_start3A_422 = tpu.memref_slice %arg16[%dma_start3A, %dma_start3A_421] : memref<16x16xf32, #tpu.memory_space<vmem_shared>> -> memref<1x16xf32, #tpu.memory_space<vmem_shared>>
      %dma_start3A_423 = arith.constant 10 : i32
      %dma_start3A_424 = arith.constant 0 : i32
      %dma_start3A_425 = tpu.memref_slice %arg16[%dma_start3A_423, %dma_start3A_424] : memref<16x16xf32, #tpu.memory_space<vmem_shared>> -> memref<1x16xf32, #tpu.memory_space<vmem_shared>>
      tpu.enqueue_dma source(%dma_start3A_425 : memref<1x16xf32, #tpu.memory_space<vmem_shared>>) target(%arg12 : memref<1x16xf32, #tpu.memory_space<vmem>>) target_semaphore(%run_scoped3A : memref<!tpu.dma_semaphore, #tpu.memory_space<semaphore_mem>>)
      %dma_wait3A = arith.constant 10 : i32
      %dma_wait3A_426 = arith.constant 0 : i32
      %dma_wait3A_427 = tpu.memref_slice %arg16[%dma_wait3A, %dma_wait3A_426] : memref<16x16xf32, #tpu.memory_space<vmem_shared>> -> memref<1x16xf32, #tpu.memory_space<vmem_shared>>
      %dma_wait3A_428 = arith.constant 10 : i32
      %dma_wait3A_429 = arith.constant 0 : i32
      %dma_wait3A_430 = tpu.memref_slice %arg16[%dma_wait3A_428, %dma_wait3A_429] : memref<16x16xf32, #tpu.memory_space<vmem_shared>> -> memref<1x16xf32, #tpu.memory_space<vmem_shared>>
      tpu.wait_dma2 semaphore(%run_scoped3A : memref<!tpu.dma_semaphore, #tpu.memory_space<semaphore_mem>>) src(%dma_wait3A_430 : memref<1x16xf32, #tpu.memory_space<vmem_shared>>) dst(%arg12 : memref<1x16xf32, #tpu.memory_space<vmem>>)
      tpu.yield
    }) : () -> ()
    %get3A_322 = arith.constant 0 : i32
    %get3A_323 = arith.index_cast %get3A_322 : i32 to index
    %get3A_324 = arith.constant 0 : index
    %get3A_325 = tpu.vector_load %arg12[%get3A_323, %get3A_324] {strides = array<i32>} : memref<1x16xf32, #tpu.memory_space<vmem>>, vector<1x16xf32>,
    %get3A_326 = vector.shape_cast %get3A_325 : vector<1x16xf32> to vector<16xf32>
    %add3A_327 = arith.addf %add3A_321, %get3A_326 : vector<16xf32>
    "tpu.region"() ({
      %run_scoped3A = tpu.sem_alloc : memref<!tpu.dma_semaphore, #tpu.memory_space<semaphore_mem>>
      %dma_start3A = arith.constant 11 : i32
      %dma_start3A_421 = arith.constant 0 : i32
      %dma_start3A_422 = tpu.memref_slice %arg16[%dma_start3A, %dma_start3A_421] : memref<16x16xf32, #tpu.memory_space<vmem_shared>> -> memref<1x16xf32, #tpu.memory_space<vmem_shared>>
      %dma_start3A_423 = arith.constant 11 : i32
      %dma_start3A_424 = arith.constant 0 : i32
      %dma_start3A_425 = tpu.memref_slice %arg16[%dma_start3A_423, %dma_start3A_424] : memref<16x16xf32, #tpu.memory_space<vmem_shared>> -> memref<1x16xf32, #tpu.memory_space<vmem_shared>>
      tpu.enqueue_dma source(%dma_start3A_425 : memref<1x16xf32, #tpu.memory_space<vmem_shared>>) target(%arg12 : memref<1x16xf32, #tpu.memory_space<vmem>>) target_semaphore(%run_scoped3A : memref<!tpu.dma_semaphore, #tpu.memory_space<semaphore_mem>>)
      %dma_wait3A = arith.constant 11 : i32
      %dma_wait3A_426 = arith.constant 0 : i32
      %dma_wait3A_427 = tpu.memref_slice %arg16[%dma_wait3A, %dma_wait3A_426] : memref<16x16xf32, #tpu.memory_space<vmem_shared>> -> memref<1x16xf32, #tpu.memory_space<vmem_shared>>
      %dma_wait3A_428 = arith.constant 11 : i32
      %dma_wait3A_429 = arith.constant 0 : i32
      %dma_wait3A_430 = tpu.memref_slice %arg16[%dma_wait3A_428, %dma_wait3A_429] : memref<16x16xf32, #tpu.memory_space<vmem_shared>> -> memref<1x16xf32, #tpu.memory_space<vmem_shared>>
      tpu.wait_dma2 semaphore(%run_scoped3A : memref<!tpu.dma_semaphore, #tpu.memory_space<semaphore_mem>>) src(%dma_wait3A_430 : memref<1x16xf32, #tpu.memory_space<vmem_shared>>) dst(%arg12 : memref<1x16xf32, #tpu.memory_space<vmem>>)
      tpu.yield
    }) : () -> ()
    %get3A_328 = arith.constant 0 : i32
    %get3A_329 = arith.index_cast %get3A_328 : i32 to index
    %get3A_330 = arith.constant 0 : index
    %get3A_331 = tpu.vector_load %arg12[%get3A_329, %get3A_330] {strides = array<i32>} : memref<1x16xf32, #tpu.memory_space<vmem>>, vector<1x16xf32>,
    %get3A_332 = vector.shape_cast %get3A_331 : vector<1x16xf32> to vector<16xf32>
    %add3A_333 = arith.addf %add3A_327, %get3A_332 : vector<16xf32>
    "tpu.region"() ({
      %run_scoped3A = tpu.sem_alloc : memref<!tpu.dma_semaphore, #tpu.memory_space<semaphore_mem>>
      %dma_start3A = arith.constant 12 : i32
      %dma_start3A_421 = arith.constant 0 : i32
      %dma_start3A_422 = tpu.memref_slice %arg16[%dma_start3A, %dma_start3A_421] : memref<16x16xf32, #tpu.memory_space<vmem_shared>> -> memref<1x16xf32, #tpu.memory_space<vmem_shared>>
      %dma_start3A_423 = arith.constant 12 : i32
      %dma_start3A_424 = arith.constant 0 : i32
      %dma_start3A_425 = tpu.memref_slice %arg16[%dma_start3A_423, %dma_start3A_424] : memref<16x16xf32, #tpu.memory_space<vmem_shared>> -> memref<1x16xf32, #tpu.memory_space<vmem_shared>>
      tpu.enqueue_dma source(%dma_start3A_425 : memref<1x16xf32, #tpu.memory_space<vmem_shared>>) target(%arg12 : memref<1x16xf32, #tpu.memory_space<vmem>>) target_semaphore(%run_scoped3A : memref<!tpu.dma_semaphore, #tpu.memory_space<semaphore_mem>>)
      %dma_wait3A = arith.constant 12 : i32
      %dma_wait3A_426 = arith.constant 0 : i32
      %dma_wait3A_427 = tpu.memref_slice %arg16[%dma_wait3A, %dma_wait3A_426] : memref<16x16xf32, #tpu.memory_space<vmem_shared>> -> memref<1x16xf32, #tpu.memory_space<vmem_shared>>
      %dma_wait3A_428 = arith.constant 12 : i32
      %dma_wait3A_429 = arith.constant 0 : i32
      %dma_wait3A_430 = tpu.memref_slice %arg16[%dma_wait3A_428, %dma_wait3A_429] : memref<16x16xf32, #tpu.memory_space<vmem_shared>> -> memref<1x16xf32, #tpu.memory_space<vmem_shared>>
      tpu.wait_dma2 semaphore(%run_scoped3A : memref<!tpu.dma_semaphore, #tpu.memory_space<semaphore_mem>>) src(%dma_wait3A_430 : memref<1x16xf32, #tpu.memory_space<vmem_shared>>) dst(%arg12 : memref<1x16xf32, #tpu.memory_space<vmem>>)
      tpu.yield
    }) : () -> ()
    %get3A_334 = arith.constant 0 : i32
    %get3A_335 = arith.index_cast %get3A_334 : i32 to index
    %get3A_336 = arith.constant 0 : index
    %get3A_337 = tpu.vector_load %arg12[%get3A_335, %get3A_336] {strides = array<i32>} : memref<1x16xf32, #tpu.memory_space<vmem>>, vector<1x16xf32>,
    %get3A_338 = vector.shape_cast %get3A_337 : vector<1x16xf32> to vector<16xf32>
    %add3A_339 = arith.addf %add3A_333, %get3A_338 : vector<16xf32>
    "tpu.region"() ({
      %run_scoped3A = tpu.sem_alloc : memref<!tpu.dma_semaphore, #tpu.memory_space<semaphore_mem>>
      %dma_start3A = arith.constant 13 : i32
      %dma_start3A_421 = arith.constant 0 : i32
      %dma_start3A_422 = tpu.memref_slice %arg16[%dma_start3A, %dma_start3A_421] : memref<16x16xf32, #tpu.memory_space<vmem_shared>> -> memref<1x16xf32, #tpu.memory_space<vmem_shared>>
      %dma_start3A_423 = arith.constant 13 : i32
      %dma_start3A_424 = arith.constant 0 : i32
      %dma_start3A_425 = tpu.memref_slice %arg16[%dma_start3A_423, %dma_start3A_424] : memref<16x16xf32, #tpu.memory_space<vmem_shared>> -> memref<1x16xf32, #tpu.memory_space<vmem_shared>>
      tpu.enqueue_dma source(%dma_start3A_425 : memref<1x16xf32, #tpu.memory_space<vmem_shared>>) target(%arg12 : memref<1x16xf32, #tpu.memory_space<vmem>>) target_semaphore(%run_scoped3A : memref<!tpu.dma_semaphore, #tpu.memory_space<semaphore_mem>>)
      %dma_wait3A = arith.constant 13 : i32
      %dma_wait3A_426 = arith.constant 0 : i32
      %dma_wait3A_427 = tpu.memref_slice %arg16[%dma_wait3A, %dma_wait3A_426] : memref<16x16xf32, #tpu.memory_space<vmem_shared>> -> memref<1x16xf32, #tpu.memory_space<vmem_shared>>
      %dma_wait3A_428 = arith.constant 13 : i32
      %dma_wait3A_429 = arith.constant 0 : i32
      %dma_wait3A_430 = tpu.memref_slice %arg16[%dma_wait3A_428, %dma_wait3A_429] : memref<16x16xf32, #tpu.memory_space<vmem_shared>> -> memref<1x16xf32, #tpu.memory_space<vmem_shared>>
      tpu.wait_dma2 semaphore(%run_scoped3A : memref<!tpu.dma_semaphore, #tpu.memory_space<semaphore_mem>>) src(%dma_wait3A_430 : memref<1x16xf32, #tpu.memory_space<vmem_shared>>) dst(%arg12 : memref<1x16xf32, #tpu.memory_space<vmem>>)
      tpu.yield
    }) : () -> ()
    %get3A_340 = arith.constant 0 : i32
    %get3A_341 = arith.index_cast %get3A_340 : i32 to index
    %get3A_342 = arith.constant 0 : index
    %get3A_343 = tpu.vector_load %arg12[%get3A_341, %get3A_342] {strides = array<i32>} : memref<1x16xf32, #tpu.memory_space<vmem>>, vector<1x16xf32>,
    %get3A_344 = vector.shape_cast %get3A_343 : vector<1x16xf32> to vector<16xf32>
    %add3A_345 = arith.addf %add3A_339, %get3A_344 : vector<16xf32>
    "tpu.region"() ({
      %run_scoped3A = tpu.sem_alloc : memref<!tpu.dma_semaphore, #tpu.memory_space<semaphore_mem>>
      %dma_start3A = arith.constant 14 : i32
      %dma_start3A_421 = arith.constant 0 : i32
      %dma_start3A_422 = tpu.memref_slice %arg16[%dma_start3A, %dma_start3A_421] : memref<16x16xf32, #tpu.memory_space<vmem_shared>> -> memref<1x16xf32, #tpu.memory_space<vmem_shared>>
      %dma_start3A_423 = arith.constant 14 : i32
      %dma_start3A_424 = arith.constant 0 : i32
      %dma_start3A_425 = tpu.memref_slice %arg16[%dma_start3A_423, %dma_start3A_424] : memref<16x16xf32, #tpu.memory_space<vmem_shared>> -> memref<1x16xf32, #tpu.memory_space<vmem_shared>>
      tpu.enqueue_dma source(%dma_start3A_425 : memref<1x16xf32, #tpu.memory_space<vmem_shared>>) target(%arg12 : memref<1x16xf32, #tpu.memory_space<vmem>>) target_semaphore(%run_scoped3A : memref<!tpu.dma_semaphore, #tpu.memory_space<semaphore_mem>>)
      %dma_wait3A = arith.constant 14 : i32
      %dma_wait3A_426 = arith.constant 0 : i32
      %dma_wait3A_427 = tpu.memref_slice %arg16[%dma_wait3A, %dma_wait3A_426] : memref<16x16xf32, #tpu.memory_space<vmem_shared>> -> memref<1x16xf32, #tpu.memory_space<vmem_shared>>
      %dma_wait3A_428 = arith.constant 14 : i32
      %dma_wait3A_429 = arith.constant 0 : i32
      %dma_wait3A_430 = tpu.memref_slice %arg16[%dma_wait3A_428, %dma_wait3A_429] : memref<16x16xf32, #tpu.memory_space<vmem_shared>> -> memref<1x16xf32, #tpu.memory_space<vmem_shared>>
      tpu.wait_dma2 semaphore(%run_scoped3A : memref<!tpu.dma_semaphore, #tpu.memory_space<semaphore_mem>>) src(%dma_wait3A_430 : memref<1x16xf32, #tpu.memory_space<vmem_shared>>) dst(%arg12 : memref<1x16xf32, #tpu.memory_space<vmem>>)
      tpu.yield
    }) : () -> ()
    %get3A_346 = arith.constant 0 : i32
    %get3A_347 = arith.index_cast %get3A_346 : i32 to index
    %get3A_348 = arith.constant 0 : index
    %get3A_349 = tpu.vector_load %arg12[%get3A_347, %get3A_348] {strides = array<i32>} : memref<1x16xf32, #tpu.memory_space<vmem>>, vector<1x16xf32>,
    %get3A_350 = vector.shape_cast %get3A_349 : vector<1x16xf32> to vector<16xf32>
    %add3A_351 = arith.addf %add3A_345, %get3A_350 : vector<16xf32>
    "tpu.region"() ({
      %run_scoped3A = tpu.sem_alloc : memref<!tpu.dma_semaphore, #tpu.memory_space<semaphore_mem>>
      %dma_start3A = arith.constant 15 : i32
      %dma_start3A_421 = arith.constant 0 : i32
      %dma_start3A_422 = tpu.memref_slice %arg16[%dma_start3A, %dma_start3A_421] : memref<16x16xf32, #tpu.memory_space<vmem_shared>> -> memref<1x16xf32, #tpu.memory_space<vmem_shared>>
      %dma_start3A_423 = arith.constant 15 : i32
      %dma_start3A_424 = arith.constant 0 : i32
      %dma_start3A_425 = tpu.memref_slice %arg16[%dma_start3A_423, %dma_start3A_424] : memref<16x16xf32, #tpu.memory_space<vmem_shared>> -> memref<1x16xf32, #tpu.memory_space<vmem_shared>>
      tpu.enqueue_dma source(%dma_start3A_425 : memref<1x16xf32, #tpu.memory_space<vmem_shared>>) target(%arg12 : memref<1x16xf32, #tpu.memory_space<vmem>>) target_semaphore(%run_scoped3A : memref<!tpu.dma_semaphore, #tpu.memory_space<semaphore_mem>>)
      %dma_wait3A = arith.constant 15 : i32
      %dma_wait3A_426 = arith.constant 0 : i32
      %dma_wait3A_427 = tpu.memref_slice %arg16[%dma_wait3A, %dma_wait3A_426] : memref<16x16xf32, #tpu.memory_space<vmem_shared>> -> memref<1x16xf32, #tpu.memory_space<vmem_shared>>
      %dma_wait3A_428 = arith.constant 15 : i32
      %dma_wait3A_429 = arith.constant 0 : i32
      %dma_wait3A_430 = tpu.memref_slice %arg16[%dma_wait3A_428, %dma_wait3A_429] : memref<16x16xf32, #tpu.memory_space<vmem_shared>> -> memref<1x16xf32, #tpu.memory_space<vmem_shared>>
      tpu.wait_dma2 semaphore(%run_scoped3A : memref<!tpu.dma_semaphore, #tpu.memory_space<semaphore_mem>>) src(%dma_wait3A_430 : memref<1x16xf32, #tpu.memory_space<vmem_shared>>) dst(%arg12 : memref<1x16xf32, #tpu.memory_space<vmem>>)
      tpu.yield
    }) : () -> ()
    %get3A_352 = arith.constant 0 : i32
    %get3A_353 = arith.index_cast %get3A_352 : i32 to index
    %get3A_354 = arith.constant 0 : index
    %get3A_355 = tpu.vector_load %arg12[%get3A_353, %get3A_354] {strides = array<i32>} : memref<1x16xf32, #tpu.memory_space<vmem>>, vector<1x16xf32>,
    %get3A_356 = vector.shape_cast %get3A_355 : vector<1x16xf32> to vector<16xf32>
    %add3A_357 = arith.addf %add3A_351, %get3A_356 : vector<16xf32>
    %iota3A = tpu.iota {dimensions = array<i32: 0>} : vector<16xi32>
    %xor3A = arith.constant 8 : i32
    %xor3A_358 = vector.broadcast %xor3A : i32 to vector<16xi32>
    %xor3A_359 = arith.xori %iota3A, %xor3A_358 : vector<16xi32>
    %broadcast_in_dim3A_360 = vector.shape_cast %xor3A_359 : vector<16xi32> to vector<16x1xi32>
    %gather3A = vector.shape_cast %broadcast_in_dim3A_360 : vector<16x1xi32> to vector<16xi32>
    %gather3A_361 = tpu.dynamic_gather %add3A_357[%gather3A] in [0] : vector<16xf32>, vector<16xi32> -> vector<16xf32>
    %add3A_362 = arith.addf %add3A_357, %gather3A_361 : vector<16xf32>
    %xor3A_363 = arith.constant 4 : i32
    %xor3A_364 = vector.broadcast %xor3A_363 : i32 to vector<16xi32>
    %xor3A_365 = arith.xori %iota3A, %xor3A_364 : vector<16xi32>
    %broadcast_in_dim3A_366 = vector.shape_cast %xor3A_365 : vector<16xi32> to vector<16x1xi32>
    %gather3A_367 = vector.shape_cast %broadcast_in_dim3A_366 : vector<16x1xi32> to vector<16xi32>
    %gather3A_368 = tpu.dynamic_gather %add3A_362[%gather3A_367] in [0] : vector<16xf32>, vector<16xi32> -> vector<16xf32>
    %add3A_369 = arith.addf %add3A_362, %gather3A_368 : vector<16xf32>
    %xor3A_370 = arith.constant 2 : i32
    %xor3A_371 = vector.broadcast %xor3A_370 : i32 to vector<16xi32>
    %xor3A_372 = arith.xori %iota3A, %xor3A_371 : vector<16xi32>
    %broadcast_in_dim3A_373 = vector.shape_cast %xor3A_372 : vector<16xi32> to vector<16x1xi32>
    %gather3A_374 = vector.shape_cast %broadcast_in_dim3A_373 : vector<16x1xi32> to vector<16xi32>
    %gather3A_375 = tpu.dynamic_gather %add3A_369[%gather3A_374] in [0] : vector<16xf32>, vector<16xi32> -> vector<16xf32>
    %add3A_376 = arith.addf %add3A_369, %gather3A_375 : vector<16xf32>
    %xor3A_377 = arith.constant 1 : i32
    %xor3A_378 = vector.broadcast %xor3A_377 : i32 to vector<16xi32>
    %xor3A_379 = arith.xori %iota3A, %xor3A_378 : vector<16xi32>
    %broadcast_in_dim3A_380 = vector.shape_cast %xor3A_379 : vector<16xi32> to vector<16x1xi32>
    %gather3A_381 = vector.shape_cast %broadcast_in_dim3A_380 : vector<16x1xi32> to vector<16xi32>
    %gather3A_382 = tpu.dynamic_gather %add3A_376[%gather3A_381] in [0] : vector<16xf32>, vector<16xi32> -> vector<16xf32>
    %add3A_383 = arith.addf %add3A_376, %gather3A_382 : vector<16xf32>
    %get3A_384 = arith.constant 3 : i32
    %get3A_385 = arith.index_cast %get3A_384 : i32 to index
    %get3A_386 = arith.constant 0 : index
    %get3A_387 = tpu.vector_load %arg8[%get3A_385, %get3A_386] {strides = array<i32>} : memref<8x32xf32, #tpu.memory_space<vmem>>, vector<1x16xf32>,
    %get3A_388 = vector.shape_cast %get3A_387 : vector<1x16xf32> to vector<16xf32>
    %get3A_389 = arith.constant 4 : i32
    %get3A_390 = arith.index_cast %get3A_389 : i32 to index
    %get3A_391 = arith.constant 0 : index
    %get3A_392 = tpu.vector_load %arg8[%get3A_390, %get3A_391] {strides = array<i32>} : memref<8x32xf32, #tpu.memory_space<vmem>>, vector<1x16xf32>,
    %get3A_393 = vector.shape_cast %get3A_392 : vector<1x16xf32> to vector<16xf32>
    %add3A_394 = arith.constant 5.000000e-01 : f32
    %add3A_395 = vector.broadcast %add3A_394 : f32 to vector<16xf32>
    %add3A_396 = arith.addf %add3A_383, %add3A_395 : vector<16xf32>
    %max3A_397 = arith.constant 0.000000e+00 : f32
    %max3A_398 = vector.broadcast %max3A_397 : f32 to vector<16xf32>
    %max3A_399 = arith.maximumf %add3A_396, %max3A_398 : vector<16xf32>
    %gt3A = arith.constant 0.000000e+00 : f32
    %gt3A_400 = vector.broadcast %gt3A : f32 to vector<16xf32>
    %gt3A_401 = arith.cmpf ogt, %get3A_393, %gt3A_400 : vector<16xf32>
    %mul3A_402 = arith.constant 0.00999999977 : f32
    %mul3A_403 = vector.broadcast %mul3A_402 : f32 to vector<16xf32>
    %mul3A_404 = arith.mulf %mul3A_403, %max3A_399 : vector<16xf32>
    %mul3A_405 = arith.constant 9.900000e-01 : f32
    %mul3A_406 = vector.broadcast %mul3A_405 : f32 to vector<16xf32>
    %mul3A_407 = arith.mulf %mul3A_406, %get3A_388 : vector<16xf32>
    %add3A_408 = arith.addf %mul3A_404, %mul3A_407 : vector<16xf32>
    %select_n3A_409 = arith.select %gt3A_401, %add3A_408, %get3A_388 : vector<16xi1>, vector<16xf32>
    %swap3A_410 = arith.constant 0 : index
    %swap3A_411 = tpu.vector_load %arg13[%swap3A_410] {strides = array<i32>} : memref<16xf32, #tpu.memory_space<vmem>>, vector<16xf32>,
    %swap3A_412 = vector.shape_cast %swap3A_411 : vector<16xf32> to vector<16xf32>
    %swap3A_413 = vector.shape_cast %select_n3A_409 : vector<16xf32> to vector<16xf32>
    tpu.vector_store %arg13[%swap3A_410], %swap3A_413 {strides = array<i32>} : memref<16xf32, #tpu.memory_space<vmem>>, vector<16xf32>,
    %eq3A_414 = arith.constant 0 : i32
    %eq3A_415 = arith.cmpi eq, %arg1, %eq3A_414 : i32
    %eq3A_416 = arith.constant 0 : i32
    %eq3A_417 = arith.cmpi eq, %arg0, %eq3A_416 : i32
    %and3A = arith.andi %eq3A_415, %eq3A_417 : i1
    %convert_element_type3A_418 = arith.extui %and3A : i1 to i32
    %cond3A_419 = arith.constant 0 : i32
    %cond3A_420 = arith.cmpi ne, %convert_element_type3A_418, %cond3A_419 : i32
    scf.if %cond3A_420 {
      "tpu.region"() ({
        %run_scoped3A = tpu.sem_alloc : memref<!tpu.dma_semaphore, #tpu.memory_space<semaphore_mem>>
        tpu.enqueue_dma source(%arg13 : memref<16xf32, #tpu.memory_space<vmem>>) target(%arg5 : memref<16xf32, #tpu.memory_space<hbm>>) target_semaphore(%run_scoped3A : memref<!tpu.dma_semaphore, #tpu.memory_space<semaphore_mem>>)
        tpu.wait_dma2 semaphore(%run_scoped3A : memref<!tpu.dma_semaphore, #tpu.memory_space<semaphore_mem>>) src(%arg13 : memref<16xf32, #tpu.memory_space<vmem>>) dst(%arg5 : memref<16xf32, #tpu.memory_space<hbm>>)
        tpu.yield
      }) : () -> ()
    } else {
    }
    return
  }
}

module attributes {stable_mosaic.version = 14 : i64} {
  func.func @_prep_kernel(%arg0: memref<1024x28xf32, #tpu.memory_space<vmem>>, %arg1: memref<1024x28xf32, #tpu.memory_space<vmem>>, %arg2: memref<1024x32xf32, #tpu.memory_space<vmem>>, %arg3: memref<1024x32xf32, #tpu.memory_space<vmem>>, %arg4: memref<8x32xf32, #tpu.memory_space<vmem>>) attributes {dimension_semantics = [], scalar_prefetch = 0 : i64, scratch_operands = 0 : i64, tpu.core_type = #tpu.core_type<tc>} {
    %get3A = arith.constant 0 : index
    %get3A_0 = arith.constant 0 : index
    %get3A_1 = vector.load %arg0[%get3A, %get3A_0] : memref<1024x28xf32, #tpu.memory_space<vmem>>, vector<1024x28xf32>
    %get3A_2 = arith.constant 0 : index
    %get3A_3 = arith.constant 0 : index
    %get3A_4 = vector.load %arg1[%get3A_2, %get3A_3] : memref<1024x28xf32, #tpu.memory_space<vmem>>, vector<1024x28xf32>
    %max3A = arith.constant 0.000000e+00 : f32
    %max3A_5 = vector.broadcast %max3A : f32 to vector<1024x28xf32>
    %max3A_6 = arith.maximumf %get3A_1, %max3A_5 : vector<1024x28xf32>
    %mul3A = arith.mulf %get3A_1, %get3A_4 : vector<1024x28xf32>
    %sub3A = arith.subf %max3A_6, %mul3A : vector<1024x28xf32>
    %abs3A = math.absf %get3A_1 : vector<1024x28xf32>
    %neg3A = arith.constant 0.000000e+00 : f32
    %neg3A_7 = vector.broadcast %neg3A : f32 to vector<1024x28xf32>
    %neg3A_8 = arith.subf %neg3A_7, %abs3A : vector<1024x28xf32>
    %exp3A = math.exp %neg3A_8 : vector<1024x28xf32>
    %log1p3A = math.log1p %exp3A : vector<1024x28xf32>
    %add3A = arith.addf %sub3A, %log1p3A : vector<1024x28xf32>
    %reduce_sum3A = vector.shape_cast %add3A : vector<1024x28xf32> to vector<1x1024x28xf32>
    %reduce_sum3A_9 = arith.constant dense<0.000000e+00> : vector<1xf32>
    %reduce_sum3A_10 = vector.multi_reduction <add>, %reduce_sum3A, %reduce_sum3A_9 [1, 2] : vector<1x1024x28xf32> to vector<1xf32>
    %reduce_sum3A_11 = vector.shape_cast %reduce_sum3A_10 : vector<1xf32> to vector<1x1x1xf32>
    %reduce_sum3A_12 = vector.extract %reduce_sum3A_11[0, 0, 0] : f32 from vector<1x1x1xf32>
    %div3A = arith.constant 2.867200e+04 : f32
    %div3A_13 = arith.divf %reduce_sum3A_12, %div3A : f32
    %logistic3A = arith.negf %get3A_1 : vector<1024x28xf32>
    %logistic3A_14 = math.exp %logistic3A : vector<1024x28xf32>
    %logistic3A_15 = arith.constant 1.000000e+00 : f32
    %logistic3A_16 = vector.broadcast %logistic3A_15 : f32 to vector<1024x28xf32>
    %logistic3A_17 = arith.addf %logistic3A_16, %logistic3A_14 : vector<1024x28xf32>
    %logistic3A_18 = arith.divf %logistic3A_16, %logistic3A_17 : vector<1024x28xf32>
    %eq3A = arith.constant 1.000000e+00 : f32
    %eq3A_19 = vector.broadcast %eq3A : f32 to vector<1024x28xf32>
    %eq3A_20 = arith.cmpf oeq, %get3A_4, %eq3A_19 : vector<1024x28xf32>
    %broadcast_in_dim3A = arith.constant 0x7F800000 : f32
    %broadcast_in_dim3A_21 = vector.broadcast %broadcast_in_dim3A : f32 to vector<1024x4xf32>
    %jit3A = arith.constant 0x7F800000 : f32
    %broadcast_in_dim3A_22 = vector.broadcast %jit3A : f32 to vector<1024x28xf32>
    %select_n3A = arith.select %eq3A_20, %logistic3A_18, %broadcast_in_dim3A_22 : vector<1024x28xi1>, vector<1024x28xf32>
    %concatenate3A = tpu.concatenate %select_n3A, %broadcast_in_dim3A_21 in 1 : vector<1024x28xf32>, vector<1024x4xf32> -> vector<1024x32xf32>
    %swap3A = arith.constant 0 : index
    %swap3A_23 = arith.constant 0 : index
    %swap3A_24 = vector.load %arg2[%swap3A, %swap3A_23] : memref<1024x32xf32, #tpu.memory_space<vmem>>, vector<1024x32xf32>
    tpu.vector_store %arg2[%swap3A, %swap3A_23], %concatenate3A {strides = array<i32>} : memref<1024x32xf32, #tpu.memory_space<vmem>>, vector<1024x32xf32>,
    %jit3A_25 = arith.constant 0x7F800000 : f32
    %broadcast_in_dim3A_26 = vector.broadcast %jit3A_25 : f32 to vector<1024x28xf32>
    %select_n3A_27 = arith.select %eq3A_20, %broadcast_in_dim3A_26, %logistic3A_18 : vector<1024x28xi1>, vector<1024x28xf32>
    %concatenate3A_28 = tpu.concatenate %select_n3A_27, %broadcast_in_dim3A_21 in 1 : vector<1024x28xf32>, vector<1024x4xf32> -> vector<1024x32xf32>
    %swap3A_29 = arith.constant 0 : index
    %swap3A_30 = arith.constant 0 : index
    %swap3A_31 = vector.load %arg3[%swap3A_29, %swap3A_30] : memref<1024x32xf32, #tpu.memory_space<vmem>>, vector<1024x32xf32>
    tpu.vector_store %arg3[%swap3A_29, %swap3A_30], %concatenate3A_28 {strides = array<i32>} : memref<1024x32xf32, #tpu.memory_space<vmem>>, vector<1024x32xf32>,
    %broadcast_in_dim3A_32 = arith.constant 1.000000e+00 : f32
    %broadcast_in_dim3A_33 = vector.broadcast %broadcast_in_dim3A_32 : f32 to vector<1024x1xf32>
    %dot_general3A = arith.constant dense<0.000000e+00> : vector<28x1xf32>
    %dot_general3A_34 = tpu.matmul %get3A_4, %broadcast_in_dim3A_33, %dot_general3A {dimension_numbers = #tpu.dot_dimension_numbers<[0], [0], [1], [1], [0, 1, 1, 1], [], []>, transpose_lhs_hint = false} : vector<1024x28xf32>, vector<1024x1xf32>, vector<28x1xf32> -> vector<28x1xf32>
    %reduce_sum3A_35 = arith.constant dense<0.000000e+00> : vector<28xf32>
    %reduce_sum3A_36 = vector.multi_reduction <add>, %get3A_4, %reduce_sum3A_35 [0] : vector<1024x28xf32> to vector<28xf32>
    %broadcast_in_dim3A_37 = vector.shape_cast %reduce_sum3A_36 : vector<28xf32> to vector<1x28xf32>
    %iota3A = tpu.iota {dimensions = array<i32: 0>} : vector<28x28xi32>
    %iota3A_38 = tpu.iota {dimensions = array<i32: 1>} : vector<28x28xi32>
    %lt3A = vector.broadcast %dot_general3A_34 : vector<28x1xf32> to vector<28x28xf32>
    %lt3A_39 = vector.broadcast %broadcast_in_dim3A_37 : vector<1x28xf32> to vector<28x28xf32>
    %lt3A_40 = arith.cmpf olt, %lt3A, %lt3A_39 : vector<28x28xf32>
    %eq3A_41 = vector.broadcast %dot_general3A_34 : vector<28x1xf32> to vector<28x28xf32>
    %eq3A_42 = vector.broadcast %broadcast_in_dim3A_37 : vector<1x28xf32> to vector<28x28xf32>
    %eq3A_43 = arith.cmpf oeq, %eq3A_41, %eq3A_42 : vector<28x28xf32>
    %le3A = arith.cmpi sle, %iota3A, %iota3A_38 : vector<28x28xi32>
    %and3A = arith.andi %eq3A_43, %le3A : vector<28x28xi1>
    %or3A = arith.ori %lt3A_40, %and3A : vector<28x28xi1>
    %jit3A_44 = arith.constant 0.000000e+00 : f32
    %broadcast_in_dim3A_45 = vector.shape_cast %dot_general3A_34 : vector<28x1xf32> to vector<28x1xf32>
    %broadcast_in_dim3A_46 = vector.broadcast %broadcast_in_dim3A_45 : vector<28x1xf32> to vector<28x28xf32>
    %broadcast_in_dim3A_47 = vector.broadcast %jit3A_44 : f32 to vector<28x28xf32>
    %select_n3A_48 = arith.select %or3A, %broadcast_in_dim3A_46, %broadcast_in_dim3A_47 : vector<28x28xi1>, vector<28x28xf32>
    %reduce_sum3A_49 = arith.constant dense<0.000000e+00> : vector<28xf32>
    %reduce_sum3A_50 = vector.multi_reduction <add>, %select_n3A_48, %reduce_sum3A_49 [0] : vector<28x28xf32> to vector<28xf32>
    %broadcast_in_dim3A_51 = vector.shape_cast %reduce_sum3A_50 : vector<28xf32> to vector<1x28xf32>
    %le3A_52 = arith.constant 5.120000e+02 : f32
    %le3A_53 = vector.broadcast %le3A_52 : f32 to vector<1x28xf32>
    %le3A_54 = arith.cmpf ole, %broadcast_in_dim3A_51, %le3A_53 : vector<1x28xf32>
    %gt3A = arith.constant 1.000000e+00 : f32
    %gt3A_55 = vector.broadcast %gt3A : f32 to vector<1x28xf32>
    %gt3A_56 = arith.cmpf ogt, %broadcast_in_dim3A_37, %gt3A_55 : vector<1x28xf32>
    %and3A_57 = arith.andi %le3A_54, %gt3A_56 : vector<1x28xi1>
    %sub3A_58 = arith.constant 1.000000e+00 : f32
    %sub3A_59 = vector.broadcast %sub3A_58 : f32 to vector<1x28xf32>
    %sub3A_60 = arith.subf %broadcast_in_dim3A_37, %sub3A_59 : vector<1x28xf32>
    %min3A = arith.constant 3.000000e+00 : f32
    %min3A_61 = vector.broadcast %min3A : f32 to vector<1x28xf32>
    %min3A_62 = arith.minimumf %min3A_61, %sub3A_60 : vector<1x28xf32>
    %sub3A_63 = arith.constant 1.024000e+03 : f32
    %sub3A_64 = vector.broadcast %sub3A_63 : f32 to vector<1x28xf32>
    %sub3A_65 = arith.subf %sub3A_64, %broadcast_in_dim3A_37 : vector<1x28xf32>
    %min3A_66 = arith.constant 3.000000e+00 : f32
    %min3A_67 = vector.broadcast %min3A_66 : f32 to vector<1x28xf32>
    %min3A_68 = arith.minimumf %min3A_67, %sub3A_65 : vector<1x28xf32>
    %gt3A_69 = arith.constant 0.000000e+00 : f32
    %gt3A_70 = vector.broadcast %gt3A_69 : f32 to vector<1x28xf32>
    %gt3A_71 = arith.cmpf ogt, %min3A_62, %gt3A_70 : vector<1x28xf32>
    %and3A_72 = arith.andi %and3A_57, %gt3A_71 : vector<1x28xi1>
    %gt3A_73 = arith.constant 0.000000e+00 : f32
    %gt3A_74 = vector.broadcast %gt3A_73 : f32 to vector<1x28xf32>
    %gt3A_75 = arith.cmpf ogt, %min3A_68, %gt3A_74 : vector<1x28xf32>
    %and3A_76 = arith.andi %and3A_72, %gt3A_75 : vector<1x28xi1>
    %convert_element_type3A = arith.extui %and3A_76 : vector<1x28xi1> to vector<1x28xi32>
    %convert_element_type3A_77 = arith.sitofp %convert_element_type3A : vector<1x28xi32> to vector<1x28xf32>
    %reduce_max3A = vector.shape_cast %convert_element_type3A_77 : vector<1x28xf32> to vector<1x1x28xf32>
    %reduce_max3A_78 = arith.constant dense<0xFF800000> : vector<1xf32>
    %reduce_max3A_79 = vector.multi_reduction <maximumf>, %reduce_max3A, %reduce_max3A_78 [1, 2] : vector<1x1x28xf32> to vector<1xf32>
    %reduce_max3A_80 = vector.shape_cast %reduce_max3A_79 : vector<1xf32> to vector<1x1x1xf32>
    %reduce_max3A_81 = vector.extract %reduce_max3A_80[0, 0, 0] : f32 from vector<1x1x1xf32>
    %broadcast_in_dim3A_82 = arith.constant 0.000000e+00 : f32
    %broadcast_in_dim3A_83 = vector.broadcast %broadcast_in_dim3A_82 : f32 to vector<1x4xf32>
    %concatenate3A_84 = tpu.concatenate %min3A_62, %broadcast_in_dim3A_83 in 1 : vector<1x28xf32>, vector<1x4xf32> -> vector<1x32xf32>
    %concatenate3A_85 = tpu.concatenate %min3A_68, %broadcast_in_dim3A_83 in 1 : vector<1x28xf32>, vector<1x4xf32> -> vector<1x32xf32>
    %concatenate3A_86 = tpu.concatenate %convert_element_type3A_77, %broadcast_in_dim3A_83 in 1 : vector<1x28xf32>, vector<1x4xf32> -> vector<1x32xf32>
    %broadcast_in_dim3A_87 = vector.broadcast %div3A_13 : f32 to vector<1x32xf32>
    %broadcast_in_dim3A_88 = vector.broadcast %reduce_max3A_81 : f32 to vector<1x32xf32>
    %broadcast_in_dim3A_89 = arith.constant 0.000000e+00 : f32
    %broadcast_in_dim3A_90 = vector.broadcast %broadcast_in_dim3A_89 : f32 to vector<3x32xf32>
    %concatenate3A_91 = tpu.concatenate %concatenate3A_84, %concatenate3A_85, %concatenate3A_86, %broadcast_in_dim3A_87, %broadcast_in_dim3A_88, %broadcast_in_dim3A_90 in 0 : vector<1x32xf32>, vector<1x32xf32>, vector<1x32xf32>, vector<1x32xf32>, vector<1x32xf32>, vector<3x32xf32> -> vector<8x32xf32>
    %swap3A_92 = arith.constant 0 : index
    %swap3A_93 = arith.constant 0 : index
    %swap3A_94 = vector.load %arg4[%swap3A_92, %swap3A_93] : memref<8x32xf32, #tpu.memory_space<vmem>>, vector<8x32xf32>
    tpu.vector_store %arg4[%swap3A_92, %swap3A_93], %concatenate3A_91 {strides = array<i32>} : memref<8x32xf32, #tpu.memory_space<vmem>>, vector<8x32xf32>,
    return
  }
}

</mosaic_0001>

<sc_bundles>
// kernel: kernel.4.cloned.1.call-start
scs
__scs_entry_jumppad:
0x0: {  	(pc) =	sbr.rel $0x88, $3  }
0x1: {  	(tag) =	ssettag $0x0;
	lr =	simm.s32 $0x1  }
0x2: {  	[smem:$0x3F9F] =	sst lr;
	_ =	strace $0xD0000000  }
0x3: {  	_ = 	snop  }
0x4: {  	_ = 	snop  }
0x5: {  	_ = 	snop  }
0x6: {  	_ = 	snop  }
0x7: {  	_ = 	snop  }
__scs_overlays_trampoline_lowered:
0x8: {  	[smem:$0x3FAE] =	sst s0  }
0x9: {  	[smem:$0x3FAF] =	sst s1  }
0xa: {  	[smem:$0x3FB0] =	sst s2  }
0xb: {  	[smem:$0x3FB1] =	sst s3  }
0xc: {  	[smem:$0x3FB2] =	sst s4  }
0xd: {  	[smem:$0x3FB3] =	sst s5  }
0xe: {  	[smem:$0x3FB4] =	sst s6  }
0xf: {  	[smem:$0x3FB5] =	sst s7  }
0x10: {  	[smem:$0x3FB6] =	sst s8  }
0x11: {  	[smem:$0x3FB7] =	sst s9;
	s0 =	simm.s32 @!p0 $0x0  }
0x12: {  	s1 =	sld [smem:$0x3F9D];
	s0 =	simm.s32 @p0 $0x1  }
0x13: {  	[smem:$0x3FB8] =	sst s0;
	s0 =	simm.s32 @!p1 $0x0  }
0x14: {  	s2 =	sld [smem:$0x3F9C];
	s0 =	simm.s32 @p1 $0x1  }
0x15: {  	[smem:$0x3FB9] =	sst s0;
	s0 =	simm.s32 @!p2 $0x0  }
0x16: {  	s3 =	sld [smem:$0x3FDB];
	s0 =	simm.s32 @p2 $0x1  }
0x17: {  	s4 =	simm.s32 $0x1BF5;
	[smem:$0x3FBB] =	sst s0  }
0x18: {  	s0 =	sld [smem:$0x3F9E];
	_ =	swait.ge [sflag:s4], $0x0  }
0x19: {  	s7 =	sld [smem:$0x3F9F]  }
0x1a: {  	s8 =	sadd.s32 $0xFFFFE003, lr  }
0x1b: {  	s9 =	sadd.s32 $0xFFFFFEF7, lr;
	s5 =	simm.s32 $0xFFFFFFFF;
	p2 =	slt.u32 s8, $0xFFFFF086  }
0x1c: {  	p1 =	slt.u32 s9, $0xF7A;
	s5 =	simm.s32 @!p2 $0x0  }
0x1d: {  	s5 =	simm.s32 @p1 $0x1;
	p0 =	seq.s32 s7, s2  }
0x1e: {  	s7 =	smul.u32 @!p0 $0xF7A, s2;
	p2 =	seq.s32 @!p0 s5, $0x0  }
0x1f: {  	s9 =	smul.u32 $0xF7A, s1;
	s8 =	simm.s32 @!p0 $0x1BF5;
	p2 =	por !p2, p0  }
0x20: {  	[sflag:s8] =	ssyncset.s32 @!p0 $0xFFFFF086;
	s6 =	sadd.s32 @!p0 s3, s7;
	s7 =	simm.s32 @!p0 $0x108  }
0x21: {  	s3 =	sadd.s32 s3, s9;
	s6 =	sadd.s32 @!p0 $0x88, s6;
	s7 =	simm.s32 @p2 $0x1082  }
0x22: {  	[simem:s7], [sflag:s8] =	dma.local @!p0 [hbm:s6], $0xF7A  }
0x23: {  	s9 =	sor.u32 $0xD0000000, s2;
	s6 =	simm.s32 $0x108;
	_ =	swait.ge @!p0 [sflag:s8], $0x0  }
0x24: {  	s3 =	sadd.s32 $0x88, s3;
	s6 =	simm.s32 @!p1 $0x1082;
	[sflag:s4] =	ssyncset.s32 $0xFFFFF086  }
0x25: {  	[simem:s6], [sflag:s4] =	dma.local [hbm:s3], $0xF7A  }
0x26: {  	[smem:$0x3F9F] =	sst s1;
	(tag) =	ssettag s2;
	_ =	strace s9  }
0x27: {  	s1 =	sld [smem:$0x3FAF]  }
0x28: {  	s2 =	sld [smem:$0x3FB0]  }
0x29: {  	s4 =	sld [smem:$0x3FB2]  }
0x2a: {  	p0 =	seq.s32 s5, $0x0;
	s5 =	sld [smem:$0x3FB3]  }
0x2b: {  	s6 =	sld [smem:$0x3FB4]  }
0x2c: {  	s7 =	sld [smem:$0x3FB5]  }
0x2d: {  	s3 =	simm.s32 $0x108;
	s8 =	sld [smem:$0x3FB6]  }
0x2e: {  	s3 =	simm.s32 @!p0 $0x1082;
	s9 =	sld [smem:$0x3FB7]  }
0x2f: {  	lr =	sadd.s32 s0, s3;
	s0 =	sld [smem:$0x3FAE]  }
0x30: {  	s3 =	sld [smem:$0x3FB1]  }
0x31: {  	[smem:$0x3FBA] =	sst s10  }
0x32: {  	s10 =	sld [smem:$0x3FB8];
	_ =	sdelay $0x3  }
0x33: {  	p0 =	seq.s32 s10, $0x1;
	s10 =	sld [smem:$0x3FBA];
	_ =	sdelay $0x3  }
0x34: {  	[smem:$0x3FBA] =	sst s10  }
0x35: {  	s10 =	sld [smem:$0x3FB9];
	_ =	sdelay $0x3  }
0x36: {  	p1 =	seq.s32 s10, $0x1;
	s10 =	sld [smem:$0x3FBA];
	_ =	sdelay $0x3  }
0x37: {  	[smem:$0x3FBA] =	sst s10  }
0x38: {  	s10 =	sld [smem:$0x3FBB]  }
0x39: {  	_ = 	snop;
	(pc) =	sbr.ind lr, $3  }
0x3a: {  	_ = 	snop  }
0x3b: {  	_ = 	snop  }
0x3c: {  	p2 =	seq.s32 s10, $0x1;
	s10 =	sld [smem:$0x3FBA]  }
0x3d: {  	_ =	shalt  }
0x3e: {  	_ =	shalt  }
0x3f: {  	_ =	shalt  }
0x40: {  	_ =	shalt  }
0x41: {  	_ =	shalt  }
0x42: {  	_ =	shalt  }
0x43: {  	_ =	shalt  }
0x44: {  	_ =	shalt  }
0x45: {  	_ =	shalt  }
0x46: {  	_ =	shalt  }
0x47: {  	_ =	shalt  }
0x48: {  	_ =	shalt  }
0x49: {  	_ =	shalt  }
0x4a: {  	_ =	shalt  }
0x4b: {  	_ =	shalt  }
0x4c: {  	_ =	shalt  }
0x4d: {  	_ =	shalt  }
0x4e: {  	_ =	shalt  }
0x4f: {  	_ =	shalt  }
0x50: {  	_ =	shalt  }
0x51: {  	_ =	shalt  }
0x52: {  	_ =	shalt  }
0x53: {  	_ =	shalt  }
0x54: {  	_ =	shalt  }
0x55: {  	_ =	shalt  }
0x56: {  	_ =	shalt  }
0x57: {  	_ =	shalt  }
0x58: {  	_ =	shalt  }
0x59: {  	_ =	shalt  }
0x5a: {  	_ =	shalt  }
0x5b: {  	_ =	shalt  }
0x5c: {  	_ =	shalt  }
0x5d: {  	_ =	shalt  }
0x5e: {  	_ =	shalt  }
0x5f: {  	_ =	shalt  }
0x60: {  	_ =	shalt  }
0x61: {  	_ =	shalt  }
0x62: {  	_ =	shalt  }
0x63: {  	_ =	shalt  }
0x64: {  	_ =	shalt  }
0x65: {  	_ =	shalt  }
0x66: {  	_ =	shalt  }
0x67: {  	_ =	shalt  }
0x68: {  	_ =	shalt  }
0x69: {  	_ =	shalt  }
0x6a: {  	_ =	shalt  }
0x6b: {  	_ =	shalt  }
0x6c: {  	_ =	shalt  }
0x6d: {  	_ =	shalt  }
0x6e: {  	_ =	shalt  }
0x6f: {  	_ =	shalt  }
0x70: {  	_ =	shalt  }
0x71: {  	_ =	shalt  }
0x72: {  	_ =	shalt  }
0x73: {  	_ =	shalt  }
0x74: {  	_ =	shalt  }
0x75: {  	_ =	shalt  }
0x76: {  	_ =	shalt  }
0x77: {  	_ =	shalt  }
0x78: {  	_ =	shalt  }
0x79: {  	_ =	shalt  }
0x7a: {  	_ =	shalt  }
0x7b: {  	_ =	shalt  }
0x7c: {  	_ =	shalt  }
0x7d: {  	_ =	shalt  }
0x7e: {  	_ =	shalt  }
0x7f: {  	_ =	shalt  }
0x80: {  	_ =	shalt  }
0x81: {  	_ =	shalt  }
0x82: {  	_ =	shalt  }
0x83: {  	_ =	shalt  }
0x84: {  	_ =	shalt  }
0x85: {  	_ =	shalt  }
0x86: {  	_ =	shalt  }
0x87: {  	_ =	shalt  }
.Lfunc_end0:
.L_simem_size_0:
called_computation_lowered:
.L_overlay_start_0:
0x88: {  	s2 =	sld [smem:$0x3FD9]  }
0x89: {  	s3 =	sld [smem:$0x3FFE];
	_ =	sdelay $0x1  }
0x8a: {  	s1 =	srdreg.scid  }
0x8b: {  	s0 =	sand.u32 $0x1, s1  }
0x8c: {  	s17 =	sshll.u32 s0, $0xA;
	s2 =	sadd.s32 s3, s2  }
0x8d: {  	s2 =	sadd.s32 s2, s17  }
0x8e: {  	[smem:$0x3FC6] =	sst s2  }
0x8f: {  	_ = 	snop  }
0x90: {  	s2 =	sld [smem:$0x3FD0];
	(tm) =	ssettm $0x1  }
0x91: {  	s18 =	sld [smem:$0x3FFB];
	_ =	sdelay $0x3  }
0x92: {  	_ =	strace s18  }
0x93: {  	s3 =	sld [smem:$0x3FFC];
	_ =	sdelay $0x3  }
0x94: {  	_ =	strace s3  }
0x95: {  	s3 =	sld [smem:$0x3FFD];
	_ =	sdelay $0x3  }
0x96: {  	_ =	strace s3  }
0x97: {  	_ =	strace $0x8FFFFFFF  }
0x98: {  	s19 =	sld [smem:$0x3FDB];
	_ =	sdelay $0x1  }
0x99: {  	s4 =	simm.s32 $_scs_section_size  }
0x9a: {  	s5 =	simm.s32 $_size__tile_overlayer_lowered;
	s6 =	simm.s32 $_tile_overlayer_lowered  }
0x9b: {  	s22 =	simm.s32 $0x1BFF;
	s21 =	sshll.u32 s6, $0x1;
	s3 =	sadd.s32 s4, s19  }
0x9c: {  	s7 =	simm.s32 $0x0;
	s20 =	sshll.u32 s5, $0x1;
	s5 =	sadd.s32 s21, s3  }
0x9d: {  	[timem:s7], [sflag:s22] =	dma.local [hbm:s5], s20  }
0x9e: {  	_ =	swait.ge [sflag:s22], s20  }
0x9f: {  	s4 =	ssub.s32 $0x0, s20;
	[sflag:s22] =	ssyncset.done $0x0  }
0xa0: {  	[sflag:s22] =	ssyncadd.s32 s4;
	_ =	sdelay $0x1  }
0xa1: {  	s23 =	simm.s32 $0x1B8B  }
0xa2: {  	_ =	swait.ge [sflag:s23], $0x1  }
0xa3: {  	[sflag:s23] =	ssyncset.done $0x0  }
0xa4: {  	s25 =	simm.s32 $0x1B8E;
	s24 =	sld [smem:$0x3FFE];
	[sflag:s23] =	ssyncadd.s32 $0xFFFFFFFF  }
0xa5: {  	s26 =	simm.s32 $execute0_lowered;
	[smem:$0x3FD2] =	sst s25  }
0xa6: {  	s5 =	sshll.u32 s26, $0x1;
	_ =	strace $0x80000046;
	[dreg:$0x1] =	wrdreg $0xFFFFFFFF  }
0xa7: {  	s28 =	simm.s32 $_size_execute0_lowered;
	s3 =	sadd.s32 s3, s5;
	[dreg:$0x0] =	wrdreg $0x0  }
0xa8: {  	s5 =	sshll.u32 s28, $0x1;
	[dreg:$0x2] =	wrdreg s3  }
0xa9: {  	[dreg:$0x3] =	wrdreg s5  }
0xaa: {  	[dreg:$0x4] =	wrdreg $0xC0  }
0xab: {  	_ =	task [dreg:s7], $0x5FFFF  }
0xac: {  	[dreg:$0x1] =	wrdreg $0xFFFFFFFF  }
0xad: {  	[dreg:$0x0] =	wrdreg $0x60  }
0xae: {  	[dreg:$0x2] =	wrdreg s24  }
0xaf: {  	[dreg:$0x3] =	wrdreg s2  }
0xb0: {  	[dreg:$0x4] =	wrdreg $0x51000  }
0xb1: {  	[dreg:$0x5] =	wrdreg $0x52100  }
0xb2: {  	[dreg:$0x6] =	wrdreg $0x52000  }
0xb3: {  	[dreg:$0x7] =	wrdreg $0x9  }
0xb4: {  	_ =	task.clear_ibuf [dreg:s7], $0x8FFFF;
	_ =	strace $0x90000046  }
0xb5: {  	s29 =	simm.s32 $0x9;
	_ =	strace $0x80000048  }
0xb6: {  	_ =	swait.ge [sflag:s29], $0x1  }
0xb7: {  	[sflag:s29] =	ssyncadd.s32 $0xFFFFFFFF  }
0xb8: {  	_ =	strace $0x90000048  }
0xb9: {  	_ =	sfence  }
0xba: {  	s30 =	sld [smem:$0x0];
	_ =	sdelay $0x2  }
0xbb: {  	s31 =	sshll.u32 s1, $0xD;
	s1 =	sshrl.u32 s1, $0x2  }
0xbc: {  	s3 =	sand.u32 $0x4000, s31;
	s1 =	sadd.s32 s1, s30  }
0xbd: {  	s0 =	sor.u32 s3, s0;
	s1 =	sshll.u32 s1, $0x11  }
0xbe: {  	s0 =	sor.u32 s1, s0  }
0xbf: {  	s0 =	sadd.s32 $0x8F2B, s0  }
0xc0: {  	[sflag:s0] =	ssyncadd.remote.s32 $0x1  }
0xc1: {  	_ =	sfence.sel $0xFFFF  }
0xc2: {  	[dreg:$0x0] =	wrdreg $0xFFFFFFFF;
	(pc) =	sbr.abs _section_cstart, $3  }
0xc3: {  	[dreg:$0x1] =	wrdreg $0xFFFFFFFF  }
0xc4: {  	_ =	task.clear_ibuf [dreg:s7], $0x2FFFF;
	_ =	strace $0x9FFFFFFF  }
0xc5: {  	(tm) =	ssettm $0x7FFFFFFF  }
tec
execute0_lowered:
.L_overlay_start_1:
0x0: {  	(tag) =	ssettag $0x1  }
0x1: {  	s0 =	rddreg [dreg:$0x0]  }
0x2: {  	s4 =	rddreg [dreg:$0x2]  }
0x3: {  	s3 =	rddreg [dreg:$0x3];
	s5 =	simm.s32 $0x0;
	s1 =	srdreg.scid  }
0x4: {  	s2 =	stileid.u32;
	[smem:$0x7FF] =	sst s5;
	s10 =	sadd.s32 $0x400, s4  }
0x5: {  	s13 =	sadd.s32 $0x800, s4;
	_ =	strace $0x80000047;
	[dreg:$0x6] =	wrdreg s10  }
0x6: {  	s1 =	sand.u32 $0x1, s1;
	s14 =	sadd.s32 $0xC00, s4;
	[dreg:$0x7] =	wrdreg s13  }
0x7: {  	s9 =	sshll.u32 s2, $0xA;
	s15 =	sadd.s32 $0x1000, s4;
	[dreg:$0x8] =	wrdreg s14  }
0x8: {  	s6 =	sadd.s32 $0x8E00, s0;
	s16 =	sadd.s32 $0x1400, s4;
	[dreg:$0x9] =	wrdreg s15  }
0x9: {  	s17 =	sadd.s32 $0x1800, s4;
	s18 =	sadd.s32 $0x1C00, s4;
	[dreg:$0xa] =	wrdreg s16  }
0xa: {  	s19 =	sadd.s32 $0x2000, s4;
	s20 =	sadd.s32 $0x2400, s4;
	[dreg:$0xb] =	wrdreg s17  }
0xb: {  	s21 =	sadd.s32 $0x2800, s4;
	s22 =	sadd.s32 $0x2C00, s4;
	[dreg:$0xc] =	wrdreg s18  }
0xc: {  	s23 =	sadd.s32 $0x3000, s4;
	s24 =	sadd.s32 $0x3400, s4;
	[dreg:$0xd] =	wrdreg s19  }
0xd: {  	p0 =	sne.s32 s2, $0x0;
	s25 =	sadd.s32 $0x3800, s4;
	[dreg:$0xe] =	wrdreg s20  }
0xe: {  	s26 =	sadd.s32 $0x3C00, s4;
	s28 =	sadd.s32 $0x80, s3;
	[dreg:$0xf] =	wrdreg s21  }
0xf: {  	s29 =	sadd.s32 $0x100, s3;
	s30 =	sadd.s32 $0x180, s3;
	[dreg:$0x10] =	wrdreg s22  }
0x10: {  	v0 =	vimm.s32 $0xFEDCBA98;
	s31 =	sadd.s32 $0x200, s3;
	s11 =	sadd.s32 $0x380, s3;
	[dreg:$0x11] =	wrdreg s23  }
0x11: {  	v1 =	vimm.s32 $0x76543210;
	v2 =	vimm.s32 $0xBA98FEDC;
	v3 =	vimm.s32 $0x32107654;
	s7 =	ssub.s32 $0x2, s1;
	s8 =	sadd.s32 s9, s0;
	[dreg:$0x12] =	wrdreg s24  }
0x12: {  	v4 =	vimm.s32 $0xDCFE98BA;
	v5 =	vimm.s32 $0x54761032;
	v6 =	vimm.s32 $0xEFCDAB89;
	s9 =	sadd.s32 s9, s4;
	s1 =	sor.u32 s1, s2;
	[dreg:$0x13] =	wrdreg s25  }
0x13: {  	v7 =	vimm.s32 $0x67452301;
	v0 =	vunpack.c.l.s4.s8 v0;
	v1 =	vunpack.c.l.s4.s8 v1;
	s2 =	sshll.u32 s2, $0x7;
	[dreg:$0x14] =	wrdreg s26;
	s10 =	sadd.s32 $0x300, s3  }
0x14: {  	v2 =	vunpack.c.l.s4.s8 v2;
	v3 =	vunpack.c.l.s4.s8 v3;
	v4 =	vunpack.c.l.s4.s8 v4;
	s13 =	sadd.s32 $0x480, s3;
	s14 =	sadd.s32 $0x500, s3;
	s15 =	sadd.s32 $0x580, s3  }
0x15: {  	v5 =	vunpack.c.l.s4.s8 v5;
	v6 =	vunpack.c.l.s4.s8 v6;
	v7 =	vunpack.c.l.s4.s8 v7;
	s16 =	sadd.s32 $0x600, s3;
	s17 =	sadd.s32 $0x680, s3;
	s18 =	sadd.s32 $0x700, s3  }
0x16: {  	s19 =	sadd.s32 $0x780, s3;
	s20 =	simm.s32 $0x1;
	s26 =	simm.s32 $0x4C00;
	v0 =	vunpack.c.0.s8.s32 v0;
	v1 =	vunpack.c.0.s8.s32 v1;
	v2 =	vunpack.c.0.s8.s32 v2  }
0x17: {  	s21 =	simm.s32 $0x0;
	s12 =	sshrl.u32 s7, $0x1;
	p1 =	sne.s32 s1, $0x0;
	v3 =	vunpack.c.0.s8.s32 v3;
	v4 =	vunpack.c.0.s8.s32 v4;
	v5 =	vunpack.c.0.s8.s32 v5  }
0x18: {  	s24 =	sadd.s32 s2, s3;
	v6 =	vunpack.c.0.s8.s32 v6;
	v7 =	vunpack.c.0.s8.s32 v7;
	s2 =	simm.s32 $0x4800;
	s1 =	simm.s32 $0x5000;
	v0 =	vand.u32 $0xF, v0  }
0x19: {  	s0 =	ssub.s32 s7, s12;
	s7 =	sadd.s32 $0xE00, s8;
	s8 =	sadd.s32 $0x4E00, s8;
	v0 =	vcombine.low v0, v1;
	v1 =	vcombine.low v3, v2;
	v2 =	vimm.f32 $+Inf  }
0x1a: {  	s12 =	sadd.s32 $0x400, s3;
	s25 =	smax.u32 s0, $0x1;
	s0 =	sadd.s32 $0x280, s3;
	v3 =	vcombine.low v5, v4;
	v4 =	vimm.f32 $0.0e+00;
	v5 =	vcombine.low v7, v6  }
.LBB2_1:
0x1b: {  	[tilespmem:s5], [sflag:$0x1] =	stream.linear.gather [hbm4b:s7+s5], $0x2000, $0x38;
	[tilespmem:$0x5220] =	vst v63  }
0x1c: {  	_ =	swait.ge [sflag:s20], $0x2000  }
0x1d: {  	[sflag:s20] =	ssyncset.done $0x0  }
0x1e: {  	s4 =	simm.s32 $0x2000;
	[sflag:s20] =	ssyncadd.s32 $0xFFFFE000  }
0x1f: {  	[tilespmem:s4], [sflag:$0x1] =	stream.linear.gather [hbm4b:s8+s5], $0x2000, $0x38;
	[tilespmem:$0x5220] =	vst v63  }
0x20: {  	_ =	swait.ge [sflag:s20], $0x2000  }
0x21: {  	[sflag:s20] =	ssyncset.done $0x0  }
0x22: {  	s23 =	simm.s32 $0x4000;
	[sflag:s20] =	ssyncadd.s32 $0xFFFFE000  }
0x23: {  	[tilespmem:s23], [sflag:$0x1] =	stream.linear.gather [hbm4b:s6+s5], $0x400, $0x38;
	[tilespmem:$0x5220] =	vst v63  }
0x24: {  	_ =	swait.ge [sflag:s20], $0x400  }
0x25: {  	[sflag:s20] =	ssyncset.done $0x0  }
0x26: {  	s22 =	simm.s32 $0x0;
	[sflag:s20] =	ssyncadd.s32 $0xFFFFFC00  }
0x27: {  	v25 =	vimm.f32 $+Inf;
	v26 =	vimm.f32 $+Inf;
	v13 =	vimm.f32 $+Inf;
	v22 =	vld [tilespmem:s22+$0x10]  }
0x28: {  	v12 =	vimm.f32 $+Inf;
	v28 =	vimm.f32 $+Inf;
	v16 =	vimm.f32 $+Inf;
	v6 =	vld [tilespmem:s22+$0x0]  }
0x29: {  	v24 =	vimm.f32 $+Inf;
	v10 =	vimm.f32 $+Inf;
	v11 =	vimm.f32 $+Inf;
	v7 =	vld [tilespmem:s22+$0x2000]  }
0x2a: {  	v23 =	vimm.f32 $+Inf;
	v15 =	vimm.f32 $+Inf;
	v18 =	vimm.f32 $+Inf  }
0x2b: {  	v19 =	vimm.f32 $+Inf;
	v8 =	vimm.f32 $+Inf;
	v30 =	vimm.f32 $+Inf;
	v21 =	vld [tilespmem:s22+$0x2010]  }
0x2c: {  	v29 =	vimm.f32 $+Inf;
	v9 =	vimm.f32 $+Inf;
	v17 =	vmax.f32 v2, v22  }
0x2d: {  	v27 =	vimm.f32 $+Inf;
	v20 =	vmin.f32 v2, v6;
	v14 =	vmax.f32 v2, v17  }
0x2e: {  	s23 =	simm.s32 $0x80;
	s22 =	simm.s32 $0x400;
	v32 =	vmax.f32 v2, v6;
	v6 =	vmin.f32 v2, v7;
	v31 =	vmovc v20;
	v33 =	vmax.f32 v2, v14  }
.LBB2_2:
0x2f: {  	v25 =	vmin.f32 v25, v32  }
0x30: {  	p2 =	sne.s32 s22, $0x7E00;
	v34 =	vld [tilespmem:s23+$0x10];
	v26 =	vmin.f32 v26, v33;
	v13 =	vmin.f32 v13, v21;
	v33 =	vmovc v12;
	v12 =	vmov v6  }
0x31: {  	v32 =	vmax.f32 v28, v32;
	v36 =	vmax.f32 v16, v21;
	v35 =	vld [tilespmem:s23+$0x0];
	v33 =	vmax.f32 v33, v7;
	v28 =	vmovc v25  }
0x32: {  	v24 =	vmin.f32 v24, v32;
	v11 =	vmin.f32 v11, v36;
	v16 =	vmovc v13;
	v7 =	vld [tilespmem:s23+$0x2000];
	v10 =	vmin.f32 v10, v33  }
.Ltmp0:
0x33: {  	v32 =	vmax.f32 v23, v32;
	v18 =	vmax.f32 v18, v36;
	v33 =	vmax.f32 v15, v33;
	v23 =	vmovc v24;
	v21 =	vld [tilespmem:s23+$0x2010];
	(pc) =	sbr.rel @p2 .LBB2_2-.Ltmp0, $4  }
0x34: {  	v30 =	vmin.f32 v30, v22;
	v19 =	vmin.f32 v19, v32;
	v8 =	vmin.f32 v8, v33;
	v15 =	vmovc v10  }
0x35: {  	v29 =	vmin.f32 v29, v17;
	v9 =	vmin.f32 v9, v18;
	v17 =	vmax.f32 v30, v34;
	v22 =	vmovc v34  }
0x36: {  	v27 =	vmin.f32 v27, v14;
	v18 =	vmovc v11;
	v20 =	vmin.f32 v20, v35;
	v14 =	vmax.f32 v29, v17  }
0x37: {  	s23 =	sshra.s32 s22, $0x2;
	s22 =	sadd.s32 $0x200, s22;
	v32 =	vmax.f32 v31, v35;
	v6 =	vmin.f32 v6, v7;
	v33 =	vmax.f32 v27, v14;
	v31 =	vmovc v20  }
0x38: {  	v34 =	vld [tilespmem:s23+$0x0]  }
0x39: {  	v35 =	vld [tilespmem:s23+$0x10]  }
0x3a: {  	v48 =	vld [tilespmem:s23+$0x2000]  }
0x3b: {  	v49 =	vld [tilespmem:s23+$0x2010]  }
0x3c: {  	v25 =	vmin.f32 v25, v32;
	v28 =	vmax.f32 v28, v32;
	[tilespmem:$0x4780] =	vst v2  }
0x3d: {  	v22 =	vmin.f32 v30, v22;
	v17 =	vmin.f32 v29, v17;
	[tilespmem:$0x4790] =	vst v2;
	v20 =	vmin.f32 v20, v34  }
0x3e: {  	v14 =	vmin.f32 v27, v14;
	v13 =	vmin.f32 v13, v21;
	v50 =	vmin.f32 v22, v35;
	[tilespmem:$0x4400] =	vst v20  }
0x3f: {  	v7 =	vmax.f32 v12, v7;
	v58 =	vmax.f32 v16, v21;
	v59 =	vmin.f32 v6, v48;
	[tilespmem:$0x4410] =	vst v50  }
0x40: {  	v24 =	vmin.f32 v24, v28;
	v31 =	vmax.f32 v31, v34;
	v60 =	vmin.f32 v13, v49;
	[tilespmem:$0x4600] =	vst v59  }
0x41: {  	v23 =	vmax.f32 v23, v28;
	v51 =	vmax.f32 v22, v35;
	v52 =	vmin.f32 v25, v31;
	[tilespmem:$0x4610] =	vst v60  }
0x42: {  	v10 =	vmin.f32 v10, v7;
	v6 =	vmax.f32 v6, v48;
	v53 =	vmin.f32 v17, v51;
	[tilespmem:$0x4480] =	vst v52  }
0x43: {  	v11 =	vmin.f32 v11, v58;
	v13 =	vmax.f32 v13, v49;
	v61 =	vmin.f32 v10, v6;
	[tilespmem:$0x4490] =	vst v53  }
0x44: {  	v7 =	vmax.f32 v15, v7;
	v25 =	vmax.f32 v25, v31;
	v62 =	vmin.f32 v11, v13;
	[tilespmem:$0x4680] =	vst v61  }
0x45: {  	v12 =	vmax.f32 v18, v58;
	v17 =	vmax.f32 v17, v51;
	v54 =	vmin.f32 v24, v25;
	[tilespmem:$0x4690] =	vst v62  }
0x46: {  	v7 =	vmin.f32 v8, v7;
	v6 =	vmax.f32 v10, v6;
	v56 =	vmin.f32 v14, v17;
	[tilespmem:$0x4500] =	vst v54  }
0x47: {  	v9 =	vmin.f32 v9, v12;
	v63 =	vmax.f32 v11, v13;
	v6 =	vmin.f32 v7, v6;
	[tilespmem:$0x4510] =	vst v56  }
0x48: {  	v19 =	vmin.f32 v19, v23;
	v55 =	vmax.f32 v24, v25;
	v7 =	vmin.f32 v9, v63;
	[tilespmem:$0x4700] =	vst v6  }
0x49: {  	v26 =	vmin.f32 v26, v33;
	v14 =	vmax.f32 v14, v17;
	v57 =	vmin.f32 v19, v55;
	[tilespmem:$0x4710] =	vst v7  }
0x4a: {  	v14 =	vmin.f32 v26, v14;
	[tilespmem:$0x4580] =	vst v57  }
0x4b: {  	s4 =	simm.s32 $0x4400;
	[tilespmem:$0x4590] =	vst v14  }
0x4c: {  	[spmem:s9] =	stream.linear.scatter [tilespmem:s4], [sflag:$0x1], $0x400, $0x38;
	[tilespmem:$0x5220] =	vst v63  }
.Ltmp1:
0x4d: {  	_ =	swait.ge [sflag:s20], $0x400;
	(pc) =	sbr.rel @p0 .LBB2_5-.Ltmp1, $3  }
0x4e: {  	[sflag:s20] =	ssyncset.done $0x0  }
0x4f: {  	[sflag:s20] =	ssyncadd.s32 $0xFFFFFC00  }
0x50: {  	[bflag:$0x0] =	sbarrier.arrive $0xFFFF;
	_ =	sdelay $0x1  }
0x51: {  	s4 =	rddreg [dreg:$0x2]  }
0x52: {  	[tilespmem:s26], [sflag:$0x1] =	stream.linear.gather [spmem:s4], $0x400, $0x38;
	[tilespmem:$0x5220] =	vst v63  }
0x53: {  	_ =	swait.ge [sflag:s20], $0x400  }
0x54: {  	[sflag:s20] =	ssyncset.done $0x0  }
0x55: {  	[sflag:s20] =	ssyncadd.s32 $0xFFFFFC00  }
0x56: {  	v6 =	vld [tilespmem:$0x4C00]  }
0x57: {  	v7 =	vld [tilespmem:$0x4C80]  }
0x58: {  	v12 =	vld [tilespmem:$0x4E00]  }
0x59: {  	v13 =	vld [tilespmem:$0x4E80]  }
0x5a: {  	v16 =	vld [tilespmem:$0x4C10]  }
0x5b: {  	v38 =	vld [tilespmem:$0x4C90]  }
0x5c: {  	v21 =	vld [tilespmem:$0x4E10]  }
0x5d: {  	v44 =	vld [tilespmem:$0x4E90]  }
0x5e: {  	v8 =	vld [tilespmem:$0x4D00]  }
0x5f: {  	v36 =	vld [tilespmem:$0x4F00];
	v10 =	vmax.f32 v6, $+Inf  }
0x60: {  	v40 =	vld [tilespmem:$0x4D10];
	v11 =	vmax.f32 v6, v7;
	v6 =	vmin.f32 v6, v7;
	v17 =	vmax.f32 v12, $+Inf  }
0x61: {  	v9 =	vld [tilespmem:$0x4D80];
	v18 =	vmin.f32 v12, v13;
	v12 =	vmax.f32 v12, v13;
	v47 =	vmax.f32 v16, $+Inf  }
0x62: {  	s22 =	rddreg [dreg:$0x6];
	v41 =	vld [tilespmem:$0x4D90];
	v48 =	vmin.f32 v16, v38;
	v55 =	vmax.f32 v21, $+Inf;
	v56 =	vmax.f32 v21, v44  }
0x63: {  	v46 =	vld [tilespmem:$0x4F10];
	[tilespmem:s26], [sflag:$0x1] =	stream.linear.gather [spmem:s22], $0x400, $0x38;
	v7 =	vmax.f32 v10, v11;
	v11 =	vmin.f32 v10, v11;
	v34 =	vmax.f32 v6, v8  }
0x64: {  	_ =	swait.ge [sflag:s20], $0x400;
	v6 =	vmin.f32 v6, v8;
	v19 =	vmin.f32 v17, v12;
	v12 =	vmax.f32 v17, v12  }
0x65: {  	[sflag:s20] =	ssyncset.done $0x0;
	v20 =	vmax.f32 v18, v36;
	v22 =	vmax.f32 v48, v40;
	v57 =	vmax.f32 v55, v56  }
0x66: {  	[sflag:s20] =	ssyncadd.s32 $0xFFFFFC00;
	v7 =	vmin.f32 v10, v7;
	v35 =	vmin.f32 v11, v34;
	v10 =	vmax.f32 v11, v34  }
0x67: {  	v23 =	vld [tilespmem:$0x4C00];
	v15 =	vmax.f32 v6, v9;
	v6 =	vmin.f32 v6, v9;
	v42 =	vmin.f32 v17, v12  }
0x68: {  	v29 =	vld [tilespmem:$0x4E00];
	v43 =	vmax.f32 v19, v20;
	v11 =	vmin.f32 v18, v36;
	v45 =	vmin.f32 v19, v20  }
0x69: {  	v17 =	vmin.f32 v21, v44;
	v14 =	vmin.f32 v7, v10;
	v10 =	vmax.f32 v7, v10  }
0x6a: {  	v37 =	vmax.f32 v35, v15;
	v8 =	vmin.f32 v35, v15;
	v59 =	vmax.f32 v17, v46  }
0x6b: {  	v12 =	vmin.f32 v17, v46;
	v7 =	vmin.f32 v7, v10;
	v39 =	vmin.f32 v14, v37  }
0x6c: {  	v58 =	vld [tilespmem:$0x4C80];
	v9 =	vmax.f32 v14, v37;
	v10 =	vmax.f32 v16, v38;
	v14 =	vmin.f32 v48, v40  }
0x6d: {  	v33 =	vld [tilespmem:$0x4E80];
	v24 =	vmax.f32 v6, v23;
	v6 =	vmin.f32 v6, v23;
	v37 =	vmax.f32 v11, v29  }
0x6e: {  	v11 =	vmin.f32 v11, v29;
	v7 =	vmin.f32 v7, v9;
	v9 =	vmin.f32 v42, v43  }
0x6f: {  	v16 =	vmin.f32 v47, v10;
	v10 =	vmax.f32 v47, v10;
	v51 =	vmax.f32 v14, v41  }
0x70: {  	v25 =	vld [tilespmem:$0x4D00];
	v13 =	vmin.f32 v14, v41;
	v61 =	vmax.f32 v8, v24;
	v8 =	vmin.f32 v8, v24  }
0x71: {  	v26 =	vmax.f32 v6, v58;
	v6 =	vmin.f32 v6, v58;
	v18 =	vmax.f32 v45, v37  }
0x72: {  	v40 =	vmin.f32 v11, v33;
	v11 =	vmax.f32 v11, v33;
	v10 =	vmin.f32 v47, v10  }
0x73: {  	v49 =	vmax.f32 v16, v22;
	v16 =	vmin.f32 v16, v22;
	v22 =	vmin.f32 v55, v56  }
0x74: {  	v63 =	vld [tilespmem:$0x4D80];
	v62 =	vmax.f32 v39, v61;
	v15 =	vmin.f32 v39, v61;
	v27 =	vmin.f32 v8, v26  }
0x75: {  	v8 =	vmax.f32 v8, v26;
	v28 =	vmax.f32 v6, v25;
	v6 =	vmin.f32 v6, v25  }
0x76: {  	v35 =	vld [tilespmem:$0x4F00];
	v39 =	vmin.f32 v45, v37;
	v9 =	vmin.f32 v9, v18;
	v50 =	vmax.f32 v10, v49  }
0x77: {  	v19 =	vmin.f32 v10, v49;
	v52 =	vmax.f32 v16, v51;
	v53 =	vmin.f32 v16, v51  }
0x78: {  	v60 =	vmax.f32 v22, v59;
	v20 =	vmin.f32 v22, v59;
	v7 =	vmin.f32 v7, v62  }
0x79: {  	v38 =	vld [tilespmem:$0x4C10];
	v30 =	vmax.f32 v27, v28;
	v32 =	vmax.f32 v6, v63;
	v6 =	vmin.f32 v6, v63  }
0x7a: {  	v42 =	vmin.f32 v39, v11;
	v11 =	vmax.f32 v39, v11;
	v10 =	vmin.f32 v10, v50  }
0x7b: {  	v54 =	vmin.f32 v19, v52;
	v19 =	vmax.f32 v19, v52;
	v43 =	vmax.f32 v40, v35  }
0x7c: {  	v41 =	vld [tilespmem:$0x4C90];
	v9 =	vmin.f32 v9, v11;
	v11 =	vmin.f32 v40, v35;
	v10 =	vmin.f32 v10, v19  }
0x7d: {  	v19 =	vmin.f32 v55, v57;
	v44 =	vmax.f32 v42, v43;
	v22 =	vmin.f32 v42, v43  }
0x7e: {  	v46 =	vmax.f32 v13, v38;
	v13 =	vmin.f32 v13, v38;
	v17 =	vmin.f32 v19, v60  }
0x7f: {  	v45 =	vld [tilespmem:$0x4D10];
	v19 =	vmin.f32 v15, v8;
	v8 =	vmax.f32 v15, v8;
	v15 =	vmin.f32 v27, v28  }
0x80: {  	v9 =	vmin.f32 v9, v44;
	v47 =	vmin.f32 v53, v46;
	v14 =	vmax.f32 v53, v46  }
0x81: {  	v50 =	vmax.f32 v13, v41;
	v13 =	vmin.f32 v13, v41;
	v7 =	vmin.f32 v7, v8  }
0x82: {  	v48 =	vld [tilespmem:$0x4D90];
	v31 =	vmax.f32 v19, v30;
	v8 =	vmin.f32 v19, v30;
	v34 =	vmax.f32 v15, v32  }
0x83: {  	v51 =	vld [tilespmem:$0x4E10];
	v15 =	vmin.f32 v15, v32;
	v49 =	vmin.f32 v54, v14;
	v14 =	vmax.f32 v54, v14  }
0x84: {  	v52 =	vmax.f32 v47, v50;
	v16 =	vmin.f32 v47, v50;
	v26 =	vmax.f32 v13, v45  }
0x85: {  	v13 =	vmin.f32 v13, v45;
	v7 =	vmin.f32 v7, v31;
	v36 =	vmax.f32 v8, v34  }
0x86: {  	s23 =	rddreg [dreg:$0x7];
	v53 =	vld [tilespmem:$0x4E90];
	v8 =	vmin.f32 v8, v34;
	v10 =	vmin.f32 v10, v14;
	v54 =	vmax.f32 v49, v52  }
0x87: {  	v27 =	vld [tilespmem:$0x4F10];
	[tilespmem:s26], [sflag:$0x1] =	stream.linear.gather [spmem:s23], $0x400, $0x38;
	v14 =	vmin.f32 v49, v52;
	v55 =	vmax.f32 v16, v26;
	v16 =	vmin.f32 v16, v26  }
0x88: {  	_ =	swait.ge [sflag:s20], $0x400;
	v57 =	vmax.f32 v13, v48;
	v13 =	vmin.f32 v13, v48;
	v59 =	vmax.f32 v12, v51  }
0x89: {  	[sflag:s20] =	ssyncset.done $0x0;
	v12 =	vmin.f32 v12, v51;
	v7 =	vmin.f32 v7, v36;
	v10 =	vmin.f32 v10, v54  }
0x8a: {  	v56 =	vmax.f32 v14, v55;
	v14 =	vmin.f32 v14, v55;
	v58 =	vmin.f32 v16, v57;
	[sflag:s20] =	ssyncadd.s32 $0xFFFFFC00  }
0x8b: {  	v16 =	vmax.f32 v16, v57;
	v61 =	vmax.f32 v20, v59;
	v10 =	vmin.f32 v10, v56;
	v60 =	vld [tilespmem:$0x4C00]  }
0x8c: {  	v21 =	vmin.f32 v14, v16;
	v14 =	vmax.f32 v14, v16;
	v16 =	vmin.f32 v20, v59;
	v37 =	vld [tilespmem:$0x4E00]  }
0x8d: {  	v45 =	vld [tilespmem:$0x4C10];
	v10 =	vmin.f32 v10, v14;
	v14 =	vmin.f32 v17, v61;
	v62 =	vmax.f32 v12, v53  }
0x8e: {  	v63 =	vld [tilespmem:$0x4C80];
	v12 =	vmin.f32 v12, v53;
	v28 =	vmin.f32 v16, v62;
	v16 =	vmax.f32 v16, v62  }
0x8f: {  	v14 =	vmin.f32 v14, v16;
	v16 =	vmin.f32 v12, v27;
	v12 =	vmax.f32 v12, v27  }
0x90: {  	v39 =	vld [tilespmem:$0x4E80];
	v17 =	vmin.f32 v28, v12;
	v12 =	vmax.f32 v28, v12;
	v29 =	vmax.f32 v6, v60  }
0x91: {  	v49 =	vld [tilespmem:$0x4C90];
	v12 =	vmin.f32 v14, v12;
	v6 =	vmin.f32 v6, v60;
	v46 =	vmin.f32 v11, v37  }
0x92: {  	v11 =	vmax.f32 v11, v37;
	v51 =	vmax.f32 v13, v45;
	v13 =	vmin.f32 v13, v45  }
0x93: {  	v30 =	vld [tilespmem:$0x4D00];
	v31 =	vmax.f32 v15, v29;
	v15 =	vmin.f32 v15, v29;
	v23 =	vmax.f32 v6, v63  }
0x94: {  	v6 =	vmin.f32 v6, v63;
	v19 =	vmin.f32 v22, v11;
	v11 =	vmax.f32 v22, v11  }
0x95: {  	v52 =	vld [tilespmem:$0x4D10];
	v47 =	vmax.f32 v46, v39;
	v53 =	vmax.f32 v58, v51;
	v18 =	vmin.f32 v58, v51  }
0x96: {  	v57 =	vld [tilespmem:$0x4E10];
	v56 =	vmax.f32 v13, v49;
	v13 =	vmin.f32 v13, v49;
	v32 =	vmax.f32 v8, v31  }
0x97: {  	v8 =	vmin.f32 v8, v31;
	v34 =	vmax.f32 v15, v23;
	v15 =	vmin.f32 v15, v23  }
0x98: {  	v33 =	vld [tilespmem:$0x4D80];
	v36 =	vmax.f32 v6, v30;
	v6 =	vmin.f32 v6, v30;
	v9 =	vmin.f32 v9, v11  }
0x99: {  	v48 =	vmax.f32 v19, v47;
	v19 =	vmin.f32 v19, v47;
	v54 =	vmax.f32 v21, v53  }
0x9a: {  	v55 =	vld [tilespmem:$0x4D90];
	v58 =	vmin.f32 v18, v56;
	v18 =	vmax.f32 v18, v56;
	v61 =	vmax.f32 v13, v52  }
0x9b: {  	v13 =	vmin.f32 v13, v52;
	v31 =	vmax.f32 v16, v57;
	v16 =	vmin.f32 v16, v57  }
0x9c: {  	v59 =	vld [tilespmem:$0x4E90];
	v7 =	vmin.f32 v7, v32;
	v35 =	vmax.f32 v8, v34;
	v8 =	vmin.f32 v8, v34  }
0x9d: {  	s22 =	rddreg [dreg:$0x8];
	v43 =	vld [tilespmem:$0x4F00];
	v38 =	vmin.f32 v15, v36;
	v14 =	vmax.f32 v15, v36;
	v41 =	vmax.f32 v6, v33  }
0x9e: {  	v62 =	vld [tilespmem:$0x4F10];
	[tilespmem:s26], [sflag:$0x1] =	stream.linear.gather [spmem:s22], $0x400, $0x38;
	v6 =	vmin.f32 v6, v33;
	v9 =	vmin.f32 v9, v48;
	v10 =	vmin.f32 v10, v54  }
0x9f: {  	_ =	swait.ge [sflag:s20], $0x400;
	v63 =	vmax.f32 v58, v61;
	v15 =	vmin.f32 v58, v61;
	v25 =	vmax.f32 v13, v55  }
0xa0: {  	[sflag:s20] =	ssyncset.done $0x0;
	v13 =	vmin.f32 v13, v55;
	v33 =	vmin.f32 v17, v31;
	v17 =	vmax.f32 v17, v31  }
0xa1: {  	[sflag:s20] =	ssyncadd.s32 $0xFFFFFC00;
	v34 =	vmin.f32 v16, v59;
	v16 =	vmax.f32 v16, v59;
	v7 =	vmin.f32 v7, v35  }
0xa2: {  	v56 =	vld [tilespmem:$0x4C10];
	v40 =	vmin.f32 v8, v14;
	v8 =	vmax.f32 v8, v14;
	v42 =	vmax.f32 v38, v41  }
0xa3: {  	v47 =	vld [tilespmem:$0x4E00];
	v14 =	vmin.f32 v38, v41;
	v29 =	vmax.f32 v15, v25;
	v15 =	vmin.f32 v15, v25  }
0xa4: {  	v32 =	vld [tilespmem:$0x4C00];
	v12 =	vmin.f32 v12, v17;
	v7 =	vmin.f32 v7, v8;
	v8 =	vmax.f32 v40, v42  }
0xa5: {  	v36 =	vmax.f32 v34, v62;
	v7 =	vmin.f32 v7, v8;
	v8 =	vmin.f32 v46, v39  }
0xa6: {  	v44 =	vmin.f32 v40, v42;
	v50 =	vmax.f32 v8, v43;
	v8 =	vmin.f32 v8, v43  }
0xa7: {  	v61 =	vmax.f32 v13, v56;
	v22 =	vmax.f32 v19, v50;
	v11 =	vmin.f32 v19, v50  }
0xa8: {  	v35 =	vld [tilespmem:$0x4C80];
	v19 =	vmin.f32 v21, v53;
	v21 =	vmin.f32 v33, v16;
	v16 =	vmax.f32 v33, v16  }
0xa9: {  	v39 =	vmax.f32 v6, v32;
	v6 =	vmin.f32 v6, v32;
	v55 =	vmax.f32 v8, v47  }
0xaa: {  	v8 =	vmin.f32 v8, v47;
	v9 =	vmin.f32 v9, v22;
	v60 =	vmin.f32 v19, v18  }
0xab: {  	v18 =	vmax.f32 v19, v18;
	v12 =	vmin.f32 v12, v16;
	v16 =	vmin.f32 v34, v62  }
0xac: {  	v38 =	vld [tilespmem:$0x4D00];
	v37 =	vmax.f32 v21, v36;
	v21 =	vmin.f32 v21, v36;
	v40 =	vmin.f32 v14, v39  }
0xad: {  	v14 =	vmax.f32 v14, v39;
	v41 =	vmax.f32 v6, v35;
	v6 =	vmin.f32 v6, v35  }
0xae: {  	v57 =	vmax.f32 v11, v55;
	v11 =	vmin.f32 v11, v55;
	v10 =	vmin.f32 v10, v18  }
0xaf: {  	v28 =	vmax.f32 v60, v63;
	v18 =	vmin.f32 v60, v63;
	v12 =	vmin.f32 v12, v37  }
0xb0: {  	v42 =	vld [tilespmem:$0x4D80];
	v17 =	vmin.f32 v44, v14;
	v14 =	vmax.f32 v44, v14;
	v43 =	vmax.f32 v40, v41  }
0xb1: {  	v59 =	vld [tilespmem:$0x4C90];
	v44 =	vmin.f32 v40, v41;
	v46 =	vmax.f32 v6, v38;
	v6 =	vmin.f32 v6, v38  }
0xb2: {  	v9 =	vmin.f32 v9, v57;
	v63 =	vmin.f32 v13, v56;
	v10 =	vmin.f32 v10, v28  }
0xb3: {  	v30 =	vmax.f32 v18, v29;
	v18 =	vmin.f32 v18, v29;
	v7 =	vmin.f32 v7, v14  }
0xb4: {  	v45 =	vmax.f32 v17, v43;
	v14 =	vmin.f32 v17, v43;
	v48 =	vmax.f32 v44, v46  }
0xb5: {  	v19 =	vmin.f32 v44, v46;
	v51 =	vmax.f32 v6, v42;
	v6 =	vmin.f32 v6, v42  }
0xb6: {  	v50 =	vld [tilespmem:$0x4E80];
	v28 =	vmax.f32 v15, v61;
	v15 =	vmin.f32 v15, v61;
	v31 =	vmax.f32 v63, v59  }
0xb7: {  	v10 =	vmin.f32 v10, v30;
	v7 =	vmin.f32 v7, v45;
	v49 =	vmax.f32 v14, v48  }
0xb8: {  	v32 =	vld [tilespmem:$0x4E10];
	v14 =	vmin.f32 v14, v48;
	v52 =	vmin.f32 v19, v51;
	v17 =	vmax.f32 v19, v51  }
0xb9: {  	v53 =	vld [tilespmem:$0x4F00];
	v30 =	vmax.f32 v18, v28;
	v13 =	vmin.f32 v18, v28;
	v33 =	vmax.f32 v15, v31  }
0xba: {  	v34 =	vld [tilespmem:$0x4E90];
	v15 =	vmin.f32 v15, v31;
	v7 =	vmin.f32 v7, v49;
	v54 =	vmin.f32 v14, v17  }
0xbb: {  	v62 =	vld [tilespmem:$0x4D10];
	v14 =	vmax.f32 v14, v17;
	v58 =	vmax.f32 v8, v50;
	v8 =	vmin.f32 v8, v50  }
0xbc: {  	s23 =	rddreg [dreg:$0x9];
	v36 =	vld [tilespmem:$0x4F10];
	v10 =	vmin.f32 v10, v30;
	v35 =	vmax.f32 v13, v33;
	v13 =	vmin.f32 v13, v33  }
0xbd: {  	v29 =	vld [tilespmem:$0x4D90];
	[tilespmem:s26], [sflag:$0x1] =	stream.linear.gather [spmem:s23], $0x400, $0x38;
	v42 =	vmin.f32 v16, v32;
	v16 =	vmax.f32 v16, v32;
	v7 =	vmin.f32 v7, v14  }
0xbe: {  	_ =	swait.ge [sflag:s20], $0x400;
	v60 =	vmin.f32 v11, v58;
	v11 =	vmax.f32 v11, v58;
	v10 =	vmin.f32 v10, v35  }
0xbf: {  	[sflag:s20] =	ssyncset.done $0x0;
	v43 =	vmin.f32 v21, v16;
	v16 =	vmax.f32 v21, v16;
	v44 =	vmax.f32 v42, v34  }
0xc0: {  	[sflag:s20] =	ssyncadd.s32 $0xFFFFFC00;
	v9 =	vmin.f32 v9, v11;
	v11 =	vmin.f32 v8, v53;
	v8 =	vmax.f32 v8, v53  }
0xc1: {  	v41 =	vld [tilespmem:$0x4C00];
	v12 =	vmin.f32 v12, v16;
	v14 =	vmin.f32 v60, v8;
	v8 =	vmax.f32 v60, v8  }
0xc2: {  	v45 =	vmax.f32 v43, v44;
	v57 =	vld [tilespmem:$0x4E00];
	v8 =	vmin.f32 v9, v8;
	v9 =	vmin.f32 v63, v59  }
0xc3: {  	v21 =	vmin.f32 v43, v44;
	v30 =	vld [tilespmem:$0x4C10];
	v12 =	vmin.f32 v12, v45;
	v37 =	vmax.f32 v9, v62  }
0xc4: {  	v9 =	vmin.f32 v9, v62;
	v38 =	vmin.f32 v15, v37;
	v15 =	vmax.f32 v15, v37  }
0xc5: {  	v39 =	vmax.f32 v9, v29;
	v9 =	vmin.f32 v9, v29;
	v17 =	vmin.f32 v13, v15  }
0xc6: {  	v61 =	vld [tilespmem:$0x4E80];
	v13 =	vmax.f32 v13, v15;
	v40 =	vmax.f32 v38, v39;
	v15 =	vmin.f32 v38, v39  }
0xc7: {  	v48 =	vmax.f32 v6, v41;
	v6 =	vmin.f32 v6, v41;
	v29 =	vmax.f32 v11, v57  }
0xc8: {  	v11 =	vmin.f32 v11, v57;
	v38 =	vmax.f32 v9, v30;
	v9 =	vmin.f32 v9, v30  }
0xc9: {  	v63 =	vld [tilespmem:$0x4F00];
	v10 =	vmin.f32 v10, v13;
	v18 =	vmin.f32 v17, v40;
	v13 =	vmax.f32 v17, v40  }
0xca: {  	v33 =	vld [tilespmem:$0x4C90];
	v50 =	vmax.f32 v52, v48;
	v51 =	vmin.f32 v52, v48;
	v31 =	vmin.f32 v14, v29  }
0xcb: {  	v14 =	vmax.f32 v14, v29;
	v32 =	vmin.f32 v11, v61;
	v11 =	vmax.f32 v11, v61  }
0xcc: {  	v39 =	vmin.f32 v15, v38;
	v10 =	vmin.f32 v10, v13;
	v13 =	vmin.f32 v42, v34  }
0xcd: {  	v52 =	vmax.f32 v54, v50;
	v8 =	vmin.f32 v8, v14;
	v34 =	vmin.f32 v31, v11  }
0xce: {  	v11 =	vmax.f32 v31, v11;
	v35 =	vmax.f32 v32, v63;
	v14 =	vmax.f32 v15, v38  }
0xcf: {  	v46 =	vld [tilespmem:$0x4C80];
	v42 =	vmax.f32 v9, v33;
	v9 =	vmin.f32 v9, v33;
	v47 =	vmax.f32 v13, v36  }
0xd0: {  	v13 =	vmin.f32 v13, v36;
	v7 =	vmin.f32 v7, v52;
	v8 =	vmin.f32 v8, v11  }
0xd1: {  	v37 =	vld [tilespmem:$0x4D10];
	v11 =	vmin.f32 v32, v63;
	v36 =	vmax.f32 v34, v35;
	v23 =	vmin.f32 v34, v35  }
0xd2: {  	v41 =	vmin.f32 v18, v14;
	v14 =	vmax.f32 v18, v14;
	v44 =	vmax.f32 v39, v42  }
0xd3: {  	v49 =	vld [tilespmem:$0x4D00];
	v18 =	vmin.f32 v39, v42;
	v22 =	vmax.f32 v21, v47;
	v16 =	vmin.f32 v21, v47  }
0xd4: {  	v21 =	vmin.f32 v54, v50;
	v54 =	vmax.f32 v6, v46;
	v6 =	vmin.f32 v6, v46  }
0xd5: {  	v8 =	vmin.f32 v8, v36;
	v10 =	vmin.f32 v10, v14;
	v46 =	vmax.f32 v41, v44  }
0xd6: {  	v53 =	vld [tilespmem:$0x4D80];
	v47 =	vmax.f32 v9, v37;
	v14 =	vmin.f32 v41, v44;
	v9 =	vmin.f32 v9, v37  }
0xd7: {  	v40 =	vld [tilespmem:$0x4D90];
	v12 =	vmin.f32 v12, v22;
	v55 =	vmin.f32 v51, v54;
	v17 =	vmax.f32 v51, v54  }
0xd8: {  	v43 =	vld [tilespmem:$0x4E10];
	v56 =	vmax.f32 v6, v49;
	v6 =	vmin.f32 v6, v49;
	v10 =	vmin.f32 v10, v46  }
0xd9: {  	v49 =	vmax.f32 v18, v47;
	v18 =	vmin.f32 v18, v47;
	v20 =	vmin.f32 v21, v17  }
0xda: {  	v17 =	vmax.f32 v21, v17;
	v58 =	vmax.f32 v55, v56;
	v19 =	vmin.f32 v55, v56  }
0xdb: {  	s22 =	rddreg [dreg:$0xa];
	v45 =	vld [tilespmem:$0x4E90];
	v60 =	vmax.f32 v6, v53;
	v6 =	vmin.f32 v6, v53;
	v50 =	vmax.f32 v14, v49  }
0xdc: {  	v48 =	vld [tilespmem:$0x4F10];
	[tilespmem:s26], [sflag:$0x1] =	stream.linear.gather [spmem:s22], $0x400, $0x38;
	v14 =	vmin.f32 v14, v49;
	v51 =	vmax.f32 v9, v40;
	v9 =	vmin.f32 v9, v40  }
0xdd: {  	_ =	swait.ge [sflag:s20], $0x400;
	v53 =	vmax.f32 v13, v43;
	v13 =	vmin.f32 v13, v43;
	v7 =	vmin.f32 v7, v17  }
0xde: {  	[sflag:s20] =	ssyncset.done $0x0;
	v59 =	vmax.f32 v20, v58;
	v17 =	vmin.f32 v20, v58;
	v62 =	vmax.f32 v19, v60  }
0xdf: {  	[sflag:s20] =	ssyncadd.s32 $0xFFFFFC00;
	v19 =	vmin.f32 v19, v60;
	v10 =	vmin.f32 v10, v50;
	v52 =	vmin.f32 v18, v51  }
0xe0: {  	v54 =	vld [tilespmem:$0x4C00];
	v18 =	vmax.f32 v18, v51;
	v55 =	vmax.f32 v16, v53;
	v16 =	vmin.f32 v16, v53  }
0xe1: {  	v31 =	vld [tilespmem:$0x4E00];
	v56 =	vmax.f32 v13, v45;
	v13 =	vmin.f32 v13, v45;
	v7 =	vmin.f32 v7, v59  }
0xe2: {  	v39 =	vld [tilespmem:$0x4C10];
	v28 =	vmax.f32 v17, v62;
	v17 =	vmin.f32 v17, v62;
	v21 =	vmin.f32 v14, v18  }
0xe3: {  	v14 =	vmax.f32 v14, v18;
	v12 =	vmin.f32 v12, v55;
	v58 =	vmin.f32 v16, v56  }
0xe4: {  	v57 =	vld [tilespmem:$0x4C80];
	v7 =	vmin.f32 v7, v28;
	v10 =	vmin.f32 v10, v14;
	v14 =	vmax.f32 v16, v56  }
0xe5: {  	v33 =	vld [tilespmem:$0x4E80];
	v12 =	vmin.f32 v12, v14;
	v14 =	vmin.f32 v13, v48;
	v13 =	vmax.f32 v13, v48  }
0xe6: {  	v44 =	vld [tilespmem:$0x4C90];
	v59 =	vmax.f32 v6, v54;
	v6 =	vmin.f32 v6, v54;
	v40 =	vmin.f32 v11, v31  }
0xe7: {  	v11 =	vmax.f32 v11, v31;
	v46 =	vmax.f32 v9, v39;
	v9 =	vmin.f32 v9, v39  }
0xe8: {  	v60 =	vld [tilespmem:$0x4D00];
	v16 =	vmin.f32 v58, v13;
	v13 =	vmax.f32 v58, v13;
	v61 =	vmax.f32 v19, v59  }
0xe9: {  	v19 =	vmin.f32 v19, v59;
	v22 =	vmax.f32 v6, v57;
	v6 =	vmin.f32 v6, v57  }
0xea: {  	v37 =	vld [tilespmem:$0x4F00];
	v41 =	vmax.f32 v40, v33;
	v42 =	vmin.f32 v40, v33;
	v48 =	vmax.f32 v52, v46  }
0xeb: {  	v47 =	vld [tilespmem:$0x4D10];
	v15 =	vmin.f32 v52, v46;
	v51 =	vmax.f32 v9, v44;
	v9 =	vmin.f32 v9, v44  }
0xec: {  	v12 =	vmin.f32 v12, v13;
	v62 =	vmax.f32 v17, v61;
	v13 =	vmin.f32 v17, v61  }
0xed: {  	v63 =	vld [tilespmem:$0x4D80];
	v27 =	vmax.f32 v19, v22;
	v28 =	vmin.f32 v19, v22;
	v30 =	vmax.f32 v6, v60  }
0xee: {  	v6 =	vmin.f32 v6, v60;
	v19 =	vmin.f32 v23, v11;
	v11 =	vmax.f32 v23, v11  }
0xef: {  	v45 =	vmax.f32 v42, v37;
	v49 =	vmax.f32 v21, v48;
	v53 =	vmin.f32 v15, v51  }
0xf0: {  	v50 =	vld [tilespmem:$0x4D90];
	v15 =	vmax.f32 v15, v51;
	v56 =	vmax.f32 v9, v47;
	v9 =	vmin.f32 v9, v47  }
0xf1: {  	v7 =	vmin.f32 v7, v62;
	v29 =	vmax.f32 v13, v27;
	v13 =	vmin.f32 v13, v27  }
0xf2: {  	v32 =	vmin.f32 v28, v30;
	v17 =	vmax.f32 v28, v30;
	v35 =	vmax.f32 v6, v63  }
0xf3: {  	v6 =	vmin.f32 v6, v63;
	v8 =	vmin.f32 v8, v11;
	v43 =	vmax.f32 v19, v41  }
0xf4: {  	v19 =	vmin.f32 v19, v41;
	v11 =	vmin.f32 v42, v37;
	v10 =	vmin.f32 v10, v49  }
0xf5: {  	v58 =	vmax.f32 v53, v56;
	v18 =	vmin.f32 v53, v56;
	v25 =	vmax.f32 v9, v50  }
0xf6: {  	v52 =	vld [tilespmem:$0x4E10];
	v9 =	vmin.f32 v9, v50;
	v7 =	vmin.f32 v7, v29;
	v34 =	vmin.f32 v13, v17  }
0xf7: {  	v13 =	vmax.f32 v13, v17;
	v36 =	vmax.f32 v32, v35;
	v17 =	vmin.f32 v32, v35  }
0xf8: {  	v54 =	vld [tilespmem:$0x4E90];
	v8 =	vmin.f32 v8, v43;
	v23 =	vmax.f32 v19, v45;
	v60 =	vmax.f32 v18, v25  }
0xf9: {  	s23 =	rddreg [dreg:$0xb];
	v18 =	vmin.f32 v18, v25;
	v7 =	vmin.f32 v7, v13;
	v13 =	vmax.f32 v34, v36  }
0xfa: {  	v57 =	vld [tilespmem:$0x4F10];
	[tilespmem:s26], [sflag:$0x1] =	stream.linear.gather [spmem:s23], $0x400, $0x38;
	v38 =	vmin.f32 v34, v36;
	v8 =	vmin.f32 v8, v23;
	v7 =	vmin.f32 v7, v13  }
0xfb: {  	_ =	swait.ge [sflag:s20], $0x400;
	v13 =	vmin.f32 v19, v45;
	v19 =	vmin.f32 v21, v48;
	v62 =	vmax.f32 v14, v52  }
0xfc: {  	[sflag:s20] =	ssyncset.done $0x0;
	v14 =	vmin.f32 v14, v52;
	v55 =	vmin.f32 v19, v15;
	v15 =	vmax.f32 v19, v15  }
0xfd: {  	[sflag:s20] =	ssyncadd.s32 $0xFFFFFC00;
	v27 =	vmin.f32 v16, v62;
	v16 =	vmax.f32 v16, v62;
	v28 =	vmin.f32 v14, v54  }
0xfe: {  	v63 =	vld [tilespmem:$0x4C00];
	v14 =	vmax.f32 v14, v54;
	v10 =	vmin.f32 v10, v15;
	v59 =	vmax.f32 v55, v58  }
0xff: {  	v41 =	vld [tilespmem:$0x4E00];
	v15 =	vmin.f32 v55, v58;
	v12 =	vmin.f32 v12, v16;
	v21 =	vmin.f32 v27, v14  }
0x100: {  	v50 =	vld [tilespmem:$0x4C10];
	v14 =	vmax.f32 v27, v14;
	v30 =	vmax.f32 v28, v57;
	v10 =	vmin.f32 v10, v59  }
0x101: {  	v29 =	vld [tilespmem:$0x4C80];
	v61 =	vmax.f32 v15, v60;
	v15 =	vmin.f32 v15, v60;
	v12 =	vmin.f32 v12, v14  }
0x102: {  	v44 =	vld [tilespmem:$0x4E80];
	v14 =	vmin.f32 v28, v57;
	v31 =	vmax.f32 v21, v30;
	v21 =	vmin.f32 v21, v30  }
0x103: {  	v10 =	vmin.f32 v10, v61;
	v12 =	vmin.f32 v12, v31;
	v33 =	vmax.f32 v6, v63  }
0x104: {  	v53 =	vld [tilespmem:$0x4C90];
	v6 =	vmin.f32 v6, v63;
	v49 =	vmax.f32 v11, v41;
	v11 =	vmin.f32 v11, v41  }
0x105: {  	v55 =	vmax.f32 v9, v50;
	v9 =	vmin.f32 v9, v50;
	v34 =	vmin.f32 v17, v33  }
0x106: {  	v32 =	vld [tilespmem:$0x4D00];
	v16 =	vmax.f32 v17, v33;
	v35 =	vmax.f32 v6, v29;
	v6 =	vmin.f32 v6, v29  }
0x107: {  	v51 =	vmax.f32 v13, v49;
	v13 =	vmin.f32 v13, v49;
	v52 =	vmax.f32 v11, v44  }
0x108: {  	v56 =	vld [tilespmem:$0x4D10];
	v11 =	vmin.f32 v11, v44;
	v57 =	vmax.f32 v18, v55;
	v18 =	vmin.f32 v18, v55  }
0x109: {  	v60 =	vmax.f32 v9, v53;
	v9 =	vmin.f32 v9, v53;
	v17 =	vmin.f32 v38, v16  }
0x10a: {  	v16 =	vmax.f32 v38, v16;
	v37 =	vmax.f32 v34, v35;
	v38 =	vmin.f32 v34, v35  }
0x10b: {  	v36 =	vld [tilespmem:$0x4D80];
	v40 =	vmax.f32 v6, v32;
	v6 =	vmin.f32 v6, v32;
	v8 =	vmin.f32 v8, v51  }
0x10c: {  	v47 =	vld [tilespmem:$0x4F00];
	v54 =	vmin.f32 v13, v52;
	v13 =	vmax.f32 v13, v52;
	v59 =	vmax.f32 v15, v57  }
0x10d: {  	v58 =	vld [tilespmem:$0x4D90];
	v62 =	vmax.f32 v18, v60;
	v28 =	vmin.f32 v18, v60;
	v31 =	vmax.f32 v9, v56  }
0x10e: {  	v9 =	vmin.f32 v9, v56;
	v7 =	vmin.f32 v7, v16;
	v39 =	vmax.f32 v17, v37  }
0x10f: {  	v16 =	vmin.f32 v17, v37;
	v42 =	vmax.f32 v38, v40;
	v19 =	vmin.f32 v38, v40  }
0x110: {  	v45 =	vmax.f32 v6, v36;
	v6 =	vmin.f32 v6, v36;
	v8 =	vmin.f32 v8, v13  }
0x111: {  	v61 =	vld [tilespmem:$0x4E10];
	v13 =	vmin.f32 v11, v47;
	v11 =	vmax.f32 v11, v47;
	v10 =	vmin.f32 v10, v59  }
0x112: {  	s22 =	rddreg [dreg:$0xc];
	v30 =	vld [tilespmem:$0x4F10];
	v32 =	vmin.f32 v28, v31;
	v33 =	vmax.f32 v9, v58;
	v9 =	vmin.f32 v9, v58  }
0x113: {  	v63 =	vld [tilespmem:$0x4E90];
	[tilespmem:s26], [sflag:$0x1] =	stream.linear.gather [spmem:s22], $0x400, $0x38;
	v7 =	vmin.f32 v7, v39;
	v43 =	vmax.f32 v16, v42;
	v16 =	vmin.f32 v16, v42  }
0x114: {  	_ =	swait.ge [sflag:s20], $0x400;
	v46 =	vmin.f32 v19, v45;
	v17 =	vmax.f32 v19, v45;
	v34 =	vmax.f32 v32, v33  }
0x115: {  	[sflag:s20] =	ssyncset.done $0x0;
	v7 =	vmin.f32 v7, v43;
	v48 =	vmin.f32 v16, v17;
	v16 =	vmax.f32 v16, v17  }
0x116: {  	[sflag:s20] =	ssyncadd.s32 $0xFFFFFC00;
	v36 =	vmin.f32 v14, v61;
	v14 =	vmax.f32 v14, v61;
	v7 =	vmin.f32 v7, v16  }
0x117: {  	v35 =	vld [tilespmem:$0x4C00];
	v16 =	vmin.f32 v54, v11;
	v11 =	vmax.f32 v54, v11;
	v37 =	vmin.f32 v21, v14  }
0x118: {  	v51 =	vld [tilespmem:$0x4E00];
	v14 =	vmax.f32 v21, v14;
	v38 =	vmax.f32 v36, v63;
	v8 =	vmin.f32 v8, v11  }
0x119: {  	v60 =	vld [tilespmem:$0x4C10];
	v11 =	vmin.f32 v15, v57;
	v15 =	vmax.f32 v28, v31;
	v12 =	vmin.f32 v12, v14  }
0x11a: {  	v39 =	vmax.f32 v37, v38;
	v21 =	vmin.f32 v37, v38;
	v29 =	vmax.f32 v11, v62  }
0x11b: {  	v11 =	vmin.f32 v11, v62;
	v12 =	vmin.f32 v12, v39;
	v10 =	vmin.f32 v10, v29  }
0x11c: {  	v55 =	vld [tilespmem:$0x4E80];
	v17 =	vmin.f32 v11, v15;
	v11 =	vmax.f32 v11, v15;
	v15 =	vmin.f32 v32, v33  }
0x11d: {  	v42 =	vmax.f32 v6, v35;
	v6 =	vmin.f32 v6, v35;
	v59 =	vmax.f32 v13, v51  }
0x11e: {  	v13 =	vmin.f32 v13, v51;
	v32 =	vmax.f32 v9, v60;
	v9 =	vmin.f32 v9, v60  }
0x11f: {  	v10 =	vmin.f32 v10, v11;
	v18 =	vmin.f32 v17, v34;
	v11 =	vmax.f32 v17, v34  }
0x120: {  	v44 =	vmax.f32 v46, v42;
	v45 =	vmin.f32 v46, v42;
	v61 =	vmin.f32 v16, v59  }
0x121: {  	v57 =	vld [tilespmem:$0x4F00];
	v16 =	vmax.f32 v16, v59;
	v62 =	vmin.f32 v13, v55;
	v13 =	vmax.f32 v13, v55  }
0x122: {  	v33 =	vmin.f32 v15, v32;
	v15 =	vmax.f32 v15, v32;
	v10 =	vmin.f32 v10, v11  }
0x123: {  	v40 =	vld [tilespmem:$0x4C80];
	v11 =	vmin.f32 v36, v63;
	v46 =	vmax.f32 v48, v44;
	v8 =	vmin.f32 v8, v16  }
0x124: {  	v28 =	vmin.f32 v61, v13;
	v13 =	vmax.f32 v61, v13;
	v35 =	vmin.f32 v18, v15  }
0x125: {  	v15 =	vmax.f32 v18, v15;
	v41 =	vmax.f32 v11, v30;
	v11 =	vmin.f32 v11, v30  }
0x126: {  	v43 =	vld [tilespmem:$0x4D00];
	v7 =	vmin.f32 v7, v46;
	v29 =	vmax.f32 v62, v57;
	v8 =	vmin.f32 v8, v13  }
0x127: {  	v13 =	vmin.f32 v62, v57;
	v10 =	vmin.f32 v10, v15;
	v22 =	vmax.f32 v21, v41  }
0x128: {  	v47 =	vld [tilespmem:$0x4D80];
	v14 =	vmin.f32 v21, v41;
	v21 =	vmin.f32 v48, v44;
	v48 =	vmax.f32 v6, v40  }
0x129: {  	v37 =	vld [tilespmem:$0x4E10];
	v6 =	vmin.f32 v6, v40;
	v30 =	vmax.f32 v28, v29;
	v23 =	vmin.f32 v28, v29  }
0x12a: {  	v12 =	vmin.f32 v12, v22;
	v49 =	vmin.f32 v45, v48;
	v17 =	vmax.f32 v45, v48  }
0x12b: {  	v63 =	vld [tilespmem:$0x4C90];
	v50 =	vmax.f32 v6, v43;
	v6 =	vmin.f32 v6, v43;
	v8 =	vmin.f32 v8, v30  }
0x12c: {  	v39 =	vld [tilespmem:$0x4E90];
	v20 =	vmin.f32 v21, v17;
	v17 =	vmax.f32 v21, v17;
	v52 =	vmax.f32 v49, v50  }
0x12d: {  	v19 =	vmin.f32 v49, v50;
	v54 =	vmax.f32 v6, v47;
	v6 =	vmin.f32 v6, v47  }
0x12e: {  	v47 =	vmax.f32 v11, v37;
	v11 =	vmin.f32 v11, v37;
	v7 =	vmin.f32 v7, v17  }
0x12f: {  	v31 =	vld [tilespmem:$0x4D10];
	v53 =	vmax.f32 v20, v52;
	v17 =	vmin.f32 v20, v52;
	v56 =	vmax.f32 v19, v54  }
0x130: {  	v19 =	vmin.f32 v19, v54;
	v36 =	vmax.f32 v9, v63;
	v9 =	vmin.f32 v9, v63  }
0x131: {  	s23 =	rddreg [dreg:$0xd];
	v34 =	vld [tilespmem:$0x4D90];
	v49 =	vmax.f32 v14, v47;
	v14 =	vmin.f32 v14, v47;
	v50 =	vmax.f32 v11, v39  }
0x132: {  	v42 =	vld [tilespmem:$0x4F10];
	[tilespmem:s26], [sflag:$0x1] =	stream.linear.gather [spmem:s23], $0x400, $0x38;
	v11 =	vmin.f32 v11, v39;
	v7 =	vmin.f32 v7, v53;
	v58 =	vmax.f32 v17, v56  }
0x133: {  	_ =	swait.ge [sflag:s20], $0x400;
	v17 =	vmin.f32 v17, v56;
	v38 =	vmax.f32 v33, v36;
	v18 =	vmin.f32 v33, v36  }
0x134: {  	[sflag:s20] =	ssyncset.done $0x0;
	v41 =	vmax.f32 v9, v31;
	v9 =	vmin.f32 v9, v31;
	v12 =	vmin.f32 v12, v49  }
0x135: {  	[sflag:s20] =	ssyncadd.s32 $0xFFFFFC00;
	v52 =	vmin.f32 v14, v50;
	v14 =	vmax.f32 v14, v50;
	v7 =	vmin.f32 v7, v58  }
0x136: {  	v48 =	vld [tilespmem:$0x4C00];
	v40 =	vmax.f32 v35, v38;
	v15 =	vmin.f32 v35, v38;
	v43 =	vmax.f32 v18, v41  }
0x137: {  	v62 =	vld [tilespmem:$0x4E00];
	v18 =	vmin.f32 v18, v41;
	v45 =	vmax.f32 v9, v34;
	v9 =	vmin.f32 v9, v34  }
0x138: {  	v12 =	vmin.f32 v12, v14;
	v14 =	vmin.f32 v11, v42;
	v11 =	vmax.f32 v11, v42  }
0x139: {  	v51 =	vld [tilespmem:$0x4C80];
	v10 =	vmin.f32 v10, v40;
	v44 =	vmax.f32 v15, v43;
	v15 =	vmin.f32 v15, v43  }
0x13a: {  	v28 =	vld [tilespmem:$0x4E80];
	v46 =	vmin.f32 v18, v45;
	v18 =	vmax.f32 v18, v45;
	v10 =	vmin.f32 v10, v44  }
0x13b: {  	v21 =	vmin.f32 v15, v18;
	v15 =	vmax.f32 v15, v18;
	v53 =	vmax.f32 v6, v48  }
0x13c: {  	v54 =	vld [tilespmem:$0x4D00];
	v6 =	vmin.f32 v6, v48;
	v35 =	vmin.f32 v13, v62;
	v13 =	vmax.f32 v13, v62  }
0x13d: {  	v10 =	vmin.f32 v10, v15;
	v15 =	vmin.f32 v52, v11;
	v11 =	vmax.f32 v52, v11  }
0x13e: {  	v55 =	vmax.f32 v19, v53;
	v19 =	vmin.f32 v19, v53;
	v22 =	vmax.f32 v6, v51  }
0x13f: {  	v57 =	vld [tilespmem:$0x4D80];
	v6 =	vmin.f32 v6, v51;
	v36 =	vmax.f32 v35, v28;
	v11 =	vmin.f32 v12, v11  }
0x140: {  	v56 =	vmax.f32 v17, v55;
	v12 =	vmin.f32 v17, v55;
	v58 =	vmax.f32 v19, v22  }
0x141: {  	v34 =	vld [tilespmem:$0x4C10];
	v59 =	vmin.f32 v19, v22;
	v61 =	vmax.f32 v6, v54;
	v6 =	vmin.f32 v6, v54  }
0x142: {  	v19 =	vmin.f32 v23, v13;
	v13 =	vmax.f32 v23, v13;
	v7 =	vmin.f32 v7, v56  }
0x143: {  	v60 =	vmax.f32 v12, v58;
	v12 =	vmin.f32 v12, v58;
	v63 =	vmin.f32 v59, v61  }
0x144: {  	v38 =	vld [tilespmem:$0x4C90];
	v17 =	vmax.f32 v59, v61;
	v30 =	vmax.f32 v6, v57;
	v6 =	vmin.f32 v6, v57  }
0x145: {  	v8 =	vmin.f32 v8, v13;
	v37 =	vmax.f32 v19, v36;
	v19 =	vmin.f32 v19, v36  }
0x146: {  	v40 =	vmax.f32 v9, v34;
	v9 =	vmin.f32 v9, v34;
	v7 =	vmin.f32 v7, v60  }
0x147: {  	v41 =	vld [tilespmem:$0x4D10];
	v29 =	vmin.f32 v12, v17;
	v12 =	vmax.f32 v12, v17;
	v31 =	vmax.f32 v63, v30  }
0x148: {  	v17 =	vmin.f32 v63, v30;
	v8 =	vmin.f32 v8, v37;
	v42 =	vmax.f32 v46, v40  }
0x149: {  	v44 =	vld [tilespmem:$0x4D90];
	v16 =	vmin.f32 v46, v40;
	v45 =	vmax.f32 v9, v38;
	v9 =	vmin.f32 v9, v38  }
0x14a: {  	v32 =	vld [tilespmem:$0x4F00];
	v7 =	vmin.f32 v7, v12;
	v33 =	vmin.f32 v29, v31;
	v12 =	vmax.f32 v29, v31  }
0x14b: {  	v43 =	vmax.f32 v21, v42;
	v47 =	vmin.f32 v16, v45;
	v16 =	vmax.f32 v16, v45  }
0x14c: {  	v50 =	vmax.f32 v9, v41;
	v9 =	vmin.f32 v9, v41;
	v7 =	vmin.f32 v7, v12  }
0x14d: {  	v46 =	vld [tilespmem:$0x4E10];
	v12 =	vmin.f32 v35, v28;
	v10 =	vmin.f32 v10, v43;
	v52 =	vmax.f32 v47, v50  }
0x14e: {  	v18 =	vmin.f32 v47, v50;
	v25 =	vmax.f32 v9, v44;
	v9 =	vmin.f32 v9, v44  }
0x14f: {  	s22 =	rddreg [dreg:$0xe];
	v48 =	vld [tilespmem:$0x4E90];
	v39 =	vmax.f32 v12, v32;
	v12 =	vmin.f32 v12, v32;
	v54 =	vmax.f32 v18, v25  }
0x150: {  	v51 =	vld [tilespmem:$0x4F10];
	[tilespmem:s26], [sflag:$0x1] =	stream.linear.gather [spmem:s22], $0x400, $0x38;
	v23 =	vmax.f32 v19, v39;
	v13 =	vmin.f32 v19, v39;
	v19 =	vmin.f32 v21, v42  }
0x151: {  	_ =	swait.ge [sflag:s20], $0x400;
	v18 =	vmin.f32 v18, v25;
	v8 =	vmin.f32 v8, v23;
	v49 =	vmin.f32 v19, v16  }
0x152: {  	[sflag:s20] =	ssyncset.done $0x0;
	v16 =	vmax.f32 v19, v16;
	v56 =	vmax.f32 v14, v46;
	v14 =	vmin.f32 v14, v46  }
0x153: {  	[sflag:s20] =	ssyncadd.s32 $0xFFFFFC00;
	v10 =	vmin.f32 v10, v16;
	v53 =	vmax.f32 v49, v52;
	v16 =	vmin.f32 v49, v52  }
0x154: {  	v57 =	vld [tilespmem:$0x4C00];
	v58 =	vmin.f32 v15, v56;
	v15 =	vmax.f32 v15, v56;
	v59 =	vmin.f32 v14, v48  }
0x155: {  	v42 =	vld [tilespmem:$0x4C10];
	v14 =	vmax.f32 v14, v48;
	v10 =	vmin.f32 v10, v53;
	v55 =	vmax.f32 v16, v54  }
0x156: {  	v60 =	vld [tilespmem:$0x4C80];
	v16 =	vmin.f32 v16, v54;
	v11 =	vmin.f32 v11, v15;
	v21 =	vmin.f32 v58, v14  }
0x157: {  	v14 =	vmax.f32 v58, v14;
	v61 =	vmax.f32 v59, v51;
	v10 =	vmin.f32 v10, v55  }
0x158: {  	v45 =	vld [tilespmem:$0x4C90];
	v11 =	vmin.f32 v11, v14;
	v14 =	vmin.f32 v59, v51;
	v62 =	vmax.f32 v21, v61  }
0x159: {  	v21 =	vmin.f32 v21, v61;
	v11 =	vmin.f32 v11, v62;
	v25 =	vmax.f32 v6, v57  }
0x15a: {  	v63 =	vld [tilespmem:$0x4D00];
	v6 =	vmin.f32 v6, v57;
	v47 =	vmax.f32 v9, v42;
	v9 =	vmin.f32 v9, v42  }
0x15b: {  	v48 =	vld [tilespmem:$0x4D10];
	v26 =	vmin.f32 v17, v25;
	v15 =	vmax.f32 v17, v25;
	v27 =	vmax.f32 v6, v60  }
0x15c: {  	v6 =	vmin.f32 v6, v60;
	v49 =	vmax.f32 v18, v47;
	v18 =	vmin.f32 v18, v47  }
0x15d: {  	v52 =	vmax.f32 v9, v45;
	v9 =	vmin.f32 v9, v45;
	v17 =	vmin.f32 v33, v15  }
0x15e: {  	v28 =	vld [tilespmem:$0x4D80];
	v15 =	vmax.f32 v33, v15;
	v29 =	vmax.f32 v26, v27;
	v30 =	vmin.f32 v26, v27  }
0x15f: {  	v50 =	vld [tilespmem:$0x4D90];
	v32 =	vmax.f32 v6, v63;
	v6 =	vmin.f32 v6, v63;
	v51 =	vmax.f32 v16, v49  }
0x160: {  	v53 =	vld [tilespmem:$0x4E10];
	v54 =	vmax.f32 v18, v52;
	v56 =	vmin.f32 v18, v52;
	v59 =	vmax.f32 v9, v48  }
0x161: {  	v9 =	vmin.f32 v9, v48;
	v7 =	vmin.f32 v7, v15;
	v31 =	vmax.f32 v17, v29  }
0x162: {  	v15 =	vmin.f32 v17, v29;
	v34 =	vmax.f32 v30, v32;
	v19 =	vmin.f32 v30, v32  }
0x163: {  	v55 =	vld [tilespmem:$0x4E90];
	v37 =	vmax.f32 v6, v28;
	v6 =	vmin.f32 v6, v28;
	v10 =	vmin.f32 v10, v51  }
0x164: {  	v36 =	vld [tilespmem:$0x4E80];
	v60 =	vmin.f32 v56, v59;
	v61 =	vmax.f32 v9, v50;
	v9 =	vmin.f32 v9, v50  }
0x165: {  	v33 =	vld [tilespmem:$0x4E00];
	v28 =	vmin.f32 v14, v53;
	v14 =	vmax.f32 v14, v53;
	v7 =	vmin.f32 v7, v31  }
0x166: {  	s23 =	rddreg [dreg:$0xf];
	v39 =	vld [tilespmem:$0x4F00];
	v35 =	vmax.f32 v15, v34;
	v15 =	vmin.f32 v15, v34;
	v38 =	vmin.f32 v19, v37  }
0x167: {  	v58 =	vld [tilespmem:$0x4F10];
	[tilespmem:s26], [sflag:$0x1] =	stream.linear.gather [spmem:s23], $0x400, $0x38;
	v17 =	vmax.f32 v19, v37;
	v62 =	vmax.f32 v60, v61;
	v29 =	vmin.f32 v21, v14  }
0x168: {  	_ =	swait.ge [sflag:s20], $0x400;
	v14 =	vmax.f32 v21, v14;
	v30 =	vmax.f32 v28, v55;
	v7 =	vmin.f32 v7, v35  }
0x169: {  	[sflag:s20] =	ssyncset.done $0x0;
	v40 =	vmin.f32 v15, v17;
	v15 =	vmax.f32 v15, v17;
	v11 =	vmin.f32 v11, v14  }
0x16a: {  	[sflag:s20] =	ssyncadd.s32 $0xFFFFFC00;
	v31 =	vmax.f32 v29, v30;
	v21 =	vmin.f32 v29, v30;
	v41 =	vmax.f32 v12, v33  }
0x16b: {  	v7 =	vmin.f32 v7, v15;
	v63 =	vld [tilespmem:$0x4C00];
	v12 =	vmin.f32 v12, v33;
	v43 =	vmax.f32 v13, v41  }
0x16c: {  	v13 =	vmin.f32 v13, v41;
	v44 =	vmax.f32 v12, v36;
	v12 =	vmin.f32 v12, v36  }
0x16d: {  	v8 =	vmin.f32 v8, v43;
	v46 =	vmin.f32 v13, v44;
	v13 =	vmax.f32 v13, v44  }
0x16e: {  	v8 =	vmin.f32 v8, v13;
	v13 =	vmin.f32 v12, v39;
	v12 =	vmax.f32 v12, v39  }
0x16f: {  	v11 =	vmin.f32 v11, v31;
	v52 =	vld [tilespmem:$0x4C10];
	v15 =	vmin.f32 v46, v12;
	v12 =	vmax.f32 v46, v12  }
0x170: {  	v43 =	vld [tilespmem:$0x4E00];
	v34 =	vmax.f32 v6, v63;
	v6 =	vmin.f32 v6, v63;
	v8 =	vmin.f32 v8, v12  }
0x171: {  	v12 =	vmin.f32 v16, v49;
	v16 =	vmax.f32 v56, v59;
	v36 =	vmax.f32 v38, v34  }
0x172: {  	v37 =	vmin.f32 v38, v34;
	v57 =	vmax.f32 v12, v54;
	v12 =	vmin.f32 v12, v54  }
0x173: {  	v47 =	vld [tilespmem:$0x4E80];
	v38 =	vmax.f32 v40, v36;
	v10 =	vmin.f32 v10, v57;
	v17 =	vmin.f32 v12, v16  }
0x174: {  	v12 =	vmax.f32 v12, v16;
	v16 =	vmin.f32 v60, v61;
	v7 =	vmin.f32 v7, v38  }
0x175: {  	v51 =	vmax.f32 v13, v43;
	v13 =	vmin.f32 v13, v43;
	v60 =	vmax.f32 v9, v52  }
0x176: {  	v49 =	vld [tilespmem:$0x4F00];
	v9 =	vmin.f32 v9, v52;
	v10 =	vmin.f32 v10, v12;
	v18 =	vmin.f32 v17, v62  }
0x177: {  	v12 =	vmax.f32 v17, v62;
	v53 =	vmin.f32 v15, v51;
	v15 =	vmax.f32 v15, v51  }
0x178: {  	v54 =	vmin.f32 v13, v47;
	v13 =	vmax.f32 v13, v47;
	v61 =	vmin.f32 v16, v60  }
0x179: {  	v32 =	vld [tilespmem:$0x4C80];
	v10 =	vmin.f32 v10, v12;
	v12 =	vmin.f32 v28, v55;
	v8 =	vmin.f32 v8, v15  }
0x17a: {  	v56 =	vmin.f32 v53, v13;
	v13 =	vmax.f32 v53, v13;
	v15 =	vmax.f32 v16, v60  }
0x17b: {  	v33 =	vmax.f32 v12, v58;
	v12 =	vmin.f32 v12, v58;
	v57 =	vmax.f32 v54, v49  }
0x17c: {  	v35 =	vld [tilespmem:$0x4D00];
	v8 =	vmin.f32 v8, v13;
	v13 =	vmin.f32 v54, v49;
	v63 =	vmin.f32 v18, v15  }
0x17d: {  	v30 =	vld [tilespmem:$0x4E10];
	v15 =	vmax.f32 v18, v15;
	v22 =	vmax.f32 v21, v33;
	v14 =	vmin.f32 v21, v33  }
0x17e: {  	v21 =	vmin.f32 v40, v36;
	v40 =	vmax.f32 v6, v32;
	v6 =	vmin.f32 v6, v32  }
0x17f: {  	v39 =	vld [tilespmem:$0x4D80];
	v58 =	vmax.f32 v56, v57;
	v23 =	vmin.f32 v56, v57;
	v10 =	vmin.f32 v10, v15  }
0x180: {  	v11 =	vmin.f32 v11, v22;
	v41 =	vmin.f32 v37, v40;
	v17 =	vmax.f32 v37, v40  }
0x181: {  	v42 =	vmax.f32 v6, v35;
	v6 =	vmin.f32 v6, v35;
	v8 =	vmin.f32 v8, v58  }
0x182: {  	v55 =	vld [tilespmem:$0x4C90];
	v40 =	vmax.f32 v12, v30;
	v12 =	vmin.f32 v12, v30;
	v20 =	vmin.f32 v21, v17  }
0x183: {  	v17 =	vmax.f32 v21, v17;
	v44 =	vmax.f32 v41, v42;
	v19 =	vmin.f32 v41, v42  }
0x184: {  	v59 =	vld [tilespmem:$0x4D10];
	v46 =	vmax.f32 v6, v39;
	v6 =	vmin.f32 v6, v39;
	v42 =	vmax.f32 v14, v40  }
0x185: {  	v14 =	vmin.f32 v14, v40;
	v7 =	vmin.f32 v7, v17;
	v45 =	vmax.f32 v20, v44  }
0x186: {  	v62 =	vld [tilespmem:$0x4D90];
	v17 =	vmin.f32 v20, v44;
	v48 =	vmax.f32 v19, v46;
	v19 =	vmin.f32 v19, v46  }
0x187: {  	v32 =	vld [tilespmem:$0x4E90];
	v29 =	vmax.f32 v9, v55;
	v9 =	vmin.f32 v9, v55;
	v11 =	vmin.f32 v11, v42  }
0x188: {  	s22 =	rddreg [dreg:$0x10];
	v7 =	vmin.f32 v7, v45;
	v50 =	vmax.f32 v17, v48;
	v17 =	vmin.f32 v17, v48  }
0x189: {  	v35 =	vld [tilespmem:$0x4F10];
	[tilespmem:s26], [sflag:$0x1] =	stream.linear.gather [spmem:s22], $0x400, $0x38;
	v31 =	vmax.f32 v61, v29;
	v18 =	vmin.f32 v61, v29;
	v34 =	vmax.f32 v9, v59  }
0x18a: {  	_ =	swait.ge [sflag:s20], $0x400;
	v9 =	vmin.f32 v9, v59;
	v33 =	vmax.f32 v63, v31;
	v15 =	vmin.f32 v63, v31  }
0x18b: {  	[sflag:s20] =	ssyncset.done $0x0;
	v36 =	vmax.f32 v18, v34;
	v18 =	vmin.f32 v18, v34;
	v38 =	vmax.f32 v9, v62  }
0x18c: {  	[sflag:s20] =	ssyncadd.s32 $0xFFFFFC00;
	v43 =	vmax.f32 v12, v32;
	v12 =	vmin.f32 v12, v32;
	v10 =	vmin.f32 v10, v33  }
0x18d: {  	v41 =	vld [tilespmem:$0x4C00];
	v37 =	vmax.f32 v15, v36;
	v15 =	vmin.f32 v15, v36;
	v39 =	vmin.f32 v18, v38  }
0x18e: {  	v55 =	vld [tilespmem:$0x4E00];
	v18 =	vmax.f32 v18, v38;
	v45 =	vmin.f32 v14, v43;
	v14 =	vmax.f32 v14, v43  }
0x18f: {  	v63 =	vld [tilespmem:$0x4C10];
	v10 =	vmin.f32 v10, v37;
	v21 =	vmin.f32 v15, v18;
	v15 =	vmax.f32 v15, v18  }
0x190: {  	v44 =	vld [tilespmem:$0x4C80];
	v11 =	vmin.f32 v11, v14;
	v14 =	vmin.f32 v12, v35;
	v12 =	vmax.f32 v12, v35  }
0x191: {  	v57 =	vld [tilespmem:$0x4E80];
	v10 =	vmin.f32 v10, v15;
	v15 =	vmin.f32 v45, v12;
	v12 =	vmax.f32 v45, v12  }
0x192: {  	v7 =	vmin.f32 v7, v50;
	v9 =	vmin.f32 v9, v62;
	v29 =	vld [tilespmem:$0x4C90];
	v11 =	vmin.f32 v11, v12  }
0x193: {  	v46 =	vmax.f32 v6, v41;
	v6 =	vmin.f32 v6, v41;
	v26 =	vmin.f32 v13, v55  }
0x194: {  	v47 =	vld [tilespmem:$0x4D00];
	v13 =	vmax.f32 v13, v55;
	v31 =	vmax.f32 v9, v63;
	v9 =	vmin.f32 v9, v63  }
0x195: {  	v48 =	vmax.f32 v19, v46;
	v19 =	vmin.f32 v19, v46;
	v22 =	vmax.f32 v6, v44  }
0x196: {  	v32 =	vld [tilespmem:$0x4D10];
	v6 =	vmin.f32 v6, v44;
	v27 =	vmax.f32 v26, v57;
	v33 =	vmax.f32 v39, v31  }
0x197: {  	v37 =	vld [tilespmem:$0x4E10];
	v16 =	vmin.f32 v39, v31;
	v36 =	vmax.f32 v9, v29;
	v9 =	vmin.f32 v9, v29  }
0x198: {  	v49 =	vmax.f32 v17, v48;
	v12 =	vmin.f32 v17, v48;
	v51 =	vmax.f32 v19, v22  }
0x199: {  	v50 =	vld [tilespmem:$0x4D80];
	v52 =	vmin.f32 v19, v22;
	v54 =	vmax.f32 v6, v47;
	v6 =	vmin.f32 v6, v47  }
0x19a: {  	v19 =	vmin.f32 v23, v13;
	v13 =	vmax.f32 v23, v13;
	v34 =	vmax.f32 v21, v33  }
0x19b: {  	v38 =	vmin.f32 v16, v36;
	v16 =	vmax.f32 v16, v36;
	v41 =	vmax.f32 v9, v32  }
0x19c: {  	v35 =	vld [tilespmem:$0x4D90];
	v9 =	vmin.f32 v9, v32;
	v47 =	vmax.f32 v14, v37;
	v14 =	vmin.f32 v14, v37  }
0x19d: {  	v7 =	vmin.f32 v7, v49;
	v53 =	vmax.f32 v12, v51;
	v12 =	vmin.f32 v12, v51  }
0x19e: {  	v56 =	vmin.f32 v52, v54;
	v17 =	vmax.f32 v52, v54;
	v59 =	vmax.f32 v6, v50  }
0x19f: {  	v6 =	vmin.f32 v6, v50;
	v8 =	vmin.f32 v8, v13;
	v28 =	vmax.f32 v19, v27  }
0x1a0: {  	v19 =	vmin.f32 v19, v27;
	v10 =	vmin.f32 v10, v34;
	v43 =	vmax.f32 v38, v41  }
0x1a1: {  	v61 =	vld [tilespmem:$0x4F00];
	v18 =	vmin.f32 v38, v41;
	v25 =	vmax.f32 v9, v35;
	v9 =	vmin.f32 v9, v35  }
0x1a2: {  	v39 =	vld [tilespmem:$0x4E90];
	v49 =	vmin.f32 v15, v47;
	v15 =	vmax.f32 v15, v47;
	v7 =	vmin.f32 v7, v53  }
0x1a3: {  	s23 =	rddreg [dreg:$0x11];
	v42 =	vld [tilespmem:$0x4F10];
	v58 =	vmin.f32 v12, v17;
	v12 =	vmax.f32 v12, v17;
	v60 =	vmax.f32 v56, v59  }
0x1a4: {  	[tilespmem:s26], [sflag:$0x1] =	stream.linear.gather [spmem:s23], $0x400, $0x38;
	v17 =	vmin.f32 v56, v59;
	v8 =	vmin.f32 v8, v28;
	v45 =	vmax.f32 v18, v25;
	[tilespmem:$0x5220] =	vst v63  }
0x1a5: {  	_ =	swait.ge [sflag:s20], $0x400;
	v18 =	vmin.f32 v18, v25;
	v7 =	vmin.f32 v7, v12;
	v12 =	vmax.f32 v58, v60  }
0x1a6: {  	[sflag:s20] =	ssyncset.done $0x0;
	v11 =	vmin.f32 v11, v15;
	v62 =	vmin.f32 v58, v60;
	v7 =	vmin.f32 v7, v12  }
0x1a7: {  	[sflag:s20] =	ssyncadd.s32 $0xFFFFFC00;
	v12 =	vmin.f32 v26, v57;
	v50 =	vmin.f32 v14, v39;
	v14 =	vmax.f32 v14, v39  }
0x1a8: {  	v48 =	vld [tilespmem:$0x4C00];
	v30 =	vmax.f32 v12, v61;
	v12 =	vmin.f32 v12, v61;
	v52 =	vmax.f32 v50, v42  }
0x1a9: {  	v63 =	vld [tilespmem:$0x4E00];
	v23 =	vmax.f32 v19, v30;
	v13 =	vmin.f32 v19, v30;
	v19 =	vmin.f32 v21, v33  }
0x1aa: {  	v36 =	vld [tilespmem:$0x4C10];
	v21 =	vmin.f32 v49, v14;
	v14 =	vmax.f32 v49, v14;
	v8 =	vmin.f32 v8, v23  }
0x1ab: {  	v40 =	vmin.f32 v19, v16;
	v16 =	vmax.f32 v19, v16;
	v11 =	vmin.f32 v11, v14  }
0x1ac: {  	v14 =	vmin.f32 v50, v42;
	v53 =	vmax.f32 v21, v52;
	v21 =	vmin.f32 v21, v52  }
0x1ad: {  	v51 =	vld [tilespmem:$0x4C80];
	v10 =	vmin.f32 v10, v16;
	v44 =	vmax.f32 v40, v43;
	v16 =	vmin.f32 v40, v43  }
0x1ae: {  	v11 =	vmin.f32 v11, v53;
	v55 =	vmax.f32 v6, v48;
	v6 =	vmin.f32 v6, v48  }
0x1af: {  	v35 =	vmax.f32 v12, v63;
	v12 =	vmin.f32 v12, v63;
	v41 =	vmax.f32 v9, v36  }
0x1b0: {  	v54 =	vld [tilespmem:$0x4D00];
	v9 =	vmin.f32 v9, v36;
	v10 =	vmin.f32 v10, v44;
	v46 =	vmax.f32 v16, v45  }
0x1b1: {  	v16 =	vmin.f32 v16, v45;
	v56 =	vmin.f32 v17, v55;
	v15 =	vmax.f32 v17, v55  }
0x1b2: {  	v39 =	vld [tilespmem:$0x4C90];
	v57 =	vmax.f32 v6, v51;
	v6 =	vmin.f32 v6, v51;
	v37 =	vmax.f32 v13, v35  }
0x1b3: {  	v13 =	vmin.f32 v13, v35;
	v43 =	vmax.f32 v18, v41;
	v18 =	vmin.f32 v18, v41  }
0x1b4: {  	v58 =	vld [tilespmem:$0x4D80];
	v10 =	vmin.f32 v10, v46;
	v17 =	vmin.f32 v62, v15;
	v15 =	vmax.f32 v62, v15  }
0x1b5: {  	v30 =	vld [tilespmem:$0x4E80];
	v59 =	vmax.f32 v56, v57;
	v60 =	vmin.f32 v56, v57;
	v62 =	vmax.f32 v6, v54  }
0x1b6: {  	v47 =	vld [tilespmem:$0x4E10];
	v6 =	vmin.f32 v6, v54;
	v8 =	vmin.f32 v8, v37;
	v45 =	vmax.f32 v16, v43  }
0x1b7: {  	v46 =	vmax.f32 v9, v39;
	v9 =	vmin.f32 v9, v39;
	v7 =	vmin.f32 v7, v15  }
0x1b8: {  	v61 =	vmax.f32 v17, v59;
	v15 =	vmin.f32 v17, v59;
	v28 =	vmax.f32 v60, v62  }
0x1b9: {  	v42 =	vld [tilespmem:$0x4D10];
	v19 =	vmin.f32 v60, v62;
	v31 =	vmax.f32 v6, v58;
	v6 =	vmin.f32 v6, v58  }
0x1ba: {  	v38 =	vmax.f32 v12, v30;
	v12 =	vmin.f32 v12, v30;
	v10 =	vmin.f32 v10, v45  }
0x1bb: {  	v49 =	vld [tilespmem:$0x4E90];
	v48 =	vmax.f32 v18, v46;
	v50 =	vmin.f32 v18, v46;
	v58 =	vmin.f32 v14, v47  }
0x1bc: {  	v33 =	vld [tilespmem:$0x4F00];
	v14 =	vmax.f32 v14, v47;
	v7 =	vmin.f32 v7, v61;
	v29 =	vmax.f32 v15, v28  }
0x1bd: {  	v15 =	vmin.f32 v15, v28;
	v32 =	vmin.f32 v19, v31;
	v17 =	vmax.f32 v19, v31  }
0x1be: {  	v40 =	vmin.f32 v13, v38;
	v13 =	vmax.f32 v13, v38;
	v53 =	vmax.f32 v9, v42  }
0x1bf: {  	s22 =	rddreg [dreg:$0x12];
	v44 =	vld [tilespmem:$0x4D90];
	v9 =	vmin.f32 v9, v42;
	v59 =	vmin.f32 v21, v14;
	v14 =	vmax.f32 v21, v14  }
0x1c0: {  	v52 =	vld [tilespmem:$0x4F10];
	[tilespmem:s26], [sflag:$0x1] =	stream.linear.gather [spmem:s22], $0x400, $0x38;
	v60 =	vmax.f32 v58, v49;
	v7 =	vmin.f32 v7, v29;
	v34 =	vmin.f32 v15, v17  }
0x1c1: {  	_ =	swait.ge [sflag:s20], $0x400;
	v15 =	vmax.f32 v15, v17;
	v8 =	vmin.f32 v8, v13;
	v13 =	vmin.f32 v12, v33  }
0x1c2: {  	[sflag:s20] =	ssyncset.done $0x0;
	v12 =	vmax.f32 v12, v33;
	v54 =	vmin.f32 v50, v53;
	v11 =	vmin.f32 v11, v14  }
0x1c3: {  	[sflag:s20] =	ssyncadd.s32 $0xFFFFFC00;
	v61 =	vmax.f32 v59, v60;
	v21 =	vmin.f32 v59, v60;
	v7 =	vmin.f32 v7, v15  }
0x1c4: {  	v57 =	vld [tilespmem:$0x4C00];
	v15 =	vmin.f32 v40, v12;
	v12 =	vmax.f32 v40, v12;
	v55 =	vmax.f32 v9, v44  }
0x1c5: {  	v37 =	vld [tilespmem:$0x4E00];
	v9 =	vmin.f32 v9, v44;
	v8 =	vmin.f32 v8, v12;
	v12 =	vmin.f32 v16, v43  }
0x1c6: {  	v46 =	vld [tilespmem:$0x4C10];
	v11 =	vmin.f32 v11, v61;
	v16 =	vmax.f32 v50, v53;
	v51 =	vmax.f32 v12, v48  }
0x1c7: {  	v56 =	vmax.f32 v54, v55;
	v12 =	vmin.f32 v12, v48;
	v10 =	vmin.f32 v10, v51  }
0x1c8: {  	v17 =	vmin.f32 v12, v16;
	v12 =	vmax.f32 v12, v16;
	v16 =	vmin.f32 v54, v55  }
0x1c9: {  	v41 =	vld [tilespmem:$0x4E80];
	v10 =	vmin.f32 v10, v12;
	v18 =	vmin.f32 v17, v56;
	v12 =	vmax.f32 v17, v56  }
0x1ca: {  	v28 =	vmax.f32 v6, v57;
	v6 =	vmin.f32 v6, v57;
	v45 =	vmax.f32 v13, v37  }
0x1cb: {  	v13 =	vmin.f32 v13, v37;
	v54 =	vmax.f32 v9, v46;
	v9 =	vmin.f32 v9, v46  }
0x1cc: {  	v43 =	vld [tilespmem:$0x4F00];
	v10 =	vmin.f32 v10, v12;
	v12 =	vmin.f32 v58, v49;
	v30 =	vmax.f32 v32, v28  }
0x1cd: {  	v31 =	vmin.f32 v32, v28;
	v47 =	vmin.f32 v15, v45;
	v15 =	vmax.f32 v15, v45  }
0x1ce: {  	v62 =	vld [tilespmem:$0x4C80];
	v48 =	vmin.f32 v13, v41;
	v13 =	vmax.f32 v13, v41;
	v55 =	vmin.f32 v16, v54  }
0x1cf: {  	v63 =	vmax.f32 v12, v52;
	v12 =	vmin.f32 v12, v52;
	v32 =	vmax.f32 v34, v30  }
0x1d0: {  	v8 =	vmin.f32 v8, v15;
	v50 =	vmin.f32 v47, v13;
	v13 =	vmax.f32 v47, v13  }
0x1d1: {  	v29 =	vld [tilespmem:$0x4D00];
	v51 =	vmax.f32 v48, v43;
	v15 =	vmax.f32 v16, v54;
	v22 =	vmax.f32 v21, v63  }
0x1d2: {  	v14 =	vmin.f32 v21, v63;
	v21 =	vmin.f32 v34, v30;
	v7 =	vmin.f32 v7, v32  }
0x1d3: {  	v34 =	vmax.f32 v6, v62;
	v6 =	vmin.f32 v6, v62;
	v8 =	vmin.f32 v8, v13  }
0x1d4: {  	v33 =	vld [tilespmem:$0x4D80];
	v13 =	vmin.f32 v48, v43;
	v52 =	vmax.f32 v50, v51;
	v23 =	vmin.f32 v50, v51  }
0x1d5: {  	v59 =	vld [tilespmem:$0x4E10];
	v57 =	vmin.f32 v18, v15;
	v15 =	vmax.f32 v18, v15;
	v11 =	vmin.f32 v11, v22  }
0x1d6: {  	v35 =	vmin.f32 v31, v34;
	v17 =	vmax.f32 v31, v34;
	v36 =	vmax.f32 v6, v29  }
0x1d7: {  	v49 =	vld [tilespmem:$0x4C90];
	v6 =	vmin.f32 v6, v29;
	v8 =	vmin.f32 v8, v52;
	v10 =	vmin.f32 v10, v15  }
0x1d8: {  	v61 =	vld [tilespmem:$0x4E90];
	v20 =	vmin.f32 v21, v17;
	v17 =	vmax.f32 v21, v17;
	v38 =	vmax.f32 v35, v36  }
0x1d9: {  	v19 =	vmin.f32 v35, v36;
	v40 =	vmax.f32 v6, v33;
	v6 =	vmin.f32 v6, v33  }
0x1da: {  	v35 =	vmax.f32 v12, v59;
	v12 =	vmin.f32 v12, v59;
	v7 =	vmin.f32 v7, v17  }
0x1db: {  	v53 =	vld [tilespmem:$0x4D10];
	v39 =	vmax.f32 v20, v38;
	v17 =	vmin.f32 v20, v38;
	v42 =	vmax.f32 v19, v40  }
0x1dc: {  	v19 =	vmin.f32 v19, v40;
	v58 =	vmax.f32 v9, v49;
	v9 =	vmin.f32 v9, v49  }
0x1dd: {  	v37 =	vmax.f32 v14, v35;
	v14 =	vmin.f32 v14, v35;
	v38 =	vmax.f32 v12, v61  }
0x1de: {  	s23 =	rddreg [dreg:$0x13];
	v56 =	vld [tilespmem:$0x4D90];
	v12 =	vmin.f32 v12, v61;
	v7 =	vmin.f32 v7, v39;
	v44 =	vmax.f32 v17, v42  }
0x1df: {  	v30 =	vld [tilespmem:$0x4F10];
	[tilespmem:s26], [sflag:$0x1] =	stream.linear.gather [spmem:s23], $0x400, $0x38;
	v17 =	vmin.f32 v17, v42;
	v60 =	vmax.f32 v55, v58;
	v18 =	vmin.f32 v55, v58  }
0x1e0: {  	_ =	swait.ge [sflag:s20], $0x400;
	v63 =	vmax.f32 v9, v53;
	v9 =	vmin.f32 v9, v53;
	v11 =	vmin.f32 v11, v37  }
0x1e1: {  	[sflag:s20] =	ssyncset.done $0x0;
	v40 =	vmin.f32 v14, v38;
	v14 =	vmax.f32 v14, v38;
	v7 =	vmin.f32 v7, v44  }
0x1e2: {  	[sflag:s20] =	ssyncadd.s32 $0xFFFFFC00;
	v62 =	vmax.f32 v57, v60;
	v15 =	vmin.f32 v57, v60;
	v31 =	vmax.f32 v18, v63  }
0x1e3: {  	v36 =	vld [tilespmem:$0x4C00];
	v18 =	vmin.f32 v18, v63;
	v33 =	vmax.f32 v9, v56;
	v9 =	vmin.f32 v9, v56  }
0x1e4: {  	v50 =	vld [tilespmem:$0x4E00];
	v11 =	vmin.f32 v11, v14;
	v10 =	vmin.f32 v10, v62;
	v32 =	vmax.f32 v15, v31  }
0x1e5: {  	v58 =	vld [tilespmem:$0x4C10];
	v15 =	vmin.f32 v15, v31;
	v34 =	vmin.f32 v18, v33;
	v18 =	vmax.f32 v18, v33  }
0x1e6: {  	v39 =	vld [tilespmem:$0x4C80];
	v10 =	vmin.f32 v10, v32;
	v21 =	vmin.f32 v15, v18;
	v15 =	vmax.f32 v15, v18  }
0x1e7: {  	v52 =	vld [tilespmem:$0x4E80];
	v14 =	vmin.f32 v12, v30;
	v12 =	vmax.f32 v12, v30;
	v10 =	vmin.f32 v10, v15  }
0x1e8: {  	v15 =	vmin.f32 v40, v12;
	v12 =	vmax.f32 v40, v12;
	v41 =	vmax.f32 v6, v36  }
0x1e9: {  	v42 =	vld [tilespmem:$0x4D00];
	v11 =	vmin.f32 v11, v12;
	v6 =	vmin.f32 v6, v36;
	v59 =	vmin.f32 v13, v50  }
0x1ea: {  	v13 =	vmax.f32 v13, v50;
	v28 =	vmax.f32 v9, v58;
	v9 =	vmin.f32 v9, v58  }
0x1eb: {  	v62 =	vld [tilespmem:$0x4C90];
	v43 =	vmax.f32 v19, v41;
	v19 =	vmin.f32 v19, v41;
	v22 =	vmax.f32 v6, v39  }
0x1ec: {  	v6 =	vmin.f32 v6, v39;
	v60 =	vmax.f32 v59, v52;
	v30 =	vmax.f32 v34, v28  }
0x1ed: {  	v45 =	vld [tilespmem:$0x4D80];
	v16 =	vmin.f32 v34, v28;
	v44 =	vmax.f32 v17, v43;
	v12 =	vmin.f32 v17, v43  }
0x1ee: {  	v46 =	vmax.f32 v19, v22;
	v47 =	vmin.f32 v19, v22;
	v49 =	vmax.f32 v6, v42  }
0x1ef: {  	v6 =	vmin.f32 v6, v42;
	v19 =	vmin.f32 v23, v13;
	v13 =	vmax.f32 v23, v13  }
0x1f0: {  	v29 =	vld [tilespmem:$0x4D10];
	v31 =	vmax.f32 v21, v30;
	v33 =	vmax.f32 v9, v62;
	v9 =	vmin.f32 v9, v62  }
0x1f1: {  	v7 =	vmin.f32 v7, v44;
	v48 =	vmax.f32 v12, v46;
	v12 =	vmin.f32 v12, v46  }
0x1f2: {  	v51 =	vmin.f32 v47, v49;
	v17 =	vmax.f32 v47, v49;
	v54 =	vmax.f32 v6, v45  }
0x1f3: {  	v32 =	vld [tilespmem:$0x4D90];
	v6 =	vmin.f32 v6, v45;
	v8 =	vmin.f32 v8, v13;
	v61 =	vmax.f32 v19, v60  }
0x1f4: {  	v19 =	vmin.f32 v19, v60;
	v10 =	vmin.f32 v10, v31;
	v35 =	vmin.f32 v16, v33  }
0x1f5: {  	v16 =	vmax.f32 v16, v33;
	v38 =	vmax.f32 v9, v29;
	v9 =	vmin.f32 v9, v29  }
0x1f6: {  	v34 =	vld [tilespmem:$0x4E10];
	v7 =	vmin.f32 v7, v48;
	v53 =	vmin.f32 v12, v17;
	v12 =	vmax.f32 v12, v17  }
0x1f7: {  	v56 =	vld [tilespmem:$0x4F00];
	v55 =	vmax.f32 v51, v54;
	v17 =	vmin.f32 v51, v54;
	v8 =	vmin.f32 v8, v61  }
0x1f8: {  	v36 =	vld [tilespmem:$0x4E90];
	v40 =	vmax.f32 v35, v38;
	v18 =	vmin.f32 v35, v38;
	v25 =	vmax.f32 v9, v32  }
0x1f9: {  	s22 =	rddreg [dreg:$0x14];
	v9 =	vmin.f32 v9, v32;
	v7 =	vmin.f32 v7, v12;
	v57 =	vmin.f32 v53, v55  }
0x1fa: {  	v39 =	vld [tilespmem:$0x4F10];
	[tilespmem:s26], [sflag:$0x1] =	stream.linear.gather [spmem:s22], $0x400, $0x38;
	v12 =	vmax.f32 v53, v55;
	v42 =	vmax.f32 v18, v25;
	v18 =	vmin.f32 v18, v25  }
0x1fb: {  	_ =	swait.ge [sflag:s20], $0x400;
	v7 =	vmin.f32 v7, v12;
	v12 =	vmin.f32 v59, v52;
	v44 =	vmax.f32 v14, v34  }
0x1fc: {  	[sflag:s20] =	ssyncset.done $0x0;
	v14 =	vmin.f32 v14, v34;
	v63 =	vmax.f32 v12, v56;
	v12 =	vmin.f32 v12, v56  }
0x1fd: {  	[sflag:s20] =	ssyncadd.s32 $0xFFFFFC00;
	v46 =	vmin.f32 v15, v44;
	v15 =	vmax.f32 v15, v44;
	v47 =	vmin.f32 v14, v36  }
0x1fe: {  	v45 =	vld [tilespmem:$0x4C00];
	v14 =	vmax.f32 v14, v36;
	v23 =	vmax.f32 v19, v63;
	v13 =	vmin.f32 v19, v63  }
0x1ff: {  	v60 =	vld [tilespmem:$0x4E00];
	v19 =	vmin.f32 v21, v30;
	v11 =	vmin.f32 v11, v15;
	v21 =	vmin.f32 v46, v14  }
0x200: {  	v28 =	vld [tilespmem:$0x4C10];
	v14 =	vmax.f32 v46, v14;
	v49 =	vmax.f32 v47, v39;
	v8 =	vmin.f32 v8, v23  }
0x201: {  	v37 =	vmin.f32 v19, v16;
	v16 =	vmax.f32 v19, v16;
	v11 =	vmin.f32 v11, v14  }
0x202: {  	v14 =	vmin.f32 v47, v39;
	v50 =	vmax.f32 v21, v49;
	v21 =	vmin.f32 v21, v49  }
0x203: {  	v48 =	vld [tilespmem:$0x4C80];
	v10 =	vmin.f32 v10, v16;
	v41 =	vmax.f32 v37, v40;
	v16 =	vmin.f32 v37, v40  }
0x204: {  	v11 =	vmin.f32 v11, v50;
	v52 =	vmax.f32 v6, v45;
	v6 =	vmin.f32 v6, v45  }
0x205: {  	v32 =	vld [tilespmem:$0x4C90];
	v30 =	vmax.f32 v12, v60;
	v12 =	vmin.f32 v12, v60;
	v36 =	vmax.f32 v9, v28  }
0x206: {  	v9 =	vmin.f32 v9, v28;
	v10 =	vmin.f32 v10, v41;
	v43 =	vmax.f32 v16, v42  }
0x207: {  	v51 =	vld [tilespmem:$0x4D00];
	v16 =	vmin.f32 v16, v42;
	v53 =	vmin.f32 v17, v52;
	v15 =	vmax.f32 v17, v52  }
0x208: {  	v54 =	vmax.f32 v6, v48;
	v6 =	vmin.f32 v6, v48;
	v31 =	vmax.f32 v13, v30  }
0x209: {  	v34 =	vld [tilespmem:$0x4D10];
	v13 =	vmin.f32 v13, v30;
	v38 =	vmax.f32 v18, v36;
	v18 =	vmin.f32 v18, v36  }
0x20a: {  	v40 =	vmin.f32 v9, v32;
	v9 =	vmax.f32 v9, v32;
	v10 =	vmin.f32 v10, v43  }
0x20b: {  	v55 =	vld [tilespmem:$0x4D80];
	v17 =	vmin.f32 v57, v15;
	v15 =	vmax.f32 v57, v15;
	v56 =	vmax.f32 v53, v54  }
0x20c: {  	v63 =	vld [tilespmem:$0x4E80];
	v57 =	vmin.f32 v53, v54;
	v59 =	vmax.f32 v6, v51;
	v6 =	vmin.f32 v6, v51  }
0x20d: {  	v8 =	vmin.f32 v8, v31;
	v39 =	vmin.f32 v16, v38;
	v42 =	vmin.f32 v18, v9  }
0x20e: {  	v43 =	vmin.f32 v40, v34;
	v9 =	vmax.f32 v18, v9;
	v7 =	vmin.f32 v7, v15  }
0x20f: {  	v47 =	vld [tilespmem:$0x4E10];
	v58 =	vmax.f32 v17, v56;
	v15 =	vmin.f32 v17, v56;
	v61 =	vmax.f32 v57, v59  }
0x210: {  	v19 =	vmin.f32 v57, v59;
	v27 =	vmax.f32 v6, v55;
	v6 =	vmin.f32 v6, v55  }
0x211: {  	v37 =	vld [tilespmem:$0x4D90];
	v33 =	vmax.f32 v12, v63;
	v12 =	vmin.f32 v12, v63;
	v7 =	vmin.f32 v7, v58  }
0x212: {  	v49 =	vld [tilespmem:$0x4E90];
	v62 =	vmax.f32 v15, v61;
	v15 =	vmin.f32 v15, v61;
	v29 =	vmin.f32 v19, v27  }
0x213: {  	v41 =	vld [tilespmem:$0x4F00];
	v17 =	vmax.f32 v19, v27;
	v35 =	vmax.f32 v13, v33;
	v13 =	vmin.f32 v13, v33  }
0x214: {  	v52 =	vld [tilespmem:$0x4F10];
	[tilespmem:$0x4800] =	vst v6;
	v6 =	vmin.f32 v39, v9;
	v9 =	vmax.f32 v39, v9;
	v57 =	vmin.f32 v14, v47  }
0x215: {  	[tilespmem:$0x4B80] =	vst v2;
	v58 =	vmax.f32 v14, v47;
	v7 =	vmin.f32 v7, v62;
	v19 =	vmin.f32 v15, v17  }
0x216: {  	[tilespmem:$0x4B90] =	vst v2;
	v15 =	vmax.f32 v15, v17;
	v8 =	vmin.f32 v8, v35;
	v44 =	vmin.f32 v43, v37  }
0x217: {  	v45 =	vmax.f32 v43, v37;
	[tilespmem:$0x4880] =	vst v29;
	v59 =	vmin.f32 v57, v49;
	v7 =	vmin.f32 v7, v15  }
0x218: {  	v15 =	vmax.f32 v16, v38;
	v16 =	vmax.f32 v40, v34;
	[tilespmem:$0x4810] =	vst v44;
	v53 =	vmin.f32 v12, v41  }
0x219: {  	[tilespmem:$0x4900] =	vst v19;
	v12 =	vmax.f32 v12, v41;
	v60 =	vmin.f32 v59, v52;
	v10 =	vmin.f32 v10, v15  }
0x21a: {  	v46 =	vmin.f32 v42, v16;
	v15 =	vmax.f32 v42, v16;
	v56 =	vmin.f32 v13, v12;
	[tilespmem:$0x4980] =	vst v7  }
0x21b: {  	v7 =	vmax.f32 v13, v12;
	[tilespmem:$0x4A00] =	vst v53;
	v12 =	vmax.f32 v21, v58;
	v9 =	vmin.f32 v10, v9  }
0x21c: {  	[tilespmem:$0x4A10] =	vst v60;
	v50 =	vmax.f32 v46, v45;
	v51 =	vmin.f32 v6, v15;
	v6 =	vmax.f32 v6, v15  }
0x21d: {  	v48 =	vmin.f32 v46, v45;
	[tilespmem:$0x4A80] =	vst v56;
	v6 =	vmin.f32 v9, v6;
	v55 =	vmax.f32 v51, v50  }
0x21e: {  	v13 =	vmax.f32 v59, v52;
	v11 =	vmin.f32 v11, v12;
	[tilespmem:$0x4890] =	vst v48;
	v6 =	vmin.f32 v6, v55  }
0x21f: {  	v7 =	vmin.f32 v8, v7;
	v9 =	vmax.f32 v57, v49;
	[tilespmem:$0x4990] =	vst v6;
	v6 =	vmin.f32 v21, v58  }
0x220: {  	v54 =	vmin.f32 v51, v50;
	[tilespmem:$0x4B00] =	vst v7;
	v61 =	vmin.f32 v6, v9;
	v6 =	vmax.f32 v6, v9  }
0x221: {  	[tilespmem:$0x4910] =	vst v54;
	v62 =	vmin.f32 v61, v13;
	v6 =	vmin.f32 v11, v6;
	v63 =	vmax.f32 v61, v13  }
0x222: {  	[tilespmem:$0x4A90] =	vst v62;
	v6 =	vmin.f32 v6, v63  }
0x223: {  	s23 =	rddreg [dreg:$0x4];
	[tilespmem:$0x4B10] =	vst v6  }
0x224: {  	[spmem:s23] =	stream.linear.scatter [tilespmem:s2], [sflag:$0x1], $0x400, $0x38;
	[tilespmem:$0x5220] =	vst v63  }
0x225: {  	_ =	swait.ge [sflag:s20], $0x400  }
0x226: {  	[sflag:s20] =	ssyncset.done $0x0  }
0x227: {  	[sflag:s20] =	ssyncadd.s32 $0xFFFFFC00  }
.LBB2_5:
0x228: {  	[bflag:$0x0] =	sbarrier.arrive $0xFFFF  }
0x229: {  	s4 =	rddreg [dreg:$0x4]  }
0x22a: {  	[tilespmem:s2], [sflag:$0x1] =	stream.linear.gather [spmem:s4], $0x400, $0x38;
	[tilespmem:$0x5220] =	vst v63  }
0x22b: {  	_ =	swait.ge [sflag:s20], $0x400  }
0x22c: {  	[sflag:s20] =	ssyncset.done $0x0  }
0x22d: {  	[sflag:s20] =	ssyncadd.s32 $0xFFFFFC00  }
0x22e: {  	v13 =	vld [tilespmem:$0x4000]  }
0x22f: {  	v12 =	vld [tilespmem:$0x4800]  }
0x230: {  	v11 =	vld [tilespmem:$0x4880]  }
0x231: {  	v6 =	vld [tilespmem:$0x4980]  }
0x232: {  	v15 =	vld [tilespmem:$0x4010]  }
0x233: {  	v23 =	vld [tilespmem:$0x4090]  }
0x234: {  	v19 =	vld [tilespmem:$0x4990]  }
0x235: {  	v18 =	vld [tilespmem:$0x4810]  }
0x236: {  	s22 =	simm.s32 $0x0;
	v20 =	vld [tilespmem:$0x4B10]  }
0x237: {  	v24 =	vld [tilespmem:s22+$0x10]  }
0x238: {  	v22 =	vld [tilespmem:$0x4A10]  }
0x239: {  	s4 =	simm.s32 $0x80;
	v33 =	vld [tilespmem:s22+$0x0]  }
0x23a: {  	v40 =	vld [tilespmem:s4+$0x0]  }
0x23b: {  	v10 =	vld [tilespmem:$0x4900]  }
0x23c: {  	v7 =	vmax.f32 v13, $0.0e+00;
	v26 =	vsub.f32 v24, v19  }
0x23d: {  	v8 =	vmax.f32 v15, $0.0e+00;
	v28 =	vsub.f32 v24, v20;
	v29 =	vsub.f32 v24, v22  }
0x23e: {  	vm4 =	vgt.f32 v23, $2.000000000e+00;
	v30 =	vsub.f32 v24, v18;
	v36 =	vsub.f32 v33, v6  }
0x23f: {  	vm5 =	vgt.f32 v23, $0.0e+00;
	v51 =	vsub.f32 v40, v12;
	v52 =	vsub.f32 v40, v11  }
0x240: {  	v17 =	vld [tilespmem:$0x4910];
	vm6 =	vlt.f32 v24, $2.000000000e+00;
	v53 =	vsub.f32 v40, v10;
	v59 =	vsub.f32 v40, v6  }
0x241: {  	v7 =	vmin.f32 v7, $3.000000000e+00;
	v8 =	vmin.f32 v8, $3.000000000e+00;
	vm8 =	vmand vm4, vm6  }
0x242: {  	v16 =	vld [tilespmem:$0x4890];
	vm0 =	veq.f32 v7, $0.0e+00;
	vm1 =	veq.f32 v7, $1.000000000e+00;
	vm2 =	veq.f32 v7, $2.000000000e+00  }
0x243: {  	v27 =	vld [tilespmem:$0x4080];
	vm3 =	veq.f32 v8, $2.000000000e+00;
	v26 =	vand.u32 $0x7FFFFFFF, v26;
	v28 =	vand.u32 $0x7FFFFFFF, v28  }
0x244: {  	v9 =	vld [tilespmem:$0x4110];
	v29 =	vand.u32 $0x7FFFFFFF, v29;
	v30 =	vand.u32 $0x7FFFFFFF, v30;
	v56 =	vand.u32 $0x7FFFFFFF, v53  }
0x245: {  	v7 =	vsel vm2, v10, v6;
	vm2 =	veq.f32 v8, $1.000000000e+00;
	v14 =	vsel vm3, v17, v19  }
0x246: {  	v43 =	vld [tilespmem:$0x4100];
	vm3 =	vgt.f32 v23, $1.000000000e+00;
	v28 =	vnsel vm8, $0x0, v28;
	v21 =	vsel vm1, v11, v7  }
0x247: {  	vm1 =	veq.f32 v8, $0.0e+00;
	v8 =	vsel vm2, v16, v14;
	v7 =	vimm.f32 $0.0e+00  }
0x248: {  	vm2 =	vgt.f32 v27, $0.0e+00;
	vm9 =	vmand vm3, vm6;
	v14 =	vsel vm0, v12, v21;
	v21 =	vld [tilespmem:$0x4A90]  }
0x249: {  	v25 =	vsel vm1, v18, v8;
	v8 =	vmul.f32 v9, v23;
	v9 =	vmul.f32 v9, v15  }
0x24a: {  	vm0 =	vgt.f32 v27, $2.000000000e+00;
	v23 =	vsub.f32 v24, v17;
	vm7 =	vle.f32 v24, v25  }
0x24b: {  	vm1 =	vgt.f32 v27, $1.000000000e+00;
	v27 =	vmul.f32 v43, v27;
	v32 =	vsel vm7, $0x3F800000, v4  }
0x24c: {  	vm7 =	vmand vm5, vm6;
	v23 =	vand.u32 $0x7FFFFFFF, v23;
	v32 =	vadd.f32 v32, v15  }
0x24d: {  	v29 =	vnsel vm7, $0x0, v29;
	v31 =	vsub.f32 v24, v21;
	v24 =	vsub.f32 v24, v16  }
0x24e: {  	vm10 =	vgt.f32 v32, $0.0e+00;
	vm11 =	vgt.f32 v32, $1.000000000e+00;
	vm13 =	vgt.f32 v32, $2.000000000e+00  }
0x24f: {  	vm7 =	vgt.f32 v32, $3.000000000e+00;
	vm10 =	vmand vm6, vm10;
	vm11 =	vmand vm6, vm11  }
0x250: {  	v31 =	vand.u32 $0x7FFFFFFF, v31;
	v24 =	vand.u32 $0x7FFFFFFF, v24;
	v30 =	vnsel vm10, $0x0, v30  }
0x251: {  	vm10 =	vmand vm6, vm13;
	vm6 =	vmand vm6, vm7;
	v24 =	vnsel vm11, $0x0, v24  }
0x252: {  	vm7 =	vle.f32 v33, v14;
	v24 =	vadd.f32 v24, v30;
	v30 =	vnsel vm9, $0x0, v31  }
0x253: {  	v23 =	vnsel vm10, $0x0, v23;
	v26 =	vnsel vm6, $0x0, v26;
	v29 =	vadd.f32 v30, v29  }
0x254: {  	v31 =	vsub.f32 v33, v11;
	v30 =	vsel vm7, $0x3F800000, v4;
	v24 =	vadd.f32 v24, v23;
	v23 =	vld [tilespmem:$0x4A00]  }
0x255: {  	vm6 =	vlt.f32 v33, $2.000000000e+00;
	v28 =	vadd.f32 v29, v28;
	v29 =	vadd.f32 v30, v13  }
0x256: {  	vm15 =	vmand vm2, vm6;
	v30 =	vsub.f32 v33, v12;
	v26 =	vadd.f32 v24, v26  }
0x257: {  	vm12 =	vmand vm1, vm6;
	v24 =	vld [tilespmem:$0x4A80];
	v28 =	vmul.f32 v28, v9;
	vm7 =	vgt.f32 v29, $0.0e+00  }
0x258: {  	v30 =	vand.u32 $0x7FFFFFFF, v30;
	vm14 =	vgt.f32 v29, $1.000000000e+00;
	v26 =	vmul.f32 v26, v8  }
0x259: {  	vm7 =	vmand vm6, vm7;
	vm8 =	vmand vm6, vm14;
	v34 =	vsub.f32 v33, v23  }
0x25a: {  	v30 =	vnsel vm7, $0x0, v30;
	vm7 =	vgt.f32 v29, $2.000000000e+00;
	v54 =	vsub.f32 v40, v23  }
0x25b: {  	v42 =	vsub.f32 v26, v28;
	v28 =	vand.u32 $0x7FFFFFFF, v31;
	v31 =	vsub.f32 v33, v10  }
0x25c: {  	v26 =	vld [tilespmem:$0x4B00];
	vm7 =	vmand vm6, vm7;
	v35 =	vsub.f32 v33, v24;
	v28 =	vnsel vm8, $0x0, v28  }
0x25d: {  	v55 =	vsub.f32 v40, v24;
	v57 =	vand.u32 $0x7FFFFFFF, v54;
	v31 =	vand.u32 $0x7FFFFFFF, v31  }
0x25e: {  	v28 =	vadd.f32 v28, v30;
	v30 =	vand.u32 $0x7FFFFFFF, v34;
	v32 =	vadd.f32 v42, v7  }
0x25f: {  	v35 =	vand.u32 $0x7FFFFFFF, v35;
	v31 =	vnsel vm7, $0x0, v31;
	vm7 =	vgt.f32 v29, $3.000000000e+00  }
0x260: {  	v29 =	vnsel vm15, $0x0, v30;
	v58 =	vand.u32 $0x7FFFFFFF, v55;
	v28 =	vadd.f32 v28, v31;
	v31 =	vld [tilespmem:s4+$0x10]  }
0x261: {  	v30 =	vnsel vm12, $0x0, v35;
	vm7 =	vmand vm6, vm7;
	v33 =	vsub.f32 v33, v26  }
0x262: {  	vm6 =	vmand vm0, vm6;
	v29 =	vadd.f32 v30, v29;
	v30 =	vand.u32 $0x7FFFFFFF, v36  }
0x263: {  	v60 =	vsub.f32 v40, v26;
	v30 =	vnsel vm7, $0x0, v30;
	v33 =	vand.u32 $0x7FFFFFFF, v33  }
0x264: {  	v30 =	vadd.f32 v28, v30;
	v28 =	vmul.f32 v43, v13;
	v33 =	vnsel vm6, $0x0, v33  }
0x265: {  	v63 =	vand.u32 $0x7FFFFFFF, v60;
	v29 =	vadd.f32 v29, v33;
	v44 =	vsub.f32 v31, v19  }
0x266: {  	v45 =	vsub.f32 v31, v20;
	v47 =	vsub.f32 v31, v22;
	vm6 =	vlt.f32 v31, $2.000000000e+00  }
0x267: {  	v37 =	vsub.f32 v31, v18;
	v38 =	vsub.f32 v31, v21;
	vm7 =	vle.f32 v31, v25  }
0x268: {  	vm8 =	vmand vm4, vm6;
	v39 =	vsel vm7, $0x3F800000, v4;
	vm7 =	vmand vm5, vm6  }
0x269: {  	vm13 =	vmand vm3, vm6;
	v46 =	vmul.f32 v29, v28;
	v29 =	vsub.f32 v31, v17  }
0x26a: {  	v31 =	vsub.f32 v31, v16;
	v39 =	vadd.f32 v39, v15;
	v33 =	vand.u32 $0x7FFFFFFF, v44  }
0x26b: {  	v34 =	vand.u32 $0x7FFFFFFF, v45;
	v36 =	vand.u32 $0x7FFFFFFF, v47;
	v38 =	vand.u32 $0x7FFFFFFF, v38  }
0x26c: {  	v37 =	vand.u32 $0x7FFFFFFF, v37;
	v36 =	vnsel vm7, $0x0, v36;
	v48 =	vnsel vm13, $0x0, v38  }
0x26d: {  	v29 =	vand.u32 $0x7FFFFFFF, v29;
	vm14 =	vgt.f32 v39, $0.0e+00;
	vm15 =	vgt.f32 v39, $1.000000000e+00  }
0x26e: {  	v31 =	vand.u32 $0x7FFFFFFF, v31;
	vm10 =	vmand vm6, vm14;
	vm11 =	vmand vm6, vm15  }
0x26f: {  	vm12 =	vgt.f32 v39, $2.000000000e+00;
	v37 =	vnsel vm10, $0x0, v37;
	v31 =	vnsel vm11, $0x0, v31  }
0x270: {  	vm7 =	vgt.f32 v39, $3.000000000e+00;
	vm10 =	vmand vm6, vm12;
	v31 =	vadd.f32 v31, v37  }
0x271: {  	v34 =	vnsel vm8, $0x0, v34;
	vm6 =	vmand vm6, vm7;
	v29 =	vnsel vm10, $0x0, v29  }
0x272: {  	vm7 =	vle.f32 v40, v14;
	v29 =	vadd.f32 v31, v29;
	v31 =	vadd.f32 v48, v36  }
0x273: {  	v33 =	vnsel vm6, $0x0, v33;
	v49 =	vsel vm7, $0x3F800000, v4;
	vm6 =	vlt.f32 v40, $2.000000000e+00  }
0x274: {  	vm14 =	vmand vm2, vm6;
	v29 =	vadd.f32 v29, v33;
	v31 =	vadd.f32 v31, v34  }
0x275: {  	v50 =	vadd.f32 v49, v13;
	vm15 =	vmand vm1, vm6;
	v61 =	vnsel vm14, $0x0, v57  }
0x276: {  	v62 =	vnsel vm15, $0x0, v58;
	v29 =	vmul.f32 v29, v8;
	v31 =	vmul.f32 v31, v9  }
0x277: {  	vm7 =	vgt.f32 v50, $0.0e+00;
	vm13 =	vgt.f32 v50, $1.000000000e+00;
	v34 =	vand.u32 $0x7FFFFFFF, v51  }
0x278: {  	vm7 =	vmand vm6, vm7;
	vm8 =	vmand vm6, vm13;
	v29 =	vsub.f32 v29, v31  }
0x279: {  	v34 =	vnsel vm7, $0x0, v34;
	vm7 =	vgt.f32 v50, $2.000000000e+00;
	v31 =	vand.u32 $0x7FFFFFFF, v52  }
0x27a: {  	vm7 =	vmand vm6, vm7;
	v31 =	vnsel vm8, $0x0, v31;
	v29 =	vadd.f32 v29, v32  }
0x27b: {  	v31 =	vadd.f32 v31, v34;
	v32 =	vnsel vm7, $0x0, v56;
	vm7 =	vgt.f32 v50, $3.000000000e+00  }
0x27c: {  	s23 =	simm.s32 $0x100;
	v30 =	vmul.f32 v30, v27;
	v36 =	vadd.f32 v62, v61;
	vm7 =	vmand vm6, vm7  }
0x27d: {  	v33 =	vld [tilespmem:s23+$0x10];
	vm6 =	vmand vm0, vm6;
	v32 =	vadd.f32 v31, v32;
	v31 =	vand.u32 $0x7FFFFFFF, v59  }
0x27e: {  	v38 =	vnsel vm6, $0x0, v63;
	v37 =	vnsel vm7, $0x0, v31;
	v31 =	vsub.f32 v30, v46  }
0x27f: {  	s22 =	simm.s32 $0x600;
	v30 =	vld [tilespmem:s23+$0x0];
	v34 =	vadd.f32 v32, v37;
	v32 =	vadd.f32 v36, v38  }
.LBB2_6:
0x280: {  	p2 =	sne.s32 s22, $0x7E00;
	v7 =	vadd.f32 v31, v7  }
0x281: {  	v31 =	vmul.f32 v34, v27;
	v32 =	vmul.f32 v32, v28  }
0x282: {  	v34 =	vsub.f32 v33, v19;
	v35 =	vsub.f32 v33, v20  }
0x283: {  	v36 =	vsub.f32 v33, v17;
	v37 =	vsub.f32 v33, v22  }
0x284: {  	vm6 =	vlt.f32 v33, $2.000000000e+00;
	v38 =	vsub.f32 v33, v18;
	v39 =	vsub.f32 v33, v21  }
0x285: {  	vm8 =	vle.f32 v33, v25;
	v33 =	vsub.f32 v33, v16;
	vm7 =	vmand vm4, vm6  }
0x286: {  	v40 =	vsel vm8, $0x3F800000, v4;
	vm8 =	vmand vm5, vm6;
	vm9 =	vmand vm3, vm6  }
0x287: {  	v40 =	vadd.f32 v40, v15;
	v34 =	vand.u32 $0x7FFFFFFF, v34;
	v35 =	vand.u32 $0x7FFFFFFF, v35  }
0x288: {  	v36 =	vand.u32 $0x7FFFFFFF, v36;
	v37 =	vand.u32 $0x7FFFFFFF, v37;
	v39 =	vand.u32 $0x7FFFFFFF, v39  }
0x289: {  	v38 =	vand.u32 $0x7FFFFFFF, v38;
	vm10 =	vgt.f32 v40, $0.0e+00;
	vm11 =	vgt.f32 v40, $1.000000000e+00  }
0x28a: {  	v33 =	vand.u32 $0x7FFFFFFF, v33;
	vm10 =	vmand vm6, vm10;
	vm11 =	vmand vm6, vm11  }
0x28b: {  	v38 =	vnsel vm10, $0x0, v38;
	v33 =	vnsel vm11, $0x0, v33;
	vm10 =	vgt.f32 v40, $2.000000000e+00  }
0x28c: {  	v37 =	vnsel vm8, $0x0, v37;
	v33 =	vadd.f32 v33, v38;
	vm10 =	vmand vm6, vm10  }
0x28d: {  	vm8 =	vgt.f32 v40, $3.000000000e+00;
	v38 =	vnsel vm9, $0x0, v39;
	v36 =	vnsel vm10, $0x0, v36  }
0x28e: {  	vm6 =	vmand vm6, vm8;
	v33 =	vadd.f32 v33, v36;
	v36 =	vadd.f32 v38, v37  }
0x28f: {  	v35 =	vnsel vm7, $0x0, v35;
	vm8 =	vle.f32 v30, v14;
	v34 =	vnsel vm6, $0x0, v34  }
0x290: {  	v37 =	vsel vm8, $0x3F800000, v4;
	v33 =	vadd.f32 v33, v34;
	v34 =	vadd.f32 v36, v35  }
0x291: {  	vm6 =	vlt.f32 v30, $2.000000000e+00;
	v35 =	vadd.f32 v37, v13;
	v36 =	vsub.f32 v30, v12  }
0x292: {  	v37 =	vsub.f32 v30, v11;
	v33 =	vmul.f32 v33, v8;
	v34 =	vmul.f32 v34, v9  }
0x293: {  	vm7 =	vgt.f32 v35, $0.0e+00;
	v36 =	vand.u32 $0x7FFFFFFF, v36;
	vm8 =	vgt.f32 v35, $1.000000000e+00  }
0x294: {  	vm7 =	vmand vm6, vm7;
	vm8 =	vmand vm6, vm8;
	v33 =	vsub.f32 v33, v34  }
0x295: {  	v38 =	vsub.f32 v30, v23;
	v34 =	vand.u32 $0x7FFFFFFF, v37;
	v37 =	vsub.f32 v30, v10  }
0x296: {  	v39 =	vsub.f32 v30, v24;
	v36 =	vnsel vm7, $0x0, v36;
	v29 =	vadd.f32 v33, v29  }
0x297: {  	vm7 =	vgt.f32 v35, $2.000000000e+00;
	v33 =	vnsel vm8, $0x0, v34;
	v34 =	vand.u32 $0x7FFFFFFF, v37  }
0x298: {  	vm7 =	vmand vm6, vm7;
	v33 =	vadd.f32 v33, v36;
	v36 =	vand.u32 $0x7FFFFFFF, v38  }
0x299: {  	vm9 =	vmand vm1, vm6;
	vm8 =	vmand vm2, vm6;
	v37 =	vand.u32 $0x7FFFFFFF, v39  }
0x29a: {  	v34 =	vnsel vm7, $0x0, v34;
	v38 =	vsub.f32 v30, v6;
	v30 =	vsub.f32 v30, v26  }
.Ltmp2:
0x29b: {  	vm7 =	vgt.f32 v35, $3.000000000e+00;
	v35 =	vnsel vm8, $0x0, v36;
	v36 =	vnsel vm9, $0x0, v37;
	(pc) =	sbr.rel @p2 .LBB2_6-.Ltmp2, $4  }
0x29c: {  	s23 =	sshra.s32 s22, $0x2;
	vm7 =	vmand vm6, vm7;
	v34 =	vadd.f32 v33, v34;
	v35 =	vadd.f32 v36, v35  }
0x29d: {  	vm6 =	vmand vm0, vm6;
	v36 =	vand.u32 $0x7FFFFFFF, v38;
	v37 =	vand.u32 $0x7FFFFFFF, v30;
	v33 =	vld [tilespmem:s23+$0x10]  }
0x29e: {  	v31 =	vsub.f32 v31, v32;
	v36 =	vnsel vm7, $0x0, v36;
	v37 =	vnsel vm6, $0x0, v37;
	v30 =	vld [tilespmem:s23+$0x0]  }
0x29f: {  	s22 =	sadd.s32 $0x200, s22;
	v34 =	vadd.f32 v34, v36;
	v32 =	vadd.f32 v35, v37  }
0x2a0: {  	_ = 	snop  }
0x2a1: {  	v7 =	vadd.f32 v31, v7;
	v34 =	vmul.f32 v34, v27  }
0x2a2: {  	v47 =	vmul.f32 v32, v28;
	v19 =	vsub.f32 v33, v19;
	v20 =	vsub.f32 v33, v20  }
0x2a3: {  	vm6 =	vle.f32 v33, v25;
	v17 =	vsub.f32 v33, v17;
	v22 =	vsub.f32 v33, v22  }
0x2a4: {  	v18 =	vsub.f32 v33, v18;
	vm12 =	vlt.f32 v33, $2.000000000e+00;
	v21 =	vsub.f32 v33, v21  }
0x2a5: {  	v16 =	vsub.f32 v33, v16;
	v25 =	vsel vm6, $0x3F800000, v4;
	vm4 =	vmand vm4, vm12  }
0x2a6: {  	vm5 =	vmand vm5, vm12;
	v12 =	vsub.f32 v30, v12;
	v11 =	vsub.f32 v30, v11  }
0x2a7: {  	vm3 =	vmand vm3, vm12;
	v10 =	vsub.f32 v30, v10;
	v38 =	vsub.f32 v30, v23  }
0x2a8: {  	vm8 =	vle.f32 v30, v14;
	v39 =	vsub.f32 v30, v24;
	v6 =	vsub.f32 v30, v6  }
0x2a9: {  	vm9 =	vlt.f32 v30, $2.000000000e+00;
	v42 =	vsub.f32 v30, v26;
	v15 =	vadd.f32 v25, v15  }
0x2aa: {  	v18 =	vand.u32 $0x7FFFFFFF, v18;
	v19 =	vand.u32 $0x7FFFFFFF, v19;
	v20 =	vand.u32 $0x7FFFFFFF, v20  }
0x2ab: {  	v16 =	vand.u32 $0x7FFFFFFF, v16;
	v17 =	vand.u32 $0x7FFFFFFF, v17;
	v22 =	vand.u32 $0x7FFFFFFF, v22  }
0x2ac: {  	v21 =	vand.u32 $0x7FFFFFFF, v21;
	v35 =	vsel vm8, $0x3F800000, v4;
	vm2 =	vmand vm2, vm9  }
0x2ad: {  	vm1 =	vmand vm1, vm9;
	vm0 =	vmand vm0, vm9;
	v22 =	vnsel vm5, $0x0, v22  }
0x2ae: {  	v25 =	vnsel vm3, $0x0, v21;
	v13 =	vadd.f32 v35, v13;
	v37 =	vnsel vm4, $0x0, v20  }
0x2af: {  	v12 =	vand.u32 $0x7FFFFFFF, v12;
	v11 =	vand.u32 $0x7FFFFFFF, v11;
	v10 =	vand.u32 $0x7FFFFFFF, v10  }
0x2b0: {  	v40 =	vand.u32 $0x7FFFFFFF, v38;
	v41 =	vand.u32 $0x7FFFFFFF, v39;
	v6 =	vand.u32 $0x7FFFFFFF, v6  }
0x2b1: {  	v45 =	vand.u32 $0x7FFFFFFF, v42;
	vm7 =	vgt.f32 v15, $0.0e+00;
	vm13 =	vgt.f32 v15, $1.000000000e+00  }
0x2b2: {  	vm14 =	vgt.f32 v15, $2.000000000e+00;
	vm15 =	vgt.f32 v15, $3.000000000e+00;
	v15 =	vadd.f32 v25, v22  }
0x2b3: {  	v43 =	vnsel vm1, $0x0, v41;
	vm7 =	vmand vm12, vm7;
	vm5 =	vmand vm12, vm15  }
0x2b4: {  	vm10 =	vgt.f32 v13, $0.0e+00;
	vm11 =	vgt.f32 v13, $1.000000000e+00;
	v18 =	vnsel vm7, $0x0, v18  }
0x2b5: {  	vm7 =	vmand vm12, vm13;
	v36 =	vnsel vm5, $0x0, v19;
	vm4 =	vmand vm9, vm10  }
0x2b6: {  	vm5 =	vmand vm9, vm11;
	vm13 =	vgt.f32 v13, $3.000000000e+00;
	v16 =	vnsel vm7, $0x0, v16  }
0x2b7: {  	vm7 =	vmand vm12, vm14;
	v12 =	vnsel vm4, $0x0, v12;
	v11 =	vnsel vm5, $0x0, v11  }
0x2b8: {  	vm12 =	vgt.f32 v13, $2.000000000e+00;
	vm14 =	vmand vm9, vm13;
	v16 =	vadd.f32 v16, v18  }
0x2b9: {  	v11 =	vadd.f32 v11, v12;
	vm4 =	vmand vm9, vm12;
	v12 =	vnsel vm2, $0x0, v40  }
0x2ba: {  	v17 =	vnsel vm7, $0x0, v17;
	v10 =	vnsel vm4, $0x0, v10;
	v44 =	vadd.f32 v43, v12  }
0x2bb: {  	v12 =	vnsel vm0, $0x0, v45;
	v33 =	vadd.f32 v16, v17;
	v10 =	vadd.f32 v11, v10  }
0x2bc: {  	v46 =	vadd.f32 v15, v37;
	v6 =	vnsel vm14, $0x0, v6;
	v48 =	vadd.f32 v44, v12  }
0x2bd: {  	v14 =	vadd.f32 v33, v36;
	v6 =	vadd.f32 v10, v6  }
0x2be: {  	v49 =	vsub.f32 v34, v47;
	v9 =	vmul.f32 v46, v9;
	v10 =	vmul.f32 v48, v28  }
0x2bf: {  	v8 =	vmul.f32 v14, v8;
	v6 =	vmul.f32 v6, v27  }
0x2c0: {  	v7 =	vadd.f32 v49, v7  }
0x2c1: {  	v8 =	vsub.f32 v8, v9;
	v6 =	vsub.f32 v6, v10;
	_ =	sdelay $0x1  }
0x2c2: {  	v8 =	vadd.f32 v8, v29;
	v6 =	vadd.f32 v6, v7;
	_ =	sdelay $0x1  }
0x2c3: {  	v6 =	vadd.f32 v8, v6;
	_ =	sdelay $0x1  }
0x2c4: {  	[tilespmem:$0x5000] =	vst v6  }
0x2c5: {  	[spmem:s24] =	stream.linear.scatter [tilespmem:s1], [sflag:$0x1], $0x80, $0x38;
	[tilespmem:$0x5220] =	vst v63  }
0x2c6: {  	_ =	swait.ge [sflag:s20], $0x80  }
0x2c7: {  	[sflag:s20] =	ssyncset.done $0x0  }
0x2c8: {  	[sflag:s20] =	ssyncadd.s32 $0xFFFFFF80  }
0x2c9: {  	[bflag:$0x0] =	sbarrier.arrive $0xFFFF  }
0x2ca: {  	[tilespmem:s1], [sflag:$0x1] =	stream.linear.gather [spmem:s3], $0x80, $0x38;
	[tilespmem:$0x5220] =	vst v63  }
0x2cb: {  	_ =	swait.ge [sflag:s20], $0x80  }
0x2cc: {  	[sflag:s20] =	ssyncset.done $0x0  }
0x2cd: {  	[sflag:s20] =	ssyncadd.s32 $0xFFFFFF80  }
0x2ce: {  	v6 =	vld [tilespmem:$0x5000];
	[tilespmem:s1], [sflag:$0x1] =	stream.linear.gather [spmem:s28], $0x80, $0x38  }
0x2cf: {  	_ =	swait.ge [sflag:s20], $0x80  }
0x2d0: {  	[sflag:s20] =	ssyncset.done $0x0  }
0x2d1: {  	[sflag:s20] =	ssyncadd.s32 $0xFFFFFF80  }
0x2d2: {  	v7 =	vld [tilespmem:$0x5000];
	[tilespmem:s1], [sflag:$0x1] =	stream.linear.gather [spmem:s29], $0x80, $0x38  }
0x2d3: {  	_ =	swait.ge [sflag:s20], $0x80  }
0x2d4: {  	[sflag:s20] =	ssyncset.done $0x0  }
0x2d5: {  	[sflag:s20] =	ssyncadd.s32 $0xFFFFFF80  }
0x2d6: {  	v50 =	vld [tilespmem:$0x5000];
	[tilespmem:s1], [sflag:$0x1] =	stream.linear.gather [spmem:s30], $0x80, $0x38  }
0x2d7: {  	_ =	swait.ge [sflag:s20], $0x80  }
0x2d8: {  	[sflag:s20] =	ssyncset.done $0x0  }
0x2d9: {  	[sflag:s20] =	ssyncadd.s32 $0xFFFFFF80  }
0x2da: {  	v51 =	vld [tilespmem:$0x5000];
	[tilespmem:s1], [sflag:$0x1] =	stream.linear.gather [spmem:s31], $0x80, $0x38  }
0x2db: {  	_ =	swait.ge [sflag:s20], $0x80  }
0x2dc: {  	[sflag:s20] =	ssyncset.done $0x0  }
0x2dd: {  	[sflag:s20] =	ssyncadd.s32 $0xFFFFFF80  }
0x2de: {  	v52 =	vld [tilespmem:$0x5000];
	[tilespmem:s1], [sflag:$0x1] =	stream.linear.gather [spmem:s0], $0x80, $0x38  }
0x2df: {  	_ =	swait.ge [sflag:s20], $0x80  }
0x2e0: {  	[sflag:s20] =	ssyncset.done $0x0  }
0x2e1: {  	[sflag:s20] =	ssyncadd.s32 $0xFFFFFF80  }
0x2e2: {  	v53 =	vld [tilespmem:$0x5000];
	[tilespmem:s1], [sflag:$0x1] =	stream.linear.gather [spmem:s10], $0x80, $0x38  }
0x2e3: {  	_ =	swait.ge [sflag:s20], $0x80  }
0x2e4: {  	[sflag:s20] =	ssyncset.done $0x0  }
0x2e5: {  	[sflag:s20] =	ssyncadd.s32 $0xFFFFFF80  }
0x2e6: {  	v54 =	vld [tilespmem:$0x5000];
	[tilespmem:s1], [sflag:$0x1] =	stream.linear.gather [spmem:s11], $0x80, $0x38  }
0x2e7: {  	_ =	swait.ge [sflag:s20], $0x80  }
0x2e8: {  	[sflag:s20] =	ssyncset.done $0x0  }
0x2e9: {  	[sflag:s20] =	ssyncadd.s32 $0xFFFFFF80  }
0x2ea: {  	v55 =	vld [tilespmem:$0x5000];
	[tilespmem:s1], [sflag:$0x1] =	stream.linear.gather [spmem:s12], $0x80, $0x38  }
0x2eb: {  	_ =	swait.ge [sflag:s20], $0x80  }
0x2ec: {  	[sflag:s20] =	ssyncset.done $0x0  }
0x2ed: {  	[sflag:s20] =	ssyncadd.s32 $0xFFFFFF80  }
0x2ee: {  	v56 =	vld [tilespmem:$0x5000];
	[tilespmem:s1], [sflag:$0x1] =	stream.linear.gather [spmem:s13], $0x80, $0x38  }
0x2ef: {  	_ =	swait.ge [sflag:s20], $0x80  }
0x2f0: {  	[sflag:s20] =	ssyncset.done $0x0  }
0x2f1: {  	v6 =	vadd.f32 $0.0e+00, v6;
	[sflag:s20] =	ssyncadd.s32 $0xFFFFFF80  }
0x2f2: {  	v57 =	vld [tilespmem:$0x5000];
	[tilespmem:s1], [sflag:$0x1] =	stream.linear.gather [spmem:s14], $0x80, $0x38  }
0x2f3: {  	v6 =	vadd.f32 v7, v6;
	_ =	swait.ge [sflag:s20], $0x80  }
0x2f4: {  	[sflag:s20] =	ssyncset.done $0x0  }
0x2f5: {  	v6 =	vadd.f32 v50, v6;
	[sflag:s20] =	ssyncadd.s32 $0xFFFFFF80  }
0x2f6: {  	v58 =	vld [tilespmem:$0x5000];
	[tilespmem:s1], [sflag:$0x1] =	stream.linear.gather [spmem:s15], $0x80, $0x38  }
0x2f7: {  	v6 =	vadd.f32 v51, v6;
	_ =	swait.ge [sflag:s20], $0x80  }
0x2f8: {  	[sflag:s20] =	ssyncset.done $0x0  }
0x2f9: {  	v6 =	vadd.f32 v52, v6;
	[sflag:s20] =	ssyncadd.s32 $0xFFFFFF80  }
0x2fa: {  	v7 =	vld [tilespmem:$0x5000];
	[tilespmem:s1], [sflag:$0x1] =	stream.linear.gather [spmem:s16], $0x80, $0x38  }
0x2fb: {  	v6 =	vadd.f32 v53, v6;
	_ =	swait.ge [sflag:s20], $0x80  }
0x2fc: {  	[sflag:s20] =	ssyncset.done $0x0  }
0x2fd: {  	v6 =	vadd.f32 v54, v6;
	[sflag:s20] =	ssyncadd.s32 $0xFFFFFF80  }
0x2fe: {  	v59 =	vld [tilespmem:$0x5000];
	[tilespmem:s1], [sflag:$0x1] =	stream.linear.gather [spmem:s17], $0x80, $0x38  }
0x2ff: {  	v6 =	vadd.f32 v55, v6;
	_ =	swait.ge [sflag:s20], $0x80  }
0x300: {  	[sflag:s20] =	ssyncset.done $0x0  }
0x301: {  	v6 =	vadd.f32 v56, v6;
	[sflag:s20] =	ssyncadd.s32 $0xFFFFFF80  }
0x302: {  	v60 =	vld [tilespmem:$0x5000];
	[tilespmem:s1], [sflag:$0x1] =	stream.linear.gather [spmem:s18], $0x80, $0x38  }
0x303: {  	v6 =	vadd.f32 v57, v6;
	_ =	swait.ge [sflag:s20], $0x80  }
0x304: {  	[sflag:s20] =	ssyncset.done $0x0  }
0x305: {  	v6 =	vadd.f32 v58, v6;
	[sflag:s20] =	ssyncadd.s32 $0xFFFFFF80  }
0x306: {  	v61 =	vld [tilespmem:$0x5000];
	[tilespmem:s1], [sflag:$0x1] =	stream.linear.gather [spmem:s19], $0x80, $0x38  }
0x307: {  	v6 =	vadd.f32 v7, v6;
	_ =	swait.ge [sflag:s20], $0x80  }
0x308: {  	[sflag:s20] =	ssyncset.done $0x0  }
0x309: {  	v6 =	vadd.f32 v59, v6;
	[sflag:s20] =	ssyncadd.s32 $0xFFFFFF80  }
0x30a: {  	v7 =	vld [tilespmem:$0x5000]  }
0x30b: {  	v6 =	vadd.f32 v60, v6;
	_ =	sdelay $0x1  }
0x30c: {  	v6 =	vadd.f32 v61, v6;
	_ =	sdelay $0x1  }
0x30d: {  	v6 =	vadd.f32 v7, v6;
	_ =	sdelay $0x1  }
0x30e: {  	v7 =	vperm.xlane v6, v0;
	_ =	sdelay $0x1  }
0x30f: {  	v6 =	vadd.f32 v7, v6;
	_ =	sdelay $0x1  }
0x310: {  	v7 =	vperm.xlane v6, v1;
	_ =	sdelay $0x1  }
0x311: {  	v6 =	vadd.f32 v7, v6;
	_ =	sdelay $0x1  }
0x312: {  	v7 =	vperm.xlane v6, v3;
	_ =	sdelay $0x1  }
0x313: {  	v6 =	vadd.f32 v7, v6;
	_ =	sdelay $0x1  }
0x314: {  	v7 =	vperm.xlane v6, v5;
	_ =	sdelay $0x1  }
0x315: {  	v6 =	vadd.f32 v7, v6;
	v7 =	vld [tilespmem:$0x4180];
	_ =	sdelay $0x1  }
0x316: {  	v6 =	vadd.f32 $5.000000000e-01, v6  }
0x317: {  	v62 =	vld [tilespmem:$0x4200]  }
0x318: {  	v6 =	vmax.f32 v6, $0.0e+00  }
0x319: {  	v6 =	vmul.f32 $9.999999770e-03, v6;
	v63 =	vmul.f32 $9.900000090e-01, v7;
	_ =	sdelay $0x1  }
0x31a: {  	v6 =	vadd.f32 v6, v63  }
0x31b: {  	vm15 =	vgt.f32 v62, $0.0e+00  }
0x31c: {  	s22 =	simm.s32 @!p1 $0x0;
	s21 =	sadd.s32 $0x1, s21;
	v6 =	vsel vm15, v6, v7  }
0x31d: {  	s23 =	simm.s32 @!p1 $0x5080;
	p2 =	sne.s32 s21, s25;
	s4 =	rddreg [dreg:$0x1];
	[tilespmem:$0x5080] =	vst v6  }
0x31e: {  	[hbm4b:s4+s22] =	stream.linear.scatter @!p1 [tilespmem:s23], [sflag:$0x1], $0x80, $0x38;
	[tilespmem:$0x5220] =	vst v63  }
.Ltmp3:
0x31f: {  	_ = 	snop;
	(pc) =	sbr.rel @p2 .LBB2_1-.Ltmp3, $4  }
0x320: {  	s22 =	simm.s32 @!p1 $0x1  }
0x321: {  	_ =	swait.ge @!p1 [sflag:s22], $0x80  }
0x322: {  	[sflag:s22] =	ssyncset.done @!p1 $0x0  }
0x323: {  	[sflag:s22] =	ssyncadd.s32 @!p1 $0xFFFFFF80  }
0x324: {  	_ =	sfence.sel $0x180000  }
0x325: {  	[bflag:$0x0] =	sbarrier.arrive $0xFFFF  }
0x326: {  	_ =	strace $0x90000047  }
0x327: {  	[bflag:$0x2] =	sbarrier.arrive $0xFFFF  }
0x328: {  	s0 =	rddreg [dreg:$0x5]  }
0x329: {  	s0 =	sadd.s32 @!p0 $0x100000, s0  }
0x32a: {  	[sflag:s0] =	ssyncadd.tile.s32 @!p0 $0x1;
	_ =	shalt  }
.Lfunc_end2:
_tile_overlayer_lowered:
.L_overlay_start_2:
0x32b: {  	(tag) =	ssettag $0x2  }
0x32c: {  	s0 =	rddreg [dreg:$0x0];
	s2 =	stileid.u32  }
0x32d: {  	s1 =	rddreg [dreg:$0x1];
	p0 =	sne.s32 s2, $0x0  }
0x32e: {  	s3 =	rddreg [dreg:$0x2];
	[bflag:$0x3] =	sbarrier.arrive $0xFFFF;
	s2 =	simm.s32 @!p0 $0x1C01  }
0x32f: {  	[timem:s3], [sflag:s2] =	dma.local @!p0 [hbm:s0], s1  }
0x330: {  	s0 =	simm.s32 @!p0 $0x1  }
0x331: {  	_ =	swait.ge @!p0 [sflag:s0], s1  }
0x332: {  	s1 =	ssub.s32 @!p0 $0x0, s1;
	[sflag:s0] =	ssyncset.done @!p0 $0x0  }
0x333: {  	[sflag:s0] =	ssyncadd.s32 @!p0 s1  }
0x334: {  	[bflag:$0x3] =	sbarrier.arrive $0xFFFF  }
0x335: {  	_ =	shalt  }

</sc_bundles>
